<compile_context>
chip_gen: v7x
topology: tpu7x:2x2x1
jax: 0.10.2.dev20260603
libtpu: 0.0.44.dev20260713+nightly
codegen_flags: <defaults>
</compile_context>

<pallas_src>
import functools

import jax
import jax.numpy as jnp
from jax import lax
from jax.experimental import pallas as pl
from jax.experimental.pallas import tpu as pltpu
from jax.experimental.pallas import tpu_sc as plsc

NUM_POINTS_IN_PATCH = 64
NUM_CORRESPONDENCES = 256

N_F = 20000
N_C = 1024
BLK = 2048
GRID = (N_F + BLK - 1) // BLK
N_FP = GRID * BLK
NGRP = 8
GRPW = BLK // NGRP
BIG = 2e30

CAP = 8192
K = NUM_POINTS_IN_PATCH
NODES_PER_W = 32
F_INF = 3.0e38
I_BIG = 2 ** 30

CAPL = 8192
NW1 = 16



def _dist_kernel(x_ref, yT_ref, x2_ref, y2T_ref, distT_ref, p2n_ref, bmin_ref,
                 nmask_ref):
    i = pl.program_id(0)
    xb = x_ref[...]
    yT = yT_ref[...]
    cross = jax.lax.dot_general(xb, yT, (((1,), (0,)), ((), ())),
                                preferred_element_type=jnp.float32)
    d = (x2_ref[...] - 2.0 * cross) + y2T_ref[...]
    d = jnp.maximum(d, 0.0)
    lane = jax.lax.broadcasted_iota(jnp.int32, (BLK, 1), 0)
    valid = (i * BLK + lane) < N_F
    d = jnp.where(valid, d, BIG)
    m = jnp.min(d, axis=1, keepdims=True)
    node_ids = jax.lax.broadcasted_iota(jnp.int32, d.shape, 1)
    idx = jnp.min(jnp.where(d == m, node_ids, N_C), axis=1)
    idx = jnp.where(valid[:, 0], idx, N_C)
    p2n_ref[...] = idx
    dT = d.T
    distT_ref[...] = dT
    gm = jnp.min(dT.reshape(N_C, NGRP, GRPW), axis=2)
    bmin_ref[...] = jnp.where(gm >= 1e30, -1.0, gm)[None]
    nid_row = jax.lax.broadcasted_iota(jnp.int32, (N_C, BLK), 0)
    contrib = jnp.max((nid_row == idx[None, :]).astype(jnp.int32), axis=1)

    @pl.when(i == 0)
    def _():
        nmask_ref[...] = jnp.zeros_like(nmask_ref)

    nmask_ref[...] = jnp.maximum(nmask_ref[...], contrib)


def _dist_and_p2n(points_c, points_f):
    xp = jnp.concatenate(
        [points_f, jnp.zeros((N_FP - N_F, 3), jnp.float32)], axis=0)
    x2p = jnp.sum(xp * xp, axis=-1, keepdims=True)
    y2T = jnp.sum(points_c * points_c, axis=-1, keepdims=True).reshape(1, N_C)
    return pl.pallas_call(
        _dist_kernel,
        grid=(GRID,),
        in_specs=[
            pl.BlockSpec((BLK, 3), lambda i: (i, 0)),
            pl.BlockSpec((3, N_C), lambda i: (0, 0)),
            pl.BlockSpec((BLK, 1), lambda i: (i, 0)),
            pl.BlockSpec((1, N_C), lambda i: (0, 0)),
        ],
        out_specs=[
            pl.BlockSpec((N_C, BLK), lambda i: (0, i)),
            pl.BlockSpec((BLK,), lambda i: (i,)),
            pl.BlockSpec((1, N_C, NGRP), lambda i: (i, 0, 0)),
            pl.BlockSpec((N_C,), lambda i: (0,)),
        ],
        out_shape=[
            jax.ShapeDtypeStruct((N_C, N_FP), jnp.float32),
            jax.ShapeDtypeStruct((N_FP,), jnp.int32),
            jax.ShapeDtypeStruct((GRID, N_C, NGRP), jnp.float32),
            jax.ShapeDtypeStruct((N_C,), jnp.int32),
        ],
    )(xp, points_c.T, x2p, y2T)



def _knn_body(dist_hbm, bmin_hbm, p2n_hbm, pts_hbm, kidx_hbm, kpts_hbm,
              p2n_v, row_v, bmin_v, cd, ci, mv, oraw_v, omask_v, pts_v,
              prow_v, sem):
    wid = lax.axis_index("s") * 2 + lax.axis_index("c")
    base = wid * NODES_PER_W
    pltpu.sync_copy(p2n_hbm, p2n_v)
    pltpu.sync_copy(pts_hbm, pts_v)
    iota = lax.iota(jnp.int32, 16)
    lane0 = iota == 0
    inf_v = jnp.full((16,), F_INF, jnp.float32)
    bigi_v = jnp.full((16,), I_BIG, jnp.int32)

    def node_body(n, carry):
        c = base + n
        pltpu.sync_copy(dist_hbm.at[c], row_v)
        pltpu.sync_copy(bmin_hbm.at[c], bmin_v)

        def tmax_body(g, acc):
            return jnp.maximum(acc, bmin_v[pl.ds(g * 16, 16)])
        tacc = lax.fori_loop(0, 80 // 16, tmax_body,
                             jnp.full((16,), -1.0, jnp.float32))
        t_v = jnp.full((16,), jnp.max(tacc), jnp.float32)

        def comp_body(v, cnt):
            for u in range(8):
                vv = v * 8 + u
                dv = row_v[pl.ds(vv * 16, 16)]
                msk = dv <= t_v
                plsc.store_compressed(cd.at[pl.ds(cnt, 16)], dv, mask=msk)
                plsc.store_compressed(ci.at[pl.ds(cnt, 16)], iota + vv * 16,
                                      mask=msk)
                pc = plsc.all_reduce_population_count(msk)
                cnt = jnp.minimum(cnt + pc[0], CAP)
            return cnt
        cnt = lax.fori_loop(0, N_FP // 128, comp_body, jnp.int32(0))

        cd[pl.ds(cnt, 16)] = inf_v
        ci[pl.ds(cnt, 16)] = bigi_v
        nv = (cnt + 15) >> 4

        def mv_body(v, carry2):
            mval = jnp.min(cd[pl.ds(v * 16, 16)])
            plsc.store_compressed(mv.at[pl.ds(v, 16)],
                                  jnp.full((16,), mval, jnp.float32), mask=lane0)
            return carry2
        lax.fori_loop(0, nv, mv_body, 0)
        mv[pl.ds(nv, 16)] = inf_v
        nmv = (nv + 15) >> 4

        def ext_body(j, carry2):
            def macc_body(v2, acc):
                return jnp.minimum(acc, mv[pl.ds(v2 * 16, 16)])
            macc = lax.fori_loop(0, nmv, macc_body, inf_v)
            m_v = jnp.full((16,), jnp.min(macc), jnp.float32)

            def fcond(st):
                _, vstar = st
                return vstar < 0

            def fbody(st):
                v2, vstar = st
                eq = mv[pl.ds(v2 * 16, 16)] == m_v
                fl = plsc.all_reduce_ffs(eq)[0]
                vstar = jnp.where(fl < 16, v2 * 16 + fl, vstar)
                return (v2 + 1, vstar)

            _, vh = lax.while_loop(fcond, fbody,
                                   (jnp.int32(0), jnp.int32(-1)))
            dv = cd[pl.ds(vh * 16, 16)]
            iv = ci[pl.ds(vh * 16, 16)]
            wi = jnp.min(jnp.where(dv == m_v, iv, bigi_v))
            wi_v = jnp.full((16,), wi, jnp.int32)
            dv2 = jnp.where(iv == wi_v, inf_v, dv)
            cd[pl.ds(vh * 16, 16)] = dv2
            plsc.store_compressed(mv.at[pl.ds(vh, 16)],
                                  jnp.full((16,), jnp.min(dv2), jnp.float32),
                                  mask=lane0)
            plsc.store_compressed(oraw_v.at[pl.ds(j, 16)], wi_v, mask=lane0)
            return carry2
        lax.fori_loop(0, K, ext_body, 0)

        c_v = jnp.full((16,), c, jnp.int32)
        nf_v = jnp.full((16,), N_F, jnp.int32)
        zero_v = jnp.zeros((16,), jnp.float32)

        def out_body(g, carry2):
            iv = oraw_v[pl.ds(g * 16, 16)]
            nd = plsc.load_gather(p2n_v, [iv])
            keep = nd == c_v
            omask_v[pl.ds(g * 16, 16)] = jnp.where(keep, iv, nf_v)
            pos3 = (iota + g * 16) * 3
            iv3 = iv * 3
            for k3 in range(3):
                vals = plsc.load_gather(pts_v, [iv3 + k3])
                vals = jnp.where(keep, vals, zero_v)
                plsc.store_scatter(prow_v, [pos3 + k3], vals)
            return carry2
        lax.fori_loop(0, K // 16, out_body, 0)
        pltpu.sync_copy(omask_v, kidx_hbm.at[c])
        pltpu.sync_copy(prow_v, kpts_hbm.at[c])
        return carry

    lax.fori_loop(0, NODES_PER_W, node_body, 0)


def _knn_select(distT, bmin, p2n_pad, pts_flat):
    mesh = plsc.VectorSubcoreMesh(core_axis_name="c", subcore_axis_name="s")
    f = functools.partial(
        pl.kernel,
        mesh=mesh,
        compiler_params=pltpu.CompilerParams(needs_layout_passes=False),
        out_type=[
            jax.ShapeDtypeStruct((N_C, K), jnp.int32),
            jax.ShapeDtypeStruct((N_C, 3 * K), jnp.float32),
        ],
        scratch_types=[
            pltpu.VMEM((N_FP,), jnp.int32),
            pltpu.VMEM((N_FP,), jnp.float32),
            pltpu.VMEM((80,), jnp.float32),
            pltpu.VMEM((CAP + 16,), jnp.float32),
            pltpu.VMEM((CAP + 16,), jnp.int32),
            pltpu.VMEM((528 + 16,), jnp.float32),
            pltpu.VMEM((K + 16,), jnp.int32),
            pltpu.VMEM((K,), jnp.int32),
            pltpu.VMEM((3 * N_F,), jnp.float32),
            pltpu.VMEM((3 * K,), jnp.float32),
            pltpu.SemaphoreType.DMA,
        ],
    )(_knn_body)
    return f(distT, bmin, p2n_pad, pts_flat)



def _scores_e_kernel(rn_ref, snT_ref, x2_ref, y2_ref, e_ref, cs_ref):
    rn = rn_ref[...]
    snT = snT_ref[...]
    xy = jax.lax.dot_general(rn, snT, (((1,), (0,)), ((), ())),
                             preferred_element_type=jnp.float32)
    d2 = (x2_ref[...] - 2.0 * xy) + y2_ref[...]
    d2 = jnp.maximum(d2, 0.0)
    s = jnp.exp(-d2)
    e_ref[...] = s
    cs_ref[...] = jnp.maximum(jnp.sum(s, axis=0, keepdims=True), 1e-12)


def _dual_kernel(e_ref, rs_ref, cs_ref, rm_ref, sm_ref, scores_ref, colmax_ref):
    e = e_ref[...]
    s = (e / rs_ref[...]) * (e / cs_ref[...])
    valid = (rm_ref[...] > 0) & (sm_ref[...] > 0)
    s = jnp.where(valid, s, 0.0)
    scores_ref[...] = s
    colmax_ref[...] = jnp.max(s, axis=0, keepdims=True)


def _matching_scores(ref_feats_c, src_feats_c, ref_nmask, src_nmask):
    rn = ref_feats_c / jnp.maximum(
        jnp.linalg.norm(ref_feats_c, axis=1, keepdims=True), 1e-12)
    sn = src_feats_c / jnp.maximum(
        jnp.linalg.norm(src_feats_c, axis=1, keepdims=True), 1e-12)
    x2 = jnp.sum(rn * rn, axis=-1, keepdims=True)
    y2 = jnp.sum(sn * sn, axis=-1, keepdims=True).reshape(1, N_C)
    e, cs = pl.pallas_call(
        _scores_e_kernel,
        out_shape=[
            jax.ShapeDtypeStruct((N_C, N_C), jnp.float32),
            jax.ShapeDtypeStruct((1, N_C), jnp.float32),
        ],
    )(rn, sn.T, x2, y2)
    rs = jnp.maximum(jnp.sum(e, axis=1, keepdims=True), 1e-12)
    return pl.pallas_call(
        _dual_kernel,
        out_shape=[
            jax.ShapeDtypeStruct((N_C, N_C), jnp.float32),
            jax.ShapeDtypeStruct((1, N_C), jnp.float32),
        ],
    )(e, rs, cs, ref_nmask.reshape(N_C, 1), src_nmask.reshape(1, N_C))



def _top256_local_body(scores_hbm, colmax_hbm, lvals_hbm, lidx_hbm,
                       cm_v, sc_v, cd, ci, mv, oi, lv, sem):
    sid = lax.axis_index("s")
    iota = lax.iota(jnp.int32, 16)
    lane0 = iota == 0
    inf_v = jnp.full((16,), F_INF, jnp.float32)
    bigi_v = jnp.full((16,), I_BIG, jnp.int32)

    pltpu.sync_copy(colmax_hbm, cm_v)

    def quad_body(q, acc):
        g = jnp.maximum(
            jnp.maximum(cm_v[pl.ds(q * 64, 16)], cm_v[pl.ds(q * 64 + 16, 16)]),
            jnp.maximum(cm_v[pl.ds(q * 64 + 32, 16)], cm_v[pl.ds(q * 64 + 48, 16)]))
        return jnp.minimum(acc, g)
    tacc = lax.fori_loop(0, 16, quad_body, inf_v)
    t_v = jnp.full((16,), jnp.min(tacc), jnp.float32)

    slab = N_C * N_C // NW1
    fbase = sid * slab
    pltpu.sync_copy(scores_hbm.at[pl.ds(fbase, slab)], sc_v)

    def cvec_body(v, cnt):
        for u in range(8):
            vv = v * 8 + u
            sv = sc_v[pl.ds(vv * 16, 16)]
            msk = sv >= t_v
            plsc.store_compressed(cd.at[pl.ds(cnt, 16)], -sv, mask=msk)
            plsc.store_compressed(ci.at[pl.ds(cnt, 16)],
                                  iota + (fbase + vv * 16), mask=msk)
            pc = plsc.all_reduce_population_count(msk)
            cnt = jnp.minimum(cnt + pc[0], CAPL)
        return cnt
    cnt = lax.fori_loop(0, slab // 128, cvec_body, jnp.int32(0))

    cd[pl.ds(cnt, 16)] = inf_v
    ci[pl.ds(cnt, 16)] = bigi_v
    nv = (cnt + 15) >> 4

    def mvb(v, carry):
        mval = jnp.min(cd[pl.ds(v * 16, 16)])
        plsc.store_compressed(mv.at[pl.ds(v, 16)],
                              jnp.full((16,), mval, jnp.float32), mask=lane0)
        return carry
    lax.fori_loop(0, nv, mvb, 0)
    mv[pl.ds(nv, 16)] = inf_v
    nmv = (nv + 15) >> 4

    def lext_body(j, carry):
        def macc_body(v2, acc):
            return jnp.minimum(acc, mv[pl.ds(v2 * 16, 16)])
        macc = lax.fori_loop(0, nmv, macc_body, inf_v)
        m_v = jnp.full((16,), jnp.min(macc), jnp.float32)

        def fcond(st):
            _, vstar = st
            return vstar < 0

        def fbody(st):
            v2, vstar = st
            eq = mv[pl.ds(v2 * 16, 16)] == m_v
            fl = plsc.all_reduce_ffs(eq)[0]
            vstar = jnp.where(fl < 16, v2 * 16 + fl, vstar)
            return (v2 + 1, vstar)

        _, vh = lax.while_loop(fcond, fbody, (jnp.int32(0), jnp.int32(-1)))
        dv = cd[pl.ds(vh * 16, 16)]
        iv = ci[pl.ds(vh * 16, 16)]
        wi = jnp.min(jnp.where(dv == m_v, iv, bigi_v))
        wi_v = jnp.full((16,), wi, jnp.int32)
        dv2 = jnp.where(iv == wi_v, inf_v, dv)
        cd[pl.ds(vh * 16, 16)] = dv2
        plsc.store_compressed(mv.at[pl.ds(vh, 16)],
                              jnp.full((16,), jnp.min(dv2), jnp.float32),
                              mask=lane0)
        plsc.store_compressed(lv.at[pl.ds(j, 16)], m_v, mask=lane0)
        plsc.store_compressed(oi.at[pl.ds(j, 16)], wi_v, mask=lane0)
        return carry
    lax.fori_loop(0, NUM_CORRESPONDENCES, lext_body, 0)

    pltpu.sync_copy(lv.at[pl.ds(0, NUM_CORRESPONDENCES)], lvals_hbm.at[sid])
    pltpu.sync_copy(oi.at[pl.ds(0, NUM_CORRESPONDENCES)], lidx_hbm.at[sid])


def _top256_merge_body(lvals_hbm, lidx_hbm, vals_hbm, ridx_hbm, sidx_hbm,
                       mv, ov, oi, ci, bigcd, bigci, sem):
    sid = lax.axis_index("s")
    iota = lax.iota(jnp.int32, 16)
    lane0 = iota == 0
    inf_v = jnp.full((16,), F_INF, jnp.float32)
    bigi_v = jnp.full((16,), I_BIG, jnp.int32)

    @pl.when(sid == 0)
    def _():
        pltpu.sync_copy(lvals_hbm,
                        bigcd.at[pl.ds(0, NW1 * NUM_CORRESPONDENCES)])
        pltpu.sync_copy(lidx_hbm,
                        bigci.at[pl.ds(0, NW1 * NUM_CORRESPONDENCES)])

        nv2 = NW1 * (NUM_CORRESPONDENCES // 16)

        def mvb2(v, carry):
            mval = jnp.min(bigcd[pl.ds(v * 16, 16)])
            plsc.store_compressed(mv.at[pl.ds(v, 16)],
                                  jnp.full((16,), mval, jnp.float32),
                                  mask=lane0)
            return carry
        lax.fori_loop(0, nv2, mvb2, 0)

        nmv2 = nv2 // 16

        def ext_body(j, carry):
            def macc_body(v2, acc):
                return jnp.minimum(acc, mv[pl.ds(v2 * 16, 16)])
            macc = lax.fori_loop(0, nmv2, macc_body, inf_v)
            m_v = jnp.full((16,), jnp.min(macc), jnp.float32)

            def fcond(st):
                _, vstar = st
                return vstar < 0

            def fbody(st):
                v2, vstar = st
                eq = mv[pl.ds(v2 * 16, 16)] == m_v
                fl = plsc.all_reduce_ffs(eq)[0]
                vstar = jnp.where(fl < 16, v2 * 16 + fl, vstar)
                return (v2 + 1, vstar)

            _, vh = lax.while_loop(fcond, fbody, (jnp.int32(0), jnp.int32(-1)))
            dv = bigcd[pl.ds(vh * 16, 16)]
            iv = bigci[pl.ds(vh * 16, 16)]
            wi = jnp.min(jnp.where(dv == m_v, iv, bigi_v))
            wi_v = jnp.full((16,), wi, jnp.int32)
            hit = iv == wi_v
            val = jnp.max(jnp.where(hit, -dv,
                                    jnp.full((16,), -F_INF, jnp.float32)))
            dv2 = jnp.where(hit, inf_v, dv)
            bigcd[pl.ds(vh * 16, 16)] = dv2
            plsc.store_compressed(mv.at[pl.ds(vh, 16)],
                                  jnp.full((16,), jnp.min(dv2), jnp.float32),
                                  mask=lane0)
            plsc.store_compressed(ov.at[pl.ds(j, 16)],
                                  jnp.full((16,), val, jnp.float32),
                                  mask=lane0)
            plsc.store_compressed(oi.at[pl.ds(j, 16)], wi_v, mask=lane0)
            return carry
        lax.fori_loop(0, NUM_CORRESPONDENCES, ext_body, 0)

        pltpu.sync_copy(ov.at[pl.ds(0, NUM_CORRESPONDENCES)], vals_hbm)

        def split_body(g, carry):
            fi = oi[pl.ds(g * 16, 16)]
            ri = fi >> 10
            si = fi - ri * N_C
            oi[pl.ds(g * 16, 16)] = ri
            ci[pl.ds(g * 16, 16)] = si
            return carry
        lax.fori_loop(0, NUM_CORRESPONDENCES // 16, split_body, 0)
        pltpu.sync_copy(oi.at[pl.ds(0, NUM_CORRESPONDENCES)], ridx_hbm)
        pltpu.sync_copy(ci.at[pl.ds(0, NUM_CORRESPONDENCES)], sidx_hbm)


def _top256(scores, colmax):
    mesh = plsc.VectorSubcoreMesh(core_axis_name="c", subcore_axis_name="s",
                                  num_cores=1)
    flocal = functools.partial(
        pl.kernel,
        mesh=mesh,
        compiler_params=pltpu.CompilerParams(needs_layout_passes=False),
        out_type=[
            jax.ShapeDtypeStruct((NW1, NUM_CORRESPONDENCES), jnp.float32),
            jax.ShapeDtypeStruct((NW1, NUM_CORRESPONDENCES), jnp.int32),
        ],
        scratch_types=[
            pltpu.VMEM((N_C,), jnp.float32),
            pltpu.VMEM((N_C * N_C // NW1,), jnp.float32),
            pltpu.VMEM((CAPL + 16,), jnp.float32),
            pltpu.VMEM((CAPL + 16,), jnp.int32),
            pltpu.VMEM((CAPL // 16 + 32,), jnp.float32),
            pltpu.VMEM((NUM_CORRESPONDENCES + 16,), jnp.int32),
            pltpu.VMEM((NUM_CORRESPONDENCES + 16,), jnp.float32),
            pltpu.SemaphoreType.DMA,
        ],
    )(_top256_local_body)
    lvals, lidx = flocal(scores.reshape(N_C * N_C), colmax.reshape(N_C))

    fmerge = functools.partial(
        pl.kernel,
        mesh=mesh,
        compiler_params=pltpu.CompilerParams(needs_layout_passes=False),
        out_type=[
            jax.ShapeDtypeStruct((NUM_CORRESPONDENCES,), jnp.float32),
            jax.ShapeDtypeStruct((NUM_CORRESPONDENCES,), jnp.int32),
            jax.ShapeDtypeStruct((NUM_CORRESPONDENCES,), jnp.int32),
        ],
        scratch_types=[
            pltpu.VMEM((NW1 * NUM_CORRESPONDENCES // 16 + 32,), jnp.float32),
            pltpu.VMEM((NUM_CORRESPONDENCES + 16,), jnp.float32),
            pltpu.VMEM((NUM_CORRESPONDENCES + 16,), jnp.int32),
            pltpu.VMEM((NUM_CORRESPONDENCES + 16,), jnp.int32),
            pltpu.VMEM((NW1 * NUM_CORRESPONDENCES + 16,), jnp.float32),
            pltpu.VMEM((NW1 * NUM_CORRESPONDENCES + 16,), jnp.int32),
            pltpu.SemaphoreType.DMA,
        ],
    )(_top256_merge_body)
    return fmerge(lvals.reshape(NW1 * NUM_CORRESPONDENCES),
                  lidx.reshape(NW1 * NUM_CORRESPONDENCES))



def _partition(points_f, points_c, order_token=None):
    distT, p2n_pad, bmin3, nmask = _dist_and_p2n(points_c, points_f)
    bmin = jnp.transpose(bmin3, (1, 0, 2)).reshape(N_C, GRID * NGRP)
    if order_token is not None:
        distT, _ = lax.optimization_barrier((distT, order_token))
    kidx, kpts = _knn_select(distT, bmin, p2n_pad, points_f.reshape(-1))
    return p2n_pad[:N_F], nmask, kidx, kpts.reshape(N_C, K, 3)


def kernel(ref_points_f, src_points_f, ref_points_c, src_points_c,
           ref_feats_c, src_feats_c):
    ref_p2n, ref_nmask, ref_kidx, ref_kpts = _partition(ref_points_f, ref_points_c)
    src_p2n, src_nmask, src_kidx, src_kpts = _partition(
        src_points_f, src_points_c, order_token=ref_kidx)

    scores, colmax = _matching_scores(ref_feats_c, src_feats_c,
                                      ref_nmask, src_nmask)
    scores, _t1, _t2 = lax.optimization_barrier((scores, ref_kidx, src_kidx))
    corr_scores, ref_corr_indices, src_corr_indices = _top256(scores, colmax)

    return (ref_p2n, ref_kidx, ref_kpts,
            src_p2n, src_kidx, src_kpts,
            ref_corr_indices, src_corr_indices, corr_scores)

# --- scband reference (transcript-rebuilt; emitter-appended) ---
"""Pipeline reference for scband-geo-transformer-78658031059310 (READ-ONLY COPY).

The authoritative reference and input builder live on the scoring server;
editing this copy changes nothing except your own understanding.
"""

import jax, jax.numpy as jnp
import numpy as np

NUM_POINTS_IN_PATCH = 64
NUM_CORRESPONDENCES = 256


def pairwise_distance(x, y):
    x2 = jnp.sum(x * x, axis=-1, keepdims=True)
    y2 = jnp.sum(y * y, axis=-1, keepdims=True)
    d = x2 - 2.0 * (x @ y.T) + y2.T
    return jnp.maximum(d, 0.0)


def point_to_node_partition(points_f, points_c, k):
    # [N_f, N_c] squared distances from fine points to superpoint centers
    dist = pairwise_distance(points_f, points_c)
    point_to_node = jnp.argmin(dist, axis=1)  # [N_f]
    node_masks = jnp.zeros((points_c.shape[0],), dtype=bool).at[point_to_node].set(True)
    # k nearest fine points for each superpoint (retrieval kNN)
    _, knn_indices = jax.lax.top_k(-dist.T, k)  # [N_c, k]
    knn_node = point_to_node[knn_indices]
    node_ids = jnp.arange(points_c.shape[0])[:, None]
    knn_masks = knn_node == node_ids
    # pad invalid knn slots with index N_f (padding row)
    knn_indices = jnp.where(knn_masks, knn_indices, points_f.shape[0])
    return point_to_node, node_masks, knn_indices, knn_masks


def setup_inputs(seed: int = 0) -> dict:
    key = jax.random.key(seed)
    k1, k2, k3, k4, k5, k6 = jax.random.split(key, 6)
    ref_points_f = jax.random.uniform(k1, (20000, 3), dtype=jnp.float32) * 3.0
    src_points_f = jax.random.uniform(k2, (20000, 3), dtype=jnp.float32) * 3.0
    ref_points_c = jax.random.uniform(k3, (1024, 3), dtype=jnp.float32) * 3.0
    src_points_c = jax.random.uniform(k4, (1024, 3), dtype=jnp.float32) * 3.0
    ref_feats_c = jax.random.normal(k5, (1024, 256), dtype=jnp.float32)
    src_feats_c = jax.random.normal(k6, (1024, 256), dtype=jnp.float32)
    return {
        'ref_points_f': ref_points_f,
        'src_points_f': src_points_f,
        'ref_points_c': ref_points_c,
        'src_points_c': src_points_c,
        'ref_feats_c': ref_feats_c,
        'src_feats_c': src_feats_c,
    }


def reference(ref_points_f, src_points_f, ref_points_c, src_points_c, ref_feats_c, src_feats_c):
    # point-to-node partition (kNN retrieval of fine points per superpoint)
    ref_p2n, ref_node_masks, ref_knn_indices, ref_knn_masks = point_to_node_partition(
        ref_points_f, ref_points_c, NUM_POINTS_IN_PATCH)
    src_p2n, src_node_masks, src_knn_indices, src_knn_masks = point_to_node_partition(
        src_points_f, src_points_c, NUM_POINTS_IN_PATCH)

    # gather knn points (with padding row of zeros)
    ref_padded = jnp.concatenate([ref_points_f, jnp.zeros((1, 3), dtype=ref_points_f.dtype)], axis=0)
    src_padded = jnp.concatenate([src_points_f, jnp.zeros((1, 3), dtype=src_points_f.dtype)], axis=0)
    ref_node_knn_points = ref_padded[ref_knn_indices]  # [N_c, k, 3]
    src_node_knn_points = src_padded[src_knn_indices]

    # SuperPointMatching: dual-normalized exp(-feature distance) + global top-k
    ref_norm = ref_feats_c / jnp.maximum(jnp.linalg.norm(ref_feats_c, axis=1, keepdims=True), 1e-12)
    src_norm = src_feats_c / jnp.maximum(jnp.linalg.norm(src_feats_c, axis=1, keepdims=True), 1e-12)
    d2 = pairwise_distance(ref_norm, src_norm)
    scores = jnp.exp(-d2)
    # dual normalization
    ref_scores = scores / jnp.maximum(jnp.sum(scores, axis=1, keepdims=True), 1e-12)
    src_scores = scores / jnp.maximum(jnp.sum(scores, axis=0, keepdims=True), 1e-12)
    scores = ref_scores * src_scores
    valid = ref_node_masks[:, None] & src_node_masks[None, :]
    scores = jnp.where(valid, scores, 0.0)

    flat = scores.reshape(-1)
    corr_scores, corr_idx = jax.lax.top_k(flat, NUM_CORRESPONDENCES)
    n_src = src_feats_c.shape[0]
    ref_corr_indices = corr_idx // n_src
    src_corr_indices = corr_idx % n_src

    return (ref_p2n, ref_knn_indices, ref_node_knn_points,
            src_p2n, src_knn_indices, src_node_knn_points,
            ref_corr_indices, src_corr_indices, corr_scores)

if __name__ == "__main__":
    import jax
    _d = setup_inputs()
    print(jax.jit(kernel)(*tuple(_d.values())))

</pallas_src>

<mosaic_0001>
#map = affine_map<(d0, d1) -> (0)>
module attributes {stable_mosaic.version = 14 : i64} {
  func.func @_top256_merge_body(%arg0: i32, %arg1: i32, %arg2: memref<4096xf32, #tpu.memory_space<hbm>>, %arg3: memref<4096xi32, #tpu.memory_space<hbm>>, %arg4: memref<256xf32, #tpu.memory_space<hbm>>, %arg5: memref<256xi32, #tpu.memory_space<hbm>>, %arg6: memref<256xi32, #tpu.memory_space<hbm>>, %arg7: memref<288xf32, #tpu.memory_space<vmem>>, %arg8: memref<272xf32, #tpu.memory_space<vmem>>, %arg9: memref<272xi32, #tpu.memory_space<vmem>>, %arg10: memref<272xi32, #tpu.memory_space<vmem>>, %arg11: memref<4112xf32, #tpu.memory_space<vmem>>, %arg12: memref<4112xi32, #tpu.memory_space<vmem>>, %arg13: memref<!tpu.dma_semaphore, #tpu.memory_space<semaphore_mem>>) attributes {dimension_semantics = [#tpu.dimension_semantics<core_parallel>, #tpu.dimension_semantics<subcore_parallel>], iteration_bounds = array<i64: 1, 16>, scalar_prefetch = 0 : i64, scratch_operands = 7 : i64, tpu.core_type = #tpu.core_type<sc_vector_subcore>, window_params = [{transform_indices = #map}, {transform_indices = #map}, {transform_indices = #map}, {transform_indices = #map}, {transform_indices = #map}]} {
    %iota3A = tpu.iota {dimensions = array<i32: 0>} : vector<16xi32>
    %eq3A = arith.constant 0 : i32
    %eq3A_0 = vector.broadcast %eq3A : i32 to vector<16xi32>
    %eq3A_1 = arith.cmpi eq, %iota3A, %eq3A_0 : vector<16xi32>
    %broadcast_in_dim3A = arith.constant 3.000000e+38 : f32
    %broadcast_in_dim3A_2 = vector.broadcast %broadcast_in_dim3A : f32 to vector<16xf32>
    %broadcast_in_dim3A_3 = arith.constant 1073741824 : i32
    %broadcast_in_dim3A_4 = vector.broadcast %broadcast_in_dim3A_3 : i32 to vector<16xi32>
    %eq3A_5 = arith.constant 0 : i32
    %eq3A_6 = arith.cmpi eq, %arg1, %eq3A_5 : i32
    %convert_element_type3A = arith.extui %eq3A_6 : i1 to i32
    %cond3A = arith.constant 0 : i32
    %cond3A_7 = arith.cmpi ne, %convert_element_type3A, %cond3A : i32
    scf.if %cond3A_7 {
      "tpu.region"() ({
        %run_scoped3A = tpu.sem_alloc : memref<!tpu.dma_semaphore, #tpu.memory_space<semaphore_mem>>
        %dma_start3A = arith.constant 0 : i32
        %dma_start3A_25 = tpu.memref_slice %arg11[%dma_start3A] : memref<4112xf32, #tpu.memory_space<vmem>> -> memref<4096xf32, #tpu.memory_space<vmem>>
        %dma_start3A_26 = arith.constant 0 : i32
        %dma_start3A_27 = tpu.memref_slice %arg11[%dma_start3A_26] : memref<4112xf32, #tpu.memory_space<vmem>> -> memref<4096xf32, #tpu.memory_space<vmem>>
        tpu.enqueue_dma source(%arg2 : memref<4096xf32, #tpu.memory_space<hbm>>) target(%dma_start3A_27 : memref<4096xf32, #tpu.memory_space<vmem>>) target_semaphore(%run_scoped3A : memref<!tpu.dma_semaphore, #tpu.memory_space<semaphore_mem>>)
        %dma_wait3A = arith.constant 0 : i32
        %dma_wait3A_28 = tpu.memref_slice %arg11[%dma_wait3A] : memref<4112xf32, #tpu.memory_space<vmem>> -> memref<4096xf32, #tpu.memory_space<vmem>>
        %dma_wait3A_29 = arith.constant 0 : i32
        %dma_wait3A_30 = tpu.memref_slice %arg11[%dma_wait3A_29] : memref<4112xf32, #tpu.memory_space<vmem>> -> memref<4096xf32, #tpu.memory_space<vmem>>
        tpu.wait_dma2 semaphore(%run_scoped3A : memref<!tpu.dma_semaphore, #tpu.memory_space<semaphore_mem>>) src(%arg2 : memref<4096xf32, #tpu.memory_space<hbm>>) dst(%dma_wait3A_30 : memref<4096xf32, #tpu.memory_space<vmem>>)
        tpu.yield
      }) : () -> ()
      "tpu.region"() ({
        %run_scoped3A = tpu.sem_alloc : memref<!tpu.dma_semaphore, #tpu.memory_space<semaphore_mem>>
        %dma_start3A = arith.constant 0 : i32
        %dma_start3A_25 = tpu.memref_slice %arg12[%dma_start3A] : memref<4112xi32, #tpu.memory_space<vmem>> -> memref<4096xi32, #tpu.memory_space<vmem>>
        %dma_start3A_26 = arith.constant 0 : i32
        %dma_start3A_27 = tpu.memref_slice %arg12[%dma_start3A_26] : memref<4112xi32, #tpu.memory_space<vmem>> -> memref<4096xi32, #tpu.memory_space<vmem>>
        tpu.enqueue_dma source(%arg3 : memref<4096xi32, #tpu.memory_space<hbm>>) target(%dma_start3A_27 : memref<4096xi32, #tpu.memory_space<vmem>>) target_semaphore(%run_scoped3A : memref<!tpu.dma_semaphore, #tpu.memory_space<semaphore_mem>>)
        %dma_wait3A = arith.constant 0 : i32
        %dma_wait3A_28 = tpu.memref_slice %arg12[%dma_wait3A] : memref<4112xi32, #tpu.memory_space<vmem>> -> memref<4096xi32, #tpu.memory_space<vmem>>
        %dma_wait3A_29 = arith.constant 0 : i32
        %dma_wait3A_30 = tpu.memref_slice %arg12[%dma_wait3A_29] : memref<4112xi32, #tpu.memory_space<vmem>> -> memref<4096xi32, #tpu.memory_space<vmem>>
        tpu.wait_dma2 semaphore(%run_scoped3A : memref<!tpu.dma_semaphore, #tpu.memory_space<semaphore_mem>>) src(%arg3 : memref<4096xi32, #tpu.memory_space<hbm>>) dst(%dma_wait3A_30 : memref<4096xi32, #tpu.memory_space<vmem>>)
        tpu.yield
      }) : () -> ()
      %scan3A = arith.constant 0 : i32
      %scan3A_8 = arith.constant 0 : i32
      %scan3A_9 = arith.constant 256 : i32
      %scan3A_10 = arith.addi %scan3A_8, %scan3A_9 : i32
      %scan3A_11 = arith.constant 1 : i32
      scf.for %scan3A_25 = %scan3A_8 to %scan3A_10 step %scan3A_11  : i32 {
        %mul3A = arith.constant 16 : i32
        %mul3A_26 = arith.muli %scan3A_25, %mul3A : i32
        %get3A = arith.index_cast %mul3A_26 : i32 to index
        %get3A_27 = tpu.vector_load %arg11[%get3A] {strides = array<i32>} : memref<4112xf32, #tpu.memory_space<vmem>>, vector<16xf32>,
        %reduce_min3A = arith.constant true
        %reduce_min3A_28 = vector.broadcast %reduce_min3A : i1 to vector<16xi1>
        %reduce_min3A_29 = tpu.scan <min>, %get3A_27 masked %reduce_min3A_28 : vector<16xf32>, vector<16xi1> -> vector<16xf32>
        %reduce_min3A_30 = vector.extract %reduce_min3A_29[15] : f32 from vector<16xf32>
        %broadcast_in_dim3A_31 = vector.broadcast %reduce_min3A_30 : f32 to vector<16xf32>
        %swap3A = arith.index_cast %scan3A_25 : i32 to index
        %swap3A_32 = tpu.vector_load %arg7[%swap3A] masked %eq3A_1 {strides = array<i32>} : memref<288xf32, #tpu.memory_space<vmem>>, vector<16xf32>, vector<16xi1>
        tpu.vector_store %arg7[%swap3A], %broadcast_in_dim3A_31 masked %eq3A_1 {strides = array<i32>} : memref<288xf32, #tpu.memory_space<vmem>>, vector<16xf32>, vector<16xi1>
      }
      %scan3A_12 = arith.constant 256 : i32
      %scan3A_13 = arith.constant 0 : i32
      %scan3A_14 = arith.constant 0 : i32
      %scan3A_15 = arith.constant 256 : i32
      %scan3A_16 = arith.addi %scan3A_14, %scan3A_15 : i32
      %scan3A_17 = arith.constant 1 : i32
      scf.for %scan3A_25 = %scan3A_14 to %scan3A_16 step %scan3A_17  : i32 {
        %scan3A_26 = arith.constant 0 : i32
        %scan3A_27 = arith.constant 16 : i32
        %scan3A_28 = arith.addi %scan3A_26, %scan3A_27 : i32
        %scan3A_29 = arith.constant 1 : i32
        %scan3A_30 = scf.for %scan3A_79 = %scan3A_26 to %scan3A_28 step %scan3A_29 iter_args(%scan3A_80 = %broadcast_in_dim3A_2) -> (vector<16xf32>)  : i32 {
          %mul3A_81 = arith.constant 16 : i32
          %mul3A_82 = arith.muli %scan3A_79, %mul3A_81 : i32
          %get3A_83 = arith.index_cast %mul3A_82 : i32 to index
          %get3A_84 = tpu.vector_load %arg7[%get3A_83] {strides = array<i32>} : memref<288xf32, #tpu.memory_space<vmem>>, vector<16xf32>,
          %min3A = arith.minimumf %scan3A_80, %get3A_84 : vector<16xf32>
          scf.yield %min3A : vector<16xf32>
        }
        %scan3A_31 = arith.constant 16 : i32
        %reduce_min3A = arith.constant true
        %reduce_min3A_32 = vector.broadcast %reduce_min3A : i1 to vector<16xi1>
        %reduce_min3A_33 = tpu.scan <min>, %scan3A_30 masked %reduce_min3A_32 : vector<16xf32>, vector<16xi1> -> vector<16xf32>
        %reduce_min3A_34 = vector.extract %reduce_min3A_33[15] : f32 from vector<16xf32>
        %broadcast_in_dim3A_35 = vector.broadcast %reduce_min3A_34 : f32 to vector<16xf32>
        %while3A = arith.constant 0 : i32
        %while3A_36 = arith.constant -1 : i32
        %while3A_37:2 = scf.while (%while3A_79 = %while3A, %while3A_80 = %while3A_36) : (i32, i32) -> (i32, i32) {
          %lt3A = arith.constant 0 : i32
          %lt3A_81 = arith.cmpi slt, %while3A_80, %lt3A : i32
          scf.condition(%lt3A_81) %while3A_79, %while3A_80 : i32, i32
        } do {
        ^bb0(%while3A_79: i32, %while3A_80: i32):
          %mul3A_81 = arith.constant 16 : i32
          %mul3A_82 = arith.muli %while3A_79, %mul3A_81 : i32
          %get3A_83 = arith.index_cast %mul3A_82 : i32 to index
          %get3A_84 = tpu.vector_load %arg7[%get3A_83] {strides = array<i32>} : memref<288xf32, #tpu.memory_space<vmem>>, vector<16xf32>,
          %eq3A_85 = arith.cmpf oeq, %get3A_84, %broadcast_in_dim3A_35 : vector<16xf32>
          %all_reduce_ffs3A = tpu.all_reduce %eq3A_85 {dim = 0 : i64, kind = #tpu.reduction_kind<find_first_set>} : vector<16xi1> -> vector<16xi32>
          %slice3A = vector.extract_strided_slice %all_reduce_ffs3A {offsets = [0], sizes = [1], strides = [1]} : vector<16xi32> to vector<1xi32>
          %squeeze3A = vector.extract %slice3A[0] : i32 from vector<1xi32>
          %lt3A = arith.constant 16 : i32
          %lt3A_86 = arith.cmpi slt, %squeeze3A, %lt3A : i32
          %mul3A_87 = arith.constant 16 : i32
          %mul3A_88 = arith.muli %while3A_79, %mul3A_87 : i32
          %add3A = arith.addi %mul3A_88, %squeeze3A : i32
          %select_n3A_89 = arith.select %lt3A_86, %add3A, %while3A_80 : i32
          %add3A_90 = arith.constant 1 : i32
          %add3A_91 = arith.addi %while3A_79, %add3A_90 : i32
          scf.yield %add3A_91, %select_n3A_89 : i32, i32
        }
        %mul3A = arith.constant 16 : i32
        %mul3A_38 = arith.muli %while3A_37#1, %mul3A : i32
        %get3A = arith.index_cast %mul3A_38 : i32 to index
        %get3A_39 = tpu.vector_load %arg11[%get3A] {strides = array<i32>} : memref<4112xf32, #tpu.memory_space<vmem>>, vector<16xf32>,
        %mul3A_40 = arith.constant 16 : i32
        %mul3A_41 = arith.muli %while3A_37#1, %mul3A_40 : i32
        %get3A_42 = arith.index_cast %mul3A_41 : i32 to index
        %get3A_43 = tpu.vector_load %arg12[%get3A_42] {strides = array<i32>} : memref<4112xi32, #tpu.memory_space<vmem>>, vector<16xi32>,
        %eq3A_44 = arith.cmpf oeq, %get3A_39, %broadcast_in_dim3A_35 : vector<16xf32>
        %select_n3A = arith.select %eq3A_44, %get3A_43, %broadcast_in_dim3A_4 : vector<16xi1>, vector<16xi32>
        %reduce_min3A_45 = arith.constant true
        %reduce_min3A_46 = vector.broadcast %reduce_min3A_45 : i1 to vector<16xi1>
        %reduce_min3A_47 = arith.constant -2147483648 : i32
        %reduce_min3A_48 = vector.broadcast %reduce_min3A_47 : i32 to vector<16xi32>
        %reduce_min3A_49 = arith.xori %select_n3A, %reduce_min3A_48 : vector<16xi32>
        %reduce_min3A_50 = tpu.scan <min>, %reduce_min3A_49 masked %reduce_min3A_46 : vector<16xi32>, vector<16xi1> -> vector<16xi32>
        %reduce_min3A_51 = arith.xori %reduce_min3A_50, %reduce_min3A_48 : vector<16xi32>
        %reduce_min3A_52 = vector.extract %reduce_min3A_51[15] : i32 from vector<16xi32>
        %broadcast_in_dim3A_53 = vector.broadcast %reduce_min3A_52 : i32 to vector<16xi32>
        %eq3A_54 = arith.cmpi eq, %get3A_43, %broadcast_in_dim3A_53 : vector<16xi32>
        %neg3A = arith.constant 0.000000e+00 : f32
        %neg3A_55 = vector.broadcast %neg3A : f32 to vector<16xf32>
        %neg3A_56 = arith.subf %neg3A_55, %get3A_39 : vector<16xf32>
        %broadcast_in_dim3A_57 = arith.constant -3.000000e+38 : f32
        %broadcast_in_dim3A_58 = vector.broadcast %broadcast_in_dim3A_57 : f32 to vector<16xf32>
        %select_n3A_59 = arith.select %eq3A_54, %neg3A_56, %broadcast_in_dim3A_58 : vector<16xi1>, vector<16xf32>
        %reduce_max3A = arith.constant true
        %reduce_max3A_60 = vector.broadcast %reduce_max3A : i1 to vector<16xi1>
        %reduce_max3A_61 = tpu.scan <max>, %select_n3A_59 masked %reduce_max3A_60 : vector<16xf32>, vector<16xi1> -> vector<16xf32>
        %reduce_max3A_62 = vector.extract %reduce_max3A_61[15] : f32 from vector<16xf32>
        %select_n3A_63 = arith.select %eq3A_54, %broadcast_in_dim3A_2, %get3A_39 : vector<16xi1>, vector<16xf32>
        %mul3A_64 = arith.constant 16 : i32
        %mul3A_65 = arith.muli %while3A_37#1, %mul3A_64 : i32
        %swap3A = arith.index_cast %mul3A_65 : i32 to index
        %swap3A_66 = tpu.vector_load %arg11[%swap3A] {strides = array<i32>} : memref<4112xf32, #tpu.memory_space<vmem>>, vector<16xf32>,
        tpu.vector_store %arg11[%swap3A], %select_n3A_63 {strides = array<i32>} : memref<4112xf32, #tpu.memory_space<vmem>>, vector<16xf32>,
        %reduce_min3A_67 = arith.constant true
        %reduce_min3A_68 = vector.broadcast %reduce_min3A_67 : i1 to vector<16xi1>
        %reduce_min3A_69 = tpu.scan <min>, %select_n3A_63 masked %reduce_min3A_68 : vector<16xf32>, vector<16xi1> -> vector<16xf32>
        %reduce_min3A_70 = vector.extract %reduce_min3A_69[15] : f32 from vector<16xf32>
        %broadcast_in_dim3A_71 = vector.broadcast %reduce_min3A_70 : f32 to vector<16xf32>
        %swap3A_72 = arith.index_cast %while3A_37#1 : i32 to index
        %swap3A_73 = tpu.vector_load %arg7[%swap3A_72] masked %eq3A_1 {strides = array<i32>} : memref<288xf32, #tpu.memory_space<vmem>>, vector<16xf32>, vector<16xi1>
        tpu.vector_store %arg7[%swap3A_72], %broadcast_in_dim3A_71 masked %eq3A_1 {strides = array<i32>} : memref<288xf32, #tpu.memory_space<vmem>>, vector<16xf32>, vector<16xi1>
        %broadcast_in_dim3A_74 = vector.broadcast %reduce_max3A_62 : f32 to vector<16xf32>
        %swap3A_75 = arith.index_cast %scan3A_25 : i32 to index
        %swap3A_76 = tpu.vector_load %arg8[%swap3A_75] masked %eq3A_1 {strides = array<i32>} : memref<272xf32, #tpu.memory_space<vmem>>, vector<16xf32>, vector<16xi1>
        tpu.vector_store %arg8[%swap3A_75], %broadcast_in_dim3A_74 masked %eq3A_1 {strides = array<i32>} : memref<272xf32, #tpu.memory_space<vmem>>, vector<16xf32>, vector<16xi1>
        %swap3A_77 = arith.index_cast %scan3A_25 : i32 to index
        %swap3A_78 = tpu.vector_load %arg9[%swap3A_77] masked %eq3A_1 {strides = array<i32>} : memref<272xi32, #tpu.memory_space<vmem>>, vector<16xi32>, vector<16xi1>
        tpu.vector_store %arg9[%swap3A_77], %broadcast_in_dim3A_53 masked %eq3A_1 {strides = array<i32>} : memref<272xi32, #tpu.memory_space<vmem>>, vector<16xi32>, vector<16xi1>
      }
      %scan3A_18 = arith.constant 256 : i32
      "tpu.region"() ({
        %run_scoped3A = tpu.sem_alloc : memref<!tpu.dma_semaphore, #tpu.memory_space<semaphore_mem>>
        %dma_start3A = arith.constant 0 : i32
        %dma_start3A_25 = tpu.memref_slice %arg8[%dma_start3A] : memref<272xf32, #tpu.memory_space<vmem>> -> memref<256xf32, #tpu.memory_space<vmem>>
        %dma_start3A_26 = arith.constant 0 : i32
        %dma_start3A_27 = tpu.memref_slice %arg8[%dma_start3A_26] : memref<272xf32, #tpu.memory_space<vmem>> -> memref<256xf32, #tpu.memory_space<vmem>>
        tpu.enqueue_dma source(%dma_start3A_27 : memref<256xf32, #tpu.memory_space<vmem>>) target(%arg4 : memref<256xf32, #tpu.memory_space<hbm>>) target_semaphore(%run_scoped3A : memref<!tpu.dma_semaphore, #tpu.memory_space<semaphore_mem>>)
        %dma_wait3A = arith.constant 0 : i32
        %dma_wait3A_28 = tpu.memref_slice %arg8[%dma_wait3A] : memref<272xf32, #tpu.memory_space<vmem>> -> memref<256xf32, #tpu.memory_space<vmem>>
        %dma_wait3A_29 = arith.constant 0 : i32
        %dma_wait3A_30 = tpu.memref_slice %arg8[%dma_wait3A_29] : memref<272xf32, #tpu.memory_space<vmem>> -> memref<256xf32, #tpu.memory_space<vmem>>
        tpu.wait_dma2 semaphore(%run_scoped3A : memref<!tpu.dma_semaphore, #tpu.memory_space<semaphore_mem>>) src(%dma_wait3A_30 : memref<256xf32, #tpu.memory_space<vmem>>) dst(%arg4 : memref<256xf32, #tpu.memory_space<hbm>>)
        tpu.yield
      }) : () -> ()
      %scan3A_19 = arith.constant 0 : i32
      %scan3A_20 = arith.constant 0 : i32
      %scan3A_21 = arith.constant 16 : i32
      %scan3A_22 = arith.addi %scan3A_20, %scan3A_21 : i32
      %scan3A_23 = arith.constant 1 : i32
      scf.for %scan3A_25 = %scan3A_20 to %scan3A_22 step %scan3A_23  : i32 {
        %mul3A = arith.constant 16 : i32
        %mul3A_26 = arith.muli %scan3A_25, %mul3A : i32
        %get3A = arith.index_cast %mul3A_26 : i32 to index
        %get3A_27 = tpu.vector_load %arg9[%get3A] {strides = array<i32>} : memref<272xi32, #tpu.memory_space<vmem>>, vector<16xi32>,
        %shift_right_arithmetic3A = arith.constant 10 : i32
        %shift_right_arithmetic3A_28 = vector.broadcast %shift_right_arithmetic3A : i32 to vector<16xi32>
        %shift_right_arithmetic3A_29 = arith.shrsi %get3A_27, %shift_right_arithmetic3A_28 : vector<16xi32>
        %mul3A_30 = arith.constant 1024 : i32
        %mul3A_31 = vector.broadcast %mul3A_30 : i32 to vector<16xi32>
        %mul3A_32 = arith.muli %shift_right_arithmetic3A_29, %mul3A_31 : vector<16xi32>
        %sub3A = arith.subi %get3A_27, %mul3A_32 : vector<16xi32>
        %mul3A_33 = arith.constant 16 : i32
        %mul3A_34 = arith.muli %scan3A_25, %mul3A_33 : i32
        %swap3A = arith.index_cast %mul3A_34 : i32 to index
        %swap3A_35 = tpu.vector_load %arg9[%swap3A] {strides = array<i32>} : memref<272xi32, #tpu.memory_space<vmem>>, vector<16xi32>,
        tpu.vector_store %arg9[%swap3A], %shift_right_arithmetic3A_29 {strides = array<i32>} : memref<272xi32, #tpu.memory_space<vmem>>, vector<16xi32>,
        %mul3A_36 = arith.constant 16 : i32
        %mul3A_37 = arith.muli %scan3A_25, %mul3A_36 : i32
        %swap3A_38 = arith.index_cast %mul3A_37 : i32 to index
        %swap3A_39 = tpu.vector_load %arg10[%swap3A_38] {strides = array<i32>} : memref<272xi32, #tpu.memory_space<vmem>>, vector<16xi32>,
        tpu.vector_store %arg10[%swap3A_38], %sub3A {strides = array<i32>} : memref<272xi32, #tpu.memory_space<vmem>>, vector<16xi32>,
      }
      %scan3A_24 = arith.constant 16 : i32
      "tpu.region"() ({
        %run_scoped3A = tpu.sem_alloc : memref<!tpu.dma_semaphore, #tpu.memory_space<semaphore_mem>>
        %dma_start3A = arith.constant 0 : i32
        %dma_start3A_25 = tpu.memref_slice %arg9[%dma_start3A] : memref<272xi32, #tpu.memory_space<vmem>> -> memref<256xi32, #tpu.memory_space<vmem>>
        %dma_start3A_26 = arith.constant 0 : i32
        %dma_start3A_27 = tpu.memref_slice %arg9[%dma_start3A_26] : memref<272xi32, #tpu.memory_space<vmem>> -> memref<256xi32, #tpu.memory_space<vmem>>
        tpu.enqueue_dma source(%dma_start3A_27 : memref<256xi32, #tpu.memory_space<vmem>>) target(%arg5 : memref<256xi32, #tpu.memory_space<hbm>>) target_semaphore(%run_scoped3A : memref<!tpu.dma_semaphore, #tpu.memory_space<semaphore_mem>>)
        %dma_wait3A = arith.constant 0 : i32
        %dma_wait3A_28 = tpu.memref_slice %arg9[%dma_wait3A] : memref<272xi32, #tpu.memory_space<vmem>> -> memref<256xi32, #tpu.memory_space<vmem>>
        %dma_wait3A_29 = arith.constant 0 : i32
        %dma_wait3A_30 = tpu.memref_slice %arg9[%dma_wait3A_29] : memref<272xi32, #tpu.memory_space<vmem>> -> memref<256xi32, #tpu.memory_space<vmem>>
        tpu.wait_dma2 semaphore(%run_scoped3A : memref<!tpu.dma_semaphore, #tpu.memory_space<semaphore_mem>>) src(%dma_wait3A_30 : memref<256xi32, #tpu.memory_space<vmem>>) dst(%arg5 : memref<256xi32, #tpu.memory_space<hbm>>)
        tpu.yield
      }) : () -> ()
      "tpu.region"() ({
        %run_scoped3A = tpu.sem_alloc : memref<!tpu.dma_semaphore, #tpu.memory_space<semaphore_mem>>
        %dma_start3A = arith.constant 0 : i32
        %dma_start3A_25 = tpu.memref_slice %arg10[%dma_start3A] : memref<272xi32, #tpu.memory_space<vmem>> -> memref<256xi32, #tpu.memory_space<vmem>>
        %dma_start3A_26 = arith.constant 0 : i32
        %dma_start3A_27 = tpu.memref_slice %arg10[%dma_start3A_26] : memref<272xi32, #tpu.memory_space<vmem>> -> memref<256xi32, #tpu.memory_space<vmem>>
        tpu.enqueue_dma source(%dma_start3A_27 : memref<256xi32, #tpu.memory_space<vmem>>) target(%arg6 : memref<256xi32, #tpu.memory_space<hbm>>) target_semaphore(%run_scoped3A : memref<!tpu.dma_semaphore, #tpu.memory_space<semaphore_mem>>)
        %dma_wait3A = arith.constant 0 : i32
        %dma_wait3A_28 = tpu.memref_slice %arg10[%dma_wait3A] : memref<272xi32, #tpu.memory_space<vmem>> -> memref<256xi32, #tpu.memory_space<vmem>>
        %dma_wait3A_29 = arith.constant 0 : i32
        %dma_wait3A_30 = tpu.memref_slice %arg10[%dma_wait3A_29] : memref<272xi32, #tpu.memory_space<vmem>> -> memref<256xi32, #tpu.memory_space<vmem>>
        tpu.wait_dma2 semaphore(%run_scoped3A : memref<!tpu.dma_semaphore, #tpu.memory_space<semaphore_mem>>) src(%dma_wait3A_30 : memref<256xi32, #tpu.memory_space<vmem>>) dst(%arg6 : memref<256xi32, #tpu.memory_space<hbm>>)
        tpu.yield
      }) : () -> ()
    } else {
    }
    return
  }
}

#map = affine_map<(d0, d1) -> (0, 0)>
#map1 = affine_map<(d0, d1) -> (0)>
module attributes {stable_mosaic.version = 14 : i64} {
  func.func @_knn_body(%arg0: i32, %arg1: i32, %arg2: memref<1024x20480xf32, #tpu.memory_space<hbm>>, %arg3: memref<1024x80xf32, #tpu.memory_space<hbm>>, %arg4: memref<20480xi32, #tpu.memory_space<hbm>>, %arg5: memref<60000xf32, #tpu.memory_space<hbm>>, %arg6: memref<1024x64xi32, #tpu.memory_space<hbm>>, %arg7: memref<1024x192xf32, #tpu.memory_space<hbm>>, %arg8: memref<20480xi32, #tpu.memory_space<vmem>>, %arg9: memref<20480xf32, #tpu.memory_space<vmem>>, %arg10: memref<80xf32, #tpu.memory_space<vmem>>, %arg11: memref<8208xf32, #tpu.memory_space<vmem>>, %arg12: memref<8208xi32, #tpu.memory_space<vmem>>, %arg13: memref<544xf32, #tpu.memory_space<vmem>>, %arg14: memref<80xi32, #tpu.memory_space<vmem>>, %arg15: memref<64xi32, #tpu.memory_space<vmem>>, %arg16: memref<60000xf32, #tpu.memory_space<vmem>>, %arg17: memref<192xf32, #tpu.memory_space<vmem>>, %arg18: memref<!tpu.dma_semaphore, #tpu.memory_space<semaphore_mem>>) attributes {dimension_semantics = [#tpu.dimension_semantics<core_parallel>, #tpu.dimension_semantics<subcore_parallel>], iteration_bounds = array<i64: 2, 16>, scalar_prefetch = 0 : i64, scratch_operands = 11 : i64, tpu.core_type = #tpu.core_type<sc_vector_subcore>, window_params = [{transform_indices = #map}, {transform_indices = #map}, {transform_indices = #map1}, {transform_indices = #map1}, {transform_indices = #map}, {transform_indices = #map}]} {
    %mul3A = arith.constant 2 : i32
    %mul3A_0 = arith.muli %arg1, %mul3A : i32
    %add3A = arith.addi %mul3A_0, %arg0 : i32
    %mul3A_1 = arith.constant 32 : i32
    %mul3A_2 = arith.muli %add3A, %mul3A_1 : i32
    "tpu.region"() ({
      %run_scoped3A = tpu.sem_alloc : memref<!tpu.dma_semaphore, #tpu.memory_space<semaphore_mem>>
      tpu.enqueue_dma source(%arg4 : memref<20480xi32, #tpu.memory_space<hbm>>) target(%arg8 : memref<20480xi32, #tpu.memory_space<vmem>>) target_semaphore(%run_scoped3A : memref<!tpu.dma_semaphore, #tpu.memory_space<semaphore_mem>>)
      tpu.wait_dma2 semaphore(%run_scoped3A : memref<!tpu.dma_semaphore, #tpu.memory_space<semaphore_mem>>) src(%arg4 : memref<20480xi32, #tpu.memory_space<hbm>>) dst(%arg8 : memref<20480xi32, #tpu.memory_space<vmem>>)
      tpu.yield
    }) : () -> ()
    "tpu.region"() ({
      %run_scoped3A = tpu.sem_alloc : memref<!tpu.dma_semaphore, #tpu.memory_space<semaphore_mem>>
      tpu.enqueue_dma source(%arg5 : memref<60000xf32, #tpu.memory_space<hbm>>) target(%arg16 : memref<60000xf32, #tpu.memory_space<vmem>>) target_semaphore(%run_scoped3A : memref<!tpu.dma_semaphore, #tpu.memory_space<semaphore_mem>>)
      tpu.wait_dma2 semaphore(%run_scoped3A : memref<!tpu.dma_semaphore, #tpu.memory_space<semaphore_mem>>) src(%arg5 : memref<60000xf32, #tpu.memory_space<hbm>>) dst(%arg16 : memref<60000xf32, #tpu.memory_space<vmem>>)
      tpu.yield
    }) : () -> ()
    %iota3A = tpu.iota {dimensions = array<i32: 0>} : vector<16xi32>
    %eq3A = arith.constant 0 : i32
    %eq3A_3 = vector.broadcast %eq3A : i32 to vector<16xi32>
    %eq3A_4 = arith.cmpi eq, %iota3A, %eq3A_3 : vector<16xi32>
    %broadcast_in_dim3A = arith.constant 3.000000e+38 : f32
    %broadcast_in_dim3A_5 = vector.broadcast %broadcast_in_dim3A : f32 to vector<16xf32>
    %broadcast_in_dim3A_6 = arith.constant 1073741824 : i32
    %broadcast_in_dim3A_7 = vector.broadcast %broadcast_in_dim3A_6 : i32 to vector<16xi32>
    %scan3A = arith.constant 0 : i32
    %scan3A_8 = arith.constant 0 : i32
    %scan3A_9 = arith.constant 32 : i32
    %scan3A_10 = arith.addi %scan3A_8, %scan3A_9 : i32
    %scan3A_11 = arith.constant 1 : i32
    scf.for %scan3A_13 = %scan3A_8 to %scan3A_10 step %scan3A_11  : i32 {
      %add3A_14 = arith.addi %mul3A_2, %scan3A_13 : i32
      "tpu.region"() ({
        %run_scoped3A = tpu.sem_alloc : memref<!tpu.dma_semaphore, #tpu.memory_space<semaphore_mem>>
        %dma_start3A = arith.constant 0 : i32
        %dma_start3A_72 = tpu.memref_slice %arg2[%add3A_14, %dma_start3A] : memref<1024x20480xf32, #tpu.memory_space<hbm>> -> memref<1x20480xf32, #tpu.memory_space<hbm>>
        %dma_start3A_73 = tpu.memref_squeeze %dma_start3A_72 : memref<1x20480xf32, #tpu.memory_space<hbm>> -> memref<20480xf32, #tpu.memory_space<hbm>>
        %dma_start3A_74 = arith.constant 0 : i32
        %dma_start3A_75 = tpu.memref_slice %arg2[%add3A_14, %dma_start3A_74] : memref<1024x20480xf32, #tpu.memory_space<hbm>> -> memref<1x20480xf32, #tpu.memory_space<hbm>>
        %dma_start3A_76 = tpu.memref_squeeze %dma_start3A_75 : memref<1x20480xf32, #tpu.memory_space<hbm>> -> memref<20480xf32, #tpu.memory_space<hbm>>
        tpu.enqueue_dma source(%dma_start3A_76 : memref<20480xf32, #tpu.memory_space<hbm>>) target(%arg9 : memref<20480xf32, #tpu.memory_space<vmem>>) target_semaphore(%run_scoped3A : memref<!tpu.dma_semaphore, #tpu.memory_space<semaphore_mem>>)
        %dma_wait3A = arith.constant 0 : i32
        %dma_wait3A_77 = tpu.memref_slice %arg2[%add3A_14, %dma_wait3A] : memref<1024x20480xf32, #tpu.memory_space<hbm>> -> memref<1x20480xf32, #tpu.memory_space<hbm>>
        %dma_wait3A_78 = tpu.memref_squeeze %dma_wait3A_77 : memref<1x20480xf32, #tpu.memory_space<hbm>> -> memref<20480xf32, #tpu.memory_space<hbm>>
        %dma_wait3A_79 = arith.constant 0 : i32
        %dma_wait3A_80 = tpu.memref_slice %arg2[%add3A_14, %dma_wait3A_79] : memref<1024x20480xf32, #tpu.memory_space<hbm>> -> memref<1x20480xf32, #tpu.memory_space<hbm>>
        %dma_wait3A_81 = tpu.memref_squeeze %dma_wait3A_80 : memref<1x20480xf32, #tpu.memory_space<hbm>> -> memref<20480xf32, #tpu.memory_space<hbm>>
        tpu.wait_dma2 semaphore(%run_scoped3A : memref<!tpu.dma_semaphore, #tpu.memory_space<semaphore_mem>>) src(%dma_wait3A_81 : memref<20480xf32, #tpu.memory_space<hbm>>) dst(%arg9 : memref<20480xf32, #tpu.memory_space<vmem>>)
        tpu.yield
      }) : () -> ()
      "tpu.region"() ({
        %run_scoped3A = tpu.sem_alloc : memref<!tpu.dma_semaphore, #tpu.memory_space<semaphore_mem>>
        %dma_start3A = arith.constant 0 : i32
        %dma_start3A_72 = tpu.memref_slice %arg3[%add3A_14, %dma_start3A] : memref<1024x80xf32, #tpu.memory_space<hbm>> -> memref<1x80xf32, #tpu.memory_space<hbm>>
        %dma_start3A_73 = tpu.memref_squeeze %dma_start3A_72 : memref<1x80xf32, #tpu.memory_space<hbm>> -> memref<80xf32, #tpu.memory_space<hbm>>
        %dma_start3A_74 = arith.constant 0 : i32
        %dma_start3A_75 = tpu.memref_slice %arg3[%add3A_14, %dma_start3A_74] : memref<1024x80xf32, #tpu.memory_space<hbm>> -> memref<1x80xf32, #tpu.memory_space<hbm>>
        %dma_start3A_76 = tpu.memref_squeeze %dma_start3A_75 : memref<1x80xf32, #tpu.memory_space<hbm>> -> memref<80xf32, #tpu.memory_space<hbm>>
        tpu.enqueue_dma source(%dma_start3A_76 : memref<80xf32, #tpu.memory_space<hbm>>) target(%arg10 : memref<80xf32, #tpu.memory_space<vmem>>) target_semaphore(%run_scoped3A : memref<!tpu.dma_semaphore, #tpu.memory_space<semaphore_mem>>)
        %dma_wait3A = arith.constant 0 : i32
        %dma_wait3A_77 = tpu.memref_slice %arg3[%add3A_14, %dma_wait3A] : memref<1024x80xf32, #tpu.memory_space<hbm>> -> memref<1x80xf32, #tpu.memory_space<hbm>>
        %dma_wait3A_78 = tpu.memref_squeeze %dma_wait3A_77 : memref<1x80xf32, #tpu.memory_space<hbm>> -> memref<80xf32, #tpu.memory_space<hbm>>
        %dma_wait3A_79 = arith.constant 0 : i32
        %dma_wait3A_80 = tpu.memref_slice %arg3[%add3A_14, %dma_wait3A_79] : memref<1024x80xf32, #tpu.memory_space<hbm>> -> memref<1x80xf32, #tpu.memory_space<hbm>>
        %dma_wait3A_81 = tpu.memref_squeeze %dma_wait3A_80 : memref<1x80xf32, #tpu.memory_space<hbm>> -> memref<80xf32, #tpu.memory_space<hbm>>
        tpu.wait_dma2 semaphore(%run_scoped3A : memref<!tpu.dma_semaphore, #tpu.memory_space<semaphore_mem>>) src(%dma_wait3A_81 : memref<80xf32, #tpu.memory_space<hbm>>) dst(%arg10 : memref<80xf32, #tpu.memory_space<vmem>>)
        tpu.yield
      }) : () -> ()
      %broadcast_in_dim3A_15 = arith.constant -1.000000e+00 : f32
      %broadcast_in_dim3A_16 = vector.broadcast %broadcast_in_dim3A_15 : f32 to vector<16xf32>
      %scan3A_17 = arith.constant 0 : i32
      %scan3A_18 = arith.constant 5 : i32
      %scan3A_19 = arith.addi %scan3A_17, %scan3A_18 : i32
      %scan3A_20 = arith.constant 1 : i32
      %scan3A_21 = scf.for %scan3A_72 = %scan3A_17 to %scan3A_19 step %scan3A_20 iter_args(%scan3A_73 = %broadcast_in_dim3A_16) -> (vector<16xf32>)  : i32 {
        %mul3A_74 = arith.constant 16 : i32
        %mul3A_75 = arith.muli %scan3A_72, %mul3A_74 : i32
        %get3A = arith.index_cast %mul3A_75 : i32 to index
        %get3A_76 = tpu.vector_load %arg10[%get3A] {strides = array<i32>} : memref<80xf32, #tpu.memory_space<vmem>>, vector<16xf32>,
        %max3A = arith.maximumf %scan3A_73, %get3A_76 : vector<16xf32>
        scf.yield %max3A : vector<16xf32>
      }
      %scan3A_22 = arith.constant 5 : i32
      %reduce_max3A = arith.constant true
      %reduce_max3A_23 = vector.broadcast %reduce_max3A : i1 to vector<16xi1>
      %reduce_max3A_24 = tpu.scan <max>, %scan3A_21 masked %reduce_max3A_23 : vector<16xf32>, vector<16xi1> -> vector<16xf32>
      %reduce_max3A_25 = vector.extract %reduce_max3A_24[15] : f32 from vector<16xf32>
      %broadcast_in_dim3A_26 = vector.broadcast %reduce_max3A_25 : f32 to vector<16xf32>
      %scan3A_27 = arith.constant 0 : i32
      %scan3A_28 = arith.constant 0 : i32
      %scan3A_29 = arith.constant 160 : i32
      %scan3A_30 = arith.addi %scan3A_28, %scan3A_29 : i32
      %scan3A_31 = arith.constant 1 : i32
      %scan3A_32 = scf.for %scan3A_72 = %scan3A_28 to %scan3A_30 step %scan3A_31 iter_args(%scan3A_73 = %scan3A_27) -> (i32)  : i32 {
        %mul3A_74 = arith.constant 8 : i32
        %mul3A_75 = arith.muli %scan3A_72, %mul3A_74 : i32
        %add3A_76 = arith.constant 0 : i32
        %add3A_77 = arith.addi %mul3A_75, %add3A_76 : i32
        %mul3A_78 = arith.constant 16 : i32
        %mul3A_79 = arith.muli %add3A_77, %mul3A_78 : i32
        %get3A = arith.index_cast %mul3A_79 : i32 to index
        %get3A_80 = tpu.vector_load %arg9[%get3A] {strides = array<i32>} : memref<20480xf32, #tpu.memory_space<vmem>>, vector<16xf32>,
        %le3A = arith.cmpf ole, %get3A_80, %broadcast_in_dim3A_26 : vector<16xf32>
        %swap3A_81 = arith.index_cast %scan3A_73 : i32 to index
        %swap3A_82 = tpu.vector_load %arg11[%swap3A_81] masked %le3A {strides = array<i32>} : memref<8208xf32, #tpu.memory_space<vmem>>, vector<16xf32>, vector<16xi1>
        tpu.vector_store %arg11[%swap3A_81], %get3A_80 masked %le3A {strides = array<i32>} : memref<8208xf32, #tpu.memory_space<vmem>>, vector<16xf32>, vector<16xi1>
        %mul3A_83 = arith.constant 16 : i32
        %mul3A_84 = arith.muli %add3A_77, %mul3A_83 : i32
        %add3A_85 = vector.broadcast %mul3A_84 : i32 to vector<16xi32>
        %add3A_86 = arith.addi %iota3A, %add3A_85 : vector<16xi32>
        %swap3A_87 = arith.index_cast %scan3A_73 : i32 to index
        %swap3A_88 = tpu.vector_load %arg12[%swap3A_87] masked %le3A {strides = array<i32>} : memref<8208xi32, #tpu.memory_space<vmem>>, vector<16xi32>, vector<16xi1>
        tpu.vector_store %arg12[%swap3A_87], %add3A_86 masked %le3A {strides = array<i32>} : memref<8208xi32, #tpu.memory_space<vmem>>, vector<16xi32>, vector<16xi1>
        %all_reduce_population_count3A = tpu.all_reduce %le3A {dim = 0 : i64, kind = #tpu.reduction_kind<sum>} : vector<16xi1> -> vector<16xi32>
        %slice3A = vector.extract_strided_slice %all_reduce_population_count3A {offsets = [0], sizes = [1], strides = [1]} : vector<16xi32> to vector<1xi32>
        %squeeze3A = vector.extract %slice3A[0] : i32 from vector<1xi32>
        %add3A_89 = arith.addi %scan3A_73, %squeeze3A : i32
        %min3A = arith.constant 8192 : i32
        %min3A_90 = arith.minsi %add3A_89, %min3A : i32
        %mul3A_91 = arith.constant 8 : i32
        %mul3A_92 = arith.muli %scan3A_72, %mul3A_91 : i32
        %add3A_93 = arith.constant 1 : i32
        %add3A_94 = arith.addi %mul3A_92, %add3A_93 : i32
        %mul3A_95 = arith.constant 16 : i32
        %mul3A_96 = arith.muli %add3A_94, %mul3A_95 : i32
        %get3A_97 = arith.index_cast %mul3A_96 : i32 to index
        %get3A_98 = tpu.vector_load %arg9[%get3A_97] {strides = array<i32>} : memref<20480xf32, #tpu.memory_space<vmem>>, vector<16xf32>,
        %le3A_99 = arith.cmpf ole, %get3A_98, %broadcast_in_dim3A_26 : vector<16xf32>
        %swap3A_100 = arith.index_cast %min3A_90 : i32 to index
        %swap3A_101 = tpu.vector_load %arg11[%swap3A_100] masked %le3A_99 {strides = array<i32>} : memref<8208xf32, #tpu.memory_space<vmem>>, vector<16xf32>, vector<16xi1>
        tpu.vector_store %arg11[%swap3A_100], %get3A_98 masked %le3A_99 {strides = array<i32>} : memref<8208xf32, #tpu.memory_space<vmem>>, vector<16xf32>, vector<16xi1>
        %mul3A_102 = arith.constant 16 : i32
        %mul3A_103 = arith.muli %add3A_94, %mul3A_102 : i32
        %add3A_104 = vector.broadcast %mul3A_103 : i32 to vector<16xi32>
        %add3A_105 = arith.addi %iota3A, %add3A_104 : vector<16xi32>
        %swap3A_106 = arith.index_cast %min3A_90 : i32 to index
        %swap3A_107 = tpu.vector_load %arg12[%swap3A_106] masked %le3A_99 {strides = array<i32>} : memref<8208xi32, #tpu.memory_space<vmem>>, vector<16xi32>, vector<16xi1>
        tpu.vector_store %arg12[%swap3A_106], %add3A_105 masked %le3A_99 {strides = array<i32>} : memref<8208xi32, #tpu.memory_space<vmem>>, vector<16xi32>, vector<16xi1>
        %all_reduce_population_count3A_108 = tpu.all_reduce %le3A_99 {dim = 0 : i64, kind = #tpu.reduction_kind<sum>} : vector<16xi1> -> vector<16xi32>
        %slice3A_109 = vector.extract_strided_slice %all_reduce_population_count3A_108 {offsets = [0], sizes = [1], strides = [1]} : vector<16xi32> to vector<1xi32>
        %squeeze3A_110 = vector.extract %slice3A_109[0] : i32 from vector<1xi32>
        %add3A_111 = arith.addi %min3A_90, %squeeze3A_110 : i32
        %min3A_112 = arith.constant 8192 : i32
        %min3A_113 = arith.minsi %add3A_111, %min3A_112 : i32
        %mul3A_114 = arith.constant 8 : i32
        %mul3A_115 = arith.muli %scan3A_72, %mul3A_114 : i32
        %add3A_116 = arith.constant 2 : i32
        %add3A_117 = arith.addi %mul3A_115, %add3A_116 : i32
        %mul3A_118 = arith.constant 16 : i32
        %mul3A_119 = arith.muli %add3A_117, %mul3A_118 : i32
        %get3A_120 = arith.index_cast %mul3A_119 : i32 to index
        %get3A_121 = tpu.vector_load %arg9[%get3A_120] {strides = array<i32>} : memref<20480xf32, #tpu.memory_space<vmem>>, vector<16xf32>,
        %le3A_122 = arith.cmpf ole, %get3A_121, %broadcast_in_dim3A_26 : vector<16xf32>
        %swap3A_123 = arith.index_cast %min3A_113 : i32 to index
        %swap3A_124 = tpu.vector_load %arg11[%swap3A_123] masked %le3A_122 {strides = array<i32>} : memref<8208xf32, #tpu.memory_space<vmem>>, vector<16xf32>, vector<16xi1>
        tpu.vector_store %arg11[%swap3A_123], %get3A_121 masked %le3A_122 {strides = array<i32>} : memref<8208xf32, #tpu.memory_space<vmem>>, vector<16xf32>, vector<16xi1>
        %mul3A_125 = arith.constant 16 : i32
        %mul3A_126 = arith.muli %add3A_117, %mul3A_125 : i32
        %add3A_127 = vector.broadcast %mul3A_126 : i32 to vector<16xi32>
        %add3A_128 = arith.addi %iota3A, %add3A_127 : vector<16xi32>
        %swap3A_129 = arith.index_cast %min3A_113 : i32 to index
        %swap3A_130 = tpu.vector_load %arg12[%swap3A_129] masked %le3A_122 {strides = array<i32>} : memref<8208xi32, #tpu.memory_space<vmem>>, vector<16xi32>, vector<16xi1>
        tpu.vector_store %arg12[%swap3A_129], %add3A_128 masked %le3A_122 {strides = array<i32>} : memref<8208xi32, #tpu.memory_space<vmem>>, vector<16xi32>, vector<16xi1>
        %all_reduce_population_count3A_131 = tpu.all_reduce %le3A_122 {dim = 0 : i64, kind = #tpu.reduction_kind<sum>} : vector<16xi1> -> vector<16xi32>
        %slice3A_132 = vector.extract_strided_slice %all_reduce_population_count3A_131 {offsets = [0], sizes = [1], strides = [1]} : vector<16xi32> to vector<1xi32>
        %squeeze3A_133 = vector.extract %slice3A_132[0] : i32 from vector<1xi32>
        %add3A_134 = arith.addi %min3A_113, %squeeze3A_133 : i32
        %min3A_135 = arith.constant 8192 : i32
        %min3A_136 = arith.minsi %add3A_134, %min3A_135 : i32
        %mul3A_137 = arith.constant 8 : i32
        %mul3A_138 = arith.muli %scan3A_72, %mul3A_137 : i32
        %add3A_139 = arith.constant 3 : i32
        %add3A_140 = arith.addi %mul3A_138, %add3A_139 : i32
        %mul3A_141 = arith.constant 16 : i32
        %mul3A_142 = arith.muli %add3A_140, %mul3A_141 : i32
        %get3A_143 = arith.index_cast %mul3A_142 : i32 to index
        %get3A_144 = tpu.vector_load %arg9[%get3A_143] {strides = array<i32>} : memref<20480xf32, #tpu.memory_space<vmem>>, vector<16xf32>,
        %le3A_145 = arith.cmpf ole, %get3A_144, %broadcast_in_dim3A_26 : vector<16xf32>
        %swap3A_146 = arith.index_cast %min3A_136 : i32 to index
        %swap3A_147 = tpu.vector_load %arg11[%swap3A_146] masked %le3A_145 {strides = array<i32>} : memref<8208xf32, #tpu.memory_space<vmem>>, vector<16xf32>, vector<16xi1>
        tpu.vector_store %arg11[%swap3A_146], %get3A_144 masked %le3A_145 {strides = array<i32>} : memref<8208xf32, #tpu.memory_space<vmem>>, vector<16xf32>, vector<16xi1>
        %mul3A_148 = arith.constant 16 : i32
        %mul3A_149 = arith.muli %add3A_140, %mul3A_148 : i32
        %add3A_150 = vector.broadcast %mul3A_149 : i32 to vector<16xi32>
        %add3A_151 = arith.addi %iota3A, %add3A_150 : vector<16xi32>
        %swap3A_152 = arith.index_cast %min3A_136 : i32 to index
        %swap3A_153 = tpu.vector_load %arg12[%swap3A_152] masked %le3A_145 {strides = array<i32>} : memref<8208xi32, #tpu.memory_space<vmem>>, vector<16xi32>, vector<16xi1>
        tpu.vector_store %arg12[%swap3A_152], %add3A_151 masked %le3A_145 {strides = array<i32>} : memref<8208xi32, #tpu.memory_space<vmem>>, vector<16xi32>, vector<16xi1>
        %all_reduce_population_count3A_154 = tpu.all_reduce %le3A_145 {dim = 0 : i64, kind = #tpu.reduction_kind<sum>} : vector<16xi1> -> vector<16xi32>
        %slice3A_155 = vector.extract_strided_slice %all_reduce_population_count3A_154 {offsets = [0], sizes = [1], strides = [1]} : vector<16xi32> to vector<1xi32>
        %squeeze3A_156 = vector.extract %slice3A_155[0] : i32 from vector<1xi32>
        %add3A_157 = arith.addi %min3A_136, %squeeze3A_156 : i32
        %min3A_158 = arith.constant 8192 : i32
        %min3A_159 = arith.minsi %add3A_157, %min3A_158 : i32
        %mul3A_160 = arith.constant 8 : i32
        %mul3A_161 = arith.muli %scan3A_72, %mul3A_160 : i32
        %add3A_162 = arith.constant 4 : i32
        %add3A_163 = arith.addi %mul3A_161, %add3A_162 : i32
        %mul3A_164 = arith.constant 16 : i32
        %mul3A_165 = arith.muli %add3A_163, %mul3A_164 : i32
        %get3A_166 = arith.index_cast %mul3A_165 : i32 to index
        %get3A_167 = tpu.vector_load %arg9[%get3A_166] {strides = array<i32>} : memref<20480xf32, #tpu.memory_space<vmem>>, vector<16xf32>,
        %le3A_168 = arith.cmpf ole, %get3A_167, %broadcast_in_dim3A_26 : vector<16xf32>
        %swap3A_169 = arith.index_cast %min3A_159 : i32 to index
        %swap3A_170 = tpu.vector_load %arg11[%swap3A_169] masked %le3A_168 {strides = array<i32>} : memref<8208xf32, #tpu.memory_space<vmem>>, vector<16xf32>, vector<16xi1>
        tpu.vector_store %arg11[%swap3A_169], %get3A_167 masked %le3A_168 {strides = array<i32>} : memref<8208xf32, #tpu.memory_space<vmem>>, vector<16xf32>, vector<16xi1>
        %mul3A_171 = arith.constant 16 : i32
        %mul3A_172 = arith.muli %add3A_163, %mul3A_171 : i32
        %add3A_173 = vector.broadcast %mul3A_172 : i32 to vector<16xi32>
        %add3A_174 = arith.addi %iota3A, %add3A_173 : vector<16xi32>
        %swap3A_175 = arith.index_cast %min3A_159 : i32 to index
        %swap3A_176 = tpu.vector_load %arg12[%swap3A_175] masked %le3A_168 {strides = array<i32>} : memref<8208xi32, #tpu.memory_space<vmem>>, vector<16xi32>, vector<16xi1>
        tpu.vector_store %arg12[%swap3A_175], %add3A_174 masked %le3A_168 {strides = array<i32>} : memref<8208xi32, #tpu.memory_space<vmem>>, vector<16xi32>, vector<16xi1>
        %all_reduce_population_count3A_177 = tpu.all_reduce %le3A_168 {dim = 0 : i64, kind = #tpu.reduction_kind<sum>} : vector<16xi1> -> vector<16xi32>
        %slice3A_178 = vector.extract_strided_slice %all_reduce_population_count3A_177 {offsets = [0], sizes = [1], strides = [1]} : vector<16xi32> to vector<1xi32>
        %squeeze3A_179 = vector.extract %slice3A_178[0] : i32 from vector<1xi32>
        %add3A_180 = arith.addi %min3A_159, %squeeze3A_179 : i32
        %min3A_181 = arith.constant 8192 : i32
        %min3A_182 = arith.minsi %add3A_180, %min3A_181 : i32
        %mul3A_183 = arith.constant 8 : i32
        %mul3A_184 = arith.muli %scan3A_72, %mul3A_183 : i32
        %add3A_185 = arith.constant 5 : i32
        %add3A_186 = arith.addi %mul3A_184, %add3A_185 : i32
        %mul3A_187 = arith.constant 16 : i32
        %mul3A_188 = arith.muli %add3A_186, %mul3A_187 : i32
        %get3A_189 = arith.index_cast %mul3A_188 : i32 to index
        %get3A_190 = tpu.vector_load %arg9[%get3A_189] {strides = array<i32>} : memref<20480xf32, #tpu.memory_space<vmem>>, vector<16xf32>,
        %le3A_191 = arith.cmpf ole, %get3A_190, %broadcast_in_dim3A_26 : vector<16xf32>
        %swap3A_192 = arith.index_cast %min3A_182 : i32 to index
        %swap3A_193 = tpu.vector_load %arg11[%swap3A_192] masked %le3A_191 {strides = array<i32>} : memref<8208xf32, #tpu.memory_space<vmem>>, vector<16xf32>, vector<16xi1>
        tpu.vector_store %arg11[%swap3A_192], %get3A_190 masked %le3A_191 {strides = array<i32>} : memref<8208xf32, #tpu.memory_space<vmem>>, vector<16xf32>, vector<16xi1>
        %mul3A_194 = arith.constant 16 : i32
        %mul3A_195 = arith.muli %add3A_186, %mul3A_194 : i32
        %add3A_196 = vector.broadcast %mul3A_195 : i32 to vector<16xi32>
        %add3A_197 = arith.addi %iota3A, %add3A_196 : vector<16xi32>
        %swap3A_198 = arith.index_cast %min3A_182 : i32 to index
        %swap3A_199 = tpu.vector_load %arg12[%swap3A_198] masked %le3A_191 {strides = array<i32>} : memref<8208xi32, #tpu.memory_space<vmem>>, vector<16xi32>, vector<16xi1>
        tpu.vector_store %arg12[%swap3A_198], %add3A_197 masked %le3A_191 {strides = array<i32>} : memref<8208xi32, #tpu.memory_space<vmem>>, vector<16xi32>, vector<16xi1>
        %all_reduce_population_count3A_200 = tpu.all_reduce %le3A_191 {dim = 0 : i64, kind = #tpu.reduction_kind<sum>} : vector<16xi1> -> vector<16xi32>
        %slice3A_201 = vector.extract_strided_slice %all_reduce_population_count3A_200 {offsets = [0], sizes = [1], strides = [1]} : vector<16xi32> to vector<1xi32>
        %squeeze3A_202 = vector.extract %slice3A_201[0] : i32 from vector<1xi32>
        %add3A_203 = arith.addi %min3A_182, %squeeze3A_202 : i32
        %min3A_204 = arith.constant 8192 : i32
        %min3A_205 = arith.minsi %add3A_203, %min3A_204 : i32
        %mul3A_206 = arith.constant 8 : i32
        %mul3A_207 = arith.muli %scan3A_72, %mul3A_206 : i32
        %add3A_208 = arith.constant 6 : i32
        %add3A_209 = arith.addi %mul3A_207, %add3A_208 : i32
        %mul3A_210 = arith.constant 16 : i32
        %mul3A_211 = arith.muli %add3A_209, %mul3A_210 : i32
        %get3A_212 = arith.index_cast %mul3A_211 : i32 to index
        %get3A_213 = tpu.vector_load %arg9[%get3A_212] {strides = array<i32>} : memref<20480xf32, #tpu.memory_space<vmem>>, vector<16xf32>,
        %le3A_214 = arith.cmpf ole, %get3A_213, %broadcast_in_dim3A_26 : vector<16xf32>
        %swap3A_215 = arith.index_cast %min3A_205 : i32 to index
        %swap3A_216 = tpu.vector_load %arg11[%swap3A_215] masked %le3A_214 {strides = array<i32>} : memref<8208xf32, #tpu.memory_space<vmem>>, vector<16xf32>, vector<16xi1>
        tpu.vector_store %arg11[%swap3A_215], %get3A_213 masked %le3A_214 {strides = array<i32>} : memref<8208xf32, #tpu.memory_space<vmem>>, vector<16xf32>, vector<16xi1>
        %mul3A_217 = arith.constant 16 : i32
        %mul3A_218 = arith.muli %add3A_209, %mul3A_217 : i32
        %add3A_219 = vector.broadcast %mul3A_218 : i32 to vector<16xi32>
        %add3A_220 = arith.addi %iota3A, %add3A_219 : vector<16xi32>
        %swap3A_221 = arith.index_cast %min3A_205 : i32 to index
        %swap3A_222 = tpu.vector_load %arg12[%swap3A_221] masked %le3A_214 {strides = array<i32>} : memref<8208xi32, #tpu.memory_space<vmem>>, vector<16xi32>, vector<16xi1>
        tpu.vector_store %arg12[%swap3A_221], %add3A_220 masked %le3A_214 {strides = array<i32>} : memref<8208xi32, #tpu.memory_space<vmem>>, vector<16xi32>, vector<16xi1>
        %all_reduce_population_count3A_223 = tpu.all_reduce %le3A_214 {dim = 0 : i64, kind = #tpu.reduction_kind<sum>} : vector<16xi1> -> vector<16xi32>
        %slice3A_224 = vector.extract_strided_slice %all_reduce_population_count3A_223 {offsets = [0], sizes = [1], strides = [1]} : vector<16xi32> to vector<1xi32>
        %squeeze3A_225 = vector.extract %slice3A_224[0] : i32 from vector<1xi32>
        %add3A_226 = arith.addi %min3A_205, %squeeze3A_225 : i32
        %min3A_227 = arith.constant 8192 : i32
        %min3A_228 = arith.minsi %add3A_226, %min3A_227 : i32
        %mul3A_229 = arith.constant 8 : i32
        %mul3A_230 = arith.muli %scan3A_72, %mul3A_229 : i32
        %add3A_231 = arith.constant 7 : i32
        %add3A_232 = arith.addi %mul3A_230, %add3A_231 : i32
        %mul3A_233 = arith.constant 16 : i32
        %mul3A_234 = arith.muli %add3A_232, %mul3A_233 : i32
        %get3A_235 = arith.index_cast %mul3A_234 : i32 to index
        %get3A_236 = tpu.vector_load %arg9[%get3A_235] {strides = array<i32>} : memref<20480xf32, #tpu.memory_space<vmem>>, vector<16xf32>,
        %le3A_237 = arith.cmpf ole, %get3A_236, %broadcast_in_dim3A_26 : vector<16xf32>
        %swap3A_238 = arith.index_cast %min3A_228 : i32 to index
        %swap3A_239 = tpu.vector_load %arg11[%swap3A_238] masked %le3A_237 {strides = array<i32>} : memref<8208xf32, #tpu.memory_space<vmem>>, vector<16xf32>, vector<16xi1>
        tpu.vector_store %arg11[%swap3A_238], %get3A_236 masked %le3A_237 {strides = array<i32>} : memref<8208xf32, #tpu.memory_space<vmem>>, vector<16xf32>, vector<16xi1>
        %mul3A_240 = arith.constant 16 : i32
        %mul3A_241 = arith.muli %add3A_232, %mul3A_240 : i32
        %add3A_242 = vector.broadcast %mul3A_241 : i32 to vector<16xi32>
        %add3A_243 = arith.addi %iota3A, %add3A_242 : vector<16xi32>
        %swap3A_244 = arith.index_cast %min3A_228 : i32 to index
        %swap3A_245 = tpu.vector_load %arg12[%swap3A_244] masked %le3A_237 {strides = array<i32>} : memref<8208xi32, #tpu.memory_space<vmem>>, vector<16xi32>, vector<16xi1>
        tpu.vector_store %arg12[%swap3A_244], %add3A_243 masked %le3A_237 {strides = array<i32>} : memref<8208xi32, #tpu.memory_space<vmem>>, vector<16xi32>, vector<16xi1>
        %all_reduce_population_count3A_246 = tpu.all_reduce %le3A_237 {dim = 0 : i64, kind = #tpu.reduction_kind<sum>} : vector<16xi1> -> vector<16xi32>
        %slice3A_247 = vector.extract_strided_slice %all_reduce_population_count3A_246 {offsets = [0], sizes = [1], strides = [1]} : vector<16xi32> to vector<1xi32>
        %squeeze3A_248 = vector.extract %slice3A_247[0] : i32 from vector<1xi32>
        %add3A_249 = arith.addi %min3A_228, %squeeze3A_248 : i32
        %min3A_250 = arith.constant 8192 : i32
        %min3A_251 = arith.minsi %add3A_249, %min3A_250 : i32
        scf.yield %min3A_251 : i32
      }
      %scan3A_33 = arith.constant 160 : i32
      %swap3A = arith.index_cast %scan3A_32 : i32 to index
      %swap3A_34 = tpu.vector_load %arg11[%swap3A] {strides = array<i32>} : memref<8208xf32, #tpu.memory_space<vmem>>, vector<16xf32>,
      tpu.vector_store %arg11[%swap3A], %broadcast_in_dim3A_5 {strides = array<i32>} : memref<8208xf32, #tpu.memory_space<vmem>>, vector<16xf32>,
      %swap3A_35 = arith.index_cast %scan3A_32 : i32 to index
      %swap3A_36 = tpu.vector_load %arg12[%swap3A_35] {strides = array<i32>} : memref<8208xi32, #tpu.memory_space<vmem>>, vector<16xi32>,
      tpu.vector_store %arg12[%swap3A_35], %broadcast_in_dim3A_7 {strides = array<i32>} : memref<8208xi32, #tpu.memory_space<vmem>>, vector<16xi32>,
      %add3A_37 = arith.constant 15 : i32
      %add3A_38 = arith.addi %scan3A_32, %add3A_37 : i32
      %shift_right_arithmetic3A = arith.constant 4 : i32
      %shift_right_arithmetic3A_39 = arith.shrsi %add3A_38, %shift_right_arithmetic3A : i32
      %while3A = arith.constant 0 : i32
      %while3A_40 = arith.constant 0 : i32
      %while3A_41 = arith.subi %shift_right_arithmetic3A_39, %while3A_40 : i32
      %while3A_42 = arith.addi %while3A_40, %while3A_41 : i32
      %while3A_43 = arith.constant 1 : i32
      %while3A_44 = arith.divsi %while3A_41, %while3A_43 : i32
      %while3A_45 = arith.muli %while3A_44, %while3A_43 : i32
      %while3A_46 = arith.addi %while3A_40, %while3A_45 : i32
      %while3A_47 = arith.constant 1 : i32
      scf.for %while3A_72 = %while3A_40 to %while3A_46 step %while3A_47  : i32 {
        %mul3A_73 = arith.constant 16 : i32
        %mul3A_74 = arith.muli %while3A_72, %mul3A_73 : i32
        %get3A = arith.index_cast %mul3A_74 : i32 to index
        %get3A_75 = tpu.vector_load %arg11[%get3A] {strides = array<i32>} : memref<8208xf32, #tpu.memory_space<vmem>>, vector<16xf32>,
        %reduce_min3A = arith.constant true
        %reduce_min3A_76 = vector.broadcast %reduce_min3A : i1 to vector<16xi1>
        %reduce_min3A_77 = tpu.scan <min>, %get3A_75 masked %reduce_min3A_76 : vector<16xf32>, vector<16xi1> -> vector<16xf32>
        %reduce_min3A_78 = vector.extract %reduce_min3A_77[15] : f32 from vector<16xf32>
        %broadcast_in_dim3A_79 = vector.broadcast %reduce_min3A_78 : f32 to vector<16xf32>
        %swap3A_80 = arith.index_cast %while3A_72 : i32 to index
        %swap3A_81 = tpu.vector_load %arg13[%swap3A_80] masked %eq3A_4 {strides = array<i32>} : memref<544xf32, #tpu.memory_space<vmem>>, vector<16xf32>, vector<16xi1>
        tpu.vector_store %arg13[%swap3A_80], %broadcast_in_dim3A_79 masked %eq3A_4 {strides = array<i32>} : memref<544xf32, #tpu.memory_space<vmem>>, vector<16xf32>, vector<16xi1>
      }
      %while3A_48 = arith.constant 1 : i32
      scf.for %while3A_72 = %while3A_46 to %while3A_42 step %while3A_48  : i32 {
        %mul3A_73 = arith.constant 16 : i32
        %mul3A_74 = arith.muli %while3A_72, %mul3A_73 : i32
        %get3A = arith.index_cast %mul3A_74 : i32 to index
        %get3A_75 = tpu.vector_load %arg11[%get3A] {strides = array<i32>} : memref<8208xf32, #tpu.memory_space<vmem>>, vector<16xf32>,
        %reduce_min3A = arith.constant true
        %reduce_min3A_76 = vector.broadcast %reduce_min3A : i1 to vector<16xi1>
        %reduce_min3A_77 = tpu.scan <min>, %get3A_75 masked %reduce_min3A_76 : vector<16xf32>, vector<16xi1> -> vector<16xf32>
        %reduce_min3A_78 = vector.extract %reduce_min3A_77[15] : f32 from vector<16xf32>
        %broadcast_in_dim3A_79 = vector.broadcast %reduce_min3A_78 : f32 to vector<16xf32>
        %swap3A_80 = arith.index_cast %while3A_72 : i32 to index
        %swap3A_81 = tpu.vector_load %arg13[%swap3A_80] masked %eq3A_4 {strides = array<i32>} : memref<544xf32, #tpu.memory_space<vmem>>, vector<16xf32>, vector<16xi1>
        tpu.vector_store %arg13[%swap3A_80], %broadcast_in_dim3A_79 masked %eq3A_4 {strides = array<i32>} : memref<544xf32, #tpu.memory_space<vmem>>, vector<16xf32>, vector<16xi1>
      }
      %swap3A_49 = arith.index_cast %shift_right_arithmetic3A_39 : i32 to index
      %swap3A_50 = tpu.vector_load %arg13[%swap3A_49] {strides = array<i32>} : memref<544xf32, #tpu.memory_space<vmem>>, vector<16xf32>,
      tpu.vector_store %arg13[%swap3A_49], %broadcast_in_dim3A_5 {strides = array<i32>} : memref<544xf32, #tpu.memory_space<vmem>>, vector<16xf32>,
      %add3A_51 = arith.constant 15 : i32
      %add3A_52 = arith.addi %shift_right_arithmetic3A_39, %add3A_51 : i32
      %shift_right_arithmetic3A_53 = arith.constant 4 : i32
      %shift_right_arithmetic3A_54 = arith.shrsi %add3A_52, %shift_right_arithmetic3A_53 : i32
      %scan3A_55 = arith.constant 0 : i32
      %scan3A_56 = arith.constant 0 : i32
      %scan3A_57 = arith.constant 64 : i32
      %scan3A_58 = arith.addi %scan3A_56, %scan3A_57 : i32
      %scan3A_59 = arith.constant 1 : i32
      scf.for %scan3A_72 = %scan3A_56 to %scan3A_58 step %scan3A_59  : i32 {
        %while3A_73 = arith.constant 0 : i32
        %while3A_74 = arith.subi %shift_right_arithmetic3A_54, %while3A_73 : i32
        %while3A_75 = arith.addi %while3A_73, %while3A_74 : i32
        %while3A_76 = arith.constant 1 : i32
        %while3A_77 = arith.divsi %while3A_74, %while3A_76 : i32
        %while3A_78 = arith.muli %while3A_77, %while3A_76 : i32
        %while3A_79 = arith.addi %while3A_73, %while3A_78 : i32
        %while3A_80 = arith.constant 1 : i32
        %while3A_81 = scf.for %while3A_123 = %while3A_73 to %while3A_79 step %while3A_80 iter_args(%while3A_124 = %broadcast_in_dim3A_5) -> (vector<16xf32>)  : i32 {
          %mul3A_125 = arith.constant 16 : i32
          %mul3A_126 = arith.muli %while3A_123, %mul3A_125 : i32
          %get3A_127 = arith.index_cast %mul3A_126 : i32 to index
          %get3A_128 = tpu.vector_load %arg13[%get3A_127] {strides = array<i32>} : memref<544xf32, #tpu.memory_space<vmem>>, vector<16xf32>,
          %min3A = arith.minimumf %while3A_124, %get3A_128 : vector<16xf32>
          scf.yield %min3A : vector<16xf32>
        }
        %while3A_82 = arith.constant 1 : i32
        %while3A_83 = scf.for %while3A_123 = %while3A_79 to %while3A_75 step %while3A_82 iter_args(%while3A_124 = %while3A_81) -> (vector<16xf32>)  : i32 {
          %mul3A_125 = arith.constant 16 : i32
          %mul3A_126 = arith.muli %while3A_123, %mul3A_125 : i32
          %get3A_127 = arith.index_cast %mul3A_126 : i32 to index
          %get3A_128 = tpu.vector_load %arg13[%get3A_127] {strides = array<i32>} : memref<544xf32, #tpu.memory_space<vmem>>, vector<16xf32>,
          %min3A = arith.minimumf %while3A_124, %get3A_128 : vector<16xf32>
          scf.yield %min3A : vector<16xf32>
        }
        %reduce_min3A = arith.constant true
        %reduce_min3A_84 = vector.broadcast %reduce_min3A : i1 to vector<16xi1>
        %reduce_min3A_85 = tpu.scan <min>, %while3A_83 masked %reduce_min3A_84 : vector<16xf32>, vector<16xi1> -> vector<16xf32>
        %reduce_min3A_86 = vector.extract %reduce_min3A_85[15] : f32 from vector<16xf32>
        %broadcast_in_dim3A_87 = vector.broadcast %reduce_min3A_86 : f32 to vector<16xf32>
        %while3A_88 = arith.constant 0 : i32
        %while3A_89 = arith.constant -1 : i32
        %while3A_90:2 = scf.while (%while3A_123 = %while3A_88, %while3A_124 = %while3A_89) : (i32, i32) -> (i32, i32) {
          %lt3A = arith.constant 0 : i32
          %lt3A_125 = arith.cmpi slt, %while3A_124, %lt3A : i32
          scf.condition(%lt3A_125) %while3A_123, %while3A_124 : i32, i32
        } do {
        ^bb0(%while3A_123: i32, %while3A_124: i32):
          %mul3A_125 = arith.constant 16 : i32
          %mul3A_126 = arith.muli %while3A_123, %mul3A_125 : i32
          %get3A_127 = arith.index_cast %mul3A_126 : i32 to index
          %get3A_128 = tpu.vector_load %arg13[%get3A_127] {strides = array<i32>} : memref<544xf32, #tpu.memory_space<vmem>>, vector<16xf32>,
          %eq3A_129 = arith.cmpf oeq, %get3A_128, %broadcast_in_dim3A_87 : vector<16xf32>
          %all_reduce_ffs3A = tpu.all_reduce %eq3A_129 {dim = 0 : i64, kind = #tpu.reduction_kind<find_first_set>} : vector<16xi1> -> vector<16xi32>
          %slice3A = vector.extract_strided_slice %all_reduce_ffs3A {offsets = [0], sizes = [1], strides = [1]} : vector<16xi32> to vector<1xi32>
          %squeeze3A = vector.extract %slice3A[0] : i32 from vector<1xi32>
          %lt3A = arith.constant 16 : i32
          %lt3A_130 = arith.cmpi slt, %squeeze3A, %lt3A : i32
          %mul3A_131 = arith.constant 16 : i32
          %mul3A_132 = arith.muli %while3A_123, %mul3A_131 : i32
          %add3A_133 = arith.addi %mul3A_132, %squeeze3A : i32
          %select_n3A_134 = arith.select %lt3A_130, %add3A_133, %while3A_124 : i32
          %add3A_135 = arith.constant 1 : i32
          %add3A_136 = arith.addi %while3A_123, %add3A_135 : i32
          scf.yield %add3A_136, %select_n3A_134 : i32, i32
        }
        %mul3A_91 = arith.constant 16 : i32
        %mul3A_92 = arith.muli %while3A_90#1, %mul3A_91 : i32
        %get3A = arith.index_cast %mul3A_92 : i32 to index
        %get3A_93 = tpu.vector_load %arg11[%get3A] {strides = array<i32>} : memref<8208xf32, #tpu.memory_space<vmem>>, vector<16xf32>,
        %mul3A_94 = arith.constant 16 : i32
        %mul3A_95 = arith.muli %while3A_90#1, %mul3A_94 : i32
        %get3A_96 = arith.index_cast %mul3A_95 : i32 to index
        %get3A_97 = tpu.vector_load %arg12[%get3A_96] {strides = array<i32>} : memref<8208xi32, #tpu.memory_space<vmem>>, vector<16xi32>,
        %eq3A_98 = arith.cmpf oeq, %get3A_93, %broadcast_in_dim3A_87 : vector<16xf32>
        %select_n3A = arith.select %eq3A_98, %get3A_97, %broadcast_in_dim3A_7 : vector<16xi1>, vector<16xi32>
        %reduce_min3A_99 = arith.constant true
        %reduce_min3A_100 = vector.broadcast %reduce_min3A_99 : i1 to vector<16xi1>
        %reduce_min3A_101 = arith.constant -2147483648 : i32
        %reduce_min3A_102 = vector.broadcast %reduce_min3A_101 : i32 to vector<16xi32>
        %reduce_min3A_103 = arith.xori %select_n3A, %reduce_min3A_102 : vector<16xi32>
        %reduce_min3A_104 = tpu.scan <min>, %reduce_min3A_103 masked %reduce_min3A_100 : vector<16xi32>, vector<16xi1> -> vector<16xi32>
        %reduce_min3A_105 = arith.xori %reduce_min3A_104, %reduce_min3A_102 : vector<16xi32>
        %reduce_min3A_106 = vector.extract %reduce_min3A_105[15] : i32 from vector<16xi32>
        %broadcast_in_dim3A_107 = vector.broadcast %reduce_min3A_106 : i32 to vector<16xi32>
        %eq3A_108 = arith.cmpi eq, %get3A_97, %broadcast_in_dim3A_107 : vector<16xi32>
        %select_n3A_109 = arith.select %eq3A_108, %broadcast_in_dim3A_5, %get3A_93 : vector<16xi1>, vector<16xf32>
        %mul3A_110 = arith.constant 16 : i32
        %mul3A_111 = arith.muli %while3A_90#1, %mul3A_110 : i32
        %swap3A_112 = arith.index_cast %mul3A_111 : i32 to index
        %swap3A_113 = tpu.vector_load %arg11[%swap3A_112] {strides = array<i32>} : memref<8208xf32, #tpu.memory_space<vmem>>, vector<16xf32>,
        tpu.vector_store %arg11[%swap3A_112], %select_n3A_109 {strides = array<i32>} : memref<8208xf32, #tpu.memory_space<vmem>>, vector<16xf32>,
        %reduce_min3A_114 = arith.constant true
        %reduce_min3A_115 = vector.broadcast %reduce_min3A_114 : i1 to vector<16xi1>
        %reduce_min3A_116 = tpu.scan <min>, %select_n3A_109 masked %reduce_min3A_115 : vector<16xf32>, vector<16xi1> -> vector<16xf32>
        %reduce_min3A_117 = vector.extract %reduce_min3A_116[15] : f32 from vector<16xf32>
        %broadcast_in_dim3A_118 = vector.broadcast %reduce_min3A_117 : f32 to vector<16xf32>
        %swap3A_119 = arith.index_cast %while3A_90#1 : i32 to index
        %swap3A_120 = tpu.vector_load %arg13[%swap3A_119] masked %eq3A_4 {strides = array<i32>} : memref<544xf32, #tpu.memory_space<vmem>>, vector<16xf32>, vector<16xi1>
        tpu.vector_store %arg13[%swap3A_119], %broadcast_in_dim3A_118 masked %eq3A_4 {strides = array<i32>} : memref<544xf32, #tpu.memory_space<vmem>>, vector<16xf32>, vector<16xi1>
        %swap3A_121 = arith.index_cast %scan3A_72 : i32 to index
        %swap3A_122 = tpu.vector_load %arg14[%swap3A_121] masked %eq3A_4 {strides = array<i32>} : memref<80xi32, #tpu.memory_space<vmem>>, vector<16xi32>, vector<16xi1>
        tpu.vector_store %arg14[%swap3A_121], %broadcast_in_dim3A_107 masked %eq3A_4 {strides = array<i32>} : memref<80xi32, #tpu.memory_space<vmem>>, vector<16xi32>, vector<16xi1>
      }
      %scan3A_60 = arith.constant 64 : i32
      %broadcast_in_dim3A_61 = vector.broadcast %add3A_14 : i32 to vector<16xi32>
      %broadcast_in_dim3A_62 = arith.constant 20000 : i32
      %broadcast_in_dim3A_63 = vector.broadcast %broadcast_in_dim3A_62 : i32 to vector<16xi32>
      %broadcast_in_dim3A_64 = arith.constant 0.000000e+00 : f32
      %broadcast_in_dim3A_65 = vector.broadcast %broadcast_in_dim3A_64 : f32 to vector<16xf32>
      %scan3A_66 = arith.constant 0 : i32
      %scan3A_67 = arith.constant 0 : i32
      %scan3A_68 = arith.constant 4 : i32
      %scan3A_69 = arith.addi %scan3A_67, %scan3A_68 : i32
      %scan3A_70 = arith.constant 1 : i32
      scf.for %scan3A_72 = %scan3A_67 to %scan3A_69 step %scan3A_70  : i32 {
        %mul3A_73 = arith.constant 16 : i32
        %mul3A_74 = arith.muli %scan3A_72, %mul3A_73 : i32
        %get3A = arith.index_cast %mul3A_74 : i32 to index
        %get3A_75 = tpu.vector_load %arg14[%get3A] {strides = array<i32>} : memref<80xi32, #tpu.memory_space<vmem>>, vector<16xi32>,
        %gather3A = tpu.vector_load_idx %arg8[%get3A_75] : memref<20480xi32, #tpu.memory_space<vmem>>[vector<16xi32>], vector<16xi32>,
        %eq3A_76 = arith.cmpi eq, %gather3A, %broadcast_in_dim3A_61 : vector<16xi32>
        %select_n3A = arith.select %eq3A_76, %get3A_75, %broadcast_in_dim3A_63 : vector<16xi1>, vector<16xi32>
        %mul3A_77 = arith.constant 16 : i32
        %mul3A_78 = arith.muli %scan3A_72, %mul3A_77 : i32
        %swap3A_79 = arith.index_cast %mul3A_78 : i32 to index
        %swap3A_80 = tpu.vector_load %arg15[%swap3A_79] {strides = array<i32>} : memref<64xi32, #tpu.memory_space<vmem>>, vector<16xi32>,
        tpu.vector_store %arg15[%swap3A_79], %select_n3A {strides = array<i32>} : memref<64xi32, #tpu.memory_space<vmem>>, vector<16xi32>,
        %mul3A_81 = arith.constant 16 : i32
        %mul3A_82 = arith.muli %scan3A_72, %mul3A_81 : i32
        %add3A_83 = vector.broadcast %mul3A_82 : i32 to vector<16xi32>
        %add3A_84 = arith.addi %iota3A, %add3A_83 : vector<16xi32>
        %mul3A_85 = arith.constant 3 : i32
        %mul3A_86 = vector.broadcast %mul3A_85 : i32 to vector<16xi32>
        %mul3A_87 = arith.muli %add3A_84, %mul3A_86 : vector<16xi32>
        %mul3A_88 = arith.constant 3 : i32
        %mul3A_89 = vector.broadcast %mul3A_88 : i32 to vector<16xi32>
        %mul3A_90 = arith.muli %get3A_75, %mul3A_89 : vector<16xi32>
        %add3A_91 = arith.constant 0 : i32
        %add3A_92 = vector.broadcast %add3A_91 : i32 to vector<16xi32>
        %add3A_93 = arith.addi %mul3A_90, %add3A_92 : vector<16xi32>
        %gather3A_94 = tpu.vector_load_idx %arg16[%add3A_93] : memref<60000xf32, #tpu.memory_space<vmem>>[vector<16xi32>], vector<16xf32>,
        %select_n3A_95 = arith.select %eq3A_76, %gather3A_94, %broadcast_in_dim3A_65 : vector<16xi1>, vector<16xf32>
        %add3A_96 = arith.constant 0 : i32
        %add3A_97 = vector.broadcast %add3A_96 : i32 to vector<16xi32>
        %add3A_98 = arith.addi %mul3A_87, %add3A_97 : vector<16xi32>
        tpu.vector_store_idx %arg17[%add3A_98], %select_n3A_95 : memref<192xf32, #tpu.memory_space<vmem>>[vector<16xi32>], vector<16xf32>,
        %add3A_99 = arith.constant 1 : i32
        %add3A_100 = vector.broadcast %add3A_99 : i32 to vector<16xi32>
        %add3A_101 = arith.addi %mul3A_90, %add3A_100 : vector<16xi32>
        %gather3A_102 = tpu.vector_load_idx %arg16[%add3A_101] : memref<60000xf32, #tpu.memory_space<vmem>>[vector<16xi32>], vector<16xf32>,
        %select_n3A_103 = arith.select %eq3A_76, %gather3A_102, %broadcast_in_dim3A_65 : vector<16xi1>, vector<16xf32>
        %add3A_104 = arith.constant 1 : i32
        %add3A_105 = vector.broadcast %add3A_104 : i32 to vector<16xi32>
        %add3A_106 = arith.addi %mul3A_87, %add3A_105 : vector<16xi32>
        tpu.vector_store_idx %arg17[%add3A_106], %select_n3A_103 : memref<192xf32, #tpu.memory_space<vmem>>[vector<16xi32>], vector<16xf32>,
        %add3A_107 = arith.constant 2 : i32
        %add3A_108 = vector.broadcast %add3A_107 : i32 to vector<16xi32>
        %add3A_109 = arith.addi %mul3A_90, %add3A_108 : vector<16xi32>
        %gather3A_110 = tpu.vector_load_idx %arg16[%add3A_109] : memref<60000xf32, #tpu.memory_space<vmem>>[vector<16xi32>], vector<16xf32>,
        %select_n3A_111 = arith.select %eq3A_76, %gather3A_110, %broadcast_in_dim3A_65 : vector<16xi1>, vector<16xf32>
        %add3A_112 = arith.constant 2 : i32
        %add3A_113 = vector.broadcast %add3A_112 : i32 to vector<16xi32>
        %add3A_114 = arith.addi %mul3A_87, %add3A_113 : vector<16xi32>
        tpu.vector_store_idx %arg17[%add3A_114], %select_n3A_111 : memref<192xf32, #tpu.memory_space<vmem>>[vector<16xi32>], vector<16xf32>,
      }
      %scan3A_71 = arith.constant 4 : i32
      "tpu.region"() ({
        %run_scoped3A = tpu.sem_alloc : memref<!tpu.dma_semaphore, #tpu.memory_space<semaphore_mem>>
        %dma_start3A = arith.constant 0 : i32
        %dma_start3A_72 = tpu.memref_slice %arg6[%add3A_14, %dma_start3A] : memref<1024x64xi32, #tpu.memory_space<hbm>> -> memref<1x64xi32, #tpu.memory_space<hbm>>
        %dma_start3A_73 = tpu.memref_squeeze %dma_start3A_72 : memref<1x64xi32, #tpu.memory_space<hbm>> -> memref<64xi32, #tpu.memory_space<hbm>>
        %dma_start3A_74 = arith.constant 0 : i32
        %dma_start3A_75 = tpu.memref_slice %arg6[%add3A_14, %dma_start3A_74] : memref<1024x64xi32, #tpu.memory_space<hbm>> -> memref<1x64xi32, #tpu.memory_space<hbm>>
        %dma_start3A_76 = tpu.memref_squeeze %dma_start3A_75 : memref<1x64xi32, #tpu.memory_space<hbm>> -> memref<64xi32, #tpu.memory_space<hbm>>
        tpu.enqueue_dma source(%arg15 : memref<64xi32, #tpu.memory_space<vmem>>) target(%dma_start3A_76 : memref<64xi32, #tpu.memory_space<hbm>>) target_semaphore(%run_scoped3A : memref<!tpu.dma_semaphore, #tpu.memory_space<semaphore_mem>>)
        %dma_wait3A = arith.constant 0 : i32
        %dma_wait3A_77 = tpu.memref_slice %arg6[%add3A_14, %dma_wait3A] : memref<1024x64xi32, #tpu.memory_space<hbm>> -> memref<1x64xi32, #tpu.memory_space<hbm>>
        %dma_wait3A_78 = tpu.memref_squeeze %dma_wait3A_77 : memref<1x64xi32, #tpu.memory_space<hbm>> -> memref<64xi32, #tpu.memory_space<hbm>>
        %dma_wait3A_79 = arith.constant 0 : i32
        %dma_wait3A_80 = tpu.memref_slice %arg6[%add3A_14, %dma_wait3A_79] : memref<1024x64xi32, #tpu.memory_space<hbm>> -> memref<1x64xi32, #tpu.memory_space<hbm>>
        %dma_wait3A_81 = tpu.memref_squeeze %dma_wait3A_80 : memref<1x64xi32, #tpu.memory_space<hbm>> -> memref<64xi32, #tpu.memory_space<hbm>>
        tpu.wait_dma2 semaphore(%run_scoped3A : memref<!tpu.dma_semaphore, #tpu.memory_space<semaphore_mem>>) src(%arg15 : memref<64xi32, #tpu.memory_space<vmem>>) dst(%dma_wait3A_81 : memref<64xi32, #tpu.memory_space<hbm>>)
        tpu.yield
      }) : () -> ()
      "tpu.region"() ({
        %run_scoped3A = tpu.sem_alloc : memref<!tpu.dma_semaphore, #tpu.memory_space<semaphore_mem>>
        %dma_start3A = arith.constant 0 : i32
        %dma_start3A_72 = tpu.memref_slice %arg7[%add3A_14, %dma_start3A] : memref<1024x192xf32, #tpu.memory_space<hbm>> -> memref<1x192xf32, #tpu.memory_space<hbm>>
        %dma_start3A_73 = tpu.memref_squeeze %dma_start3A_72 : memref<1x192xf32, #tpu.memory_space<hbm>> -> memref<192xf32, #tpu.memory_space<hbm>>
        %dma_start3A_74 = arith.constant 0 : i32
        %dma_start3A_75 = tpu.memref_slice %arg7[%add3A_14, %dma_start3A_74] : memref<1024x192xf32, #tpu.memory_space<hbm>> -> memref<1x192xf32, #tpu.memory_space<hbm>>
        %dma_start3A_76 = tpu.memref_squeeze %dma_start3A_75 : memref<1x192xf32, #tpu.memory_space<hbm>> -> memref<192xf32, #tpu.memory_space<hbm>>
        tpu.enqueue_dma source(%arg17 : memref<192xf32, #tpu.memory_space<vmem>>) target(%dma_start3A_76 : memref<192xf32, #tpu.memory_space<hbm>>) target_semaphore(%run_scoped3A : memref<!tpu.dma_semaphore, #tpu.memory_space<semaphore_mem>>)
        %dma_wait3A = arith.constant 0 : i32
        %dma_wait3A_77 = tpu.memref_slice %arg7[%add3A_14, %dma_wait3A] : memref<1024x192xf32, #tpu.memory_space<hbm>> -> memref<1x192xf32, #tpu.memory_space<hbm>>
        %dma_wait3A_78 = tpu.memref_squeeze %dma_wait3A_77 : memref<1x192xf32, #tpu.memory_space<hbm>> -> memref<192xf32, #tpu.memory_space<hbm>>
        %dma_wait3A_79 = arith.constant 0 : i32
        %dma_wait3A_80 = tpu.memref_slice %arg7[%add3A_14, %dma_wait3A_79] : memref<1024x192xf32, #tpu.memory_space<hbm>> -> memref<1x192xf32, #tpu.memory_space<hbm>>
        %dma_wait3A_81 = tpu.memref_squeeze %dma_wait3A_80 : memref<1x192xf32, #tpu.memory_space<hbm>> -> memref<192xf32, #tpu.memory_space<hbm>>
        tpu.wait_dma2 semaphore(%run_scoped3A : memref<!tpu.dma_semaphore, #tpu.memory_space<semaphore_mem>>) src(%arg17 : memref<192xf32, #tpu.memory_space<vmem>>) dst(%dma_wait3A_81 : memref<192xf32, #tpu.memory_space<hbm>>)
        tpu.yield
      }) : () -> ()
    }
    %scan3A_12 = arith.constant 32 : i32
    return
  }
}

#map = affine_map<(d0, d1) -> (0, 0)>
#map1 = affine_map<(d0, d1) -> (0)>
module attributes {stable_mosaic.version = 14 : i64} {
  func.func @_knn_body(%arg0: i32, %arg1: i32, %arg2: memref<1024x20480xf32, #tpu.memory_space<hbm>>, %arg3: memref<1024x80xf32, #tpu.memory_space<hbm>>, %arg4: memref<20480xi32, #tpu.memory_space<hbm>>, %arg5: memref<60000xf32, #tpu.memory_space<hbm>>, %arg6: memref<1024x64xi32, #tpu.memory_space<hbm>>, %arg7: memref<1024x192xf32, #tpu.memory_space<hbm>>, %arg8: memref<20480xi32, #tpu.memory_space<vmem>>, %arg9: memref<20480xf32, #tpu.memory_space<vmem>>, %arg10: memref<80xf32, #tpu.memory_space<vmem>>, %arg11: memref<8208xf32, #tpu.memory_space<vmem>>, %arg12: memref<8208xi32, #tpu.memory_space<vmem>>, %arg13: memref<544xf32, #tpu.memory_space<vmem>>, %arg14: memref<80xi32, #tpu.memory_space<vmem>>, %arg15: memref<64xi32, #tpu.memory_space<vmem>>, %arg16: memref<60000xf32, #tpu.memory_space<vmem>>, %arg17: memref<192xf32, #tpu.memory_space<vmem>>, %arg18: memref<!tpu.dma_semaphore, #tpu.memory_space<semaphore_mem>>) attributes {dimension_semantics = [#tpu.dimension_semantics<core_parallel>, #tpu.dimension_semantics<subcore_parallel>], iteration_bounds = array<i64: 2, 16>, scalar_prefetch = 0 : i64, scratch_operands = 11 : i64, tpu.core_type = #tpu.core_type<sc_vector_subcore>, window_params = [{transform_indices = #map}, {transform_indices = #map}, {transform_indices = #map1}, {transform_indices = #map1}, {transform_indices = #map}, {transform_indices = #map}]} {
    %mul3A = arith.constant 2 : i32
    %mul3A_0 = arith.muli %arg1, %mul3A : i32
    %add3A = arith.addi %mul3A_0, %arg0 : i32
    %mul3A_1 = arith.constant 32 : i32
    %mul3A_2 = arith.muli %add3A, %mul3A_1 : i32
    "tpu.region"() ({
      %run_scoped3A = tpu.sem_alloc : memref<!tpu.dma_semaphore, #tpu.memory_space<semaphore_mem>>
      tpu.enqueue_dma source(%arg4 : memref<20480xi32, #tpu.memory_space<hbm>>) target(%arg8 : memref<20480xi32, #tpu.memory_space<vmem>>) target_semaphore(%run_scoped3A : memref<!tpu.dma_semaphore, #tpu.memory_space<semaphore_mem>>)
      tpu.wait_dma2 semaphore(%run_scoped3A : memref<!tpu.dma_semaphore, #tpu.memory_space<semaphore_mem>>) src(%arg4 : memref<20480xi32, #tpu.memory_space<hbm>>) dst(%arg8 : memref<20480xi32, #tpu.memory_space<vmem>>)
      tpu.yield
    }) : () -> ()
    "tpu.region"() ({
      %run_scoped3A = tpu.sem_alloc : memref<!tpu.dma_semaphore, #tpu.memory_space<semaphore_mem>>
      tpu.enqueue_dma source(%arg5 : memref<60000xf32, #tpu.memory_space<hbm>>) target(%arg16 : memref<60000xf32, #tpu.memory_space<vmem>>) target_semaphore(%run_scoped3A : memref<!tpu.dma_semaphore, #tpu.memory_space<semaphore_mem>>)
      tpu.wait_dma2 semaphore(%run_scoped3A : memref<!tpu.dma_semaphore, #tpu.memory_space<semaphore_mem>>) src(%arg5 : memref<60000xf32, #tpu.memory_space<hbm>>) dst(%arg16 : memref<60000xf32, #tpu.memory_space<vmem>>)
      tpu.yield
    }) : () -> ()
    %iota3A = tpu.iota {dimensions = array<i32: 0>} : vector<16xi32>
    %eq3A = arith.constant 0 : i32
    %eq3A_3 = vector.broadcast %eq3A : i32 to vector<16xi32>
    %eq3A_4 = arith.cmpi eq, %iota3A, %eq3A_3 : vector<16xi32>
    %broadcast_in_dim3A = arith.constant 3.000000e+38 : f32
    %broadcast_in_dim3A_5 = vector.broadcast %broadcast_in_dim3A : f32 to vector<16xf32>
    %broadcast_in_dim3A_6 = arith.constant 1073741824 : i32
    %broadcast_in_dim3A_7 = vector.broadcast %broadcast_in_dim3A_6 : i32 to vector<16xi32>
    %scan3A = arith.constant 0 : i32
    %scan3A_8 = arith.constant 0 : i32
    %scan3A_9 = arith.constant 32 : i32
    %scan3A_10 = arith.addi %scan3A_8, %scan3A_9 : i32
    %scan3A_11 = arith.constant 1 : i32
    scf.for %scan3A_13 = %scan3A_8 to %scan3A_10 step %scan3A_11  : i32 {
      %add3A_14 = arith.addi %mul3A_2, %scan3A_13 : i32
      "tpu.region"() ({
        %run_scoped3A = tpu.sem_alloc : memref<!tpu.dma_semaphore, #tpu.memory_space<semaphore_mem>>
        %dma_start3A = arith.constant 0 : i32
        %dma_start3A_72 = tpu.memref_slice %arg2[%add3A_14, %dma_start3A] : memref<1024x20480xf32, #tpu.memory_space<hbm>> -> memref<1x20480xf32, #tpu.memory_space<hbm>>
        %dma_start3A_73 = tpu.memref_squeeze %dma_start3A_72 : memref<1x20480xf32, #tpu.memory_space<hbm>> -> memref<20480xf32, #tpu.memory_space<hbm>>
        %dma_start3A_74 = arith.constant 0 : i32
        %dma_start3A_75 = tpu.memref_slice %arg2[%add3A_14, %dma_start3A_74] : memref<1024x20480xf32, #tpu.memory_space<hbm>> -> memref<1x20480xf32, #tpu.memory_space<hbm>>
        %dma_start3A_76 = tpu.memref_squeeze %dma_start3A_75 : memref<1x20480xf32, #tpu.memory_space<hbm>> -> memref<20480xf32, #tpu.memory_space<hbm>>
        tpu.enqueue_dma source(%dma_start3A_76 : memref<20480xf32, #tpu.memory_space<hbm>>) target(%arg9 : memref<20480xf32, #tpu.memory_space<vmem>>) target_semaphore(%run_scoped3A : memref<!tpu.dma_semaphore, #tpu.memory_space<semaphore_mem>>)
        %dma_wait3A = arith.constant 0 : i32
        %dma_wait3A_77 = tpu.memref_slice %arg2[%add3A_14, %dma_wait3A] : memref<1024x20480xf32, #tpu.memory_space<hbm>> -> memref<1x20480xf32, #tpu.memory_space<hbm>>
        %dma_wait3A_78 = tpu.memref_squeeze %dma_wait3A_77 : memref<1x20480xf32, #tpu.memory_space<hbm>> -> memref<20480xf32, #tpu.memory_space<hbm>>
        %dma_wait3A_79 = arith.constant 0 : i32
        %dma_wait3A_80 = tpu.memref_slice %arg2[%add3A_14, %dma_wait3A_79] : memref<1024x20480xf32, #tpu.memory_space<hbm>> -> memref<1x20480xf32, #tpu.memory_space<hbm>>
        %dma_wait3A_81 = tpu.memref_squeeze %dma_wait3A_80 : memref<1x20480xf32, #tpu.memory_space<hbm>> -> memref<20480xf32, #tpu.memory_space<hbm>>
        tpu.wait_dma2 semaphore(%run_scoped3A : memref<!tpu.dma_semaphore, #tpu.memory_space<semaphore_mem>>) src(%dma_wait3A_81 : memref<20480xf32, #tpu.memory_space<hbm>>) dst(%arg9 : memref<20480xf32, #tpu.memory_space<vmem>>)
        tpu.yield
      }) : () -> ()
      "tpu.region"() ({
        %run_scoped3A = tpu.sem_alloc : memref<!tpu.dma_semaphore, #tpu.memory_space<semaphore_mem>>
        %dma_start3A = arith.constant 0 : i32
        %dma_start3A_72 = tpu.memref_slice %arg3[%add3A_14, %dma_start3A] : memref<1024x80xf32, #tpu.memory_space<hbm>> -> memref<1x80xf32, #tpu.memory_space<hbm>>
        %dma_start3A_73 = tpu.memref_squeeze %dma_start3A_72 : memref<1x80xf32, #tpu.memory_space<hbm>> -> memref<80xf32, #tpu.memory_space<hbm>>
        %dma_start3A_74 = arith.constant 0 : i32
        %dma_start3A_75 = tpu.memref_slice %arg3[%add3A_14, %dma_start3A_74] : memref<1024x80xf32, #tpu.memory_space<hbm>> -> memref<1x80xf32, #tpu.memory_space<hbm>>
        %dma_start3A_76 = tpu.memref_squeeze %dma_start3A_75 : memref<1x80xf32, #tpu.memory_space<hbm>> -> memref<80xf32, #tpu.memory_space<hbm>>
        tpu.enqueue_dma source(%dma_start3A_76 : memref<80xf32, #tpu.memory_space<hbm>>) target(%arg10 : memref<80xf32, #tpu.memory_space<vmem>>) target_semaphore(%run_scoped3A : memref<!tpu.dma_semaphore, #tpu.memory_space<semaphore_mem>>)
        %dma_wait3A = arith.constant 0 : i32
        %dma_wait3A_77 = tpu.memref_slice %arg3[%add3A_14, %dma_wait3A] : memref<1024x80xf32, #tpu.memory_space<hbm>> -> memref<1x80xf32, #tpu.memory_space<hbm>>
        %dma_wait3A_78 = tpu.memref_squeeze %dma_wait3A_77 : memref<1x80xf32, #tpu.memory_space<hbm>> -> memref<80xf32, #tpu.memory_space<hbm>>
        %dma_wait3A_79 = arith.constant 0 : i32
        %dma_wait3A_80 = tpu.memref_slice %arg3[%add3A_14, %dma_wait3A_79] : memref<1024x80xf32, #tpu.memory_space<hbm>> -> memref<1x80xf32, #tpu.memory_space<hbm>>
        %dma_wait3A_81 = tpu.memref_squeeze %dma_wait3A_80 : memref<1x80xf32, #tpu.memory_space<hbm>> -> memref<80xf32, #tpu.memory_space<hbm>>
        tpu.wait_dma2 semaphore(%run_scoped3A : memref<!tpu.dma_semaphore, #tpu.memory_space<semaphore_mem>>) src(%dma_wait3A_81 : memref<80xf32, #tpu.memory_space<hbm>>) dst(%arg10 : memref<80xf32, #tpu.memory_space<vmem>>)
        tpu.yield
      }) : () -> ()
      %broadcast_in_dim3A_15 = arith.constant -1.000000e+00 : f32
      %broadcast_in_dim3A_16 = vector.broadcast %broadcast_in_dim3A_15 : f32 to vector<16xf32>
      %scan3A_17 = arith.constant 0 : i32
      %scan3A_18 = arith.constant 5 : i32
      %scan3A_19 = arith.addi %scan3A_17, %scan3A_18 : i32
      %scan3A_20 = arith.constant 1 : i32
      %scan3A_21 = scf.for %scan3A_72 = %scan3A_17 to %scan3A_19 step %scan3A_20 iter_args(%scan3A_73 = %broadcast_in_dim3A_16) -> (vector<16xf32>)  : i32 {
        %mul3A_74 = arith.constant 16 : i32
        %mul3A_75 = arith.muli %scan3A_72, %mul3A_74 : i32
        %get3A = arith.index_cast %mul3A_75 : i32 to index
        %get3A_76 = tpu.vector_load %arg10[%get3A] {strides = array<i32>} : memref<80xf32, #tpu.memory_space<vmem>>, vector<16xf32>,
        %max3A = arith.maximumf %scan3A_73, %get3A_76 : vector<16xf32>
        scf.yield %max3A : vector<16xf32>
      }
      %scan3A_22 = arith.constant 5 : i32
      %reduce_max3A = arith.constant true
      %reduce_max3A_23 = vector.broadcast %reduce_max3A : i1 to vector<16xi1>
      %reduce_max3A_24 = tpu.scan <max>, %scan3A_21 masked %reduce_max3A_23 : vector<16xf32>, vector<16xi1> -> vector<16xf32>
      %reduce_max3A_25 = vector.extract %reduce_max3A_24[15] : f32 from vector<16xf32>
      %broadcast_in_dim3A_26 = vector.broadcast %reduce_max3A_25 : f32 to vector<16xf32>
      %scan3A_27 = arith.constant 0 : i32
      %scan3A_28 = arith.constant 0 : i32
      %scan3A_29 = arith.constant 160 : i32
      %scan3A_30 = arith.addi %scan3A_28, %scan3A_29 : i32
      %scan3A_31 = arith.constant 1 : i32
      %scan3A_32 = scf.for %scan3A_72 = %scan3A_28 to %scan3A_30 step %scan3A_31 iter_args(%scan3A_73 = %scan3A_27) -> (i32)  : i32 {
        %mul3A_74 = arith.constant 8 : i32
        %mul3A_75 = arith.muli %scan3A_72, %mul3A_74 : i32
        %add3A_76 = arith.constant 0 : i32
        %add3A_77 = arith.addi %mul3A_75, %add3A_76 : i32
        %mul3A_78 = arith.constant 16 : i32
        %mul3A_79 = arith.muli %add3A_77, %mul3A_78 : i32
        %get3A = arith.index_cast %mul3A_79 : i32 to index
        %get3A_80 = tpu.vector_load %arg9[%get3A] {strides = array<i32>} : memref<20480xf32, #tpu.memory_space<vmem>>, vector<16xf32>,
        %le3A = arith.cmpf ole, %get3A_80, %broadcast_in_dim3A_26 : vector<16xf32>
        %swap3A_81 = arith.index_cast %scan3A_73 : i32 to index
        %swap3A_82 = tpu.vector_load %arg11[%swap3A_81] masked %le3A {strides = array<i32>} : memref<8208xf32, #tpu.memory_space<vmem>>, vector<16xf32>, vector<16xi1>
        tpu.vector_store %arg11[%swap3A_81], %get3A_80 masked %le3A {strides = array<i32>} : memref<8208xf32, #tpu.memory_space<vmem>>, vector<16xf32>, vector<16xi1>
        %mul3A_83 = arith.constant 16 : i32
        %mul3A_84 = arith.muli %add3A_77, %mul3A_83 : i32
        %add3A_85 = vector.broadcast %mul3A_84 : i32 to vector<16xi32>
        %add3A_86 = arith.addi %iota3A, %add3A_85 : vector<16xi32>
        %swap3A_87 = arith.index_cast %scan3A_73 : i32 to index
        %swap3A_88 = tpu.vector_load %arg12[%swap3A_87] masked %le3A {strides = array<i32>} : memref<8208xi32, #tpu.memory_space<vmem>>, vector<16xi32>, vector<16xi1>
        tpu.vector_store %arg12[%swap3A_87], %add3A_86 masked %le3A {strides = array<i32>} : memref<8208xi32, #tpu.memory_space<vmem>>, vector<16xi32>, vector<16xi1>
        %all_reduce_population_count3A = tpu.all_reduce %le3A {dim = 0 : i64, kind = #tpu.reduction_kind<sum>} : vector<16xi1> -> vector<16xi32>
        %slice3A = vector.extract_strided_slice %all_reduce_population_count3A {offsets = [0], sizes = [1], strides = [1]} : vector<16xi32> to vector<1xi32>
        %squeeze3A = vector.extract %slice3A[0] : i32 from vector<1xi32>
        %add3A_89 = arith.addi %scan3A_73, %squeeze3A : i32
        %min3A = arith.constant 8192 : i32
        %min3A_90 = arith.minsi %add3A_89, %min3A : i32
        %mul3A_91 = arith.constant 8 : i32
        %mul3A_92 = arith.muli %scan3A_72, %mul3A_91 : i32
        %add3A_93 = arith.constant 1 : i32
        %add3A_94 = arith.addi %mul3A_92, %add3A_93 : i32
        %mul3A_95 = arith.constant 16 : i32
        %mul3A_96 = arith.muli %add3A_94, %mul3A_95 : i32
        %get3A_97 = arith.index_cast %mul3A_96 : i32 to index
        %get3A_98 = tpu.vector_load %arg9[%get3A_97] {strides = array<i32>} : memref<20480xf32, #tpu.memory_space<vmem>>, vector<16xf32>,
        %le3A_99 = arith.cmpf ole, %get3A_98, %broadcast_in_dim3A_26 : vector<16xf32>
        %swap3A_100 = arith.index_cast %min3A_90 : i32 to index
        %swap3A_101 = tpu.vector_load %arg11[%swap3A_100] masked %le3A_99 {strides = array<i32>} : memref<8208xf32, #tpu.memory_space<vmem>>, vector<16xf32>, vector<16xi1>
        tpu.vector_store %arg11[%swap3A_100], %get3A_98 masked %le3A_99 {strides = array<i32>} : memref<8208xf32, #tpu.memory_space<vmem>>, vector<16xf32>, vector<16xi1>
        %mul3A_102 = arith.constant 16 : i32
        %mul3A_103 = arith.muli %add3A_94, %mul3A_102 : i32
        %add3A_104 = vector.broadcast %mul3A_103 : i32 to vector<16xi32>
        %add3A_105 = arith.addi %iota3A, %add3A_104 : vector<16xi32>
        %swap3A_106 = arith.index_cast %min3A_90 : i32 to index
        %swap3A_107 = tpu.vector_load %arg12[%swap3A_106] masked %le3A_99 {strides = array<i32>} : memref<8208xi32, #tpu.memory_space<vmem>>, vector<16xi32>, vector<16xi1>
        tpu.vector_store %arg12[%swap3A_106], %add3A_105 masked %le3A_99 {strides = array<i32>} : memref<8208xi32, #tpu.memory_space<vmem>>, vector<16xi32>, vector<16xi1>
        %all_reduce_population_count3A_108 = tpu.all_reduce %le3A_99 {dim = 0 : i64, kind = #tpu.reduction_kind<sum>} : vector<16xi1> -> vector<16xi32>
        %slice3A_109 = vector.extract_strided_slice %all_reduce_population_count3A_108 {offsets = [0], sizes = [1], strides = [1]} : vector<16xi32> to vector<1xi32>
        %squeeze3A_110 = vector.extract %slice3A_109[0] : i32 from vector<1xi32>
        %add3A_111 = arith.addi %min3A_90, %squeeze3A_110 : i32
        %min3A_112 = arith.constant 8192 : i32
        %min3A_113 = arith.minsi %add3A_111, %min3A_112 : i32
        %mul3A_114 = arith.constant 8 : i32
        %mul3A_115 = arith.muli %scan3A_72, %mul3A_114 : i32
        %add3A_116 = arith.constant 2 : i32
        %add3A_117 = arith.addi %mul3A_115, %add3A_116 : i32
        %mul3A_118 = arith.constant 16 : i32
        %mul3A_119 = arith.muli %add3A_117, %mul3A_118 : i32
        %get3A_120 = arith.index_cast %mul3A_119 : i32 to index
        %get3A_121 = tpu.vector_load %arg9[%get3A_120] {strides = array<i32>} : memref<20480xf32, #tpu.memory_space<vmem>>, vector<16xf32>,
        %le3A_122 = arith.cmpf ole, %get3A_121, %broadcast_in_dim3A_26 : vector<16xf32>
        %swap3A_123 = arith.index_cast %min3A_113 : i32 to index
        %swap3A_124 = tpu.vector_load %arg11[%swap3A_123] masked %le3A_122 {strides = array<i32>} : memref<8208xf32, #tpu.memory_space<vmem>>, vector<16xf32>, vector<16xi1>
        tpu.vector_store %arg11[%swap3A_123], %get3A_121 masked %le3A_122 {strides = array<i32>} : memref<8208xf32, #tpu.memory_space<vmem>>, vector<16xf32>, vector<16xi1>
        %mul3A_125 = arith.constant 16 : i32
        %mul3A_126 = arith.muli %add3A_117, %mul3A_125 : i32
        %add3A_127 = vector.broadcast %mul3A_126 : i32 to vector<16xi32>
        %add3A_128 = arith.addi %iota3A, %add3A_127 : vector<16xi32>
        %swap3A_129 = arith.index_cast %min3A_113 : i32 to index
        %swap3A_130 = tpu.vector_load %arg12[%swap3A_129] masked %le3A_122 {strides = array<i32>} : memref<8208xi32, #tpu.memory_space<vmem>>, vector<16xi32>, vector<16xi1>
        tpu.vector_store %arg12[%swap3A_129], %add3A_128 masked %le3A_122 {strides = array<i32>} : memref<8208xi32, #tpu.memory_space<vmem>>, vector<16xi32>, vector<16xi1>
        %all_reduce_population_count3A_131 = tpu.all_reduce %le3A_122 {dim = 0 : i64, kind = #tpu.reduction_kind<sum>} : vector<16xi1> -> vector<16xi32>
        %slice3A_132 = vector.extract_strided_slice %all_reduce_population_count3A_131 {offsets = [0], sizes = [1], strides = [1]} : vector<16xi32> to vector<1xi32>
        %squeeze3A_133 = vector.extract %slice3A_132[0] : i32 from vector<1xi32>
        %add3A_134 = arith.addi %min3A_113, %squeeze3A_133 : i32
        %min3A_135 = arith.constant 8192 : i32
        %min3A_136 = arith.minsi %add3A_134, %min3A_135 : i32
        %mul3A_137 = arith.constant 8 : i32
        %mul3A_138 = arith.muli %scan3A_72, %mul3A_137 : i32
        %add3A_139 = arith.constant 3 : i32
        %add3A_140 = arith.addi %mul3A_138, %add3A_139 : i32
        %mul3A_141 = arith.constant 16 : i32
        %mul3A_142 = arith.muli %add3A_140, %mul3A_141 : i32
        %get3A_143 = arith.index_cast %mul3A_142 : i32 to index
        %get3A_144 = tpu.vector_load %arg9[%get3A_143] {strides = array<i32>} : memref<20480xf32, #tpu.memory_space<vmem>>, vector<16xf32>,
        %le3A_145 = arith.cmpf ole, %get3A_144, %broadcast_in_dim3A_26 : vector<16xf32>
        %swap3A_146 = arith.index_cast %min3A_136 : i32 to index
        %swap3A_147 = tpu.vector_load %arg11[%swap3A_146] masked %le3A_145 {strides = array<i32>} : memref<8208xf32, #tpu.memory_space<vmem>>, vector<16xf32>, vector<16xi1>
        tpu.vector_store %arg11[%swap3A_146], %get3A_144 masked %le3A_145 {strides = array<i32>} : memref<8208xf32, #tpu.memory_space<vmem>>, vector<16xf32>, vector<16xi1>
        %mul3A_148 = arith.constant 16 : i32
        %mul3A_149 = arith.muli %add3A_140, %mul3A_148 : i32
        %add3A_150 = vector.broadcast %mul3A_149 : i32 to vector<16xi32>
        %add3A_151 = arith.addi %iota3A, %add3A_150 : vector<16xi32>
        %swap3A_152 = arith.index_cast %min3A_136 : i32 to index
        %swap3A_153 = tpu.vector_load %arg12[%swap3A_152] masked %le3A_145 {strides = array<i32>} : memref<8208xi32, #tpu.memory_space<vmem>>, vector<16xi32>, vector<16xi1>
        tpu.vector_store %arg12[%swap3A_152], %add3A_151 masked %le3A_145 {strides = array<i32>} : memref<8208xi32, #tpu.memory_space<vmem>>, vector<16xi32>, vector<16xi1>
        %all_reduce_population_count3A_154 = tpu.all_reduce %le3A_145 {dim = 0 : i64, kind = #tpu.reduction_kind<sum>} : vector<16xi1> -> vector<16xi32>
        %slice3A_155 = vector.extract_strided_slice %all_reduce_population_count3A_154 {offsets = [0], sizes = [1], strides = [1]} : vector<16xi32> to vector<1xi32>
        %squeeze3A_156 = vector.extract %slice3A_155[0] : i32 from vector<1xi32>
        %add3A_157 = arith.addi %min3A_136, %squeeze3A_156 : i32
        %min3A_158 = arith.constant 8192 : i32
        %min3A_159 = arith.minsi %add3A_157, %min3A_158 : i32
        %mul3A_160 = arith.constant 8 : i32
        %mul3A_161 = arith.muli %scan3A_72, %mul3A_160 : i32
        %add3A_162 = arith.constant 4 : i32
        %add3A_163 = arith.addi %mul3A_161, %add3A_162 : i32
        %mul3A_164 = arith.constant 16 : i32
        %mul3A_165 = arith.muli %add3A_163, %mul3A_164 : i32
        %get3A_166 = arith.index_cast %mul3A_165 : i32 to index
        %get3A_167 = tpu.vector_load %arg9[%get3A_166] {strides = array<i32>} : memref<20480xf32, #tpu.memory_space<vmem>>, vector<16xf32>,
        %le3A_168 = arith.cmpf ole, %get3A_167, %broadcast_in_dim3A_26 : vector<16xf32>
        %swap3A_169 = arith.index_cast %min3A_159 : i32 to index
        %swap3A_170 = tpu.vector_load %arg11[%swap3A_169] masked %le3A_168 {strides = array<i32>} : memref<8208xf32, #tpu.memory_space<vmem>>, vector<16xf32>, vector<16xi1>
        tpu.vector_store %arg11[%swap3A_169], %get3A_167 masked %le3A_168 {strides = array<i32>} : memref<8208xf32, #tpu.memory_space<vmem>>, vector<16xf32>, vector<16xi1>
        %mul3A_171 = arith.constant 16 : i32
        %mul3A_172 = arith.muli %add3A_163, %mul3A_171 : i32
        %add3A_173 = vector.broadcast %mul3A_172 : i32 to vector<16xi32>
        %add3A_174 = arith.addi %iota3A, %add3A_173 : vector<16xi32>
        %swap3A_175 = arith.index_cast %min3A_159 : i32 to index
        %swap3A_176 = tpu.vector_load %arg12[%swap3A_175] masked %le3A_168 {strides = array<i32>} : memref<8208xi32, #tpu.memory_space<vmem>>, vector<16xi32>, vector<16xi1>
        tpu.vector_store %arg12[%swap3A_175], %add3A_174 masked %le3A_168 {strides = array<i32>} : memref<8208xi32, #tpu.memory_space<vmem>>, vector<16xi32>, vector<16xi1>
        %all_reduce_population_count3A_177 = tpu.all_reduce %le3A_168 {dim = 0 : i64, kind = #tpu.reduction_kind<sum>} : vector<16xi1> -> vector<16xi32>
        %slice3A_178 = vector.extract_strided_slice %all_reduce_population_count3A_177 {offsets = [0], sizes = [1], strides = [1]} : vector<16xi32> to vector<1xi32>
        %squeeze3A_179 = vector.extract %slice3A_178[0] : i32 from vector<1xi32>
        %add3A_180 = arith.addi %min3A_159, %squeeze3A_179 : i32
        %min3A_181 = arith.constant 8192 : i32
        %min3A_182 = arith.minsi %add3A_180, %min3A_181 : i32
        %mul3A_183 = arith.constant 8 : i32
        %mul3A_184 = arith.muli %scan3A_72, %mul3A_183 : i32
        %add3A_185 = arith.constant 5 : i32
        %add3A_186 = arith.addi %mul3A_184, %add3A_185 : i32
        %mul3A_187 = arith.constant 16 : i32
        %mul3A_188 = arith.muli %add3A_186, %mul3A_187 : i32
        %get3A_189 = arith.index_cast %mul3A_188 : i32 to index
        %get3A_190 = tpu.vector_load %arg9[%get3A_189] {strides = array<i32>} : memref<20480xf32, #tpu.memory_space<vmem>>, vector<16xf32>,
        %le3A_191 = arith.cmpf ole, %get3A_190, %broadcast_in_dim3A_26 : vector<16xf32>
        %swap3A_192 = arith.index_cast %min3A_182 : i32 to index
        %swap3A_193 = tpu.vector_load %arg11[%swap3A_192] masked %le3A_191 {strides = array<i32>} : memref<8208xf32, #tpu.memory_space<vmem>>, vector<16xf32>, vector<16xi1>
        tpu.vector_store %arg11[%swap3A_192], %get3A_190 masked %le3A_191 {strides = array<i32>} : memref<8208xf32, #tpu.memory_space<vmem>>, vector<16xf32>, vector<16xi1>
        %mul3A_194 = arith.constant 16 : i32
        %mul3A_195 = arith.muli %add3A_186, %mul3A_194 : i32
        %add3A_196 = vector.broadcast %mul3A_195 : i32 to vector<16xi32>
        %add3A_197 = arith.addi %iota3A, %add3A_196 : vector<16xi32>
        %swap3A_198 = arith.index_cast %min3A_182 : i32 to index
        %swap3A_199 = tpu.vector_load %arg12[%swap3A_198] masked %le3A_191 {strides = array<i32>} : memref<8208xi32, #tpu.memory_space<vmem>>, vector<16xi32>, vector<16xi1>
        tpu.vector_store %arg12[%swap3A_198], %add3A_197 masked %le3A_191 {strides = array<i32>} : memref<8208xi32, #tpu.memory_space<vmem>>, vector<16xi32>, vector<16xi1>
        %all_reduce_population_count3A_200 = tpu.all_reduce %le3A_191 {dim = 0 : i64, kind = #tpu.reduction_kind<sum>} : vector<16xi1> -> vector<16xi32>
        %slice3A_201 = vector.extract_strided_slice %all_reduce_population_count3A_200 {offsets = [0], sizes = [1], strides = [1]} : vector<16xi32> to vector<1xi32>
        %squeeze3A_202 = vector.extract %slice3A_201[0] : i32 from vector<1xi32>
        %add3A_203 = arith.addi %min3A_182, %squeeze3A_202 : i32
        %min3A_204 = arith.constant 8192 : i32
        %min3A_205 = arith.minsi %add3A_203, %min3A_204 : i32
        %mul3A_206 = arith.constant 8 : i32
        %mul3A_207 = arith.muli %scan3A_72, %mul3A_206 : i32
        %add3A_208 = arith.constant 6 : i32
        %add3A_209 = arith.addi %mul3A_207, %add3A_208 : i32
        %mul3A_210 = arith.constant 16 : i32
        %mul3A_211 = arith.muli %add3A_209, %mul3A_210 : i32
        %get3A_212 = arith.index_cast %mul3A_211 : i32 to index
        %get3A_213 = tpu.vector_load %arg9[%get3A_212] {strides = array<i32>} : memref<20480xf32, #tpu.memory_space<vmem>>, vector<16xf32>,
        %le3A_214 = arith.cmpf ole, %get3A_213, %broadcast_in_dim3A_26 : vector<16xf32>
        %swap3A_215 = arith.index_cast %min3A_205 : i32 to index
        %swap3A_216 = tpu.vector_load %arg11[%swap3A_215] masked %le3A_214 {strides = array<i32>} : memref<8208xf32, #tpu.memory_space<vmem>>, vector<16xf32>, vector<16xi1>
        tpu.vector_store %arg11[%swap3A_215], %get3A_213 masked %le3A_214 {strides = array<i32>} : memref<8208xf32, #tpu.memory_space<vmem>>, vector<16xf32>, vector<16xi1>
        %mul3A_217 = arith.constant 16 : i32
        %mul3A_218 = arith.muli %add3A_209, %mul3A_217 : i32
        %add3A_219 = vector.broadcast %mul3A_218 : i32 to vector<16xi32>
        %add3A_220 = arith.addi %iota3A, %add3A_219 : vector<16xi32>
        %swap3A_221 = arith.index_cast %min3A_205 : i32 to index
        %swap3A_222 = tpu.vector_load %arg12[%swap3A_221] masked %le3A_214 {strides = array<i32>} : memref<8208xi32, #tpu.memory_space<vmem>>, vector<16xi32>, vector<16xi1>
        tpu.vector_store %arg12[%swap3A_221], %add3A_220 masked %le3A_214 {strides = array<i32>} : memref<8208xi32, #tpu.memory_space<vmem>>, vector<16xi32>, vector<16xi1>
        %all_reduce_population_count3A_223 = tpu.all_reduce %le3A_214 {dim = 0 : i64, kind = #tpu.reduction_kind<sum>} : vector<16xi1> -> vector<16xi32>
        %slice3A_224 = vector.extract_strided_slice %all_reduce_population_count3A_223 {offsets = [0], sizes = [1], strides = [1]} : vector<16xi32> to vector<1xi32>
        %squeeze3A_225 = vector.extract %slice3A_224[0] : i32 from vector<1xi32>
        %add3A_226 = arith.addi %min3A_205, %squeeze3A_225 : i32
        %min3A_227 = arith.constant 8192 : i32
        %min3A_228 = arith.minsi %add3A_226, %min3A_227 : i32
        %mul3A_229 = arith.constant 8 : i32
        %mul3A_230 = arith.muli %scan3A_72, %mul3A_229 : i32
        %add3A_231 = arith.constant 7 : i32
        %add3A_232 = arith.addi %mul3A_230, %add3A_231 : i32
        %mul3A_233 = arith.constant 16 : i32
        %mul3A_234 = arith.muli %add3A_232, %mul3A_233 : i32
        %get3A_235 = arith.index_cast %mul3A_234 : i32 to index
        %get3A_236 = tpu.vector_load %arg9[%get3A_235] {strides = array<i32>} : memref<20480xf32, #tpu.memory_space<vmem>>, vector<16xf32>,
        %le3A_237 = arith.cmpf ole, %get3A_236, %broadcast_in_dim3A_26 : vector<16xf32>
        %swap3A_238 = arith.index_cast %min3A_228 : i32 to index
        %swap3A_239 = tpu.vector_load %arg11[%swap3A_238] masked %le3A_237 {strides = array<i32>} : memref<8208xf32, #tpu.memory_space<vmem>>, vector<16xf32>, vector<16xi1>
        tpu.vector_store %arg11[%swap3A_238], %get3A_236 masked %le3A_237 {strides = array<i32>} : memref<8208xf32, #tpu.memory_space<vmem>>, vector<16xf32>, vector<16xi1>
        %mul3A_240 = arith.constant 16 : i32
        %mul3A_241 = arith.muli %add3A_232, %mul3A_240 : i32
        %add3A_242 = vector.broadcast %mul3A_241 : i32 to vector<16xi32>
        %add3A_243 = arith.addi %iota3A, %add3A_242 : vector<16xi32>
        %swap3A_244 = arith.index_cast %min3A_228 : i32 to index
        %swap3A_245 = tpu.vector_load %arg12[%swap3A_244] masked %le3A_237 {strides = array<i32>} : memref<8208xi32, #tpu.memory_space<vmem>>, vector<16xi32>, vector<16xi1>
        tpu.vector_store %arg12[%swap3A_244], %add3A_243 masked %le3A_237 {strides = array<i32>} : memref<8208xi32, #tpu.memory_space<vmem>>, vector<16xi32>, vector<16xi1>
        %all_reduce_population_count3A_246 = tpu.all_reduce %le3A_237 {dim = 0 : i64, kind = #tpu.reduction_kind<sum>} : vector<16xi1> -> vector<16xi32>
        %slice3A_247 = vector.extract_strided_slice %all_reduce_population_count3A_246 {offsets = [0], sizes = [1], strides = [1]} : vector<16xi32> to vector<1xi32>
        %squeeze3A_248 = vector.extract %slice3A_247[0] : i32 from vector<1xi32>
        %add3A_249 = arith.addi %min3A_228, %squeeze3A_248 : i32
        %min3A_250 = arith.constant 8192 : i32
        %min3A_251 = arith.minsi %add3A_249, %min3A_250 : i32
        scf.yield %min3A_251 : i32
      }
      %scan3A_33 = arith.constant 160 : i32
      %swap3A = arith.index_cast %scan3A_32 : i32 to index
      %swap3A_34 = tpu.vector_load %arg11[%swap3A] {strides = array<i32>} : memref<8208xf32, #tpu.memory_space<vmem>>, vector<16xf32>,
      tpu.vector_store %arg11[%swap3A], %broadcast_in_dim3A_5 {strides = array<i32>} : memref<8208xf32, #tpu.memory_space<vmem>>, vector<16xf32>,
      %swap3A_35 = arith.index_cast %scan3A_32 : i32 to index
      %swap3A_36 = tpu.vector_load %arg12[%swap3A_35] {strides = array<i32>} : memref<8208xi32, #tpu.memory_space<vmem>>, vector<16xi32>,
      tpu.vector_store %arg12[%swap3A_35], %broadcast_in_dim3A_7 {strides = array<i32>} : memref<8208xi32, #tpu.memory_space<vmem>>, vector<16xi32>,
      %add3A_37 = arith.constant 15 : i32
      %add3A_38 = arith.addi %scan3A_32, %add3A_37 : i32
      %shift_right_arithmetic3A = arith.constant 4 : i32
      %shift_right_arithmetic3A_39 = arith.shrsi %add3A_38, %shift_right_arithmetic3A : i32
      %while3A = arith.constant 0 : i32
      %while3A_40 = arith.constant 0 : i32
      %while3A_41 = arith.subi %shift_right_arithmetic3A_39, %while3A_40 : i32
      %while3A_42 = arith.addi %while3A_40, %while3A_41 : i32
      %while3A_43 = arith.constant 1 : i32
      %while3A_44 = arith.divsi %while3A_41, %while3A_43 : i32
      %while3A_45 = arith.muli %while3A_44, %while3A_43 : i32
      %while3A_46 = arith.addi %while3A_40, %while3A_45 : i32
      %while3A_47 = arith.constant 1 : i32
      scf.for %while3A_72 = %while3A_40 to %while3A_46 step %while3A_47  : i32 {
        %mul3A_73 = arith.constant 16 : i32
        %mul3A_74 = arith.muli %while3A_72, %mul3A_73 : i32
        %get3A = arith.index_cast %mul3A_74 : i32 to index
        %get3A_75 = tpu.vector_load %arg11[%get3A] {strides = array<i32>} : memref<8208xf32, #tpu.memory_space<vmem>>, vector<16xf32>,
        %reduce_min3A = arith.constant true
        %reduce_min3A_76 = vector.broadcast %reduce_min3A : i1 to vector<16xi1>
        %reduce_min3A_77 = tpu.scan <min>, %get3A_75 masked %reduce_min3A_76 : vector<16xf32>, vector<16xi1> -> vector<16xf32>
        %reduce_min3A_78 = vector.extract %reduce_min3A_77[15] : f32 from vector<16xf32>
        %broadcast_in_dim3A_79 = vector.broadcast %reduce_min3A_78 : f32 to vector<16xf32>
        %swap3A_80 = arith.index_cast %while3A_72 : i32 to index
        %swap3A_81 = tpu.vector_load %arg13[%swap3A_80] masked %eq3A_4 {strides = array<i32>} : memref<544xf32, #tpu.memory_space<vmem>>, vector<16xf32>, vector<16xi1>
        tpu.vector_store %arg13[%swap3A_80], %broadcast_in_dim3A_79 masked %eq3A_4 {strides = array<i32>} : memref<544xf32, #tpu.memory_space<vmem>>, vector<16xf32>, vector<16xi1>
      }
      %while3A_48 = arith.constant 1 : i32
      scf.for %while3A_72 = %while3A_46 to %while3A_42 step %while3A_48  : i32 {
        %mul3A_73 = arith.constant 16 : i32
        %mul3A_74 = arith.muli %while3A_72, %mul3A_73 : i32
        %get3A = arith.index_cast %mul3A_74 : i32 to index
        %get3A_75 = tpu.vector_load %arg11[%get3A] {strides = array<i32>} : memref<8208xf32, #tpu.memory_space<vmem>>, vector<16xf32>,
        %reduce_min3A = arith.constant true
        %reduce_min3A_76 = vector.broadcast %reduce_min3A : i1 to vector<16xi1>
        %reduce_min3A_77 = tpu.scan <min>, %get3A_75 masked %reduce_min3A_76 : vector<16xf32>, vector<16xi1> -> vector<16xf32>
        %reduce_min3A_78 = vector.extract %reduce_min3A_77[15] : f32 from vector<16xf32>
        %broadcast_in_dim3A_79 = vector.broadcast %reduce_min3A_78 : f32 to vector<16xf32>
        %swap3A_80 = arith.index_cast %while3A_72 : i32 to index
        %swap3A_81 = tpu.vector_load %arg13[%swap3A_80] masked %eq3A_4 {strides = array<i32>} : memref<544xf32, #tpu.memory_space<vmem>>, vector<16xf32>, vector<16xi1>
        tpu.vector_store %arg13[%swap3A_80], %broadcast_in_dim3A_79 masked %eq3A_4 {strides = array<i32>} : memref<544xf32, #tpu.memory_space<vmem>>, vector<16xf32>, vector<16xi1>
      }
      %swap3A_49 = arith.index_cast %shift_right_arithmetic3A_39 : i32 to index
      %swap3A_50 = tpu.vector_load %arg13[%swap3A_49] {strides = array<i32>} : memref<544xf32, #tpu.memory_space<vmem>>, vector<16xf32>,
      tpu.vector_store %arg13[%swap3A_49], %broadcast_in_dim3A_5 {strides = array<i32>} : memref<544xf32, #tpu.memory_space<vmem>>, vector<16xf32>,
      %add3A_51 = arith.constant 15 : i32
      %add3A_52 = arith.addi %shift_right_arithmetic3A_39, %add3A_51 : i32
      %shift_right_arithmetic3A_53 = arith.constant 4 : i32
      %shift_right_arithmetic3A_54 = arith.shrsi %add3A_52, %shift_right_arithmetic3A_53 : i32
      %scan3A_55 = arith.constant 0 : i32
      %scan3A_56 = arith.constant 0 : i32
      %scan3A_57 = arith.constant 64 : i32
      %scan3A_58 = arith.addi %scan3A_56, %scan3A_57 : i32
      %scan3A_59 = arith.constant 1 : i32
      scf.for %scan3A_72 = %scan3A_56 to %scan3A_58 step %scan3A_59  : i32 {
        %while3A_73 = arith.constant 0 : i32
        %while3A_74 = arith.subi %shift_right_arithmetic3A_54, %while3A_73 : i32
        %while3A_75 = arith.addi %while3A_73, %while3A_74 : i32
        %while3A_76 = arith.constant 1 : i32
        %while3A_77 = arith.divsi %while3A_74, %while3A_76 : i32
        %while3A_78 = arith.muli %while3A_77, %while3A_76 : i32
        %while3A_79 = arith.addi %while3A_73, %while3A_78 : i32
        %while3A_80 = arith.constant 1 : i32
        %while3A_81 = scf.for %while3A_123 = %while3A_73 to %while3A_79 step %while3A_80 iter_args(%while3A_124 = %broadcast_in_dim3A_5) -> (vector<16xf32>)  : i32 {
          %mul3A_125 = arith.constant 16 : i32
          %mul3A_126 = arith.muli %while3A_123, %mul3A_125 : i32
          %get3A_127 = arith.index_cast %mul3A_126 : i32 to index
          %get3A_128 = tpu.vector_load %arg13[%get3A_127] {strides = array<i32>} : memref<544xf32, #tpu.memory_space<vmem>>, vector<16xf32>,
          %min3A = arith.minimumf %while3A_124, %get3A_128 : vector<16xf32>
          scf.yield %min3A : vector<16xf32>
        }
        %while3A_82 = arith.constant 1 : i32
        %while3A_83 = scf.for %while3A_123 = %while3A_79 to %while3A_75 step %while3A_82 iter_args(%while3A_124 = %while3A_81) -> (vector<16xf32>)  : i32 {
          %mul3A_125 = arith.constant 16 : i32
          %mul3A_126 = arith.muli %while3A_123, %mul3A_125 : i32
          %get3A_127 = arith.index_cast %mul3A_126 : i32 to index
          %get3A_128 = tpu.vector_load %arg13[%get3A_127] {strides = array<i32>} : memref<544xf32, #tpu.memory_space<vmem>>, vector<16xf32>,
          %min3A = arith.minimumf %while3A_124, %get3A_128 : vector<16xf32>
          scf.yield %min3A : vector<16xf32>
        }
        %reduce_min3A = arith.constant true
        %reduce_min3A_84 = vector.broadcast %reduce_min3A : i1 to vector<16xi1>
        %reduce_min3A_85 = tpu.scan <min>, %while3A_83 masked %reduce_min3A_84 : vector<16xf32>, vector<16xi1> -> vector<16xf32>
        %reduce_min3A_86 = vector.extract %reduce_min3A_85[15] : f32 from vector<16xf32>
        %broadcast_in_dim3A_87 = vector.broadcast %reduce_min3A_86 : f32 to vector<16xf32>
        %while3A_88 = arith.constant 0 : i32
        %while3A_89 = arith.constant -1 : i32
        %while3A_90:2 = scf.while (%while3A_123 = %while3A_88, %while3A_124 = %while3A_89) : (i32, i32) -> (i32, i32) {
          %lt3A = arith.constant 0 : i32
          %lt3A_125 = arith.cmpi slt, %while3A_124, %lt3A : i32
          scf.condition(%lt3A_125) %while3A_123, %while3A_124 : i32, i32
        } do {
        ^bb0(%while3A_123: i32, %while3A_124: i32):
          %mul3A_125 = arith.constant 16 : i32
          %mul3A_126 = arith.muli %while3A_123, %mul3A_125 : i32
          %get3A_127 = arith.index_cast %mul3A_126 : i32 to index
          %get3A_128 = tpu.vector_load %arg13[%get3A_127] {strides = array<i32>} : memref<544xf32, #tpu.memory_space<vmem>>, vector<16xf32>,
          %eq3A_129 = arith.cmpf oeq, %get3A_128, %broadcast_in_dim3A_87 : vector<16xf32>
          %all_reduce_ffs3A = tpu.all_reduce %eq3A_129 {dim = 0 : i64, kind = #tpu.reduction_kind<find_first_set>} : vector<16xi1> -> vector<16xi32>
          %slice3A = vector.extract_strided_slice %all_reduce_ffs3A {offsets = [0], sizes = [1], strides = [1]} : vector<16xi32> to vector<1xi32>
          %squeeze3A = vector.extract %slice3A[0] : i32 from vector<1xi32>
          %lt3A = arith.constant 16 : i32
          %lt3A_130 = arith.cmpi slt, %squeeze3A, %lt3A : i32
          %mul3A_131 = arith.constant 16 : i32
          %mul3A_132 = arith.muli %while3A_123, %mul3A_131 : i32
          %add3A_133 = arith.addi %mul3A_132, %squeeze3A : i32
          %select_n3A_134 = arith.select %lt3A_130, %add3A_133, %while3A_124 : i32
          %add3A_135 = arith.constant 1 : i32
          %add3A_136 = arith.addi %while3A_123, %add3A_135 : i32
          scf.yield %add3A_136, %select_n3A_134 : i32, i32
        }
        %mul3A_91 = arith.constant 16 : i32
        %mul3A_92 = arith.muli %while3A_90#1, %mul3A_91 : i32
        %get3A = arith.index_cast %mul3A_92 : i32 to index
        %get3A_93 = tpu.vector_load %arg11[%get3A] {strides = array<i32>} : memref<8208xf32, #tpu.memory_space<vmem>>, vector<16xf32>,
        %mul3A_94 = arith.constant 16 : i32
        %mul3A_95 = arith.muli %while3A_90#1, %mul3A_94 : i32
        %get3A_96 = arith.index_cast %mul3A_95 : i32 to index
        %get3A_97 = tpu.vector_load %arg12[%get3A_96] {strides = array<i32>} : memref<8208xi32, #tpu.memory_space<vmem>>, vector<16xi32>,
        %eq3A_98 = arith.cmpf oeq, %get3A_93, %broadcast_in_dim3A_87 : vector<16xf32>
        %select_n3A = arith.select %eq3A_98, %get3A_97, %broadcast_in_dim3A_7 : vector<16xi1>, vector<16xi32>
        %reduce_min3A_99 = arith.constant true
        %reduce_min3A_100 = vector.broadcast %reduce_min3A_99 : i1 to vector<16xi1>
        %reduce_min3A_101 = arith.constant -2147483648 : i32
        %reduce_min3A_102 = vector.broadcast %reduce_min3A_101 : i32 to vector<16xi32>
        %reduce_min3A_103 = arith.xori %select_n3A, %reduce_min3A_102 : vector<16xi32>
        %reduce_min3A_104 = tpu.scan <min>, %reduce_min3A_103 masked %reduce_min3A_100 : vector<16xi32>, vector<16xi1> -> vector<16xi32>
        %reduce_min3A_105 = arith.xori %reduce_min3A_104, %reduce_min3A_102 : vector<16xi32>
        %reduce_min3A_106 = vector.extract %reduce_min3A_105[15] : i32 from vector<16xi32>
        %broadcast_in_dim3A_107 = vector.broadcast %reduce_min3A_106 : i32 to vector<16xi32>
        %eq3A_108 = arith.cmpi eq, %get3A_97, %broadcast_in_dim3A_107 : vector<16xi32>
        %select_n3A_109 = arith.select %eq3A_108, %broadcast_in_dim3A_5, %get3A_93 : vector<16xi1>, vector<16xf32>
        %mul3A_110 = arith.constant 16 : i32
        %mul3A_111 = arith.muli %while3A_90#1, %mul3A_110 : i32
        %swap3A_112 = arith.index_cast %mul3A_111 : i32 to index
        %swap3A_113 = tpu.vector_load %arg11[%swap3A_112] {strides = array<i32>} : memref<8208xf32, #tpu.memory_space<vmem>>, vector<16xf32>,
        tpu.vector_store %arg11[%swap3A_112], %select_n3A_109 {strides = array<i32>} : memref<8208xf32, #tpu.memory_space<vmem>>, vector<16xf32>,
        %reduce_min3A_114 = arith.constant true
        %reduce_min3A_115 = vector.broadcast %reduce_min3A_114 : i1 to vector<16xi1>
        %reduce_min3A_116 = tpu.scan <min>, %select_n3A_109 masked %reduce_min3A_115 : vector<16xf32>, vector<16xi1> -> vector<16xf32>
        %reduce_min3A_117 = vector.extract %reduce_min3A_116[15] : f32 from vector<16xf32>
        %broadcast_in_dim3A_118 = vector.broadcast %reduce_min3A_117 : f32 to vector<16xf32>
        %swap3A_119 = arith.index_cast %while3A_90#1 : i32 to index
        %swap3A_120 = tpu.vector_load %arg13[%swap3A_119] masked %eq3A_4 {strides = array<i32>} : memref<544xf32, #tpu.memory_space<vmem>>, vector<16xf32>, vector<16xi1>
        tpu.vector_store %arg13[%swap3A_119], %broadcast_in_dim3A_118 masked %eq3A_4 {strides = array<i32>} : memref<544xf32, #tpu.memory_space<vmem>>, vector<16xf32>, vector<16xi1>
        %swap3A_121 = arith.index_cast %scan3A_72 : i32 to index
        %swap3A_122 = tpu.vector_load %arg14[%swap3A_121] masked %eq3A_4 {strides = array<i32>} : memref<80xi32, #tpu.memory_space<vmem>>, vector<16xi32>, vector<16xi1>
        tpu.vector_store %arg14[%swap3A_121], %broadcast_in_dim3A_107 masked %eq3A_4 {strides = array<i32>} : memref<80xi32, #tpu.memory_space<vmem>>, vector<16xi32>, vector<16xi1>
      }
      %scan3A_60 = arith.constant 64 : i32
      %broadcast_in_dim3A_61 = vector.broadcast %add3A_14 : i32 to vector<16xi32>
      %broadcast_in_dim3A_62 = arith.constant 20000 : i32
      %broadcast_in_dim3A_63 = vector.broadcast %broadcast_in_dim3A_62 : i32 to vector<16xi32>
      %broadcast_in_dim3A_64 = arith.constant 0.000000e+00 : f32
      %broadcast_in_dim3A_65 = vector.broadcast %broadcast_in_dim3A_64 : f32 to vector<16xf32>
      %scan3A_66 = arith.constant 0 : i32
      %scan3A_67 = arith.constant 0 : i32
      %scan3A_68 = arith.constant 4 : i32
      %scan3A_69 = arith.addi %scan3A_67, %scan3A_68 : i32
      %scan3A_70 = arith.constant 1 : i32
      scf.for %scan3A_72 = %scan3A_67 to %scan3A_69 step %scan3A_70  : i32 {
        %mul3A_73 = arith.constant 16 : i32
        %mul3A_74 = arith.muli %scan3A_72, %mul3A_73 : i32
        %get3A = arith.index_cast %mul3A_74 : i32 to index
        %get3A_75 = tpu.vector_load %arg14[%get3A] {strides = array<i32>} : memref<80xi32, #tpu.memory_space<vmem>>, vector<16xi32>,
        %gather3A = tpu.vector_load_idx %arg8[%get3A_75] : memref<20480xi32, #tpu.memory_space<vmem>>[vector<16xi32>], vector<16xi32>,
        %eq3A_76 = arith.cmpi eq, %gather3A, %broadcast_in_dim3A_61 : vector<16xi32>
        %select_n3A = arith.select %eq3A_76, %get3A_75, %broadcast_in_dim3A_63 : vector<16xi1>, vector<16xi32>
        %mul3A_77 = arith.constant 16 : i32
        %mul3A_78 = arith.muli %scan3A_72, %mul3A_77 : i32
        %swap3A_79 = arith.index_cast %mul3A_78 : i32 to index
        %swap3A_80 = tpu.vector_load %arg15[%swap3A_79] {strides = array<i32>} : memref<64xi32, #tpu.memory_space<vmem>>, vector<16xi32>,
        tpu.vector_store %arg15[%swap3A_79], %select_n3A {strides = array<i32>} : memref<64xi32, #tpu.memory_space<vmem>>, vector<16xi32>,
        %mul3A_81 = arith.constant 16 : i32
        %mul3A_82 = arith.muli %scan3A_72, %mul3A_81 : i32
        %add3A_83 = vector.broadcast %mul3A_82 : i32 to vector<16xi32>
        %add3A_84 = arith.addi %iota3A, %add3A_83 : vector<16xi32>
        %mul3A_85 = arith.constant 3 : i32
        %mul3A_86 = vector.broadcast %mul3A_85 : i32 to vector<16xi32>
        %mul3A_87 = arith.muli %add3A_84, %mul3A_86 : vector<16xi32>
        %mul3A_88 = arith.constant 3 : i32
        %mul3A_89 = vector.broadcast %mul3A_88 : i32 to vector<16xi32>
        %mul3A_90 = arith.muli %get3A_75, %mul3A_89 : vector<16xi32>
        %add3A_91 = arith.constant 0 : i32
        %add3A_92 = vector.broadcast %add3A_91 : i32 to vector<16xi32>
        %add3A_93 = arith.addi %mul3A_90, %add3A_92 : vector<16xi32>
        %gather3A_94 = tpu.vector_load_idx %arg16[%add3A_93] : memref<60000xf32, #tpu.memory_space<vmem>>[vector<16xi32>], vector<16xf32>,
        %select_n3A_95 = arith.select %eq3A_76, %gather3A_94, %broadcast_in_dim3A_65 : vector<16xi1>, vector<16xf32>
        %add3A_96 = arith.constant 0 : i32
        %add3A_97 = vector.broadcast %add3A_96 : i32 to vector<16xi32>
        %add3A_98 = arith.addi %mul3A_87, %add3A_97 : vector<16xi32>
        tpu.vector_store_idx %arg17[%add3A_98], %select_n3A_95 : memref<192xf32, #tpu.memory_space<vmem>>[vector<16xi32>], vector<16xf32>,
        %add3A_99 = arith.constant 1 : i32
        %add3A_100 = vector.broadcast %add3A_99 : i32 to vector<16xi32>
        %add3A_101 = arith.addi %mul3A_90, %add3A_100 : vector<16xi32>
        %gather3A_102 = tpu.vector_load_idx %arg16[%add3A_101] : memref<60000xf32, #tpu.memory_space<vmem>>[vector<16xi32>], vector<16xf32>,
        %select_n3A_103 = arith.select %eq3A_76, %gather3A_102, %broadcast_in_dim3A_65 : vector<16xi1>, vector<16xf32>
        %add3A_104 = arith.constant 1 : i32
        %add3A_105 = vector.broadcast %add3A_104 : i32 to vector<16xi32>
        %add3A_106 = arith.addi %mul3A_87, %add3A_105 : vector<16xi32>
        tpu.vector_store_idx %arg17[%add3A_106], %select_n3A_103 : memref<192xf32, #tpu.memory_space<vmem>>[vector<16xi32>], vector<16xf32>,
        %add3A_107 = arith.constant 2 : i32
        %add3A_108 = vector.broadcast %add3A_107 : i32 to vector<16xi32>
        %add3A_109 = arith.addi %mul3A_90, %add3A_108 : vector<16xi32>
        %gather3A_110 = tpu.vector_load_idx %arg16[%add3A_109] : memref<60000xf32, #tpu.memory_space<vmem>>[vector<16xi32>], vector<16xf32>,
        %select_n3A_111 = arith.select %eq3A_76, %gather3A_110, %broadcast_in_dim3A_65 : vector<16xi1>, vector<16xf32>
        %add3A_112 = arith.constant 2 : i32
        %add3A_113 = vector.broadcast %add3A_112 : i32 to vector<16xi32>
        %add3A_114 = arith.addi %mul3A_87, %add3A_113 : vector<16xi32>
        tpu.vector_store_idx %arg17[%add3A_114], %select_n3A_111 : memref<192xf32, #tpu.memory_space<vmem>>[vector<16xi32>], vector<16xf32>,
      }
      %scan3A_71 = arith.constant 4 : i32
      "tpu.region"() ({
        %run_scoped3A = tpu.sem_alloc : memref<!tpu.dma_semaphore, #tpu.memory_space<semaphore_mem>>
        %dma_start3A = arith.constant 0 : i32
        %dma_start3A_72 = tpu.memref_slice %arg6[%add3A_14, %dma_start3A] : memref<1024x64xi32, #tpu.memory_space<hbm>> -> memref<1x64xi32, #tpu.memory_space<hbm>>
        %dma_start3A_73 = tpu.memref_squeeze %dma_start3A_72 : memref<1x64xi32, #tpu.memory_space<hbm>> -> memref<64xi32, #tpu.memory_space<hbm>>
        %dma_start3A_74 = arith.constant 0 : i32
        %dma_start3A_75 = tpu.memref_slice %arg6[%add3A_14, %dma_start3A_74] : memref<1024x64xi32, #tpu.memory_space<hbm>> -> memref<1x64xi32, #tpu.memory_space<hbm>>
        %dma_start3A_76 = tpu.memref_squeeze %dma_start3A_75 : memref<1x64xi32, #tpu.memory_space<hbm>> -> memref<64xi32, #tpu.memory_space<hbm>>
        tpu.enqueue_dma source(%arg15 : memref<64xi32, #tpu.memory_space<vmem>>) target(%dma_start3A_76 : memref<64xi32, #tpu.memory_space<hbm>>) target_semaphore(%run_scoped3A : memref<!tpu.dma_semaphore, #tpu.memory_space<semaphore_mem>>)
        %dma_wait3A = arith.constant 0 : i32
        %dma_wait3A_77 = tpu.memref_slice %arg6[%add3A_14, %dma_wait3A] : memref<1024x64xi32, #tpu.memory_space<hbm>> -> memref<1x64xi32, #tpu.memory_space<hbm>>
        %dma_wait3A_78 = tpu.memref_squeeze %dma_wait3A_77 : memref<1x64xi32, #tpu.memory_space<hbm>> -> memref<64xi32, #tpu.memory_space<hbm>>
        %dma_wait3A_79 = arith.constant 0 : i32
        %dma_wait3A_80 = tpu.memref_slice %arg6[%add3A_14, %dma_wait3A_79] : memref<1024x64xi32, #tpu.memory_space<hbm>> -> memref<1x64xi32, #tpu.memory_space<hbm>>
        %dma_wait3A_81 = tpu.memref_squeeze %dma_wait3A_80 : memref<1x64xi32, #tpu.memory_space<hbm>> -> memref<64xi32, #tpu.memory_space<hbm>>
        tpu.wait_dma2 semaphore(%run_scoped3A : memref<!tpu.dma_semaphore, #tpu.memory_space<semaphore_mem>>) src(%arg15 : memref<64xi32, #tpu.memory_space<vmem>>) dst(%dma_wait3A_81 : memref<64xi32, #tpu.memory_space<hbm>>)
        tpu.yield
      }) : () -> ()
      "tpu.region"() ({
        %run_scoped3A = tpu.sem_alloc : memref<!tpu.dma_semaphore, #tpu.memory_space<semaphore_mem>>
        %dma_start3A = arith.constant 0 : i32
        %dma_start3A_72 = tpu.memref_slice %arg7[%add3A_14, %dma_start3A] : memref<1024x192xf32, #tpu.memory_space<hbm>> -> memref<1x192xf32, #tpu.memory_space<hbm>>
        %dma_start3A_73 = tpu.memref_squeeze %dma_start3A_72 : memref<1x192xf32, #tpu.memory_space<hbm>> -> memref<192xf32, #tpu.memory_space<hbm>>
        %dma_start3A_74 = arith.constant 0 : i32
        %dma_start3A_75 = tpu.memref_slice %arg7[%add3A_14, %dma_start3A_74] : memref<1024x192xf32, #tpu.memory_space<hbm>> -> memref<1x192xf32, #tpu.memory_space<hbm>>
        %dma_start3A_76 = tpu.memref_squeeze %dma_start3A_75 : memref<1x192xf32, #tpu.memory_space<hbm>> -> memref<192xf32, #tpu.memory_space<hbm>>
        tpu.enqueue_dma source(%arg17 : memref<192xf32, #tpu.memory_space<vmem>>) target(%dma_start3A_76 : memref<192xf32, #tpu.memory_space<hbm>>) target_semaphore(%run_scoped3A : memref<!tpu.dma_semaphore, #tpu.memory_space<semaphore_mem>>)
        %dma_wait3A = arith.constant 0 : i32
        %dma_wait3A_77 = tpu.memref_slice %arg7[%add3A_14, %dma_wait3A] : memref<1024x192xf32, #tpu.memory_space<hbm>> -> memref<1x192xf32, #tpu.memory_space<hbm>>
        %dma_wait3A_78 = tpu.memref_squeeze %dma_wait3A_77 : memref<1x192xf32, #tpu.memory_space<hbm>> -> memref<192xf32, #tpu.memory_space<hbm>>
        %dma_wait3A_79 = arith.constant 0 : i32
        %dma_wait3A_80 = tpu.memref_slice %arg7[%add3A_14, %dma_wait3A_79] : memref<1024x192xf32, #tpu.memory_space<hbm>> -> memref<1x192xf32, #tpu.memory_space<hbm>>
        %dma_wait3A_81 = tpu.memref_squeeze %dma_wait3A_80 : memref<1x192xf32, #tpu.memory_space<hbm>> -> memref<192xf32, #tpu.memory_space<hbm>>
        tpu.wait_dma2 semaphore(%run_scoped3A : memref<!tpu.dma_semaphore, #tpu.memory_space<semaphore_mem>>) src(%arg17 : memref<192xf32, #tpu.memory_space<vmem>>) dst(%dma_wait3A_81 : memref<192xf32, #tpu.memory_space<hbm>>)
        tpu.yield
      }) : () -> ()
    }
    %scan3A_12 = arith.constant 32 : i32
    return
  }
}

#map = affine_map<(d0, d1) -> (0)>
#map1 = affine_map<(d0, d1) -> (0, 0)>
module attributes {stable_mosaic.version = 14 : i64} {
  func.func @_top256_local_body(%arg0: i32, %arg1: i32, %arg2: memref<1048576xf32, #tpu.memory_space<hbm>>, %arg3: memref<1024xf32, #tpu.memory_space<hbm>>, %arg4: memref<16x256xf32, #tpu.memory_space<hbm>>, %arg5: memref<16x256xi32, #tpu.memory_space<hbm>>, %arg6: memref<1024xf32, #tpu.memory_space<vmem>>, %arg7: memref<65536xf32, #tpu.memory_space<vmem>>, %arg8: memref<8208xf32, #tpu.memory_space<vmem>>, %arg9: memref<8208xi32, #tpu.memory_space<vmem>>, %arg10: memref<544xf32, #tpu.memory_space<vmem>>, %arg11: memref<272xi32, #tpu.memory_space<vmem>>, %arg12: memref<272xf32, #tpu.memory_space<vmem>>, %arg13: memref<!tpu.dma_semaphore, #tpu.memory_space<semaphore_mem>>) attributes {dimension_semantics = [#tpu.dimension_semantics<core_parallel>, #tpu.dimension_semantics<subcore_parallel>], iteration_bounds = array<i64: 1, 16>, scalar_prefetch = 0 : i64, scratch_operands = 8 : i64, tpu.core_type = #tpu.core_type<sc_vector_subcore>, window_params = [{transform_indices = #map}, {transform_indices = #map}, {transform_indices = #map1}, {transform_indices = #map1}]} {
    %iota3A = tpu.iota {dimensions = array<i32: 0>} : vector<16xi32>
    %eq3A = arith.constant 0 : i32
    %eq3A_0 = vector.broadcast %eq3A : i32 to vector<16xi32>
    %eq3A_1 = arith.cmpi eq, %iota3A, %eq3A_0 : vector<16xi32>
    %broadcast_in_dim3A = arith.constant 3.000000e+38 : f32
    %broadcast_in_dim3A_2 = vector.broadcast %broadcast_in_dim3A : f32 to vector<16xf32>
    %broadcast_in_dim3A_3 = arith.constant 1073741824 : i32
    %broadcast_in_dim3A_4 = vector.broadcast %broadcast_in_dim3A_3 : i32 to vector<16xi32>
    "tpu.region"() ({
      %run_scoped3A = tpu.sem_alloc : memref<!tpu.dma_semaphore, #tpu.memory_space<semaphore_mem>>
      tpu.enqueue_dma source(%arg3 : memref<1024xf32, #tpu.memory_space<hbm>>) target(%arg6 : memref<1024xf32, #tpu.memory_space<vmem>>) target_semaphore(%run_scoped3A : memref<!tpu.dma_semaphore, #tpu.memory_space<semaphore_mem>>)
      tpu.wait_dma2 semaphore(%run_scoped3A : memref<!tpu.dma_semaphore, #tpu.memory_space<semaphore_mem>>) src(%arg3 : memref<1024xf32, #tpu.memory_space<hbm>>) dst(%arg6 : memref<1024xf32, #tpu.memory_space<vmem>>)
      tpu.yield
    }) : () -> ()
    %scan3A = arith.constant 0 : i32
    %scan3A_5 = arith.constant 16 : i32
    %scan3A_6 = arith.addi %scan3A, %scan3A_5 : i32
    %scan3A_7 = arith.constant 1 : i32
    %scan3A_8 = scf.for %scan3A_48 = %scan3A to %scan3A_6 step %scan3A_7 iter_args(%scan3A_49 = %broadcast_in_dim3A_2) -> (vector<16xf32>)  : i32 {
      %mul3A_50 = arith.constant 64 : i32
      %mul3A_51 = arith.muli %scan3A_48, %mul3A_50 : i32
      %get3A = arith.index_cast %mul3A_51 : i32 to index
      %get3A_52 = tpu.vector_load %arg6[%get3A] {strides = array<i32>} : memref<1024xf32, #tpu.memory_space<vmem>>, vector<16xf32>,
      %mul3A_53 = arith.constant 64 : i32
      %mul3A_54 = arith.muli %scan3A_48, %mul3A_53 : i32
      %add3A_55 = arith.constant 16 : i32
      %add3A_56 = arith.addi %mul3A_54, %add3A_55 : i32
      %get3A_57 = arith.index_cast %add3A_56 : i32 to index
      %get3A_58 = tpu.vector_load %arg6[%get3A_57] {strides = array<i32>} : memref<1024xf32, #tpu.memory_space<vmem>>, vector<16xf32>,
      %max3A = arith.maximumf %get3A_52, %get3A_58 : vector<16xf32>
      %mul3A_59 = arith.constant 64 : i32
      %mul3A_60 = arith.muli %scan3A_48, %mul3A_59 : i32
      %add3A_61 = arith.constant 32 : i32
      %add3A_62 = arith.addi %mul3A_60, %add3A_61 : i32
      %get3A_63 = arith.index_cast %add3A_62 : i32 to index
      %get3A_64 = tpu.vector_load %arg6[%get3A_63] {strides = array<i32>} : memref<1024xf32, #tpu.memory_space<vmem>>, vector<16xf32>,
      %mul3A_65 = arith.constant 64 : i32
      %mul3A_66 = arith.muli %scan3A_48, %mul3A_65 : i32
      %add3A_67 = arith.constant 48 : i32
      %add3A_68 = arith.addi %mul3A_66, %add3A_67 : i32
      %get3A_69 = arith.index_cast %add3A_68 : i32 to index
      %get3A_70 = tpu.vector_load %arg6[%get3A_69] {strides = array<i32>} : memref<1024xf32, #tpu.memory_space<vmem>>, vector<16xf32>,
      %max3A_71 = arith.maximumf %get3A_64, %get3A_70 : vector<16xf32>
      %max3A_72 = arith.maximumf %max3A, %max3A_71 : vector<16xf32>
      %min3A = arith.minimumf %scan3A_49, %max3A_72 : vector<16xf32>
      scf.yield %min3A : vector<16xf32>
    }
    %scan3A_9 = arith.constant 16 : i32
    %reduce_min3A = arith.constant true
    %reduce_min3A_10 = vector.broadcast %reduce_min3A : i1 to vector<16xi1>
    %reduce_min3A_11 = tpu.scan <min>, %scan3A_8 masked %reduce_min3A_10 : vector<16xf32>, vector<16xi1> -> vector<16xf32>
    %reduce_min3A_12 = vector.extract %reduce_min3A_11[15] : f32 from vector<16xf32>
    %broadcast_in_dim3A_13 = vector.broadcast %reduce_min3A_12 : f32 to vector<16xf32>
    %mul3A = arith.constant 65536 : i32
    %mul3A_14 = arith.muli %arg1, %mul3A : i32
    "tpu.region"() ({
      %run_scoped3A = tpu.sem_alloc : memref<!tpu.dma_semaphore, #tpu.memory_space<semaphore_mem>>
      %dma_start3A = tpu.memref_slice %arg2[%mul3A_14] : memref<1048576xf32, #tpu.memory_space<hbm>> -> memref<65536xf32, #tpu.memory_space<hbm>>
      %dma_start3A_48 = tpu.memref_slice %arg2[%mul3A_14] : memref<1048576xf32, #tpu.memory_space<hbm>> -> memref<65536xf32, #tpu.memory_space<hbm>>
      tpu.enqueue_dma source(%dma_start3A_48 : memref<65536xf32, #tpu.memory_space<hbm>>) target(%arg7 : memref<65536xf32, #tpu.memory_space<vmem>>) target_semaphore(%run_scoped3A : memref<!tpu.dma_semaphore, #tpu.memory_space<semaphore_mem>>)
      %dma_wait3A = tpu.memref_slice %arg2[%mul3A_14] : memref<1048576xf32, #tpu.memory_space<hbm>> -> memref<65536xf32, #tpu.memory_space<hbm>>
      %dma_wait3A_49 = tpu.memref_slice %arg2[%mul3A_14] : memref<1048576xf32, #tpu.memory_space<hbm>> -> memref<65536xf32, #tpu.memory_space<hbm>>
      tpu.wait_dma2 semaphore(%run_scoped3A : memref<!tpu.dma_semaphore, #tpu.memory_space<semaphore_mem>>) src(%dma_wait3A_49 : memref<65536xf32, #tpu.memory_space<hbm>>) dst(%arg7 : memref<65536xf32, #tpu.memory_space<vmem>>)
      tpu.yield
    }) : () -> ()
    %scan3A_15 = arith.constant 0 : i32
    %scan3A_16 = arith.constant 0 : i32
    %scan3A_17 = arith.constant 512 : i32
    %scan3A_18 = arith.addi %scan3A_16, %scan3A_17 : i32
    %scan3A_19 = arith.constant 1 : i32
    %scan3A_20 = scf.for %scan3A_48 = %scan3A_16 to %scan3A_18 step %scan3A_19 iter_args(%scan3A_49 = %scan3A_15) -> (i32)  : i32 {
      %mul3A_50 = arith.constant 8 : i32
      %mul3A_51 = arith.muli %scan3A_48, %mul3A_50 : i32
      %add3A_52 = arith.constant 0 : i32
      %add3A_53 = arith.addi %mul3A_51, %add3A_52 : i32
      %mul3A_54 = arith.constant 16 : i32
      %mul3A_55 = arith.muli %add3A_53, %mul3A_54 : i32
      %get3A = arith.index_cast %mul3A_55 : i32 to index
      %get3A_56 = tpu.vector_load %arg7[%get3A] {strides = array<i32>} : memref<65536xf32, #tpu.memory_space<vmem>>, vector<16xf32>,
      %ge3A = arith.cmpf oge, %get3A_56, %broadcast_in_dim3A_13 : vector<16xf32>
      %neg3A = arith.constant 0.000000e+00 : f32
      %neg3A_57 = vector.broadcast %neg3A : f32 to vector<16xf32>
      %neg3A_58 = arith.subf %neg3A_57, %get3A_56 : vector<16xf32>
      %swap3A_59 = arith.index_cast %scan3A_49 : i32 to index
      %swap3A_60 = tpu.vector_load %arg8[%swap3A_59] masked %ge3A {strides = array<i32>} : memref<8208xf32, #tpu.memory_space<vmem>>, vector<16xf32>, vector<16xi1>
      tpu.vector_store %arg8[%swap3A_59], %neg3A_58 masked %ge3A {strides = array<i32>} : memref<8208xf32, #tpu.memory_space<vmem>>, vector<16xf32>, vector<16xi1>
      %mul3A_61 = arith.constant 16 : i32
      %mul3A_62 = arith.muli %add3A_53, %mul3A_61 : i32
      %add3A_63 = arith.addi %mul3A_14, %mul3A_62 : i32
      %add3A_64 = vector.broadcast %add3A_63 : i32 to vector<16xi32>
      %add3A_65 = arith.addi %iota3A, %add3A_64 : vector<16xi32>
      %swap3A_66 = arith.index_cast %scan3A_49 : i32 to index
      %swap3A_67 = tpu.vector_load %arg9[%swap3A_66] masked %ge3A {strides = array<i32>} : memref<8208xi32, #tpu.memory_space<vmem>>, vector<16xi32>, vector<16xi1>
      tpu.vector_store %arg9[%swap3A_66], %add3A_65 masked %ge3A {strides = array<i32>} : memref<8208xi32, #tpu.memory_space<vmem>>, vector<16xi32>, vector<16xi1>
      %all_reduce_population_count3A = tpu.all_reduce %ge3A {dim = 0 : i64, kind = #tpu.reduction_kind<sum>} : vector<16xi1> -> vector<16xi32>
      %slice3A = vector.extract_strided_slice %all_reduce_population_count3A {offsets = [0], sizes = [1], strides = [1]} : vector<16xi32> to vector<1xi32>
      %squeeze3A = vector.extract %slice3A[0] : i32 from vector<1xi32>
      %add3A_68 = arith.addi %scan3A_49, %squeeze3A : i32
      %min3A = arith.constant 8192 : i32
      %min3A_69 = arith.minsi %add3A_68, %min3A : i32
      %mul3A_70 = arith.constant 8 : i32
      %mul3A_71 = arith.muli %scan3A_48, %mul3A_70 : i32
      %add3A_72 = arith.constant 1 : i32
      %add3A_73 = arith.addi %mul3A_71, %add3A_72 : i32
      %mul3A_74 = arith.constant 16 : i32
      %mul3A_75 = arith.muli %add3A_73, %mul3A_74 : i32
      %get3A_76 = arith.index_cast %mul3A_75 : i32 to index
      %get3A_77 = tpu.vector_load %arg7[%get3A_76] {strides = array<i32>} : memref<65536xf32, #tpu.memory_space<vmem>>, vector<16xf32>,
      %ge3A_78 = arith.cmpf oge, %get3A_77, %broadcast_in_dim3A_13 : vector<16xf32>
      %neg3A_79 = arith.constant 0.000000e+00 : f32
      %neg3A_80 = vector.broadcast %neg3A_79 : f32 to vector<16xf32>
      %neg3A_81 = arith.subf %neg3A_80, %get3A_77 : vector<16xf32>
      %swap3A_82 = arith.index_cast %min3A_69 : i32 to index
      %swap3A_83 = tpu.vector_load %arg8[%swap3A_82] masked %ge3A_78 {strides = array<i32>} : memref<8208xf32, #tpu.memory_space<vmem>>, vector<16xf32>, vector<16xi1>
      tpu.vector_store %arg8[%swap3A_82], %neg3A_81 masked %ge3A_78 {strides = array<i32>} : memref<8208xf32, #tpu.memory_space<vmem>>, vector<16xf32>, vector<16xi1>
      %mul3A_84 = arith.constant 16 : i32
      %mul3A_85 = arith.muli %add3A_73, %mul3A_84 : i32
      %add3A_86 = arith.addi %mul3A_14, %mul3A_85 : i32
      %add3A_87 = vector.broadcast %add3A_86 : i32 to vector<16xi32>
      %add3A_88 = arith.addi %iota3A, %add3A_87 : vector<16xi32>
      %swap3A_89 = arith.index_cast %min3A_69 : i32 to index
      %swap3A_90 = tpu.vector_load %arg9[%swap3A_89] masked %ge3A_78 {strides = array<i32>} : memref<8208xi32, #tpu.memory_space<vmem>>, vector<16xi32>, vector<16xi1>
      tpu.vector_store %arg9[%swap3A_89], %add3A_88 masked %ge3A_78 {strides = array<i32>} : memref<8208xi32, #tpu.memory_space<vmem>>, vector<16xi32>, vector<16xi1>
      %all_reduce_population_count3A_91 = tpu.all_reduce %ge3A_78 {dim = 0 : i64, kind = #tpu.reduction_kind<sum>} : vector<16xi1> -> vector<16xi32>
      %slice3A_92 = vector.extract_strided_slice %all_reduce_population_count3A_91 {offsets = [0], sizes = [1], strides = [1]} : vector<16xi32> to vector<1xi32>
      %squeeze3A_93 = vector.extract %slice3A_92[0] : i32 from vector<1xi32>
      %add3A_94 = arith.addi %min3A_69, %squeeze3A_93 : i32
      %min3A_95 = arith.constant 8192 : i32
      %min3A_96 = arith.minsi %add3A_94, %min3A_95 : i32
      %mul3A_97 = arith.constant 8 : i32
      %mul3A_98 = arith.muli %scan3A_48, %mul3A_97 : i32
      %add3A_99 = arith.constant 2 : i32
      %add3A_100 = arith.addi %mul3A_98, %add3A_99 : i32
      %mul3A_101 = arith.constant 16 : i32
      %mul3A_102 = arith.muli %add3A_100, %mul3A_101 : i32
      %get3A_103 = arith.index_cast %mul3A_102 : i32 to index
      %get3A_104 = tpu.vector_load %arg7[%get3A_103] {strides = array<i32>} : memref<65536xf32, #tpu.memory_space<vmem>>, vector<16xf32>,
      %ge3A_105 = arith.cmpf oge, %get3A_104, %broadcast_in_dim3A_13 : vector<16xf32>
      %neg3A_106 = arith.constant 0.000000e+00 : f32
      %neg3A_107 = vector.broadcast %neg3A_106 : f32 to vector<16xf32>
      %neg3A_108 = arith.subf %neg3A_107, %get3A_104 : vector<16xf32>
      %swap3A_109 = arith.index_cast %min3A_96 : i32 to index
      %swap3A_110 = tpu.vector_load %arg8[%swap3A_109] masked %ge3A_105 {strides = array<i32>} : memref<8208xf32, #tpu.memory_space<vmem>>, vector<16xf32>, vector<16xi1>
      tpu.vector_store %arg8[%swap3A_109], %neg3A_108 masked %ge3A_105 {strides = array<i32>} : memref<8208xf32, #tpu.memory_space<vmem>>, vector<16xf32>, vector<16xi1>
      %mul3A_111 = arith.constant 16 : i32
      %mul3A_112 = arith.muli %add3A_100, %mul3A_111 : i32
      %add3A_113 = arith.addi %mul3A_14, %mul3A_112 : i32
      %add3A_114 = vector.broadcast %add3A_113 : i32 to vector<16xi32>
      %add3A_115 = arith.addi %iota3A, %add3A_114 : vector<16xi32>
      %swap3A_116 = arith.index_cast %min3A_96 : i32 to index
      %swap3A_117 = tpu.vector_load %arg9[%swap3A_116] masked %ge3A_105 {strides = array<i32>} : memref<8208xi32, #tpu.memory_space<vmem>>, vector<16xi32>, vector<16xi1>
      tpu.vector_store %arg9[%swap3A_116], %add3A_115 masked %ge3A_105 {strides = array<i32>} : memref<8208xi32, #tpu.memory_space<vmem>>, vector<16xi32>, vector<16xi1>
      %all_reduce_population_count3A_118 = tpu.all_reduce %ge3A_105 {dim = 0 : i64, kind = #tpu.reduction_kind<sum>} : vector<16xi1> -> vector<16xi32>
      %slice3A_119 = vector.extract_strided_slice %all_reduce_population_count3A_118 {offsets = [0], sizes = [1], strides = [1]} : vector<16xi32> to vector<1xi32>
      %squeeze3A_120 = vector.extract %slice3A_119[0] : i32 from vector<1xi32>
      %add3A_121 = arith.addi %min3A_96, %squeeze3A_120 : i32
      %min3A_122 = arith.constant 8192 : i32
      %min3A_123 = arith.minsi %add3A_121, %min3A_122 : i32
      %mul3A_124 = arith.constant 8 : i32
      %mul3A_125 = arith.muli %scan3A_48, %mul3A_124 : i32
      %add3A_126 = arith.constant 3 : i32
      %add3A_127 = arith.addi %mul3A_125, %add3A_126 : i32
      %mul3A_128 = arith.constant 16 : i32
      %mul3A_129 = arith.muli %add3A_127, %mul3A_128 : i32
      %get3A_130 = arith.index_cast %mul3A_129 : i32 to index
      %get3A_131 = tpu.vector_load %arg7[%get3A_130] {strides = array<i32>} : memref<65536xf32, #tpu.memory_space<vmem>>, vector<16xf32>,
      %ge3A_132 = arith.cmpf oge, %get3A_131, %broadcast_in_dim3A_13 : vector<16xf32>
      %neg3A_133 = arith.constant 0.000000e+00 : f32
      %neg3A_134 = vector.broadcast %neg3A_133 : f32 to vector<16xf32>
      %neg3A_135 = arith.subf %neg3A_134, %get3A_131 : vector<16xf32>
      %swap3A_136 = arith.index_cast %min3A_123 : i32 to index
      %swap3A_137 = tpu.vector_load %arg8[%swap3A_136] masked %ge3A_132 {strides = array<i32>} : memref<8208xf32, #tpu.memory_space<vmem>>, vector<16xf32>, vector<16xi1>
      tpu.vector_store %arg8[%swap3A_136], %neg3A_135 masked %ge3A_132 {strides = array<i32>} : memref<8208xf32, #tpu.memory_space<vmem>>, vector<16xf32>, vector<16xi1>
      %mul3A_138 = arith.constant 16 : i32
      %mul3A_139 = arith.muli %add3A_127, %mul3A_138 : i32
      %add3A_140 = arith.addi %mul3A_14, %mul3A_139 : i32
      %add3A_141 = vector.broadcast %add3A_140 : i32 to vector<16xi32>
      %add3A_142 = arith.addi %iota3A, %add3A_141 : vector<16xi32>
      %swap3A_143 = arith.index_cast %min3A_123 : i32 to index
      %swap3A_144 = tpu.vector_load %arg9[%swap3A_143] masked %ge3A_132 {strides = array<i32>} : memref<8208xi32, #tpu.memory_space<vmem>>, vector<16xi32>, vector<16xi1>
      tpu.vector_store %arg9[%swap3A_143], %add3A_142 masked %ge3A_132 {strides = array<i32>} : memref<8208xi32, #tpu.memory_space<vmem>>, vector<16xi32>, vector<16xi1>
      %all_reduce_population_count3A_145 = tpu.all_reduce %ge3A_132 {dim = 0 : i64, kind = #tpu.reduction_kind<sum>} : vector<16xi1> -> vector<16xi32>
      %slice3A_146 = vector.extract_strided_slice %all_reduce_population_count3A_145 {offsets = [0], sizes = [1], strides = [1]} : vector<16xi32> to vector<1xi32>
      %squeeze3A_147 = vector.extract %slice3A_146[0] : i32 from vector<1xi32>
      %add3A_148 = arith.addi %min3A_123, %squeeze3A_147 : i32
      %min3A_149 = arith.constant 8192 : i32
      %min3A_150 = arith.minsi %add3A_148, %min3A_149 : i32
      %mul3A_151 = arith.constant 8 : i32
      %mul3A_152 = arith.muli %scan3A_48, %mul3A_151 : i32
      %add3A_153 = arith.constant 4 : i32
      %add3A_154 = arith.addi %mul3A_152, %add3A_153 : i32
      %mul3A_155 = arith.constant 16 : i32
      %mul3A_156 = arith.muli %add3A_154, %mul3A_155 : i32
      %get3A_157 = arith.index_cast %mul3A_156 : i32 to index
      %get3A_158 = tpu.vector_load %arg7[%get3A_157] {strides = array<i32>} : memref<65536xf32, #tpu.memory_space<vmem>>, vector<16xf32>,
      %ge3A_159 = arith.cmpf oge, %get3A_158, %broadcast_in_dim3A_13 : vector<16xf32>
      %neg3A_160 = arith.constant 0.000000e+00 : f32
      %neg3A_161 = vector.broadcast %neg3A_160 : f32 to vector<16xf32>
      %neg3A_162 = arith.subf %neg3A_161, %get3A_158 : vector<16xf32>
      %swap3A_163 = arith.index_cast %min3A_150 : i32 to index
      %swap3A_164 = tpu.vector_load %arg8[%swap3A_163] masked %ge3A_159 {strides = array<i32>} : memref<8208xf32, #tpu.memory_space<vmem>>, vector<16xf32>, vector<16xi1>
      tpu.vector_store %arg8[%swap3A_163], %neg3A_162 masked %ge3A_159 {strides = array<i32>} : memref<8208xf32, #tpu.memory_space<vmem>>, vector<16xf32>, vector<16xi1>
      %mul3A_165 = arith.constant 16 : i32
      %mul3A_166 = arith.muli %add3A_154, %mul3A_165 : i32
      %add3A_167 = arith.addi %mul3A_14, %mul3A_166 : i32
      %add3A_168 = vector.broadcast %add3A_167 : i32 to vector<16xi32>
      %add3A_169 = arith.addi %iota3A, %add3A_168 : vector<16xi32>
      %swap3A_170 = arith.index_cast %min3A_150 : i32 to index
      %swap3A_171 = tpu.vector_load %arg9[%swap3A_170] masked %ge3A_159 {strides = array<i32>} : memref<8208xi32, #tpu.memory_space<vmem>>, vector<16xi32>, vector<16xi1>
      tpu.vector_store %arg9[%swap3A_170], %add3A_169 masked %ge3A_159 {strides = array<i32>} : memref<8208xi32, #tpu.memory_space<vmem>>, vector<16xi32>, vector<16xi1>
      %all_reduce_population_count3A_172 = tpu.all_reduce %ge3A_159 {dim = 0 : i64, kind = #tpu.reduction_kind<sum>} : vector<16xi1> -> vector<16xi32>
      %slice3A_173 = vector.extract_strided_slice %all_reduce_population_count3A_172 {offsets = [0], sizes = [1], strides = [1]} : vector<16xi32> to vector<1xi32>
      %squeeze3A_174 = vector.extract %slice3A_173[0] : i32 from vector<1xi32>
      %add3A_175 = arith.addi %min3A_150, %squeeze3A_174 : i32
      %min3A_176 = arith.constant 8192 : i32
      %min3A_177 = arith.minsi %add3A_175, %min3A_176 : i32
      %mul3A_178 = arith.constant 8 : i32
      %mul3A_179 = arith.muli %scan3A_48, %mul3A_178 : i32
      %add3A_180 = arith.constant 5 : i32
      %add3A_181 = arith.addi %mul3A_179, %add3A_180 : i32
      %mul3A_182 = arith.constant 16 : i32
      %mul3A_183 = arith.muli %add3A_181, %mul3A_182 : i32
      %get3A_184 = arith.index_cast %mul3A_183 : i32 to index
      %get3A_185 = tpu.vector_load %arg7[%get3A_184] {strides = array<i32>} : memref<65536xf32, #tpu.memory_space<vmem>>, vector<16xf32>,
      %ge3A_186 = arith.cmpf oge, %get3A_185, %broadcast_in_dim3A_13 : vector<16xf32>
      %neg3A_187 = arith.constant 0.000000e+00 : f32
      %neg3A_188 = vector.broadcast %neg3A_187 : f32 to vector<16xf32>
      %neg3A_189 = arith.subf %neg3A_188, %get3A_185 : vector<16xf32>
      %swap3A_190 = arith.index_cast %min3A_177 : i32 to index
      %swap3A_191 = tpu.vector_load %arg8[%swap3A_190] masked %ge3A_186 {strides = array<i32>} : memref<8208xf32, #tpu.memory_space<vmem>>, vector<16xf32>, vector<16xi1>
      tpu.vector_store %arg8[%swap3A_190], %neg3A_189 masked %ge3A_186 {strides = array<i32>} : memref<8208xf32, #tpu.memory_space<vmem>>, vector<16xf32>, vector<16xi1>
      %mul3A_192 = arith.constant 16 : i32
      %mul3A_193 = arith.muli %add3A_181, %mul3A_192 : i32
      %add3A_194 = arith.addi %mul3A_14, %mul3A_193 : i32
      %add3A_195 = vector.broadcast %add3A_194 : i32 to vector<16xi32>
      %add3A_196 = arith.addi %iota3A, %add3A_195 : vector<16xi32>
      %swap3A_197 = arith.index_cast %min3A_177 : i32 to index
      %swap3A_198 = tpu.vector_load %arg9[%swap3A_197] masked %ge3A_186 {strides = array<i32>} : memref<8208xi32, #tpu.memory_space<vmem>>, vector<16xi32>, vector<16xi1>
      tpu.vector_store %arg9[%swap3A_197], %add3A_196 masked %ge3A_186 {strides = array<i32>} : memref<8208xi32, #tpu.memory_space<vmem>>, vector<16xi32>, vector<16xi1>
      %all_reduce_population_count3A_199 = tpu.all_reduce %ge3A_186 {dim = 0 : i64, kind = #tpu.reduction_kind<sum>} : vector<16xi1> -> vector<16xi32>
      %slice3A_200 = vector.extract_strided_slice %all_reduce_population_count3A_199 {offsets = [0], sizes = [1], strides = [1]} : vector<16xi32> to vector<1xi32>
      %squeeze3A_201 = vector.extract %slice3A_200[0] : i32 from vector<1xi32>
      %add3A_202 = arith.addi %min3A_177, %squeeze3A_201 : i32
      %min3A_203 = arith.constant 8192 : i32
      %min3A_204 = arith.minsi %add3A_202, %min3A_203 : i32
      %mul3A_205 = arith.constant 8 : i32
      %mul3A_206 = arith.muli %scan3A_48, %mul3A_205 : i32
      %add3A_207 = arith.constant 6 : i32
      %add3A_208 = arith.addi %mul3A_206, %add3A_207 : i32
      %mul3A_209 = arith.constant 16 : i32
      %mul3A_210 = arith.muli %add3A_208, %mul3A_209 : i32
      %get3A_211 = arith.index_cast %mul3A_210 : i32 to index
      %get3A_212 = tpu.vector_load %arg7[%get3A_211] {strides = array<i32>} : memref<65536xf32, #tpu.memory_space<vmem>>, vector<16xf32>,
      %ge3A_213 = arith.cmpf oge, %get3A_212, %broadcast_in_dim3A_13 : vector<16xf32>
      %neg3A_214 = arith.constant 0.000000e+00 : f32
      %neg3A_215 = vector.broadcast %neg3A_214 : f32 to vector<16xf32>
      %neg3A_216 = arith.subf %neg3A_215, %get3A_212 : vector<16xf32>
      %swap3A_217 = arith.index_cast %min3A_204 : i32 to index
      %swap3A_218 = tpu.vector_load %arg8[%swap3A_217] masked %ge3A_213 {strides = array<i32>} : memref<8208xf32, #tpu.memory_space<vmem>>, vector<16xf32>, vector<16xi1>
      tpu.vector_store %arg8[%swap3A_217], %neg3A_216 masked %ge3A_213 {strides = array<i32>} : memref<8208xf32, #tpu.memory_space<vmem>>, vector<16xf32>, vector<16xi1>
      %mul3A_219 = arith.constant 16 : i32
      %mul3A_220 = arith.muli %add3A_208, %mul3A_219 : i32
      %add3A_221 = arith.addi %mul3A_14, %mul3A_220 : i32
      %add3A_222 = vector.broadcast %add3A_221 : i32 to vector<16xi32>
      %add3A_223 = arith.addi %iota3A, %add3A_222 : vector<16xi32>
      %swap3A_224 = arith.index_cast %min3A_204 : i32 to index
      %swap3A_225 = tpu.vector_load %arg9[%swap3A_224] masked %ge3A_213 {strides = array<i32>} : memref<8208xi32, #tpu.memory_space<vmem>>, vector<16xi32>, vector<16xi1>
      tpu.vector_store %arg9[%swap3A_224], %add3A_223 masked %ge3A_213 {strides = array<i32>} : memref<8208xi32, #tpu.memory_space<vmem>>, vector<16xi32>, vector<16xi1>
      %all_reduce_population_count3A_226 = tpu.all_reduce %ge3A_213 {dim = 0 : i64, kind = #tpu.reduction_kind<sum>} : vector<16xi1> -> vector<16xi32>
      %slice3A_227 = vector.extract_strided_slice %all_reduce_population_count3A_226 {offsets = [0], sizes = [1], strides = [1]} : vector<16xi32> to vector<1xi32>
      %squeeze3A_228 = vector.extract %slice3A_227[0] : i32 from vector<1xi32>
      %add3A_229 = arith.addi %min3A_204, %squeeze3A_228 : i32
      %min3A_230 = arith.constant 8192 : i32
      %min3A_231 = arith.minsi %add3A_229, %min3A_230 : i32
      %mul3A_232 = arith.constant 8 : i32
      %mul3A_233 = arith.muli %scan3A_48, %mul3A_232 : i32
      %add3A_234 = arith.constant 7 : i32
      %add3A_235 = arith.addi %mul3A_233, %add3A_234 : i32
      %mul3A_236 = arith.constant 16 : i32
      %mul3A_237 = arith.muli %add3A_235, %mul3A_236 : i32
      %get3A_238 = arith.index_cast %mul3A_237 : i32 to index
      %get3A_239 = tpu.vector_load %arg7[%get3A_238] {strides = array<i32>} : memref<65536xf32, #tpu.memory_space<vmem>>, vector<16xf32>,
      %ge3A_240 = arith.cmpf oge, %get3A_239, %broadcast_in_dim3A_13 : vector<16xf32>
      %neg3A_241 = arith.constant 0.000000e+00 : f32
      %neg3A_242 = vector.broadcast %neg3A_241 : f32 to vector<16xf32>
      %neg3A_243 = arith.subf %neg3A_242, %get3A_239 : vector<16xf32>
      %swap3A_244 = arith.index_cast %min3A_231 : i32 to index
      %swap3A_245 = tpu.vector_load %arg8[%swap3A_244] masked %ge3A_240 {strides = array<i32>} : memref<8208xf32, #tpu.memory_space<vmem>>, vector<16xf32>, vector<16xi1>
      tpu.vector_store %arg8[%swap3A_244], %neg3A_243 masked %ge3A_240 {strides = array<i32>} : memref<8208xf32, #tpu.memory_space<vmem>>, vector<16xf32>, vector<16xi1>
      %mul3A_246 = arith.constant 16 : i32
      %mul3A_247 = arith.muli %add3A_235, %mul3A_246 : i32
      %add3A_248 = arith.addi %mul3A_14, %mul3A_247 : i32
      %add3A_249 = vector.broadcast %add3A_248 : i32 to vector<16xi32>
      %add3A_250 = arith.addi %iota3A, %add3A_249 : vector<16xi32>
      %swap3A_251 = arith.index_cast %min3A_231 : i32 to index
      %swap3A_252 = tpu.vector_load %arg9[%swap3A_251] masked %ge3A_240 {strides = array<i32>} : memref<8208xi32, #tpu.memory_space<vmem>>, vector<16xi32>, vector<16xi1>
      tpu.vector_store %arg9[%swap3A_251], %add3A_250 masked %ge3A_240 {strides = array<i32>} : memref<8208xi32, #tpu.memory_space<vmem>>, vector<16xi32>, vector<16xi1>
      %all_reduce_population_count3A_253 = tpu.all_reduce %ge3A_240 {dim = 0 : i64, kind = #tpu.reduction_kind<sum>} : vector<16xi1> -> vector<16xi32>
      %slice3A_254 = vector.extract_strided_slice %all_reduce_population_count3A_253 {offsets = [0], sizes = [1], strides = [1]} : vector<16xi32> to vector<1xi32>
      %squeeze3A_255 = vector.extract %slice3A_254[0] : i32 from vector<1xi32>
      %add3A_256 = arith.addi %min3A_231, %squeeze3A_255 : i32
      %min3A_257 = arith.constant 8192 : i32
      %min3A_258 = arith.minsi %add3A_256, %min3A_257 : i32
      scf.yield %min3A_258 : i32
    }
    %scan3A_21 = arith.constant 512 : i32
    %swap3A = arith.index_cast %scan3A_20 : i32 to index
    %swap3A_22 = tpu.vector_load %arg8[%swap3A] {strides = array<i32>} : memref<8208xf32, #tpu.memory_space<vmem>>, vector<16xf32>,
    tpu.vector_store %arg8[%swap3A], %broadcast_in_dim3A_2 {strides = array<i32>} : memref<8208xf32, #tpu.memory_space<vmem>>, vector<16xf32>,
    %swap3A_23 = arith.index_cast %scan3A_20 : i32 to index
    %swap3A_24 = tpu.vector_load %arg9[%swap3A_23] {strides = array<i32>} : memref<8208xi32, #tpu.memory_space<vmem>>, vector<16xi32>,
    tpu.vector_store %arg9[%swap3A_23], %broadcast_in_dim3A_4 {strides = array<i32>} : memref<8208xi32, #tpu.memory_space<vmem>>, vector<16xi32>,
    %add3A = arith.constant 15 : i32
    %add3A_25 = arith.addi %scan3A_20, %add3A : i32
    %shift_right_arithmetic3A = arith.constant 4 : i32
    %shift_right_arithmetic3A_26 = arith.shrsi %add3A_25, %shift_right_arithmetic3A : i32
    %while3A = arith.constant 0 : i32
    %while3A_27 = arith.constant 0 : i32
    %while3A_28 = arith.subi %shift_right_arithmetic3A_26, %while3A_27 : i32
    %while3A_29 = arith.addi %while3A_27, %while3A_28 : i32
    %while3A_30 = arith.constant 1 : i32
    %while3A_31 = arith.divsi %while3A_28, %while3A_30 : i32
    %while3A_32 = arith.muli %while3A_31, %while3A_30 : i32
    %while3A_33 = arith.addi %while3A_27, %while3A_32 : i32
    %while3A_34 = arith.constant 1 : i32
    scf.for %while3A_48 = %while3A_27 to %while3A_33 step %while3A_34  : i32 {
      %mul3A_49 = arith.constant 16 : i32
      %mul3A_50 = arith.muli %while3A_48, %mul3A_49 : i32
      %get3A = arith.index_cast %mul3A_50 : i32 to index
      %get3A_51 = tpu.vector_load %arg8[%get3A] {strides = array<i32>} : memref<8208xf32, #tpu.memory_space<vmem>>, vector<16xf32>,
      %reduce_min3A_52 = arith.constant true
      %reduce_min3A_53 = vector.broadcast %reduce_min3A_52 : i1 to vector<16xi1>
      %reduce_min3A_54 = tpu.scan <min>, %get3A_51 masked %reduce_min3A_53 : vector<16xf32>, vector<16xi1> -> vector<16xf32>
      %reduce_min3A_55 = vector.extract %reduce_min3A_54[15] : f32 from vector<16xf32>
      %broadcast_in_dim3A_56 = vector.broadcast %reduce_min3A_55 : f32 to vector<16xf32>
      %swap3A_57 = arith.index_cast %while3A_48 : i32 to index
      %swap3A_58 = tpu.vector_load %arg10[%swap3A_57] masked %eq3A_1 {strides = array<i32>} : memref<544xf32, #tpu.memory_space<vmem>>, vector<16xf32>, vector<16xi1>
      tpu.vector_store %arg10[%swap3A_57], %broadcast_in_dim3A_56 masked %eq3A_1 {strides = array<i32>} : memref<544xf32, #tpu.memory_space<vmem>>, vector<16xf32>, vector<16xi1>
    }
    %while3A_35 = arith.constant 1 : i32
    scf.for %while3A_48 = %while3A_33 to %while3A_29 step %while3A_35  : i32 {
      %mul3A_49 = arith.constant 16 : i32
      %mul3A_50 = arith.muli %while3A_48, %mul3A_49 : i32
      %get3A = arith.index_cast %mul3A_50 : i32 to index
      %get3A_51 = tpu.vector_load %arg8[%get3A] {strides = array<i32>} : memref<8208xf32, #tpu.memory_space<vmem>>, vector<16xf32>,
      %reduce_min3A_52 = arith.constant true
      %reduce_min3A_53 = vector.broadcast %reduce_min3A_52 : i1 to vector<16xi1>
      %reduce_min3A_54 = tpu.scan <min>, %get3A_51 masked %reduce_min3A_53 : vector<16xf32>, vector<16xi1> -> vector<16xf32>
      %reduce_min3A_55 = vector.extract %reduce_min3A_54[15] : f32 from vector<16xf32>
      %broadcast_in_dim3A_56 = vector.broadcast %reduce_min3A_55 : f32 to vector<16xf32>
      %swap3A_57 = arith.index_cast %while3A_48 : i32 to index
      %swap3A_58 = tpu.vector_load %arg10[%swap3A_57] masked %eq3A_1 {strides = array<i32>} : memref<544xf32, #tpu.memory_space<vmem>>, vector<16xf32>, vector<16xi1>
      tpu.vector_store %arg10[%swap3A_57], %broadcast_in_dim3A_56 masked %eq3A_1 {strides = array<i32>} : memref<544xf32, #tpu.memory_space<vmem>>, vector<16xf32>, vector<16xi1>
    }
    %swap3A_36 = arith.index_cast %shift_right_arithmetic3A_26 : i32 to index
    %swap3A_37 = tpu.vector_load %arg10[%swap3A_36] {strides = array<i32>} : memref<544xf32, #tpu.memory_space<vmem>>, vector<16xf32>,
    tpu.vector_store %arg10[%swap3A_36], %broadcast_in_dim3A_2 {strides = array<i32>} : memref<544xf32, #tpu.memory_space<vmem>>, vector<16xf32>,
    %add3A_38 = arith.constant 15 : i32
    %add3A_39 = arith.addi %shift_right_arithmetic3A_26, %add3A_38 : i32
    %shift_right_arithmetic3A_40 = arith.constant 4 : i32
    %shift_right_arithmetic3A_41 = arith.shrsi %add3A_39, %shift_right_arithmetic3A_40 : i32
    %scan3A_42 = arith.constant 0 : i32
    %scan3A_43 = arith.constant 0 : i32
    %scan3A_44 = arith.constant 256 : i32
    %scan3A_45 = arith.addi %scan3A_43, %scan3A_44 : i32
    %scan3A_46 = arith.constant 1 : i32
    scf.for %scan3A_48 = %scan3A_43 to %scan3A_45 step %scan3A_46  : i32 {
      %while3A_49 = arith.constant 0 : i32
      %while3A_50 = arith.subi %shift_right_arithmetic3A_41, %while3A_49 : i32
      %while3A_51 = arith.addi %while3A_49, %while3A_50 : i32
      %while3A_52 = arith.constant 1 : i32
      %while3A_53 = arith.divsi %while3A_50, %while3A_52 : i32
      %while3A_54 = arith.muli %while3A_53, %while3A_52 : i32
      %while3A_55 = arith.addi %while3A_49, %while3A_54 : i32
      %while3A_56 = arith.constant 1 : i32
      %while3A_57 = scf.for %while3A_102 = %while3A_49 to %while3A_55 step %while3A_56 iter_args(%while3A_103 = %broadcast_in_dim3A_2) -> (vector<16xf32>)  : i32 {
        %mul3A_104 = arith.constant 16 : i32
        %mul3A_105 = arith.muli %while3A_102, %mul3A_104 : i32
        %get3A_106 = arith.index_cast %mul3A_105 : i32 to index
        %get3A_107 = tpu.vector_load %arg10[%get3A_106] {strides = array<i32>} : memref<544xf32, #tpu.memory_space<vmem>>, vector<16xf32>,
        %min3A = arith.minimumf %while3A_103, %get3A_107 : vector<16xf32>
        scf.yield %min3A : vector<16xf32>
      }
      %while3A_58 = arith.constant 1 : i32
      %while3A_59 = scf.for %while3A_102 = %while3A_55 to %while3A_51 step %while3A_58 iter_args(%while3A_103 = %while3A_57) -> (vector<16xf32>)  : i32 {
        %mul3A_104 = arith.constant 16 : i32
        %mul3A_105 = arith.muli %while3A_102, %mul3A_104 : i32
        %get3A_106 = arith.index_cast %mul3A_105 : i32 to index
        %get3A_107 = tpu.vector_load %arg10[%get3A_106] {strides = array<i32>} : memref<544xf32, #tpu.memory_space<vmem>>, vector<16xf32>,
        %min3A = arith.minimumf %while3A_103, %get3A_107 : vector<16xf32>
        scf.yield %min3A : vector<16xf32>
      }
      %reduce_min3A_60 = arith.constant true
      %reduce_min3A_61 = vector.broadcast %reduce_min3A_60 : i1 to vector<16xi1>
      %reduce_min3A_62 = tpu.scan <min>, %while3A_59 masked %reduce_min3A_61 : vector<16xf32>, vector<16xi1> -> vector<16xf32>
      %reduce_min3A_63 = vector.extract %reduce_min3A_62[15] : f32 from vector<16xf32>
      %broadcast_in_dim3A_64 = vector.broadcast %reduce_min3A_63 : f32 to vector<16xf32>
      %while3A_65 = arith.constant 0 : i32
      %while3A_66 = arith.constant -1 : i32
      %while3A_67:2 = scf.while (%while3A_102 = %while3A_65, %while3A_103 = %while3A_66) : (i32, i32) -> (i32, i32) {
        %lt3A = arith.constant 0 : i32
        %lt3A_104 = arith.cmpi slt, %while3A_103, %lt3A : i32
        scf.condition(%lt3A_104) %while3A_102, %while3A_103 : i32, i32
      } do {
      ^bb0(%while3A_102: i32, %while3A_103: i32):
        %mul3A_104 = arith.constant 16 : i32
        %mul3A_105 = arith.muli %while3A_102, %mul3A_104 : i32
        %get3A_106 = arith.index_cast %mul3A_105 : i32 to index
        %get3A_107 = tpu.vector_load %arg10[%get3A_106] {strides = array<i32>} : memref<544xf32, #tpu.memory_space<vmem>>, vector<16xf32>,
        %eq3A_108 = arith.cmpf oeq, %get3A_107, %broadcast_in_dim3A_64 : vector<16xf32>
        %all_reduce_ffs3A = tpu.all_reduce %eq3A_108 {dim = 0 : i64, kind = #tpu.reduction_kind<find_first_set>} : vector<16xi1> -> vector<16xi32>
        %slice3A = vector.extract_strided_slice %all_reduce_ffs3A {offsets = [0], sizes = [1], strides = [1]} : vector<16xi32> to vector<1xi32>
        %squeeze3A = vector.extract %slice3A[0] : i32 from vector<1xi32>
        %lt3A = arith.constant 16 : i32
        %lt3A_109 = arith.cmpi slt, %squeeze3A, %lt3A : i32
        %mul3A_110 = arith.constant 16 : i32
        %mul3A_111 = arith.muli %while3A_102, %mul3A_110 : i32
        %add3A_112 = arith.addi %mul3A_111, %squeeze3A : i32
        %select_n3A_113 = arith.select %lt3A_109, %add3A_112, %while3A_103 : i32
        %add3A_114 = arith.constant 1 : i32
        %add3A_115 = arith.addi %while3A_102, %add3A_114 : i32
        scf.yield %add3A_115, %select_n3A_113 : i32, i32
      }
      %mul3A_68 = arith.constant 16 : i32
      %mul3A_69 = arith.muli %while3A_67#1, %mul3A_68 : i32
      %get3A = arith.index_cast %mul3A_69 : i32 to index
      %get3A_70 = tpu.vector_load %arg8[%get3A] {strides = array<i32>} : memref<8208xf32, #tpu.memory_space<vmem>>, vector<16xf32>,
      %mul3A_71 = arith.constant 16 : i32
      %mul3A_72 = arith.muli %while3A_67#1, %mul3A_71 : i32
      %get3A_73 = arith.index_cast %mul3A_72 : i32 to index
      %get3A_74 = tpu.vector_load %arg9[%get3A_73] {strides = array<i32>} : memref<8208xi32, #tpu.memory_space<vmem>>, vector<16xi32>,
      %eq3A_75 = arith.cmpf oeq, %get3A_70, %broadcast_in_dim3A_64 : vector<16xf32>
      %select_n3A = arith.select %eq3A_75, %get3A_74, %broadcast_in_dim3A_4 : vector<16xi1>, vector<16xi32>
      %reduce_min3A_76 = arith.constant true
      %reduce_min3A_77 = vector.broadcast %reduce_min3A_76 : i1 to vector<16xi1>
      %reduce_min3A_78 = arith.constant -2147483648 : i32
      %reduce_min3A_79 = vector.broadcast %reduce_min3A_78 : i32 to vector<16xi32>
      %reduce_min3A_80 = arith.xori %select_n3A, %reduce_min3A_79 : vector<16xi32>
      %reduce_min3A_81 = tpu.scan <min>, %reduce_min3A_80 masked %reduce_min3A_77 : vector<16xi32>, vector<16xi1> -> vector<16xi32>
      %reduce_min3A_82 = arith.xori %reduce_min3A_81, %reduce_min3A_79 : vector<16xi32>
      %reduce_min3A_83 = vector.extract %reduce_min3A_82[15] : i32 from vector<16xi32>
      %broadcast_in_dim3A_84 = vector.broadcast %reduce_min3A_83 : i32 to vector<16xi32>
      %eq3A_85 = arith.cmpi eq, %get3A_74, %broadcast_in_dim3A_84 : vector<16xi32>
      %select_n3A_86 = arith.select %eq3A_85, %broadcast_in_dim3A_2, %get3A_70 : vector<16xi1>, vector<16xf32>
      %mul3A_87 = arith.constant 16 : i32
      %mul3A_88 = arith.muli %while3A_67#1, %mul3A_87 : i32
      %swap3A_89 = arith.index_cast %mul3A_88 : i32 to index
      %swap3A_90 = tpu.vector_load %arg8[%swap3A_89] {strides = array<i32>} : memref<8208xf32, #tpu.memory_space<vmem>>, vector<16xf32>,
      tpu.vector_store %arg8[%swap3A_89], %select_n3A_86 {strides = array<i32>} : memref<8208xf32, #tpu.memory_space<vmem>>, vector<16xf32>,
      %reduce_min3A_91 = arith.constant true
      %reduce_min3A_92 = vector.broadcast %reduce_min3A_91 : i1 to vector<16xi1>
      %reduce_min3A_93 = tpu.scan <min>, %select_n3A_86 masked %reduce_min3A_92 : vector<16xf32>, vector<16xi1> -> vector<16xf32>
      %reduce_min3A_94 = vector.extract %reduce_min3A_93[15] : f32 from vector<16xf32>
      %broadcast_in_dim3A_95 = vector.broadcast %reduce_min3A_94 : f32 to vector<16xf32>
      %swap3A_96 = arith.index_cast %while3A_67#1 : i32 to index
      %swap3A_97 = tpu.vector_load %arg10[%swap3A_96] masked %eq3A_1 {strides = array<i32>} : memref<544xf32, #tpu.memory_space<vmem>>, vector<16xf32>, vector<16xi1>
      tpu.vector_store %arg10[%swap3A_96], %broadcast_in_dim3A_95 masked %eq3A_1 {strides = array<i32>} : memref<544xf32, #tpu.memory_space<vmem>>, vector<16xf32>, vector<16xi1>
      %swap3A_98 = arith.index_cast %scan3A_48 : i32 to index
      %swap3A_99 = tpu.vector_load %arg12[%swap3A_98] masked %eq3A_1 {strides = array<i32>} : memref<272xf32, #tpu.memory_space<vmem>>, vector<16xf32>, vector<16xi1>
      tpu.vector_store %arg12[%swap3A_98], %broadcast_in_dim3A_64 masked %eq3A_1 {strides = array<i32>} : memref<272xf32, #tpu.memory_space<vmem>>, vector<16xf32>, vector<16xi1>
      %swap3A_100 = arith.index_cast %scan3A_48 : i32 to index
      %swap3A_101 = tpu.vector_load %arg11[%swap3A_100] masked %eq3A_1 {strides = array<i32>} : memref<272xi32, #tpu.memory_space<vmem>>, vector<16xi32>, vector<16xi1>
      tpu.vector_store %arg11[%swap3A_100], %broadcast_in_dim3A_84 masked %eq3A_1 {strides = array<i32>} : memref<272xi32, #tpu.memory_space<vmem>>, vector<16xi32>, vector<16xi1>
    }
    %scan3A_47 = arith.constant 256 : i32
    "tpu.region"() ({
      %run_scoped3A = tpu.sem_alloc : memref<!tpu.dma_semaphore, #tpu.memory_space<semaphore_mem>>
      %dma_start3A = arith.constant 0 : i32
      %dma_start3A_48 = tpu.memref_slice %arg12[%dma_start3A] : memref<272xf32, #tpu.memory_space<vmem>> -> memref<256xf32, #tpu.memory_space<vmem>>
      %dma_start3A_49 = arith.constant 0 : i32
      %dma_start3A_50 = tpu.memref_slice %arg4[%arg1, %dma_start3A_49] : memref<16x256xf32, #tpu.memory_space<hbm>> -> memref<1x256xf32, #tpu.memory_space<hbm>>
      %dma_start3A_51 = tpu.memref_squeeze %dma_start3A_50 : memref<1x256xf32, #tpu.memory_space<hbm>> -> memref<256xf32, #tpu.memory_space<hbm>>
      %dma_start3A_52 = arith.constant 0 : i32
      %dma_start3A_53 = tpu.memref_slice %arg4[%arg1, %dma_start3A_52] : memref<16x256xf32, #tpu.memory_space<hbm>> -> memref<1x256xf32, #tpu.memory_space<hbm>>
      %dma_start3A_54 = tpu.memref_squeeze %dma_start3A_53 : memref<1x256xf32, #tpu.memory_space<hbm>> -> memref<256xf32, #tpu.memory_space<hbm>>
      %dma_start3A_55 = arith.constant 0 : i32
      %dma_start3A_56 = tpu.memref_slice %arg12[%dma_start3A_55] : memref<272xf32, #tpu.memory_space<vmem>> -> memref<256xf32, #tpu.memory_space<vmem>>
      tpu.enqueue_dma source(%dma_start3A_56 : memref<256xf32, #tpu.memory_space<vmem>>) target(%dma_start3A_54 : memref<256xf32, #tpu.memory_space<hbm>>) target_semaphore(%run_scoped3A : memref<!tpu.dma_semaphore, #tpu.memory_space<semaphore_mem>>)
      %dma_wait3A = arith.constant 0 : i32
      %dma_wait3A_57 = tpu.memref_slice %arg12[%dma_wait3A] : memref<272xf32, #tpu.memory_space<vmem>> -> memref<256xf32, #tpu.memory_space<vmem>>
      %dma_wait3A_58 = arith.constant 0 : i32
      %dma_wait3A_59 = tpu.memref_slice %arg4[%arg1, %dma_wait3A_58] : memref<16x256xf32, #tpu.memory_space<hbm>> -> memref<1x256xf32, #tpu.memory_space<hbm>>
      %dma_wait3A_60 = tpu.memref_squeeze %dma_wait3A_59 : memref<1x256xf32, #tpu.memory_space<hbm>> -> memref<256xf32, #tpu.memory_space<hbm>>
      %dma_wait3A_61 = arith.constant 0 : i32
      %dma_wait3A_62 = tpu.memref_slice %arg4[%arg1, %dma_wait3A_61] : memref<16x256xf32, #tpu.memory_space<hbm>> -> memref<1x256xf32, #tpu.memory_space<hbm>>
      %dma_wait3A_63 = tpu.memref_squeeze %dma_wait3A_62 : memref<1x256xf32, #tpu.memory_space<hbm>> -> memref<256xf32, #tpu.memory_space<hbm>>
      %dma_wait3A_64 = arith.constant 0 : i32
      %dma_wait3A_65 = tpu.memref_slice %arg12[%dma_wait3A_64] : memref<272xf32, #tpu.memory_space<vmem>> -> memref<256xf32, #tpu.memory_space<vmem>>
      tpu.wait_dma2 semaphore(%run_scoped3A : memref<!tpu.dma_semaphore, #tpu.memory_space<semaphore_mem>>) src(%dma_wait3A_65 : memref<256xf32, #tpu.memory_space<vmem>>) dst(%dma_wait3A_63 : memref<256xf32, #tpu.memory_space<hbm>>)
      tpu.yield
    }) : () -> ()
    "tpu.region"() ({
      %run_scoped3A = tpu.sem_alloc : memref<!tpu.dma_semaphore, #tpu.memory_space<semaphore_mem>>
      %dma_start3A = arith.constant 0 : i32
      %dma_start3A_48 = tpu.memref_slice %arg11[%dma_start3A] : memref<272xi32, #tpu.memory_space<vmem>> -> memref<256xi32, #tpu.memory_space<vmem>>
      %dma_start3A_49 = arith.constant 0 : i32
      %dma_start3A_50 = tpu.memref_slice %arg5[%arg1, %dma_start3A_49] : memref<16x256xi32, #tpu.memory_space<hbm>> -> memref<1x256xi32, #tpu.memory_space<hbm>>
      %dma_start3A_51 = tpu.memref_squeeze %dma_start3A_50 : memref<1x256xi32, #tpu.memory_space<hbm>> -> memref<256xi32, #tpu.memory_space<hbm>>
      %dma_start3A_52 = arith.constant 0 : i32
      %dma_start3A_53 = tpu.memref_slice %arg5[%arg1, %dma_start3A_52] : memref<16x256xi32, #tpu.memory_space<hbm>> -> memref<1x256xi32, #tpu.memory_space<hbm>>
      %dma_start3A_54 = tpu.memref_squeeze %dma_start3A_53 : memref<1x256xi32, #tpu.memory_space<hbm>> -> memref<256xi32, #tpu.memory_space<hbm>>
      %dma_start3A_55 = arith.constant 0 : i32
      %dma_start3A_56 = tpu.memref_slice %arg11[%dma_start3A_55] : memref<272xi32, #tpu.memory_space<vmem>> -> memref<256xi32, #tpu.memory_space<vmem>>
      tpu.enqueue_dma source(%dma_start3A_56 : memref<256xi32, #tpu.memory_space<vmem>>) target(%dma_start3A_54 : memref<256xi32, #tpu.memory_space<hbm>>) target_semaphore(%run_scoped3A : memref<!tpu.dma_semaphore, #tpu.memory_space<semaphore_mem>>)
      %dma_wait3A = arith.constant 0 : i32
      %dma_wait3A_57 = tpu.memref_slice %arg11[%dma_wait3A] : memref<272xi32, #tpu.memory_space<vmem>> -> memref<256xi32, #tpu.memory_space<vmem>>
      %dma_wait3A_58 = arith.constant 0 : i32
      %dma_wait3A_59 = tpu.memref_slice %arg5[%arg1, %dma_wait3A_58] : memref<16x256xi32, #tpu.memory_space<hbm>> -> memref<1x256xi32, #tpu.memory_space<hbm>>
      %dma_wait3A_60 = tpu.memref_squeeze %dma_wait3A_59 : memref<1x256xi32, #tpu.memory_space<hbm>> -> memref<256xi32, #tpu.memory_space<hbm>>
      %dma_wait3A_61 = arith.constant 0 : i32
      %dma_wait3A_62 = tpu.memref_slice %arg5[%arg1, %dma_wait3A_61] : memref<16x256xi32, #tpu.memory_space<hbm>> -> memref<1x256xi32, #tpu.memory_space<hbm>>
      %dma_wait3A_63 = tpu.memref_squeeze %dma_wait3A_62 : memref<1x256xi32, #tpu.memory_space<hbm>> -> memref<256xi32, #tpu.memory_space<hbm>>
      %dma_wait3A_64 = arith.constant 0 : i32
      %dma_wait3A_65 = tpu.memref_slice %arg11[%dma_wait3A_64] : memref<272xi32, #tpu.memory_space<vmem>> -> memref<256xi32, #tpu.memory_space<vmem>>
      tpu.wait_dma2 semaphore(%run_scoped3A : memref<!tpu.dma_semaphore, #tpu.memory_space<semaphore_mem>>) src(%dma_wait3A_65 : memref<256xi32, #tpu.memory_space<vmem>>) dst(%dma_wait3A_63 : memref<256xi32, #tpu.memory_space<hbm>>)
      tpu.yield
    }) : () -> ()
    return
  }
}

module attributes {stable_mosaic.version = 14 : i64} {
  func.func @_dist_kernel(%arg0: i32, %arg1: memref<2048x3xf32, #tpu.memory_space<vmem>>, %arg2: memref<3x1024xf32, #tpu.memory_space<vmem>>, %arg3: memref<2048x1xf32, #tpu.memory_space<vmem>>, %arg4: memref<1x1024xf32, #tpu.memory_space<vmem>>, %arg5: memref<1024x2048xf32, #tpu.memory_space<vmem>>, %arg6: memref<2048xi32, #tpu.memory_space<vmem>>, %arg7: memref<1x1024x8xf32, #tpu.memory_space<vmem>>, %arg8: memref<1024xi32, #tpu.memory_space<vmem>>) attributes {dimension_semantics = [#tpu.dimension_semantics<arbitrary>], iteration_bounds = array<i64: 10>, scalar_prefetch = 0 : i64, scratch_operands = 0 : i64, tpu.core_type = #tpu.core_type<tc>, window_params = [{transform_indices = @transform_0, window_bounds = array<i64: 2048, 3>}, {pipeline_mode = #tpu.pipeline_mode<synchronous>, transform_indices = @transform_1, window_bounds = array<i64: 3, 1024>}, {transform_indices = @transform_2, window_bounds = array<i64: 2048, 1>}, {pipeline_mode = #tpu.pipeline_mode<synchronous>, transform_indices = @transform_3, window_bounds = array<i64: 1, 1024>}, {transform_indices = @transform_4, window_bounds = array<i64: 1024, 2048>}, {transform_indices = @transform_5, window_bounds = array<i64: 2048>}, {transform_indices = @transform_6, window_bounds = array<i64: 1, 1024, 8>}, {pipeline_mode = #tpu.pipeline_mode<synchronous>, transform_indices = @transform_7, window_bounds = array<i64: 1024>}]} {
    %get3A = arith.constant 0 : index
    %get3A_0 = arith.constant 0 : index
    %get3A_1 = vector.load %arg1[%get3A, %get3A_0] : memref<2048x3xf32, #tpu.memory_space<vmem>>, vector<2048x3xf32>
    %get3A_2 = arith.constant 0 : index
    %get3A_3 = arith.constant 0 : index
    %get3A_4 = vector.load %arg2[%get3A_2, %get3A_3] : memref<3x1024xf32, #tpu.memory_space<vmem>>, vector<3x1024xf32>
    %dot_general3A = arith.constant dense<0.000000e+00> : vector<2048x1024xf32>
    %dot_general3A_5 = tpu.matmul %get3A_1, %get3A_4, %dot_general3A {dimension_numbers = #tpu.dot_dimension_numbers<[1], [0], [0], [1], [0, 0, 1, 1], [], []>, transpose_lhs_hint = false} : vector<2048x3xf32>, vector<3x1024xf32>, vector<2048x1024xf32> -> vector<2048x1024xf32>
    %get3A_6 = arith.constant 0 : index
    %get3A_7 = arith.constant 0 : index
    %get3A_8 = vector.load %arg3[%get3A_6, %get3A_7] : memref<2048x1xf32, #tpu.memory_space<vmem>>, vector<2048x1xf32>
    %mul3A = arith.constant 2.000000e+00 : f32
    %mul3A_9 = vector.broadcast %mul3A : f32 to vector<2048x1024xf32>
    %mul3A_10 = arith.mulf %mul3A_9, %dot_general3A_5 : vector<2048x1024xf32>
    %sub3A = vector.broadcast %get3A_8 : vector<2048x1xf32> to vector<2048x1024xf32>
    %sub3A_11 = arith.subf %sub3A, %mul3A_10 : vector<2048x1024xf32>
    %get3A_12 = arith.constant 0 : index
    %get3A_13 = arith.constant 0 : index
    %get3A_14 = vector.load %arg4[%get3A_12, %get3A_13] : memref<1x1024xf32, #tpu.memory_space<vmem>>, vector<1x1024xf32>
    %add3A = vector.broadcast %get3A_14 : vector<1x1024xf32> to vector<2048x1024xf32>
    %add3A_15 = arith.addf %sub3A_11, %add3A : vector<2048x1024xf32>
    %max3A = arith.constant 0.000000e+00 : f32
    %max3A_16 = vector.broadcast %max3A : f32 to vector<2048x1024xf32>
    %max3A_17 = arith.maximumf %add3A_15, %max3A_16 : vector<2048x1024xf32>
    %iota3A = tpu.iota {dimensions = array<i32: 0>} : vector<2048x1xi32>
    %mul3A_18 = arith.constant 2048 : i32
    %mul3A_19 = arith.muli %arg0, %mul3A_18 : i32
    %add3A_20 = vector.broadcast %mul3A_19 : i32 to vector<2048x1xi32>
    %add3A_21 = arith.addi %add3A_20, %iota3A : vector<2048x1xi32>
    %lt3A = arith.constant 20000 : i32
    %lt3A_22 = vector.broadcast %lt3A : i32 to vector<2048x1xi32>
    %lt3A_23 = arith.cmpi slt, %add3A_21, %lt3A_22 : vector<2048x1xi32>
    %jit3A = arith.constant 2.000000e+30 : f32
    %broadcast_in_dim3A = vector.shape_cast %lt3A_23 : vector<2048x1xi1> to vector<2048x1xi1>
    %broadcast_in_dim3A_24 = vector.broadcast %broadcast_in_dim3A : vector<2048x1xi1> to vector<2048x1024xi1>
    %broadcast_in_dim3A_25 = vector.broadcast %jit3A : f32 to vector<2048x1024xf32>
    %select_n3A = arith.select %broadcast_in_dim3A_24, %max3A_17, %broadcast_in_dim3A_25 : vector<2048x1024xi1>, vector<2048x1024xf32>
    %reduce_min3A = arith.constant dense<0x7F800000> : vector<2048xf32>
    %reduce_min3A_26 = vector.multi_reduction <minimumf>, %select_n3A, %reduce_min3A [1] : vector<2048x1024xf32> to vector<2048xf32>
    %broadcast_in_dim3A_27 = vector.shape_cast %reduce_min3A_26 : vector<2048xf32> to vector<2048x1xf32>
    %iota3A_28 = tpu.iota {dimensions = array<i32: 1>} : vector<2048x1024xi32>
    %eq3A = vector.broadcast %broadcast_in_dim3A_27 : vector<2048x1xf32> to vector<2048x1024xf32>
    %eq3A_29 = arith.cmpf oeq, %select_n3A, %eq3A : vector<2048x1024xf32>
    %jit3A_30 = arith.constant 1024 : i32
    %broadcast_in_dim3A_31 = vector.broadcast %jit3A_30 : i32 to vector<2048x1024xi32>
    %select_n3A_32 = arith.select %eq3A_29, %iota3A_28, %broadcast_in_dim3A_31 : vector<2048x1024xi1>, vector<2048x1024xi32>
    %reduce_min3A_33 = arith.constant dense<2147483647> : vector<2048xi32>
    %reduce_min3A_34 = vector.multi_reduction <minsi>, %select_n3A_32, %reduce_min3A_33 [1] : vector<2048x1024xi32> to vector<2048xi32>
    %squeeze3A = vector.shape_cast %lt3A_23 : vector<2048x1xi1> to vector<2048xi1>
    %jit3A_35 = arith.constant 1024 : i32
    %broadcast_in_dim3A_36 = vector.broadcast %jit3A_35 : i32 to vector<2048xi32>
    %select_n3A_37 = arith.select %squeeze3A, %reduce_min3A_34, %broadcast_in_dim3A_36 : vector<2048xi1>, vector<2048xi32>
    %swap3A = arith.constant 0 : index
    %swap3A_38 = vector.load %arg6[%swap3A] : memref<2048xi32, #tpu.memory_space<vmem>>, vector<2048xi32>
    tpu.vector_store %arg6[%swap3A], %select_n3A_37 {strides = array<i32>} : memref<2048xi32, #tpu.memory_space<vmem>>, vector<2048xi32>,
    %transpose3A = tpu.transpose %select_n3A, [1, 0] : vector<2048x1024xf32> -> vector<1024x2048xf32>
    %swap3A_39 = arith.constant 0 : index
    %swap3A_40 = arith.constant 0 : index
    %swap3A_41 = vector.load %arg5[%swap3A_39, %swap3A_40] : memref<1024x2048xf32, #tpu.memory_space<vmem>>, vector<1024x2048xf32>
    tpu.vector_store %arg5[%swap3A_39, %swap3A_40], %transpose3A {strides = array<i32>} : memref<1024x2048xf32, #tpu.memory_space<vmem>>, vector<1024x2048xf32>,
    %reshape3A = vector.shape_cast %transpose3A : vector<1024x2048xf32> to vector<1024x8x256xf32>
    %reduce_min3A_42 = arith.constant dense<0x7F800000> : vector<1024x8xf32>
    %reduce_min3A_43 = vector.multi_reduction <minimumf>, %reshape3A, %reduce_min3A_42 [2] : vector<1024x8x256xf32> to vector<1024x8xf32>
    %ge3A = arith.constant 1.000000e+30 : f32
    %ge3A_44 = vector.broadcast %ge3A : f32 to vector<1024x8xf32>
    %ge3A_45 = arith.cmpf oge, %reduce_min3A_43, %ge3A_44 : vector<1024x8xf32>
    %jit3A_46 = arith.constant -1.000000e+00 : f32
    %broadcast_in_dim3A_47 = vector.broadcast %jit3A_46 : f32 to vector<1024x8xf32>
    %select_n3A_48 = arith.select %ge3A_45, %broadcast_in_dim3A_47, %reduce_min3A_43 : vector<1024x8xi1>, vector<1024x8xf32>
    %broadcast_in_dim3A_49 = vector.shape_cast %select_n3A_48 : vector<1024x8xf32> to vector<1x1024x8xf32>
    %swap3A_50 = arith.constant 0 : index
    %swap3A_51 = arith.constant 0 : index
    %swap3A_52 = arith.constant 0 : index
    %swap3A_53 = vector.load %arg7[%swap3A_50, %swap3A_51, %swap3A_52] : memref<1x1024x8xf32, #tpu.memory_space<vmem>>, vector<1x1024x8xf32>
    tpu.vector_store %arg7[%swap3A_50, %swap3A_51, %swap3A_52], %broadcast_in_dim3A_49 {strides = array<i32>} : memref<1x1024x8xf32, #tpu.memory_space<vmem>>, vector<1x1024x8xf32>,
    %iota3A_54 = tpu.iota {dimensions = array<i32: 0>} : vector<1024x2048xi32>
    %broadcast_in_dim3A_55 = vector.shape_cast %select_n3A_37 : vector<2048xi32> to vector<1x2048xi32>
    %eq3A_56 = vector.broadcast %broadcast_in_dim3A_55 : vector<1x2048xi32> to vector<1024x2048xi32>
    %eq3A_57 = arith.cmpi eq, %iota3A_54, %eq3A_56 : vector<1024x2048xi32>
    %convert_element_type3A = arith.extui %eq3A_57 : vector<1024x2048xi1> to vector<1024x2048xi32>
    %reduce_max3A = arith.constant dense<-2147483648> : vector<1024xi32>
    %reduce_max3A_58 = vector.multi_reduction <maxsi>, %convert_element_type3A, %reduce_max3A [1] : vector<1024x2048xi32> to vector<1024xi32>
    %eq3A_59 = arith.constant 0 : i32
    %eq3A_60 = arith.cmpi eq, %arg0, %eq3A_59 : i32
    %convert_element_type3A_61 = arith.extui %eq3A_60 : i1 to i32
    %cond3A = arith.constant 0 : i32
    %cond3A_62 = arith.cmpi ne, %convert_element_type3A_61, %cond3A : i32
    scf.if %cond3A_62 {
      %broadcast_in_dim3A_68 = arith.constant 0 : i32
      %broadcast_in_dim3A_69 = vector.broadcast %broadcast_in_dim3A_68 : i32 to vector<1024xi32>
      %swap3A_70 = arith.constant 0 : index
      %swap3A_71 = vector.load %arg8[%swap3A_70] : memref<1024xi32, #tpu.memory_space<vmem>>, vector<1024xi32>
      tpu.vector_store %arg8[%swap3A_70], %broadcast_in_dim3A_69 {strides = array<i32>} : memref<1024xi32, #tpu.memory_space<vmem>>, vector<1024xi32>,
    } else {
    }
    %get3A_63 = arith.constant 0 : index
    %get3A_64 = vector.load %arg8[%get3A_63] : memref<1024xi32, #tpu.memory_space<vmem>>, vector<1024xi32>
    %max3A_65 = arith.maxsi %get3A_64, %reduce_max3A_58 : vector<1024xi32>
    %swap3A_66 = arith.constant 0 : index
    %swap3A_67 = vector.load %arg8[%swap3A_66] : memref<1024xi32, #tpu.memory_space<vmem>>, vector<1024xi32>
    tpu.vector_store %arg8[%swap3A_66], %max3A_65 {strides = array<i32>} : memref<1024xi32, #tpu.memory_space<vmem>>, vector<1024xi32>,
    return
  }
  func.func @transform_0(%arg0: i32) -> (i32, i32) {
    %c0_i32 = arith.constant 0 : i32
    %c0_i32_0 = arith.constant 0 : i32
    return %arg0, %c0_i32 : i32, i32
  }
  func.func @transform_1(%arg0: i32) -> (i32, i32) {
    %c0_i32 = arith.constant 0 : i32
    %c0_i32_0 = arith.constant 0 : i32
    %c0_i32_1 = arith.constant 0 : i32
    return %c0_i32, %c0_i32_0 : i32, i32
  }
  func.func @transform_2(%arg0: i32) -> (i32, i32) {
    %c0_i32 = arith.constant 0 : i32
    %c0_i32_0 = arith.constant 0 : i32
    return %arg0, %c0_i32 : i32, i32
  }
  func.func @transform_3(%arg0: i32) -> (i32, i32) {
    %c0_i32 = arith.constant 0 : i32
    %c0_i32_0 = arith.constant 0 : i32
    %c0_i32_1 = arith.constant 0 : i32
    return %c0_i32, %c0_i32_0 : i32, i32
  }
  func.func @transform_4(%arg0: i32) -> (i32, i32) {
    %c0_i32 = arith.constant 0 : i32
    %c0_i32_0 = arith.constant 0 : i32
    return %c0_i32, %arg0 : i32, i32
  }
  func.func @transform_5(%arg0: i32) -> i32 {
    %c0_i32 = arith.constant 0 : i32
    return %arg0 : i32
  }
  func.func @transform_6(%arg0: i32) -> (i32, i32, i32) {
    %c0_i32 = arith.constant 0 : i32
    %c0_i32_0 = arith.constant 0 : i32
    %c0_i32_1 = arith.constant 0 : i32
    return %arg0, %c0_i32, %c0_i32_0 : i32, i32, i32
  }
  func.func @transform_7(%arg0: i32) -> i32 {
    %c0_i32 = arith.constant 0 : i32
    %c0_i32_0 = arith.constant 0 : i32
    return %c0_i32 : i32
  }
}

module attributes {stable_mosaic.version = 14 : i64} {
  func.func @_scores_e_kernel(%arg0: memref<1024x256xf32, #tpu.memory_space<vmem>>, %arg1: memref<256x1024xf32, #tpu.memory_space<vmem>>, %arg2: memref<1024x1xf32, #tpu.memory_space<vmem>>, %arg3: memref<1x1024xf32, #tpu.memory_space<vmem>>, %arg4: memref<1024x1024xf32, #tpu.memory_space<vmem>>, %arg5: memref<1x1024xf32, #tpu.memory_space<vmem>>) attributes {dimension_semantics = [], scalar_prefetch = 0 : i64, scratch_operands = 0 : i64, tpu.core_type = #tpu.core_type<tc>} {
    %get3A = arith.constant 0 : index
    %get3A_0 = arith.constant 0 : index
    %get3A_1 = vector.load %arg0[%get3A, %get3A_0] : memref<1024x256xf32, #tpu.memory_space<vmem>>, vector<1024x256xf32>
    %get3A_2 = arith.constant 0 : index
    %get3A_3 = arith.constant 0 : index
    %get3A_4 = vector.load %arg1[%get3A_2, %get3A_3] : memref<256x1024xf32, #tpu.memory_space<vmem>>, vector<256x1024xf32>
    %dot_general3A = arith.constant dense<0.000000e+00> : vector<1024x1024xf32>
    %dot_general3A_5 = tpu.matmul %get3A_1, %get3A_4, %dot_general3A {dimension_numbers = #tpu.dot_dimension_numbers<[1], [0], [0], [1], [0, 0, 1, 1], [], []>, transpose_lhs_hint = false} : vector<1024x256xf32>, vector<256x1024xf32>, vector<1024x1024xf32> -> vector<1024x1024xf32>
    %get3A_6 = arith.constant 0 : index
    %get3A_7 = arith.constant 0 : index
    %get3A_8 = vector.load %arg2[%get3A_6, %get3A_7] : memref<1024x1xf32, #tpu.memory_space<vmem>>, vector<1024x1xf32>
    %mul3A = arith.constant 2.000000e+00 : f32
    %mul3A_9 = vector.broadcast %mul3A : f32 to vector<1024x1024xf32>
    %mul3A_10 = arith.mulf %mul3A_9, %dot_general3A_5 : vector<1024x1024xf32>
    %sub3A = vector.broadcast %get3A_8 : vector<1024x1xf32> to vector<1024x1024xf32>
    %sub3A_11 = arith.subf %sub3A, %mul3A_10 : vector<1024x1024xf32>
    %get3A_12 = arith.constant 0 : index
    %get3A_13 = arith.constant 0 : index
    %get3A_14 = vector.load %arg3[%get3A_12, %get3A_13] : memref<1x1024xf32, #tpu.memory_space<vmem>>, vector<1x1024xf32>
    %add3A = vector.broadcast %get3A_14 : vector<1x1024xf32> to vector<1024x1024xf32>
    %add3A_15 = arith.addf %sub3A_11, %add3A : vector<1024x1024xf32>
    %max3A = arith.constant 0.000000e+00 : f32
    %max3A_16 = vector.broadcast %max3A : f32 to vector<1024x1024xf32>
    %max3A_17 = arith.maximumf %add3A_15, %max3A_16 : vector<1024x1024xf32>
    %neg3A = arith.constant 0.000000e+00 : f32
    %neg3A_18 = vector.broadcast %neg3A : f32 to vector<1024x1024xf32>
    %neg3A_19 = arith.subf %neg3A_18, %max3A_17 : vector<1024x1024xf32>
    %exp3A = math.exp %neg3A_19 : vector<1024x1024xf32>
    %swap3A = arith.constant 0 : index
    %swap3A_20 = arith.constant 0 : index
    %swap3A_21 = vector.load %arg4[%swap3A, %swap3A_20] : memref<1024x1024xf32, #tpu.memory_space<vmem>>, vector<1024x1024xf32>
    tpu.vector_store %arg4[%swap3A, %swap3A_20], %exp3A {strides = array<i32>} : memref<1024x1024xf32, #tpu.memory_space<vmem>>, vector<1024x1024xf32>,
    %reduce_sum3A = arith.constant dense<0.000000e+00> : vector<1024xf32>
    %reduce_sum3A_22 = vector.multi_reduction <add>, %exp3A, %reduce_sum3A [0] : vector<1024x1024xf32> to vector<1024xf32>
    %broadcast_in_dim3A = vector.shape_cast %reduce_sum3A_22 : vector<1024xf32> to vector<1x1024xf32>
    %max3A_23 = arith.constant 9.99999996E-13 : f32
    %max3A_24 = vector.broadcast %max3A_23 : f32 to vector<1x1024xf32>
    %max3A_25 = arith.maximumf %broadcast_in_dim3A, %max3A_24 : vector<1x1024xf32>
    %swap3A_26 = arith.constant 0 : index
    %swap3A_27 = arith.constant 0 : index
    %swap3A_28 = vector.load %arg5[%swap3A_26, %swap3A_27] : memref<1x1024xf32, #tpu.memory_space<vmem>>, vector<1x1024xf32>
    tpu.vector_store %arg5[%swap3A_26, %swap3A_27], %max3A_25 {strides = array<i32>} : memref<1x1024xf32, #tpu.memory_space<vmem>>, vector<1x1024xf32>,
    return
  }
}

module attributes {stable_mosaic.version = 14 : i64} {
  func.func @_dual_kernel(%arg0: memref<1024x1024xf32, #tpu.memory_space<vmem>>, %arg1: memref<1024x1xf32, #tpu.memory_space<vmem>>, %arg2: memref<1x1024xf32, #tpu.memory_space<vmem>>, %arg3: memref<1024x1xi32, #tpu.memory_space<vmem>>, %arg4: memref<1x1024xi32, #tpu.memory_space<vmem>>, %arg5: memref<1024x1024xf32, #tpu.memory_space<vmem>>, %arg6: memref<1x1024xf32, #tpu.memory_space<vmem>>) attributes {dimension_semantics = [], scalar_prefetch = 0 : i64, scratch_operands = 0 : i64, tpu.core_type = #tpu.core_type<tc>} {
    %get3A = arith.constant 0 : index
    %get3A_0 = arith.constant 0 : index
    %get3A_1 = vector.load %arg0[%get3A, %get3A_0] : memref<1024x1024xf32, #tpu.memory_space<vmem>>, vector<1024x1024xf32>
    %get3A_2 = arith.constant 0 : index
    %get3A_3 = arith.constant 0 : index
    %get3A_4 = vector.load %arg1[%get3A_2, %get3A_3] : memref<1024x1xf32, #tpu.memory_space<vmem>>, vector<1024x1xf32>
    %div3A = vector.broadcast %get3A_4 : vector<1024x1xf32> to vector<1024x1024xf32>
    %div3A_5 = arith.divf %get3A_1, %div3A : vector<1024x1024xf32>
    %get3A_6 = arith.constant 0 : index
    %get3A_7 = arith.constant 0 : index
    %get3A_8 = vector.load %arg2[%get3A_6, %get3A_7] : memref<1x1024xf32, #tpu.memory_space<vmem>>, vector<1x1024xf32>
    %div3A_9 = vector.broadcast %get3A_8 : vector<1x1024xf32> to vector<1024x1024xf32>
    %div3A_10 = arith.divf %get3A_1, %div3A_9 : vector<1024x1024xf32>
    %mul3A = arith.mulf %div3A_5, %div3A_10 : vector<1024x1024xf32>
    %get3A_11 = arith.constant 0 : index
    %get3A_12 = arith.constant 0 : index
    %get3A_13 = vector.load %arg3[%get3A_11, %get3A_12] : memref<1024x1xi32, #tpu.memory_space<vmem>>, vector<1024x1xi32>
    %gt3A = arith.constant 0 : i32
    %gt3A_14 = vector.broadcast %gt3A : i32 to vector<1024x1xi32>
    %gt3A_15 = arith.cmpi sgt, %get3A_13, %gt3A_14 : vector<1024x1xi32>
    %get3A_16 = arith.constant 0 : index
    %get3A_17 = arith.constant 0 : index
    %get3A_18 = vector.load %arg4[%get3A_16, %get3A_17] : memref<1x1024xi32, #tpu.memory_space<vmem>>, vector<1x1024xi32>
    %gt3A_19 = arith.constant 0 : i32
    %gt3A_20 = vector.broadcast %gt3A_19 : i32 to vector<1x1024xi32>
    %gt3A_21 = arith.cmpi sgt, %get3A_18, %gt3A_20 : vector<1x1024xi32>
    %and3A = vector.broadcast %gt3A_15 : vector<1024x1xi1> to vector<1024x1024xi1>
    %and3A_22 = vector.broadcast %gt3A_21 : vector<1x1024xi1> to vector<1024x1024xi1>
    %and3A_23 = arith.andi %and3A, %and3A_22 : vector<1024x1024xi1>
    %jit3A = arith.constant 0.000000e+00 : f32
    %broadcast_in_dim3A = vector.broadcast %jit3A : f32 to vector<1024x1024xf32>
    %select_n3A = arith.select %and3A_23, %mul3A, %broadcast_in_dim3A : vector<1024x1024xi1>, vector<1024x1024xf32>
    %swap3A = arith.constant 0 : index
    %swap3A_24 = arith.constant 0 : index
    %swap3A_25 = vector.load %arg5[%swap3A, %swap3A_24] : memref<1024x1024xf32, #tpu.memory_space<vmem>>, vector<1024x1024xf32>
    tpu.vector_store %arg5[%swap3A, %swap3A_24], %select_n3A {strides = array<i32>} : memref<1024x1024xf32, #tpu.memory_space<vmem>>, vector<1024x1024xf32>,
    %reduce_max3A = arith.constant dense<0xFF800000> : vector<1024xf32>
    %reduce_max3A_26 = vector.multi_reduction <maximumf>, %select_n3A, %reduce_max3A [0] : vector<1024x1024xf32> to vector<1024xf32>
    %broadcast_in_dim3A_27 = vector.shape_cast %reduce_max3A_26 : vector<1024xf32> to vector<1x1024xf32>
    %swap3A_28 = arith.constant 0 : index
    %swap3A_29 = arith.constant 0 : index
    %swap3A_30 = vector.load %arg6[%swap3A_28, %swap3A_29] : memref<1x1024xf32, #tpu.memory_space<vmem>>, vector<1x1024xf32>
    tpu.vector_store %arg6[%swap3A_28, %swap3A_29], %broadcast_in_dim3A_27 {strides = array<i32>} : memref<1x1024xf32, #tpu.memory_space<vmem>>, vector<1x1024xf32>,
    return
  }
}

</mosaic_0001>

<sc_bundles>
// kernel: kernel.10.cloned.1.call-start
scs
__scs_entry_jumppad:
0x0: {  	(pc) =	sbr.rel $0x88, $3  }
0x1: {  	(tag) =	ssettag $0x0;
	lr =	simm.s32 $0x1  }
0x2: {  	[smem:$0x3F9B] =	sst lr;
	_ =	strace $0xD0000000  }
0x3: {  	_ = 	snop  }
0x4: {  	_ = 	snop  }
0x5: {  	_ = 	snop  }
0x6: {  	_ = 	snop  }
0x7: {  	_ = 	snop  }
__scs_overlays_trampoline_lowered:
0x8: {  	[smem:$0x3FAA] =	sst s0  }
0x9: {  	[smem:$0x3FAB] =	sst s1  }
0xa: {  	[smem:$0x3FAC] =	sst s2  }
0xb: {  	[smem:$0x3FAD] =	sst s3  }
0xc: {  	[smem:$0x3FAE] =	sst s4  }
0xd: {  	[smem:$0x3FAF] =	sst s5  }
0xe: {  	[smem:$0x3FB0] =	sst s6  }
0xf: {  	[smem:$0x3FB1] =	sst s7  }
0x10: {  	[smem:$0x3FB2] =	sst s8  }
0x11: {  	[smem:$0x3FB3] =	sst s9;
	s0 =	simm.s32 @!p0 $0x0  }
0x12: {  	s1 =	sld [smem:$0x3F99];
	s0 =	simm.s32 @p0 $0x1  }
0x13: {  	[smem:$0x3FB4] =	sst s0;
	s0 =	simm.s32 @!p1 $0x0  }
0x14: {  	s2 =	sld [smem:$0x3F98];
	s0 =	simm.s32 @p1 $0x1  }
0x15: {  	[smem:$0x3FB5] =	sst s0;
	s0 =	simm.s32 @!p2 $0x0  }
0x16: {  	s3 =	sld [smem:$0x3FDB];
	s0 =	simm.s32 @p2 $0x1  }
0x17: {  	s4 =	simm.s32 $0x1BF5;
	[smem:$0x3FB7] =	sst s0  }
0x18: {  	s0 =	sld [smem:$0x3F9A];
	_ =	swait.ge [sflag:s4], $0x0  }
0x19: {  	s7 =	sld [smem:$0x3F9B]  }
0x1a: {  	s8 =	sadd.s32 $0xFFFFE003, lr  }
0x1b: {  	s9 =	sadd.s32 $0xFFFFFEF7, lr;
	s5 =	simm.s32 $0xFFFFFFFF;
	p2 =	slt.u32 s8, $0xFFFFF086  }
0x1c: {  	p1 =	slt.u32 s9, $0xF7A;
	s5 =	simm.s32 @!p2 $0x0  }
0x1d: {  	s5 =	simm.s32 @p1 $0x1;
	p0 =	seq.s32 s7, s2  }
0x1e: {  	s7 =	smul.u32 @!p0 $0xF7A, s2;
	p2 =	seq.s32 @!p0 s5, $0x0  }
0x1f: {  	s9 =	smul.u32 $0xF7A, s1;
	s8 =	simm.s32 @!p0 $0x1BF5;
	p2 =	por !p2, p0  }
0x20: {  	[sflag:s8] =	ssyncset.s32 @!p0 $0xFFFFF086;
	s6 =	sadd.s32 @!p0 s3, s7;
	s7 =	simm.s32 @!p0 $0x108  }
0x21: {  	s3 =	sadd.s32 s3, s9;
	s6 =	sadd.s32 @!p0 $0x88, s6;
	s7 =	simm.s32 @p2 $0x1082  }
0x22: {  	[simem:s7], [sflag:s8] =	dma.local @!p0 [hbm:s6], $0xF7A  }
0x23: {  	s9 =	sor.u32 $0xD0000000, s2;
	s6 =	simm.s32 $0x108;
	_ =	swait.ge @!p0 [sflag:s8], $0x0  }
0x24: {  	s3 =	sadd.s32 $0x88, s3;
	s6 =	simm.s32 @!p1 $0x1082;
	[sflag:s4] =	ssyncset.s32 $0xFFFFF086  }
0x25: {  	[simem:s6], [sflag:s4] =	dma.local [hbm:s3], $0xF7A  }
0x26: {  	[smem:$0x3F9B] =	sst s1;
	(tag) =	ssettag s2;
	_ =	strace s9  }
0x27: {  	s1 =	sld [smem:$0x3FAB]  }
0x28: {  	s2 =	sld [smem:$0x3FAC]  }
0x29: {  	s4 =	sld [smem:$0x3FAE]  }
0x2a: {  	p0 =	seq.s32 s5, $0x0;
	s5 =	sld [smem:$0x3FAF]  }
0x2b: {  	s6 =	sld [smem:$0x3FB0]  }
0x2c: {  	s7 =	sld [smem:$0x3FB1]  }
0x2d: {  	s3 =	simm.s32 $0x108;
	s8 =	sld [smem:$0x3FB2]  }
0x2e: {  	s3 =	simm.s32 @!p0 $0x1082;
	s9 =	sld [smem:$0x3FB3]  }
0x2f: {  	lr =	sadd.s32 s0, s3;
	s0 =	sld [smem:$0x3FAA]  }
0x30: {  	s3 =	sld [smem:$0x3FAD]  }
0x31: {  	[smem:$0x3FB6] =	sst s10  }
0x32: {  	s10 =	sld [smem:$0x3FB4];
	_ =	sdelay $0x3  }
0x33: {  	p0 =	seq.s32 s10, $0x1;
	s10 =	sld [smem:$0x3FB6];
	_ =	sdelay $0x3  }
0x34: {  	[smem:$0x3FB6] =	sst s10  }
0x35: {  	s10 =	sld [smem:$0x3FB5];
	_ =	sdelay $0x3  }
0x36: {  	p1 =	seq.s32 s10, $0x1;
	s10 =	sld [smem:$0x3FB6];
	_ =	sdelay $0x3  }
0x37: {  	[smem:$0x3FB6] =	sst s10  }
0x38: {  	s10 =	sld [smem:$0x3FB7]  }
0x39: {  	_ = 	snop;
	(pc) =	sbr.ind lr, $3  }
0x3a: {  	_ = 	snop  }
0x3b: {  	_ = 	snop  }
0x3c: {  	p2 =	seq.s32 s10, $0x1;
	s10 =	sld [smem:$0x3FB6]  }
0x3d: {  	_ =	shalt  }
0x3e: {  	_ =	shalt  }
0x3f: {  	_ =	shalt  }
0x40: {  	_ =	shalt  }
0x41: {  	_ =	shalt  }
0x42: {  	_ =	shalt  }
0x43: {  	_ =	shalt  }
0x44: {  	_ =	shalt  }
0x45: {  	_ =	shalt  }
0x46: {  	_ =	shalt  }
0x47: {  	_ =	shalt  }
0x48: {  	_ =	shalt  }
0x49: {  	_ =	shalt  }
0x4a: {  	_ =	shalt  }
0x4b: {  	_ =	shalt  }
0x4c: {  	_ =	shalt  }
0x4d: {  	_ =	shalt  }
0x4e: {  	_ =	shalt  }
0x4f: {  	_ =	shalt  }
0x50: {  	_ =	shalt  }
0x51: {  	_ =	shalt  }
0x52: {  	_ =	shalt  }
0x53: {  	_ =	shalt  }
0x54: {  	_ =	shalt  }
0x55: {  	_ =	shalt  }
0x56: {  	_ =	shalt  }
0x57: {  	_ =	shalt  }
0x58: {  	_ =	shalt  }
0x59: {  	_ =	shalt  }
0x5a: {  	_ =	shalt  }
0x5b: {  	_ =	shalt  }
0x5c: {  	_ =	shalt  }
0x5d: {  	_ =	shalt  }
0x5e: {  	_ =	shalt  }
0x5f: {  	_ =	shalt  }
0x60: {  	_ =	shalt  }
0x61: {  	_ =	shalt  }
0x62: {  	_ =	shalt  }
0x63: {  	_ =	shalt  }
0x64: {  	_ =	shalt  }
0x65: {  	_ =	shalt  }
0x66: {  	_ =	shalt  }
0x67: {  	_ =	shalt  }
0x68: {  	_ =	shalt  }
0x69: {  	_ =	shalt  }
0x6a: {  	_ =	shalt  }
0x6b: {  	_ =	shalt  }
0x6c: {  	_ =	shalt  }
0x6d: {  	_ =	shalt  }
0x6e: {  	_ =	shalt  }
0x6f: {  	_ =	shalt  }
0x70: {  	_ =	shalt  }
0x71: {  	_ =	shalt  }
0x72: {  	_ =	shalt  }
0x73: {  	_ =	shalt  }
0x74: {  	_ =	shalt  }
0x75: {  	_ =	shalt  }
0x76: {  	_ =	shalt  }
0x77: {  	_ =	shalt  }
0x78: {  	_ =	shalt  }
0x79: {  	_ =	shalt  }
0x7a: {  	_ =	shalt  }
0x7b: {  	_ =	shalt  }
0x7c: {  	_ =	shalt  }
0x7d: {  	_ =	shalt  }
0x7e: {  	_ =	shalt  }
0x7f: {  	_ =	shalt  }
0x80: {  	_ =	shalt  }
0x81: {  	_ =	shalt  }
0x82: {  	_ =	shalt  }
0x83: {  	_ =	shalt  }
0x84: {  	_ =	shalt  }
0x85: {  	_ =	shalt  }
0x86: {  	_ =	shalt  }
0x87: {  	_ =	shalt  }
.Lfunc_end0:
.L_simem_size_0:
called_computation_lowered:
.L_overlay_start_0:
0x88: {  	s2 =	sld [smem:$0x3FD9]  }
0x89: {  	s3 =	sld [smem:$0x3FFE];
	_ =	sdelay $0x1  }
0x8a: {  	s1 =	srdreg.scid  }
0x8b: {  	s0 =	sand.u32 $0x1, s1  }
0x8c: {  	s14 =	sshll.u32 s0, $0xA;
	s2 =	sadd.s32 s3, s2  }
0x8d: {  	s2 =	sadd.s32 s2, s14  }
0x8e: {  	[smem:$0x3FC2] =	sst s2  }
0x8f: {  	_ = 	snop  }
0x90: {  	s2 =	sld [smem:$0x3FD0];
	_ =	sdelay $0x2  }
0x91: {  	s15 =	simm.s32 $0xA;
	s4 =	simm.s32 $0x10  }
0x92: {  	[smem:s4], [sflag:s15] =	dma.local [hbm:s2], $0x1  }
0x93: {  	_ =	swait.eq [sflag:s15], $0x1  }
0x94: {  	s16 =	sld [smem:$0x10];
	[sflag:s15] =	ssyncset.done $0x0  }
0x95: {  	s17 =	sld [smem:$0x14];
	[sflag:s15] =	ssyncadd.s32 $0xFFFFFFFF  }
0x96: {  	s18 =	sld [smem:$0x15];
	(tm) =	ssettm $0x1  }
0x97: {  	s5 =	sld [smem:$0x3FFB];
	_ =	sdelay $0x3  }
0x98: {  	_ =	strace s5  }
0x99: {  	s5 =	sld [smem:$0x3FFC];
	_ =	sdelay $0x3  }
0x9a: {  	_ =	strace s5  }
0x9b: {  	s5 =	sld [smem:$0x3FFD];
	_ =	sdelay $0x3  }
0x9c: {  	_ =	strace s5  }
0x9d: {  	_ =	strace $0x8FFFFFFF  }
0x9e: {  	s19 =	sld [smem:$0x3FDB];
	_ =	sdelay $0x1  }
0x9f: {  	s6 =	simm.s32 $_scs_section_size  }
0xa0: {  	s7 =	simm.s32 $_size__tile_overlayer_lowered;
	s8 =	simm.s32 $_tile_overlayer_lowered  }
0xa1: {  	s22 =	simm.s32 $0x1BFF;
	s21 =	sshll.u32 s8, $0x1;
	s5 =	sadd.s32 s6, s19  }
0xa2: {  	s9 =	simm.s32 $0x0;
	s20 =	sshll.u32 s7, $0x1;
	s7 =	sadd.s32 s21, s5  }
0xa3: {  	[timem:s9], [sflag:s22] =	dma.local [hbm:s7], s20  }
0xa4: {  	_ =	swait.ge [sflag:s22], s20  }
0xa5: {  	s6 =	ssub.s32 $0x0, s20;
	[sflag:s22] =	ssyncset.done $0x0  }
0xa6: {  	[sflag:s22] =	ssyncadd.s32 s6;
	_ =	sdelay $0x1  }
0xa7: {  	s23 =	simm.s32 $0x1B8B  }
0xa8: {  	_ =	swait.ge [sflag:s23], $0x1  }
0xa9: {  	[sflag:s23] =	ssyncset.done $0x0  }
0xaa: {  	s25 =	simm.s32 $0x1B8E;
	s24 =	sld [smem:$0x3FFE];
	[sflag:s23] =	ssyncadd.s32 $0xFFFFFFFF  }
0xab: {  	s26 =	simm.s32 $execute0_lowered;
	[smem:$0x3FD2] =	sst s25  }
0xac: {  	s7 =	sshll.u32 s26, $0x1;
	_ =	strace $0x80000046;
	[dreg:$0x1] =	wrdreg $0xFFFFFFFF  }
0xad: {  	s28 =	simm.s32 $_size_execute0_lowered;
	s5 =	sadd.s32 s5, s7;
	[dreg:$0x0] =	wrdreg $0x0  }
0xae: {  	s7 =	sshll.u32 s28, $0x1;
	[dreg:$0x2] =	wrdreg s5  }
0xaf: {  	[dreg:$0x3] =	wrdreg s7  }
0xb0: {  	[dreg:$0x4] =	wrdreg $0xC0  }
0xb1: {  	_ =	task [dreg:s9], $0x5FFFF  }
0xb2: {  	[dreg:$0x1] =	wrdreg $0xFFFFFFFF  }
0xb3: {  	[dreg:$0x0] =	wrdreg $0x60  }
0xb4: {  	[dreg:$0x2] =	wrdreg s24  }
0xb5: {  	[dreg:$0x3] =	wrdreg s18  }
0xb6: {  	[dreg:$0x4] =	wrdreg s16  }
0xb7: {  	[dreg:$0x5] =	wrdreg s17  }
0xb8: {  	[dreg:$0x6] =	wrdreg $0x9  }
0xb9: {  	_ =	task.clear_ibuf [dreg:s9], $0x7FFFF;
	_ =	strace $0x90000046  }
0xba: {  	s29 =	simm.s32 $0x9;
	_ =	strace $0x80000048  }
0xbb: {  	_ =	swait.ge [sflag:s29], $0x1  }
0xbc: {  	[sflag:s29] =	ssyncadd.s32 $0xFFFFFFFF  }
0xbd: {  	_ =	strace $0x90000048  }
0xbe: {  	_ =	sfence  }
0xbf: {  	s30 =	sld [smem:$0x0];
	_ =	sdelay $0x2  }
0xc0: {  	s31 =	sshll.u32 s1, $0xD;
	s1 =	sshrl.u32 s1, $0x2  }
0xc1: {  	s3 =	sand.u32 $0x4000, s31;
	s1 =	sadd.s32 s1, s30  }
0xc2: {  	s0 =	sor.u32 s3, s0;
	s1 =	sshll.u32 s1, $0x11  }
0xc3: {  	s0 =	sor.u32 s1, s0  }
0xc4: {  	s0 =	sadd.s32 $0x8F2B, s0  }
0xc5: {  	[sflag:s0] =	ssyncadd.remote.s32 $0x1  }
0xc6: {  	_ =	sfence.sel $0xFFFF  }
0xc7: {  	[dreg:$0x0] =	wrdreg $0xFFFFFFFF;
	(pc) =	sbr.abs _section_cstart, $3  }
0xc8: {  	[dreg:$0x1] =	wrdreg $0xFFFFFFFF  }
0xc9: {  	_ =	task.clear_ibuf [dreg:s9], $0x2FFFF;
	_ =	strace $0x9FFFFFFF  }
0xca: {  	(tm) =	ssettm $0x7FFFFFFF  }
0xcb: {  	_ =	shalt  }
tec
execute0_lowered:
.L_overlay_start_1:
0x0: {  	(tag) =	ssettag $0x1  }
0x1: {  	s8 =	rddreg [dreg:$0x0]  }
0x2: {  	s1 =	rddreg [dreg:$0x1]  }
0x3: {  	s2 =	rddreg [dreg:$0x2]  }
0x4: {  	s3 =	rddreg [dreg:$0x3];
	s4 =	simm.s32 $0x0;
	s5 =	srdreg.scid  }
0x5: {  	s12 =	simm.s32 $0xE500;
	s13 =	simm.s32 $0x80;
	s14 =	simm.s32 $0x400  }
0x6: {  	v0 =	vlaneseq.u32;
	s15 =	simm.s32 $0x5000;
	s16 =	simm.s32 $0xA000;
	s17 =	simm.s32 $0x1CF80  }
0x7: {  	s18 =	simm.s32 $0xE480;
	s19 =	simm.s32 $0x0;
	[smem:$0x7FF] =	sst s4;
	v1 =	vmul.u32 $0x3, v0  }
.Ltmp0:
0x8: {  	v2 =	vimm.f32 $3.000000010e+38;
	s9 =	sand.u32 $0x1, s5;
	s6 =	sadd.s32 $0xEE600, s8;
	(pc) =	sbr.rel .LBB2_1-.Ltmp0, $4  }
0x9: {  	v3 =	vimm.s32 $0x40000000;
	s7 =	sadd.s32 $0x2400, s8;
	s5 =	stileid.u32;
	s10 =	ssub.s32 $0x2, s9;
	v4 =	vadd.s32 $0x1, v1;
	v5 =	vadd.s32 $0x2, v1  }
0xa: {  	s8 =	sadd.s32 $0x6400, s8;
	_ =	strace $0x80000047;
	s11 =	sshrl.u32 s10, $0x1;
	v6 =	vadd.s32 $0x30, v1;
	v7 =	vadd.s32 $0x31, v1;
	v8 =	vadd.s32 $0x32, v1  }
0xb: {  	s31 =	sshll.u32 s5, $0x6;
	s9 =	sshll.u32 s9, $0x5;
	v9 =	vadd.s32 $0x60, v1;
	v10 =	vadd.s32 $0x61, v1;
	v11 =	vadd.s32 $0x62, v1;
	s10 =	ssub.s32 s10, s11  }
0xc: {  	s9 =	sor.u32 s9, s31;
	v12 =	vadd.s32 $0x90, v1;
	v13 =	vadd.s32 $0x91, v1;
	v14 =	vadd.s32 $0x92, v1;
	s11 =	simm.s32 $0x1;
	s10 =	smax.u32 s10, $0x1  }
.LBB2_20:
0xd: {  	s19 =	sadd.s32 $0x1, s19  }
0xe: {  	p0 =	sne.s32 s19, s10  }
.Ltmp1:
0xf: {  	_ = 	snop;
	(pc) =	sbr.rel @!p0 .LBB2_21-.Ltmp1, $1  }
0x10: {  	_ =	sdelay $0x3  }
.LBB2_1:
0x11: {  	[tilespmem:s4], [sflag:$0x1] =	stream.linear.gather [hbm4b:s2+s4], $0x5000, $0x38;
	[tilespmem:$0x1D080] =	vst v63  }
0x12: {  	_ =	swait.ge [sflag:s11], $0x5000  }
0x13: {  	[sflag:s11] =	ssyncset.done $0x0  }
0x14: {  	[sflag:s11] =	ssyncadd.s32 $0xFFFFB000  }
0x15: {  	[tilespmem:s12], [sflag:$0x1] =	stream.linear.gather [hbm4b:s3+s4], $0xEA80, $0x38;
	[tilespmem:$0x1D080] =	vst v63  }
0x16: {  	_ =	swait.ge [sflag:s11], $0xEA80  }
0x17: {  	[sflag:s11] =	ssyncset.done $0x0  }
0x18: {  	s20 =	simm.s32 $0x0;
	[sflag:s11] =	ssyncadd.s32 $0xFFFF1580  }
.LBB2_2:
0x19: {  	s24 =	sadd.s32 s9, s20  }
0x1a: {  	s21 =	sshrl.u32 s24, $0x3  }
0x1b: {  	s22 =	sshll.u32 s20, $0x7;
	s23 =	smul.u32 $0x28000, s21  }
0x1c: {  	s22 =	sand.u32 $0x380, s22  }
0x1d: {  	s23 =	sor.u32 s22, s23  }
0x1e: {  	s23 =	sshrl.u32 s23, $0x3  }
0x1f: {  	s26 =	sshll.u32 s21, $0xA;
	s23 =	sadd.s32 s6, s23  }
0x20: {  	[tilespmem:s15], [sflag:$0x1] =	stream.strided.gather [hbm4b:s23+s13], $0x5000, s14, s13, $0x38;
	[tilespmem:$0x1D080] =	vst v63  }
0x21: {  	s23 =	sor.u32 s22, s26;
	_ =	swait.ge [sflag:s11], $0x5000  }
0x22: {  	s23 =	sshrl.u32 s23, $0x3;
	[sflag:s11] =	ssyncset.done $0x0  }
0x23: {  	s26 =	simm.s32 $0x0;
	s25 =	sadd.s32 s1, s23;
	[sflag:s11] =	ssyncadd.s32 $0xFFFFB000  }
0x24: {  	[tilespmem:s16], [sflag:$0x1] =	stream.linear.gather [hbm4b:s25+s26], $0x80, $0x38;
	[tilespmem:$0x1D080] =	vst v63  }
0x25: {  	_ =	swait.ge [sflag:s11], $0x80  }
0x26: {  	[sflag:s11] =	ssyncset.done $0x0  }
0x27: {  	[sflag:s11] =	ssyncadd.s32 $0xFFFFFF80  }
0x28: {  	v15 =	vld [tilespmem:$0xA000]  }
0x29: {  	v16 =	vld [tilespmem:$0xA010]  }
0x2a: {  	v17 =	vld [tilespmem:$0xA020]  }
0x2b: {  	v18 =	vld [tilespmem:$0xA030]  }
0x2c: {  	v19 =	vld [tilespmem:$0xA040]  }
0x2d: {  	v15 =	vmax.f32 v15, $-1.000000000e+00  }
0x2e: {  	v15 =	vmax.f32 v15, v16  }
0x2f: {  	v15 =	vmax.f32 v15, v17  }
0x30: {  	v15 =	vmax.f32 v15, v18  }
0x31: {  	v15 =	vmax.f32 v15, v19  }
0x32: {  	(xrf0) =	vmax.scan.msk.f32 $0xffff, v15;
	_ =	sdelay $0x2  }
0x33: {  	s25 =	simm.s32 $0x5040  }
0x34: {  	v16 =	vld [tilespmem:s25+$0xFFFFFFC0];
	_ =	sdelay $0x1  }
0x35: {  	v15, _, _ =	vpop (xrf0)  }
0x36: {  	v15 =	vbroadcast v15, $0xF;
	_ =	sdelay $0x1  }
0x37: {  	s28 =	simm.s32 $0x0;
	vm0 =	vle.f32 v16, v15  }
0x38: {  	[tilespmem:s26+$0xA080] =	vst.msk vm0, v16;
	v16 =	vor.u32 s28, v0;
	v17 =	vmpcnt.ones.xlane vm0  }
0x39: {  	[tilespmem:s26+$0xC100] =	vst.msk vm0, v16  }
0x3a: {  	v16 =	vld [tilespmem:s25+$0xFFFFFFD0];
	(v2sf) =	vpush v17, $0x0;
	_ =	sdelay $0x4  }
0x3b: {  	vm9 =	vle.f32 v16, v15  }
0x3c: {  	v17 =	vmpcnt.ones.xlane vm9;
	_ =	sdelay $0x1  }
0x3d: {  	(v2sf) =	vpush v17, $0x0;
	_ =	sdelay $0x6  }
0x3e: {  	s28 =	spop (v2sf)  }
0x3f: {  	s26 =	sadd.s32 $0x0, s28  }
0x40: {  	p0 =	slt.s32 s26, $0x2000  }
0x41: {  	s29 =	simm.s32 $0x10;
	s26 =	simm.s32 @!p0 $0x2000  }
0x42: {  	[tilespmem:s26+$0xA080] =	vst.msk vm9, v16;
	v16 =	vor.u32 s29, v0  }
0x43: {  	[tilespmem:s26+$0xC100] =	vst.msk vm9, v16  }
0x44: {  	v16 =	vld [tilespmem:s25+$0xFFFFFFE0];
	_ =	sdelay $0x1  }
0x45: {  	s0 =	spop (v2sf)  }
0x46: {  	s26 =	sadd.s32 s26, s0  }
0x47: {  	p0 =	slt.s32 s26, $0x2000  }
0x48: {  	s29 =	simm.s32 $0x20;
	s26 =	simm.s32 @!p0 $0x2000;
	vm10 =	vle.f32 v16, v15  }
0x49: {  	[tilespmem:s26+$0xA080] =	vst.msk vm10, v16;
	v16 =	vor.u32 s29, v0;
	v17 =	vmpcnt.ones.xlane vm10  }
0x4a: {  	[tilespmem:s26+$0xC100] =	vst.msk vm10, v16  }
0x4b: {  	v16 =	vld [tilespmem:s25+$0xFFFFFFF0];
	(v2sf) =	vpush v17, $0x0;
	_ =	sdelay $0x4  }
0x4c: {  	vm11 =	vle.f32 v16, v15  }
0x4d: {  	v17 =	vmpcnt.ones.xlane vm11;
	_ =	sdelay $0x1  }
0x4e: {  	(v2sf) =	vpush v17, $0x0;
	_ =	sdelay $0x6  }
0x4f: {  	s0 =	spop (v2sf)  }
0x50: {  	s26 =	sadd.s32 s26, s0  }
0x51: {  	p0 =	slt.s32 s26, $0x2000  }
0x52: {  	s29 =	simm.s32 $0x30;
	s26 =	simm.s32 @!p0 $0x2000  }
0x53: {  	[tilespmem:s26+$0xA080] =	vst.msk vm11, v16;
	v16 =	vor.u32 s29, v0  }
0x54: {  	[tilespmem:s26+$0xC100] =	vst.msk vm11, v16  }
0x55: {  	v16 =	vld [tilespmem:s25+$0x0];
	_ =	sdelay $0x1  }
0x56: {  	s0 =	spop (v2sf)  }
0x57: {  	s26 =	sadd.s32 s26, s0  }
0x58: {  	p0 =	slt.s32 s26, $0x2000  }
0x59: {  	s29 =	simm.s32 $0x40;
	s26 =	simm.s32 @!p0 $0x2000;
	vm12 =	vle.f32 v16, v15  }
0x5a: {  	[tilespmem:s26+$0xA080] =	vst.msk vm12, v16;
	v16 =	vor.u32 s29, v0;
	v17 =	vmpcnt.ones.xlane vm12  }
0x5b: {  	[tilespmem:s26+$0xC100] =	vst.msk vm12, v16  }
0x5c: {  	v16 =	vld [tilespmem:s25+$0x10];
	(v2sf) =	vpush v17, $0x0;
	_ =	sdelay $0x4  }
0x5d: {  	vm13 =	vle.f32 v16, v15  }
0x5e: {  	v17 =	vmpcnt.ones.xlane vm13;
	_ =	sdelay $0x1  }
0x5f: {  	(v2sf) =	vpush v17, $0x0;
	_ =	sdelay $0x6  }
0x60: {  	s0 =	spop (v2sf)  }
0x61: {  	s26 =	sadd.s32 s26, s0  }
0x62: {  	p0 =	slt.s32 s26, $0x2000  }
0x63: {  	s29 =	simm.s32 $0x50;
	s26 =	simm.s32 @!p0 $0x2000  }
0x64: {  	[tilespmem:s26+$0xA080] =	vst.msk vm13, v16;
	v16 =	vor.u32 s29, v0  }
0x65: {  	[tilespmem:s26+$0xC100] =	vst.msk vm13, v16  }
0x66: {  	v16 =	vld [tilespmem:s25+$0x20];
	_ =	sdelay $0x1  }
0x67: {  	s0 =	spop (v2sf)  }
0x68: {  	s26 =	sadd.s32 s26, s0  }
0x69: {  	p0 =	slt.s32 s26, $0x2000  }
0x6a: {  	s29 =	simm.s32 $0x60;
	s26 =	simm.s32 @!p0 $0x2000;
	vm14 =	vle.f32 v16, v15  }
0x6b: {  	[tilespmem:s26+$0xA080] =	vst.msk vm14, v16;
	v16 =	vor.u32 s29, v0  }
0x6c: {  	v17 =	vmpcnt.ones.xlane vm14;
	[tilespmem:s26+$0xC100] =	vst.msk vm14, v16  }
0x6d: {  	v16 =	vld [tilespmem:s25+$0x30]  }
0x6e: {  	(v2sf) =	vpush v17, $0x0;
	_ =	sdelay $0x3  }
0x6f: {  	vm15 =	vle.f32 v16, v15  }
0x70: {  	v17 =	vmpcnt.ones.xlane vm15;
	_ =	sdelay $0x1  }
0x71: {  	(v2sf) =	vpush v17, $0x0;
	_ =	sdelay $0x7  }
0x72: {  	s0 =	spop (v2sf)  }
0x73: {  	s25 =	sadd.s32 s26, s0  }
0x74: {  	p0 =	slt.s32 s25, $0x2000  }
0x75: {  	s28 =	simm.s32 $0x70;
	s25 =	simm.s32 @!p0 $0x2000  }
0x76: {  	[tilespmem:s25+$0xA080] =	vst.msk vm15, v16;
	v16 =	vor.u32 s28, v0  }
0x77: {  	s26 =	simm.s32 $0x50C0;
	[tilespmem:s25+$0xC100] =	vst.msk vm15, v16  }
0x78: {  	v16 =	vld [tilespmem:s26+$0xFFFFFFC0]  }
0x79: {  	s29 =	spop (v2sf)  }
0x7a: {  	s30 =	sadd.s32 s25, s29  }
0x7b: {  	s31 =	simm.s32 $0x170;
	s25 =	simm.s32 $0xF0;
	p1 =	slt.s32 s30, $0x2000  }
.LBB2_3:
0x7c: {  	s0 =	sadd.s32 $0xFFFFFF90, s25  }
0x7d: {  	vm0 =	vle.f32 v16, v15;
	s30 =	simm.s32 @!p1 $0x2000;
	s29 =	smov.u32 s31;
	s28 =	sadd.s32 $0x80, s31  }
0x7e: {  	p0 =	sne.s32 s31, $0x4FF0;
	[tilespmem:s30+$0xA080] =	vst.msk vm0, v16;
	v16 =	vor.u32 s0, v0;
	v17 =	vmpcnt.ones.xlane vm0  }
0x7f: {  	[tilespmem:s30+$0xC100] =	vst.msk vm0, v16  }
0x80: {  	v16 =	vld [tilespmem:s26+$0xFFFFFFD0];
	(v2sf) =	vpush v17, $0x0;
	_ =	sdelay $0x4  }
0x81: {  	vm0 =	vle.f32 v16, v15  }
0x82: {  	v17 =	vmpcnt.ones.xlane vm0;
	_ =	sdelay $0x1  }
0x83: {  	(v2sf) =	vpush v17, $0x0;
	_ =	sdelay $0x6  }
0x84: {  	s0 =	spop (v2sf)  }
0x85: {  	s0 =	sadd.s32 s30, s0  }
0x86: {  	p1 =	slt.s32 s0, $0x2000  }
0x87: {  	s30 =	sadd.s32 $0xFFFFFFA0, s25;
	s0 =	simm.s32 @!p1 $0x2000  }
0x88: {  	[tilespmem:s0+$0xA080] =	vst.msk vm0, v16;
	v16 =	vor.u32 s30, v0  }
0x89: {  	[tilespmem:s0+$0xC100] =	vst.msk vm0, v16  }
0x8a: {  	v16 =	vld [tilespmem:s26+$0xFFFFFFE0];
	_ =	sdelay $0x1  }
0x8b: {  	s30 =	spop (v2sf)  }
0x8c: {  	s0 =	sadd.s32 s0, s30  }
0x8d: {  	p1 =	slt.s32 s0, $0x2000  }
0x8e: {  	s30 =	sadd.s32 $0xFFFFFFB0, s25;
	s0 =	simm.s32 @!p1 $0x2000;
	vm0 =	vle.f32 v16, v15  }
0x8f: {  	[tilespmem:s0+$0xA080] =	vst.msk vm0, v16;
	v16 =	vor.u32 s30, v0;
	v17 =	vmpcnt.ones.xlane vm0  }
0x90: {  	[tilespmem:s0+$0xC100] =	vst.msk vm0, v16  }
0x91: {  	v16 =	vld [tilespmem:s26+$0xFFFFFFF0];
	(v2sf) =	vpush v17, $0x0;
	_ =	sdelay $0x4  }
0x92: {  	vm0 =	vle.f32 v16, v15  }
0x93: {  	v17 =	vmpcnt.ones.xlane vm0;
	_ =	sdelay $0x1  }
0x94: {  	(v2sf) =	vpush v17, $0x0;
	_ =	sdelay $0x6  }
0x95: {  	s30 =	spop (v2sf)  }
0x96: {  	s0 =	sadd.s32 s0, s30  }
0x97: {  	p1 =	slt.s32 s0, $0x2000  }
0x98: {  	s30 =	sadd.s32 $0xFFFFFFC0, s25;
	s0 =	simm.s32 @!p1 $0x2000  }
0x99: {  	[tilespmem:s0+$0xA080] =	vst.msk vm0, v16;
	v16 =	vor.u32 s30, v0  }
0x9a: {  	[tilespmem:s0+$0xC100] =	vst.msk vm0, v16  }
0x9b: {  	v16 =	vld [tilespmem:s26+$0x0];
	_ =	sdelay $0x1  }
0x9c: {  	s30 =	spop (v2sf)  }
0x9d: {  	s0 =	sadd.s32 s0, s30  }
0x9e: {  	p1 =	slt.s32 s0, $0x2000  }
0x9f: {  	s30 =	sadd.s32 $0xFFFFFFD0, s25;
	s0 =	simm.s32 @!p1 $0x2000;
	vm0 =	vle.f32 v16, v15  }
0xa0: {  	[tilespmem:s0+$0xA080] =	vst.msk vm0, v16;
	v16 =	vor.u32 s30, v0;
	v17 =	vmpcnt.ones.xlane vm0  }
0xa1: {  	[tilespmem:s0+$0xC100] =	vst.msk vm0, v16  }
0xa2: {  	v16 =	vld [tilespmem:s26+$0x10];
	(v2sf) =	vpush v17, $0x0;
	_ =	sdelay $0x4  }
0xa3: {  	vm0 =	vle.f32 v16, v15  }
0xa4: {  	v17 =	vmpcnt.ones.xlane vm0;
	_ =	sdelay $0x1  }
0xa5: {  	(v2sf) =	vpush v17, $0x0;
	_ =	sdelay $0x6  }
0xa6: {  	s30 =	spop (v2sf)  }
0xa7: {  	s0 =	sadd.s32 s0, s30  }
0xa8: {  	p1 =	slt.s32 s0, $0x2000  }
0xa9: {  	s30 =	sadd.s32 $0xFFFFFFE0, s25;
	s0 =	simm.s32 @!p1 $0x2000  }
0xaa: {  	[tilespmem:s0+$0xA080] =	vst.msk vm0, v16;
	v16 =	vor.u32 s30, v0  }
0xab: {  	[tilespmem:s0+$0xC100] =	vst.msk vm0, v16  }
0xac: {  	v16 =	vld [tilespmem:s26+$0x20];
	_ =	sdelay $0x1  }
0xad: {  	s30 =	spop (v2sf)  }
0xae: {  	s0 =	sadd.s32 s0, s30  }
0xaf: {  	p1 =	slt.s32 s0, $0x2000  }
0xb0: {  	s30 =	sadd.s32 $0xFFFFFFF0, s25;
	s0 =	simm.s32 @!p1 $0x2000;
	vm0 =	vle.f32 v16, v15  }
0xb1: {  	[tilespmem:s0+$0xA080] =	vst.msk vm0, v16;
	v16 =	vor.u32 s30, v0;
	v17 =	vmpcnt.ones.xlane vm0  }
0xb2: {  	[tilespmem:s0+$0xC100] =	vst.msk vm0, v16  }
0xb3: {  	v16 =	vld [tilespmem:s26+$0x30];
	(v2sf) =	vpush v17, $0x0;
	_ =	sdelay $0x4  }
0xb4: {  	vm0 =	vle.f32 v16, v15  }
0xb5: {  	v17 =	vmpcnt.ones.xlane vm0;
	_ =	sdelay $0x1  }
0xb6: {  	(v2sf) =	vpush v17, $0x0;
	_ =	sdelay $0x6  }
0xb7: {  	s30 =	spop (v2sf)  }
0xb8: {  	s0 =	sadd.s32 s0, s30  }
0xb9: {  	p1 =	slt.s32 s0, $0x2000  }
0xba: {  	s0 =	simm.s32 @!p1 $0x2000  }
0xbb: {  	[tilespmem:s0+$0xA080] =	vst.msk vm0, v16;
	v16 =	vor.u32 s25, v0;
	s25 =	smov.u32 s29  }
0xbc: {  	s26 =	sadd.s32 $0x80, s26;
	[tilespmem:s0+$0xC100] =	vst.msk vm0, v16  }
.Ltmp2:
0xbd: {  	v16 =	vld [tilespmem:s26+$0xFFFFFFC0];
	(pc) =	sbr.rel @p0 .LBB2_3-.Ltmp2, $4  }
0xbe: {  	_ = 	snop  }
0xbf: {  	s29 =	spop (v2sf)  }
0xc0: {  	s30 =	sadd.s32 s0, s29  }
0xc1: {  	s31 =	smov.u32 s28;
	p1 =	slt.s32 s30, $0x2000  }
0xc2: {  	s0 =	sadd.s32 $0xFFFFFF90, s25;
	vm0 =	vle.f32 v16, v15;
	s30 =	simm.s32 @!p1 $0x2000  }
0xc3: {  	[tilespmem:s30+$0xA080] =	vst.msk vm0, v16;
	v51 =	vor.u32 s0, v0;
	v17 =	vmpcnt.ones.xlane vm0  }
0xc4: {  	[tilespmem:s30+$0xC100] =	vst.msk vm0, v51  }
0xc5: {  	v16 =	vld [tilespmem:s26+$0xFFFFFFD0];
	(v2sf) =	vpush v17, $0x0;
	_ =	sdelay $0x4  }
0xc6: {  	vm9 =	vle.f32 v16, v15  }
0xc7: {  	v52 =	vmpcnt.ones.xlane vm9;
	_ =	sdelay $0x1  }
0xc8: {  	(v2sf) =	vpush v52, $0x0;
	_ =	sdelay $0x6  }
0xc9: {  	s29 =	spop (v2sf)  }
0xca: {  	s0 =	sadd.s32 s30, s29  }
0xcb: {  	p0 =	slt.s32 s0, $0x2000  }
0xcc: {  	s28 =	sadd.s32 $0xFFFFFFA0, s25;
	s0 =	simm.s32 @!p0 $0x2000  }
0xcd: {  	v53 =	vor.u32 s28, v0;
	[tilespmem:s0+$0xA080] =	vst.msk vm9, v16  }
0xce: {  	[tilespmem:s0+$0xC100] =	vst.msk vm9, v53  }
0xcf: {  	v16 =	vld [tilespmem:s26+$0xFFFFFFE0];
	_ =	sdelay $0x1  }
0xd0: {  	s31 =	spop (v2sf)  }
0xd1: {  	s0 =	sadd.s32 s0, s31  }
0xd2: {  	p0 =	slt.s32 s0, $0x2000  }
0xd3: {  	s29 =	sadd.s32 $0xFFFFFFB0, s25;
	s0 =	simm.s32 @!p0 $0x2000;
	vm10 =	vle.f32 v16, v15  }
0xd4: {  	v54 =	vor.u32 s29, v0;
	[tilespmem:s0+$0xA080] =	vst.msk vm10, v16;
	v55 =	vmpcnt.ones.xlane vm10  }
0xd5: {  	[tilespmem:s0+$0xC100] =	vst.msk vm10, v54  }
0xd6: {  	v16 =	vld [tilespmem:s26+$0xFFFFFFF0];
	(v2sf) =	vpush v55, $0x0;
	_ =	sdelay $0x4  }
0xd7: {  	vm11 =	vle.f32 v16, v15  }
0xd8: {  	v56 =	vmpcnt.ones.xlane vm11;
	_ =	sdelay $0x1  }
0xd9: {  	(v2sf) =	vpush v56, $0x0;
	_ =	sdelay $0x6  }
0xda: {  	s30 =	spop (v2sf)  }
0xdb: {  	s0 =	sadd.s32 s0, s30  }
0xdc: {  	p0 =	slt.s32 s0, $0x2000  }
0xdd: {  	s31 =	sadd.s32 $0xFFFFFFC0, s25;
	s0 =	simm.s32 @!p0 $0x2000  }
0xde: {  	v57 =	vor.u32 s31, v0;
	[tilespmem:s0+$0xA080] =	vst.msk vm11, v16  }
0xdf: {  	[tilespmem:s0+$0xC100] =	vst.msk vm11, v57  }
0xe0: {  	v16 =	vld [tilespmem:s26+$0x0];
	_ =	sdelay $0x1  }
0xe1: {  	s29 =	spop (v2sf)  }
0xe2: {  	s0 =	sadd.s32 s0, s29  }
0xe3: {  	p0 =	slt.s32 s0, $0x2000  }
0xe4: {  	s30 =	sadd.s32 $0xFFFFFFD0, s25;
	s0 =	simm.s32 @!p0 $0x2000;
	vm12 =	vle.f32 v16, v15  }
0xe5: {  	v58 =	vor.u32 s30, v0;
	[tilespmem:s0+$0xA080] =	vst.msk vm12, v16;
	v59 =	vmpcnt.ones.xlane vm12  }
0xe6: {  	[tilespmem:s0+$0xC100] =	vst.msk vm12, v58  }
0xe7: {  	v16 =	vld [tilespmem:s26+$0x10];
	(v2sf) =	vpush v59, $0x0;
	_ =	sdelay $0x4  }
0xe8: {  	vm13 =	vle.f32 v16, v15  }
0xe9: {  	v60 =	vmpcnt.ones.xlane vm13;
	_ =	sdelay $0x1  }
0xea: {  	(v2sf) =	vpush v60, $0x0;
	_ =	sdelay $0x6  }
0xeb: {  	s31 =	spop (v2sf)  }
0xec: {  	s0 =	sadd.s32 s0, s31  }
0xed: {  	p0 =	slt.s32 s0, $0x2000  }
0xee: {  	s29 =	sadd.s32 $0xFFFFFFE0, s25;
	s0 =	simm.s32 @!p0 $0x2000  }
0xef: {  	v61 =	vor.u32 s29, v0;
	[tilespmem:s0+$0xA080] =	vst.msk vm13, v16  }
0xf0: {  	[tilespmem:s0+$0xC100] =	vst.msk vm13, v61  }
0xf1: {  	v16 =	vld [tilespmem:s26+$0x20];
	_ =	sdelay $0x1  }
0xf2: {  	s30 =	spop (v2sf)  }
0xf3: {  	s0 =	sadd.s32 s0, s30  }
0xf4: {  	p0 =	slt.s32 s0, $0x2000  }
0xf5: {  	s31 =	sadd.s32 $0xFFFFFFF0, s25;
	s0 =	simm.s32 @!p0 $0x2000;
	vm14 =	vle.f32 v16, v15  }
0xf6: {  	v62 =	vor.u32 s31, v0;
	[tilespmem:s0+$0xA080] =	vst.msk vm14, v16  }
0xf7: {  	[tilespmem:s0+$0xC100] =	vst.msk vm14, v62  }
0xf8: {  	v16 =	vld [tilespmem:s26+$0x30];
	_ =	sdelay $0x2  }
0xf9: {  	v63 =	vmpcnt.ones.xlane vm14;
	_ =	sdelay $0x1  }
0xfa: {  	(v2sf) =	vpush v63, $0x0;
	vm15 =	vle.f32 v16, v15  }
0xfb: {  	v15 =	vmpcnt.ones.xlane vm15;
	_ =	sdelay $0x1  }
0xfc: {  	(v2sf) =	vpush v15, $0x0;
	_ =	sdelay $0xb  }
0xfd: {  	s29 =	spop (v2sf)  }
0xfe: {  	s0 =	sadd.s32 s0, s29  }
0xff: {  	p0 =	slt.s32 s0, $0x2000  }
0x100: {  	s0 =	simm.s32 @!p0 $0x2000;
	s30 =	spop (v2sf)  }
0x101: {  	s28 =	sadd.s32 s0, s30  }
0x102: {  	p0 =	slt.s32 s28, $0x2000  }
0x103: {  	s28 =	simm.s32 @!p0 $0x2000  }
0x104: {  	s31 =	sadd.s32 $0xF, s28  }
0x105: {  	s26 =	sshra.s32 s31, $0x4  }
0x106: {  	p0 =	slt.s32 s26, $0x1  }
.Ltmp3:
0x107: {  	_ = 	snop;
	(pc) =	sbr.rel @p0 .LBB2_11-.Ltmp3, $4  }
0x108: {  	v15 =	vor.u32 s25, v0;
	[tilespmem:s0+$0xA080] =	vst.msk vm15, v16  }
0x109: {  	[tilespmem:s0+$0xC100] =	vst.msk vm15, v15  }
0x10a: {  	[tilespmem:s28+$0xA080] =	vst v2  }
0x10b: {  	[tilespmem:s28+$0xC100] =	vst v3  }
0x10c: {  	p1 =	sne.s32 s26, $0x1  }
.Ltmp4:
0x10d: {  	_ = 	snop;
	(pc) =	sbr.rel @!p1 .LBB2_6-.Ltmp4, $3  }
0x10e: {  	_ =	sdelay $0x1  }
0x10f: {  	s0 =	simm.s32 $0xA080  }
0x110: {  	s25 =	simm.s32 $0xE180;
	s28 =	sadd.s32 $0xFFFFFFFF, s26;
	p0 =	por $0x0, $0x0;
	v15 =	vld [tilespmem:s0+$0x0]  }
0x111: {  	_ =	sdelay $0x3  }
0x112: {  	(xrf0) =	vmin.scan.msk.f32 $0xffff, v15;
	_ =	sdelay $0x4  }
0x113: {  	p1 =	sne.s32 s28, $0x1  }
.Ltmp5:
0x114: {  	v15, _, _ =	vpop (xrf0);
	(pc) =	sbr.rel @!p1 .LBB2_8-.Ltmp5, $3  }
0x115: {  	v15 =	vbroadcast v15, $0xF;
	_ =	sdelay $0x1  }
0x116: {  	s29 =	simm.s32 $0xA090;
	[tilespmem:s25+$0x0] =	vst.msk $0x1, v15  }
0x117: {  	s30 =	sadd.s32 $0xFFFFFFFF, s28;
	p0 =	por $0x1, $0x1;
	s28 =	simm.s32 $0xE180;
	v15 =	vld [tilespmem:s29+$0x0]  }
.LBB2_9:
0x118: {  	p1 =	sne.s32 s30, $0x1;
	_ =	sdelay $0x3  }
0x119: {  	(xrf0) =	vmin.scan.msk.f32 $0xffff, v15;
	_ =	sdelay $0x5  }
.Ltmp6:
0x11a: {  	v15, _, _ =	vpop (xrf0);
	(pc) =	sbr.rel @p1 .LBB2_9-.Ltmp6, $4  }
0x11b: {  	v15 =	vbroadcast v15, $0xF  }
0x11c: {  	s28 =	sadd.s32 $0x1, s28  }
0x11d: {  	s29 =	sadd.s32 $0x10, s29;
	[tilespmem:s28+$0x0] =	vst.msk $0x1, v15  }
0x11e: {  	s30 =	sadd.s32 $0xFFFFFFFF, s30;
	v15 =	vld [tilespmem:s29+$0x0]  }
.LBB2_10:
0x11f: {  	_ =	sdelay $0x3  }
0x120: {  	(xrf0) =	vmin.scan.msk.f32 $0xffff, v15;
	_ =	sdelay $0x5  }
0x121: {  	v15, _, _ =	vpop (xrf0)  }
0x122: {  	s0 =	sadd.s32 @p0 $0x1, s28;
	v15 =	vbroadcast v15, $0xF  }
0x123: {  	s25 =	smov.u32 @p0 s0  }
0x124: {  	[tilespmem:s25+$0x0] =	vst.msk $0x1, v15  }
.LBB2_11:
0x125: {  	s0 =	sadd.s32 $0xF, s26  }
0x126: {  	s25 =	sshra.s32 s0, $0x4  }
0x127: {  	[tilespmem:s26+$0xE180] =	vst v2;
	s26 =	simm.s32 $0x0;
	p0 =	slt.s32 s25, $0x1  }
.LBB2_12:
.Ltmp7:
0x128: {  	(pc) =	sbr.rel @p0 .LBB2_16-.Ltmp7, $2  }
0x129: {  	_ =	sdelay $0x2  }
0x12a: {  	v15 =	vimm.f32 $3.000000010e+38;
	s28 =	simm.s32 $0xE180  }
0x12b: {  	p1 =	sne.s32 s25, $0x1  }
.Ltmp8:
0x12c: {  	_ = 	snop;
	(pc) =	sbr.rel @!p1 .LBB2_15-.Ltmp8, $2  }
0x12d: {  	_ =	sdelay $0x2  }
0x12e: {  	s29 =	sadd.s32 $0xFFFFFFFF, s25;
	v16 =	vld [tilespmem:s28+$0x0]  }
.LBB2_14:
0x12f: {  	p1 =	sne.s32 s29, $0x1  }
.Ltmp9:
0x130: {  	_ = 	snop;
	(pc) =	sbr.rel @p1 .LBB2_14-.Ltmp9, $3  }
0x131: {  	_ =	sdelay $0x1  }
0x132: {  	s29 =	sadd.s32 $0xFFFFFFFF, s29;
	s28 =	sadd.s32 $0x10, s28;
	v15 =	vmin.f32 v15, v16  }
0x133: {  	v16 =	vld [tilespmem:s28+$0x0]  }
.LBB2_15:
0x134: {  	_ =	sdelay $0x3  }
0x135: {  	v15 =	vmin.f32 v15, v16  }
.LBB2_16:
0x136: {  	(xrf0) =	vmin.scan.msk.f32 $0xffff, v15;
	_ =	sdelay $0x5  }
0x137: {  	v15, _, _ =	vpop (xrf0)  }
0x138: {  	s28 =	simm.s32 $0xFFFFFFFF;
	s29 =	simm.s32 $0xE180;
	s30 =	simm.s32 $0x0;
	v15 =	vbroadcast v15, $0xF  }
.LBB2_17:
0x139: {  	v16 =	vld [tilespmem:s29+$0x0];
	_ =	sdelay $0x4  }
0x13a: {  	vm0 =	veq.f32 v16, v15  }
0x13b: {  	v16 =	vmctz.xlane vm0;
	_ =	sdelay $0x1  }
0x13c: {  	(v2sf) =	vpush v16, $0x0;
	_ =	sdelay $0xe  }
0x13d: {  	s0 =	spop (v2sf)  }
0x13e: {  	p1 =	slt.s32 s0, $0x10;
	s0 =	sadd.s32 s30, s0  }
0x13f: {  	s28 =	smov.u32 @p1 s0  }
0x140: {  	p1 =	slt.s32 s28, $0x0  }
.Ltmp10:
0x141: {  	_ = 	snop;
	(pc) =	sbr.rel @p1 .LBB2_17-.Ltmp10, $2  }
0x142: {  	_ =	sdelay $0x2  }
0x143: {  	s29 =	sadd.s32 $0x10, s29;
	s30 =	sadd.s32 $0x10, s30  }
0x144: {  	s0 =	sshll.u32 s28, $0x4  }
0x145: {  	v16 =	vld [tilespmem:s0+$0xA080]  }
0x146: {  	v17 =	vld [tilespmem:s0+$0xC100];
	_ =	sdelay $0x4  }
0x147: {  	vm0 =	veq.f32 v16, v15;
	v15 =	vxor.u32 $0x80000000, v17  }
0x148: {  	v15 =	vnsel vm0, $0xC0000000, v15  }
0x149: {  	(xrf0) =	vmin.scan.msk.u32 $0xffff, v15;
	_ =	sdelay $0x5  }
0x14a: {  	v15, _, _ =	vpop (xrf0)  }
0x14b: {  	(v2sf) =	vpush v15, $0xF;
	_ =	sdelay $0xe  }
0x14c: {  	s29 =	spop (v2sf)  }
0x14d: {  	s29 =	sxor.u32 $0x80000000, s29  }
0x14e: {  	vm15 =	veq.s32 v17, s29  }
0x14f: {  	v15 =	vsel vm15, $0x7F61B1E6, v16  }
0x150: {  	(xrf0) =	vmin.scan.msk.f32 $0xffff, v15;
	_ =	sdelay $0x5  }
0x151: {  	v63, _, _ =	vpop (xrf0)  }
0x152: {  	v16 =	vbroadcast v63, $0xF  }
0x153: {  	[tilespmem:s0+$0xA080] =	vst v15  }
0x154: {  	v15 =	vmov s29;
	[tilespmem:s28+$0xE180] =	vst.msk $0x1, v16  }
0x155: {  	[tilespmem:s26+$0xE400] =	vst.msk $0x1, v15;
	s26 =	sadd.s32 $0x1, s26  }
0x156: {  	p1 =	sne.s32 s26, $0x40  }
.Ltmp11:
0x157: {  	_ = 	snop;
	(pc) =	sbr.rel @p1 .LBB2_12-.Ltmp11, $1  }
0x158: {  	_ =	sdelay $0x3  }
0x159: {  	v15 =	vld [tilespmem:$0xE400];
	_ =	sdelay $0x7  }
0x15a: {  	v16 =	vld.idx.msk [tilespmem:v15+s4+$0x0], $0xffff;
	_ =	sdelay $0x1  }
0x15b: {  	v17 =	vmul.u32 $0x3, v15;
	_ =	sdelay $0x2  }
0x15c: {  	vm0 =	veq.s32 v16, s24  }
0x15d: {  	v15 =	vnsel vm0, $0x4E20, v15  }
0x15e: {  	[tilespmem:$0xE480] =	vst v15  }
0x15f: {  	v15 =	vld.idx.msk [tilespmem:v17+s12+$0x0], $0xffff;
	_ =	sdelay $0x1  }
0x160: {  	v50 =	vadd.s32 $0x1, v17;
	_ =	sdelay $0x2  }
0x161: {  	v15 =	vnsel vm0, $0x0, v15  }
0x162: {  	[tilespmem:v1+s17+$0x0] =	vst.idx.msk $0xffff, v15  }
0x163: {  	v15 =	vld.idx.msk [tilespmem:v50+s12+$0x0], $0xffff;
	_ =	sdelay $0x1  }
0x164: {  	v51 =	vadd.s32 $0x2, v17;
	_ =	sdelay $0x2  }
0x165: {  	v15 =	vnsel vm0, $0x0, v15  }
0x166: {  	[tilespmem:v4+s17+$0x0] =	vst.idx.msk $0xffff, v15  }
0x167: {  	v15 =	vld.idx.msk [tilespmem:v51+s12+$0x0], $0xffff;
	_ =	sdelay $0x4  }
0x168: {  	v15 =	vnsel vm0, $0x0, v15  }
0x169: {  	[tilespmem:v5+s17+$0x0] =	vst.idx.msk $0xffff, v15  }
0x16a: {  	v15 =	vld [tilespmem:$0xE410];
	_ =	sdelay $0x7  }
0x16b: {  	v52 =	vld.idx.msk [tilespmem:v15+s4+$0x0], $0xffff;
	_ =	sdelay $0x1  }
0x16c: {  	v53 =	vmul.u32 $0x3, v15;
	_ =	sdelay $0x2  }
0x16d: {  	vm13 =	veq.s32 v52, s24  }
0x16e: {  	v15 =	vnsel vm13, $0x4E20, v15  }
0x16f: {  	[tilespmem:$0xE490] =	vst v15  }
0x170: {  	v15 =	vld.idx.msk [tilespmem:v53+s12+$0x0], $0xffff;
	_ =	sdelay $0x1  }
0x171: {  	v54 =	vadd.s32 $0x1, v53;
	_ =	sdelay $0x2  }
0x172: {  	v15 =	vnsel vm13, $0x0, v15  }
0x173: {  	[tilespmem:v6+s17+$0x0] =	vst.idx.msk $0xffff, v15  }
0x174: {  	v15 =	vld.idx.msk [tilespmem:v54+s12+$0x0], $0xffff;
	_ =	sdelay $0x1  }
0x175: {  	v55 =	vadd.s32 $0x2, v53;
	_ =	sdelay $0x2  }
0x176: {  	v15 =	vnsel vm13, $0x0, v15  }
0x177: {  	[tilespmem:v7+s17+$0x0] =	vst.idx.msk $0xffff, v15  }
0x178: {  	v15 =	vld.idx.msk [tilespmem:v55+s12+$0x0], $0xffff;
	_ =	sdelay $0x4  }
0x179: {  	v15 =	vnsel vm13, $0x0, v15  }
0x17a: {  	[tilespmem:v8+s17+$0x0] =	vst.idx.msk $0xffff, v15  }
0x17b: {  	v15 =	vld [tilespmem:$0xE420];
	_ =	sdelay $0x7  }
0x17c: {  	v56 =	vld.idx.msk [tilespmem:v15+s4+$0x0], $0xffff;
	_ =	sdelay $0x1  }
0x17d: {  	v57 =	vmul.u32 $0x3, v15;
	_ =	sdelay $0x2  }
0x17e: {  	vm14 =	veq.s32 v56, s24  }
0x17f: {  	v15 =	vnsel vm14, $0x4E20, v15  }
0x180: {  	[tilespmem:$0xE4A0] =	vst v15  }
0x181: {  	v15 =	vld.idx.msk [tilespmem:v57+s12+$0x0], $0xffff;
	_ =	sdelay $0x1  }
0x182: {  	v58 =	vadd.s32 $0x1, v57;
	_ =	sdelay $0x2  }
0x183: {  	v15 =	vnsel vm14, $0x0, v15  }
0x184: {  	[tilespmem:v9+s17+$0x0] =	vst.idx.msk $0xffff, v15  }
0x185: {  	v15 =	vld.idx.msk [tilespmem:v58+s12+$0x0], $0xffff;
	_ =	sdelay $0x1  }
0x186: {  	v59 =	vadd.s32 $0x2, v57;
	_ =	sdelay $0x2  }
0x187: {  	v15 =	vnsel vm14, $0x0, v15  }
0x188: {  	[tilespmem:v10+s17+$0x0] =	vst.idx.msk $0xffff, v15  }
0x189: {  	v15 =	vld.idx.msk [tilespmem:v59+s12+$0x0], $0xffff;
	_ =	sdelay $0x4  }
0x18a: {  	v15 =	vnsel vm14, $0x0, v15  }
0x18b: {  	[tilespmem:v11+s17+$0x0] =	vst.idx.msk $0xffff, v15  }
0x18c: {  	v15 =	vld [tilespmem:$0xE430];
	_ =	sdelay $0x7  }
0x18d: {  	v60 =	vld.idx.msk [tilespmem:v15+s4+$0x0], $0xffff;
	_ =	sdelay $0x1  }
0x18e: {  	v61 =	vmul.u32 $0x3, v15;
	_ =	sdelay $0x2  }
0x18f: {  	vm15 =	veq.s32 v60, s24  }
0x190: {  	v15 =	vnsel vm15, $0x4E20, v15  }
0x191: {  	[tilespmem:$0xE4B0] =	vst v15  }
0x192: {  	v15 =	vld.idx.msk [tilespmem:v61+s12+$0x0], $0xffff;
	_ =	sdelay $0x1  }
0x193: {  	v62 =	vadd.s32 $0x1, v61;
	_ =	sdelay $0x2  }
0x194: {  	v15 =	vnsel vm15, $0x0, v15  }
0x195: {  	[tilespmem:v12+s17+$0x0] =	vst.idx.msk $0xffff, v15  }
0x196: {  	v15 =	vld.idx.msk [tilespmem:v62+s12+$0x0], $0xffff;
	_ =	sdelay $0x1  }
0x197: {  	v63 =	vadd.s32 $0x2, v61;
	_ =	sdelay $0x2  }
0x198: {  	v15 =	vnsel vm15, $0x0, v15  }
0x199: {  	[tilespmem:v13+s17+$0x0] =	vst.idx.msk $0xffff, v15  }
0x19a: {  	v15 =	vld.idx.msk [tilespmem:v63+s12+$0x0], $0xffff;
	_ =	sdelay $0x4  }
0x19b: {  	v15 =	vnsel vm15, $0x0, v15  }
0x19c: {  	s0 =	sadd.s32 s7, s23;
	s31 =	sshll.u32 s21, $0xB;
	[tilespmem:v14+s17+$0x0] =	vst.idx.msk $0xffff, v15  }
0x19d: {  	[hbm4b:s0+s4] =	stream.linear.scatter [tilespmem:s18], [sflag:$0x1], $0x80, $0x38;
	[tilespmem:$0x1D080] =	vst v63  }
0x19e: {  	s0 =	sor.u32 s22, s31;
	_ =	swait.ge [sflag:s11], $0x80  }
0x19f: {  	s20 =	sadd.s32 $0x1, s20;
	s0 =	sshrl.u32 s0, $0x3;
	[sflag:s11] =	ssyncset.done $0x0  }
0x1a0: {  	p0 =	sne.s32 s20, $0x20;
	s0 =	sadd.s32 s8, s0;
	[sflag:s11] =	ssyncadd.s32 $0xFFFFFF80  }
0x1a1: {  	[hbm4b:s0+s13] =	stream.strided.scatter [tilespmem:s17], [sflag:$0x1], $0x100, s14, s13, $0x38;
	[tilespmem:$0x1D080] =	vst v63  }
.Ltmp12:
0x1a2: {  	_ = 	snop;
	(pc) =	sbr.rel @p0 .LBB2_2-.Ltmp12, $4  }
.Ltmp13:
0x1a3: {  	_ = 	snop;
	(pc) =	sbr.rel @!p0 .LBB2_20-.Ltmp13, $4  }
0x1a4: {  	_ =	swait.ge [sflag:s11], $0x100  }
0x1a5: {  	[sflag:s11] =	ssyncset.done $0x0  }
0x1a6: {  	[sflag:s11] =	ssyncadd.s32 $0xFFFFFF00  }
0x1a7: {  	_ = 	snop  }
.LBB2_6:
.Ltmp14:
0x1a8: {  	(pc) =	sbr.rel .LBB2_10-.Ltmp14, $2  }
0x1a9: {  	_ =	sdelay $0x2  }
0x1aa: {  	s28 =	simm.s32 $0xE180  }
.LBB2_8:
.Ltmp15:
0x1ab: {  	(pc) =	sbr.rel .LBB2_10-.Ltmp15, $2  }
0x1ac: {  	_ =	sdelay $0x2  }
0x1ad: {  	s28 =	simm.s32 $0xE180  }
.LBB2_21:
0x1ae: {  	_ =	sfence.sel $0x180000  }
0x1af: {  	[bflag:$0x0] =	sbarrier.arrive $0xFFFF  }
0x1b0: {  	_ =	strace $0x90000047  }
0x1b1: {  	[bflag:$0x2] =	sbarrier.arrive $0xFFFF  }
0x1b2: {  	p0 =	sne.s32 s5, $0x0;
	s0 =	rddreg [dreg:$0x4]  }
0x1b3: {  	s0 =	sadd.s32 @!p0 $0x100000, s0  }
0x1b4: {  	[sflag:s0] =	ssyncadd.tile.s32 @!p0 $0x1;
	_ =	shalt  }
.Lfunc_end2:
_tile_overlayer_lowered:
.L_overlay_start_2:
0x1b5: {  	(tag) =	ssettag $0x2  }
0x1b6: {  	s0 =	rddreg [dreg:$0x0];
	s2 =	stileid.u32  }
0x1b7: {  	s1 =	rddreg [dreg:$0x1];
	p0 =	sne.s32 s2, $0x0  }
0x1b8: {  	s3 =	rddreg [dreg:$0x2];
	[bflag:$0x3] =	sbarrier.arrive $0xFFFF;
	s2 =	simm.s32 @!p0 $0x1C01  }
0x1b9: {  	[timem:s3], [sflag:s2] =	dma.local @!p0 [hbm:s0], s1  }
0x1ba: {  	s0 =	simm.s32 @!p0 $0x1  }
0x1bb: {  	_ =	swait.ge @!p0 [sflag:s0], s1  }
0x1bc: {  	s1 =	ssub.s32 @!p0 $0x0, s1;
	[sflag:s0] =	ssyncset.done @!p0 $0x0  }
0x1bd: {  	[sflag:s0] =	ssyncadd.s32 @!p0 s1  }
0x1be: {  	[bflag:$0x3] =	sbarrier.arrive $0xFFFF  }
0x1bf: {  	_ =	shalt  }

// kernel: kernel.13.cloned.1.call-start
scs
__scs_entry_jumppad:
0x0: {  	(pc) =	sbr.rel $0x88, $3  }
0x1: {  	(tag) =	ssettag $0x0;
	lr =	simm.s32 $0x1  }
0x2: {  	[smem:$0x3F9B] =	sst lr;
	_ =	strace $0xD0000000  }
0x3: {  	_ = 	snop  }
0x4: {  	_ = 	snop  }
0x5: {  	_ = 	snop  }
0x6: {  	_ = 	snop  }
0x7: {  	_ = 	snop  }
__scs_overlays_trampoline_lowered:
0x8: {  	[smem:$0x3FAA] =	sst s0  }
0x9: {  	[smem:$0x3FAB] =	sst s1  }
0xa: {  	[smem:$0x3FAC] =	sst s2  }
0xb: {  	[smem:$0x3FAD] =	sst s3  }
0xc: {  	[smem:$0x3FAE] =	sst s4  }
0xd: {  	[smem:$0x3FAF] =	sst s5  }
0xe: {  	[smem:$0x3FB0] =	sst s6  }
0xf: {  	[smem:$0x3FB1] =	sst s7  }
0x10: {  	[smem:$0x3FB2] =	sst s8  }
0x11: {  	[smem:$0x3FB3] =	sst s9;
	s0 =	simm.s32 @!p0 $0x0  }
0x12: {  	s1 =	sld [smem:$0x3F99];
	s0 =	simm.s32 @p0 $0x1  }
0x13: {  	[smem:$0x3FB4] =	sst s0;
	s0 =	simm.s32 @!p1 $0x0  }
0x14: {  	s2 =	sld [smem:$0x3F98];
	s0 =	simm.s32 @p1 $0x1  }
0x15: {  	[smem:$0x3FB5] =	sst s0;
	s0 =	simm.s32 @!p2 $0x0  }
0x16: {  	s3 =	sld [smem:$0x3FDB];
	s0 =	simm.s32 @p2 $0x1  }
0x17: {  	s4 =	simm.s32 $0x1BF5;
	[smem:$0x3FB7] =	sst s0  }
0x18: {  	s0 =	sld [smem:$0x3F9A];
	_ =	swait.ge [sflag:s4], $0x0  }
0x19: {  	s7 =	sld [smem:$0x3F9B]  }
0x1a: {  	s8 =	sadd.s32 $0xFFFFE003, lr  }
0x1b: {  	s9 =	sadd.s32 $0xFFFFFEF7, lr;
	s5 =	simm.s32 $0xFFFFFFFF;
	p2 =	slt.u32 s8, $0xFFFFF086  }
0x1c: {  	p1 =	slt.u32 s9, $0xF7A;
	s5 =	simm.s32 @!p2 $0x0  }
0x1d: {  	s5 =	simm.s32 @p1 $0x1;
	p0 =	seq.s32 s7, s2  }
0x1e: {  	s7 =	smul.u32 @!p0 $0xF7A, s2;
	p2 =	seq.s32 @!p0 s5, $0x0  }
0x1f: {  	s9 =	smul.u32 $0xF7A, s1;
	s8 =	simm.s32 @!p0 $0x1BF5;
	p2 =	por !p2, p0  }
0x20: {  	[sflag:s8] =	ssyncset.s32 @!p0 $0xFFFFF086;
	s6 =	sadd.s32 @!p0 s3, s7;
	s7 =	simm.s32 @!p0 $0x108  }
0x21: {  	s3 =	sadd.s32 s3, s9;
	s6 =	sadd.s32 @!p0 $0x88, s6;
	s7 =	simm.s32 @p2 $0x1082  }
0x22: {  	[simem:s7], [sflag:s8] =	dma.local @!p0 [hbm:s6], $0xF7A  }
0x23: {  	s9 =	sor.u32 $0xD0000000, s2;
	s6 =	simm.s32 $0x108;
	_ =	swait.ge @!p0 [sflag:s8], $0x0  }
0x24: {  	s3 =	sadd.s32 $0x88, s3;
	s6 =	simm.s32 @!p1 $0x1082;
	[sflag:s4] =	ssyncset.s32 $0xFFFFF086  }
0x25: {  	[simem:s6], [sflag:s4] =	dma.local [hbm:s3], $0xF7A  }
0x26: {  	[smem:$0x3F9B] =	sst s1;
	(tag) =	ssettag s2;
	_ =	strace s9  }
0x27: {  	s1 =	sld [smem:$0x3FAB]  }
0x28: {  	s2 =	sld [smem:$0x3FAC]  }
0x29: {  	s4 =	sld [smem:$0x3FAE]  }
0x2a: {  	p0 =	seq.s32 s5, $0x0;
	s5 =	sld [smem:$0x3FAF]  }
0x2b: {  	s6 =	sld [smem:$0x3FB0]  }
0x2c: {  	s7 =	sld [smem:$0x3FB1]  }
0x2d: {  	s3 =	simm.s32 $0x108;
	s8 =	sld [smem:$0x3FB2]  }
0x2e: {  	s3 =	simm.s32 @!p0 $0x1082;
	s9 =	sld [smem:$0x3FB3]  }
0x2f: {  	lr =	sadd.s32 s0, s3;
	s0 =	sld [smem:$0x3FAA]  }
0x30: {  	s3 =	sld [smem:$0x3FAD]  }
0x31: {  	[smem:$0x3FB6] =	sst s10  }
0x32: {  	s10 =	sld [smem:$0x3FB4];
	_ =	sdelay $0x3  }
0x33: {  	p0 =	seq.s32 s10, $0x1;
	s10 =	sld [smem:$0x3FB6];
	_ =	sdelay $0x3  }
0x34: {  	[smem:$0x3FB6] =	sst s10  }
0x35: {  	s10 =	sld [smem:$0x3FB5];
	_ =	sdelay $0x3  }
0x36: {  	p1 =	seq.s32 s10, $0x1;
	s10 =	sld [smem:$0x3FB6];
	_ =	sdelay $0x3  }
0x37: {  	[smem:$0x3FB6] =	sst s10  }
0x38: {  	s10 =	sld [smem:$0x3FB7]  }
0x39: {  	_ = 	snop;
	(pc) =	sbr.ind lr, $3  }
0x3a: {  	_ = 	snop  }
0x3b: {  	_ = 	snop  }
0x3c: {  	p2 =	seq.s32 s10, $0x1;
	s10 =	sld [smem:$0x3FB6]  }
0x3d: {  	_ =	shalt  }
0x3e: {  	_ =	shalt  }
0x3f: {  	_ =	shalt  }
0x40: {  	_ =	shalt  }
0x41: {  	_ =	shalt  }
0x42: {  	_ =	shalt  }
0x43: {  	_ =	shalt  }
0x44: {  	_ =	shalt  }
0x45: {  	_ =	shalt  }
0x46: {  	_ =	shalt  }
0x47: {  	_ =	shalt  }
0x48: {  	_ =	shalt  }
0x49: {  	_ =	shalt  }
0x4a: {  	_ =	shalt  }
0x4b: {  	_ =	shalt  }
0x4c: {  	_ =	shalt  }
0x4d: {  	_ =	shalt  }
0x4e: {  	_ =	shalt  }
0x4f: {  	_ =	shalt  }
0x50: {  	_ =	shalt  }
0x51: {  	_ =	shalt  }
0x52: {  	_ =	shalt  }
0x53: {  	_ =	shalt  }
0x54: {  	_ =	shalt  }
0x55: {  	_ =	shalt  }
0x56: {  	_ =	shalt  }
0x57: {  	_ =	shalt  }
0x58: {  	_ =	shalt  }
0x59: {  	_ =	shalt  }
0x5a: {  	_ =	shalt  }
0x5b: {  	_ =	shalt  }
0x5c: {  	_ =	shalt  }
0x5d: {  	_ =	shalt  }
0x5e: {  	_ =	shalt  }
0x5f: {  	_ =	shalt  }
0x60: {  	_ =	shalt  }
0x61: {  	_ =	shalt  }
0x62: {  	_ =	shalt  }
0x63: {  	_ =	shalt  }
0x64: {  	_ =	shalt  }
0x65: {  	_ =	shalt  }
0x66: {  	_ =	shalt  }
0x67: {  	_ =	shalt  }
0x68: {  	_ =	shalt  }
0x69: {  	_ =	shalt  }
0x6a: {  	_ =	shalt  }
0x6b: {  	_ =	shalt  }
0x6c: {  	_ =	shalt  }
0x6d: {  	_ =	shalt  }
0x6e: {  	_ =	shalt  }
0x6f: {  	_ =	shalt  }
0x70: {  	_ =	shalt  }
0x71: {  	_ =	shalt  }
0x72: {  	_ =	shalt  }
0x73: {  	_ =	shalt  }
0x74: {  	_ =	shalt  }
0x75: {  	_ =	shalt  }
0x76: {  	_ =	shalt  }
0x77: {  	_ =	shalt  }
0x78: {  	_ =	shalt  }
0x79: {  	_ =	shalt  }
0x7a: {  	_ =	shalt  }
0x7b: {  	_ =	shalt  }
0x7c: {  	_ =	shalt  }
0x7d: {  	_ =	shalt  }
0x7e: {  	_ =	shalt  }
0x7f: {  	_ =	shalt  }
0x80: {  	_ =	shalt  }
0x81: {  	_ =	shalt  }
0x82: {  	_ =	shalt  }
0x83: {  	_ =	shalt  }
0x84: {  	_ =	shalt  }
0x85: {  	_ =	shalt  }
0x86: {  	_ =	shalt  }
0x87: {  	_ =	shalt  }
.Lfunc_end0:
.L_simem_size_0:
called_computation.1_lowered:
.L_overlay_start_0:
0x88: {  	s2 =	sld [smem:$0x3FD9]  }
0x89: {  	s3 =	sld [smem:$0x3FFE];
	_ =	sdelay $0x1  }
0x8a: {  	s1 =	srdreg.scid  }
0x8b: {  	s0 =	sand.u32 $0x1, s1  }
0x8c: {  	s14 =	sshll.u32 s0, $0xA;
	s2 =	sadd.s32 s3, s2  }
0x8d: {  	s2 =	sadd.s32 s2, s14  }
0x8e: {  	[smem:$0x3FC2] =	sst s2  }
0x8f: {  	_ = 	snop  }
0x90: {  	s2 =	sld [smem:$0x3FD0];
	_ =	sdelay $0x2  }
0x91: {  	s15 =	simm.s32 $0xA;
	s4 =	simm.s32 $0x10  }
0x92: {  	[smem:s4], [sflag:s15] =	dma.local [hbm:s2], $0x1  }
0x93: {  	_ =	swait.eq [sflag:s15], $0x1  }
0x94: {  	s16 =	sld [smem:$0x11]  }
0x95: {  	s17 =	sld [smem:$0x12];
	[sflag:s15] =	ssyncset.done $0x0  }
0x96: {  	s5 =	sld [smem:$0x13];
	[sflag:s15] =	ssyncadd.s32 $0xFFFFFFFF  }
0x97: {  	s18 =	sld [smem:$0x15];
	(tm) =	ssettm $0x1  }
0x98: {  	s6 =	sld [smem:$0x3FFB];
	_ =	sdelay $0x3  }
0x99: {  	_ =	strace s6  }
0x9a: {  	s6 =	sld [smem:$0x3FFC];
	_ =	sdelay $0x3  }
0x9b: {  	_ =	strace s6  }
0x9c: {  	s6 =	sld [smem:$0x3FFD];
	_ =	sdelay $0x3  }
0x9d: {  	_ =	strace s6  }
0x9e: {  	_ =	strace $0x8FFFFFFF  }
0x9f: {  	s19 =	sld [smem:$0x3FDB];
	_ =	sdelay $0x1  }
0xa0: {  	s7 =	simm.s32 $_scs_section_size  }
0xa1: {  	s8 =	simm.s32 $_size__tile_overlayer_lowered;
	s9 =	simm.s32 $_tile_overlayer_lowered  }
0xa2: {  	s22 =	simm.s32 $0x1BFF;
	s21 =	sshll.u32 s9, $0x1;
	s6 =	sadd.s32 s7, s19  }
0xa3: {  	s10 =	simm.s32 $0x0;
	s20 =	sshll.u32 s8, $0x1;
	s8 =	sadd.s32 s21, s6  }
0xa4: {  	[timem:s10], [sflag:s22] =	dma.local [hbm:s8], s20  }
0xa5: {  	_ =	swait.ge [sflag:s22], s20  }
0xa6: {  	s7 =	ssub.s32 $0x0, s20;
	[sflag:s22] =	ssyncset.done $0x0  }
0xa7: {  	[sflag:s22] =	ssyncadd.s32 s7;
	_ =	sdelay $0x1  }
0xa8: {  	s23 =	simm.s32 $0x1B8B  }
0xa9: {  	_ =	swait.ge [sflag:s23], $0x1  }
0xaa: {  	[sflag:s23] =	ssyncset.done $0x0  }
0xab: {  	s25 =	simm.s32 $0x1B8E;
	s24 =	sld [smem:$0x3FFE];
	[sflag:s23] =	ssyncadd.s32 $0xFFFFFFFF  }
0xac: {  	s26 =	simm.s32 $execute0_lowered;
	[smem:$0x3FD2] =	sst s25  }
0xad: {  	s8 =	sshll.u32 s26, $0x1;
	_ =	strace $0x80000049;
	[dreg:$0x1] =	wrdreg $0xFFFFFFFF  }
0xae: {  	s28 =	simm.s32 $_size_execute0_lowered;
	s6 =	sadd.s32 s6, s8;
	[dreg:$0x0] =	wrdreg $0x0  }
0xaf: {  	s8 =	sshll.u32 s28, $0x1;
	[dreg:$0x2] =	wrdreg s6  }
0xb0: {  	[dreg:$0x3] =	wrdreg s8  }
0xb1: {  	[dreg:$0x4] =	wrdreg $0xC0  }
0xb2: {  	_ =	task [dreg:s10], $0x5FFFF  }
0xb3: {  	[dreg:$0x1] =	wrdreg $0xFFFFFFFF  }
0xb4: {  	[dreg:$0x0] =	wrdreg $0x60  }
0xb5: {  	[dreg:$0x2] =	wrdreg s24  }
0xb6: {  	[dreg:$0x3] =	wrdreg s17  }
0xb7: {  	[dreg:$0x4] =	wrdreg s5  }
0xb8: {  	[dreg:$0x5] =	wrdreg s16  }
0xb9: {  	[dreg:$0x6] =	wrdreg s18  }
0xba: {  	[dreg:$0x7] =	wrdreg $0x9  }
0xbb: {  	_ =	task.clear_ibuf [dreg:s10], $0x8FFFF;
	_ =	strace $0x90000049  }
0xbc: {  	s29 =	simm.s32 $0x9;
	_ =	strace $0x8000004B  }
0xbd: {  	_ =	swait.ge [sflag:s29], $0x1  }
0xbe: {  	[sflag:s29] =	ssyncadd.s32 $0xFFFFFFFF  }
0xbf: {  	_ =	strace $0x9000004B  }
0xc0: {  	_ =	sfence  }
0xc1: {  	s30 =	sld [smem:$0x0];
	_ =	sdelay $0x2  }
0xc2: {  	s31 =	sshll.u32 s1, $0xD;
	s1 =	sshrl.u32 s1, $0x2  }
0xc3: {  	s3 =	sand.u32 $0x4000, s31;
	s1 =	sadd.s32 s1, s30  }
0xc4: {  	s0 =	sor.u32 s3, s0;
	s1 =	sshll.u32 s1, $0x11  }
0xc5: {  	s0 =	sor.u32 s1, s0  }
0xc6: {  	s0 =	sadd.s32 $0x8F2B, s0  }
0xc7: {  	[sflag:s0] =	ssyncadd.remote.s32 $0x1  }
0xc8: {  	_ =	sfence.sel $0xFFFF  }
0xc9: {  	[dreg:$0x0] =	wrdreg $0xFFFFFFFF;
	(pc) =	sbr.abs _section_cstart, $3  }
0xca: {  	[dreg:$0x1] =	wrdreg $0xFFFFFFFF  }
0xcb: {  	_ =	task.clear_ibuf [dreg:s10], $0x2FFFF;
	_ =	strace $0x9FFFFFFF  }
0xcc: {  	(tm) =	ssettm $0x7FFFFFFF  }
0xcd: {  	_ =	shalt  }
tec
execute0_lowered:
.L_overlay_start_1:
0x0: {  	(tag) =	ssettag $0x1  }
0x1: {  	s8 =	rddreg [dreg:$0x0]  }
0x2: {  	s1 =	rddreg [dreg:$0x1]  }
0x3: {  	s2 =	rddreg [dreg:$0x2]  }
0x4: {  	s3 =	rddreg [dreg:$0x3]  }
0x5: {  	s4 =	rddreg [dreg:$0x4];
	s5 =	simm.s32 $0x0  }
0x6: {  	s6 =	srdreg.scid;
	s12 =	simm.s32 $0xE500;
	s13 =	simm.s32 $0x80  }
0x7: {  	v0 =	vlaneseq.u32;
	s14 =	simm.s32 $0x400;
	s15 =	simm.s32 $0x5000;
	s16 =	simm.s32 $0xA000  }
0x8: {  	s17 =	simm.s32 $0x1CF80;
	s18 =	simm.s32 $0xE480;
	s19 =	simm.s32 $0x0;
	v1 =	vmul.u32 $0x3, v0  }
.Ltmp0:
0x9: {  	v2 =	vimm.f32 $3.000000010e+38;
	[smem:$0x7FF] =	sst s5;
	s9 =	sand.u32 $0x1, s6;
	(pc) =	sbr.rel .LBB2_1-.Ltmp0, $4  }
0xa: {  	v3 =	vimm.s32 $0x40000000;
	s7 =	sadd.s32 $0x36E600, s8;
	s6 =	stileid.u32;
	s10 =	ssub.s32 $0x2, s9;
	v4 =	vadd.s32 $0x1, v1;
	v5 =	vadd.s32 $0x2, v1  }
0xb: {  	s8 =	sadd.s32 $0xE400, s8;
	_ =	strace $0x8000004A;
	s11 =	sshrl.u32 s10, $0x1;
	v6 =	vadd.s32 $0x30, v1;
	v7 =	vadd.s32 $0x31, v1;
	v8 =	vadd.s32 $0x32, v1  }
0xc: {  	s31 =	sshll.u32 s6, $0x6;
	s9 =	sshll.u32 s9, $0x5;
	v9 =	vadd.s32 $0x60, v1;
	v10 =	vadd.s32 $0x61, v1;
	v11 =	vadd.s32 $0x62, v1;
	s10 =	ssub.s32 s10, s11  }
0xd: {  	s9 =	sor.u32 s9, s31;
	v12 =	vadd.s32 $0x90, v1;
	v13 =	vadd.s32 $0x91, v1;
	v14 =	vadd.s32 $0x92, v1;
	s11 =	simm.s32 $0x1;
	s10 =	smax.u32 s10, $0x1  }
.LBB2_20:
0xe: {  	s19 =	sadd.s32 $0x1, s19  }
0xf: {  	p0 =	sne.s32 s19, s10  }
.Ltmp1:
0x10: {  	_ = 	snop;
	(pc) =	sbr.rel @!p0 .LBB2_21-.Ltmp1, $1  }
0x11: {  	_ =	sdelay $0x3  }
.LBB2_1:
0x12: {  	[tilespmem:s5], [sflag:$0x1] =	stream.linear.gather [hbm4b:s2+s5], $0x5000, $0x38;
	[tilespmem:$0x1D080] =	vst v63  }
0x13: {  	_ =	swait.ge [sflag:s11], $0x5000  }
0x14: {  	[sflag:s11] =	ssyncset.done $0x0  }
0x15: {  	[sflag:s11] =	ssyncadd.s32 $0xFFFFB000  }
0x16: {  	[tilespmem:s12], [sflag:$0x1] =	stream.linear.gather [hbm4b:s3+s5], $0xEA80, $0x38;
	[tilespmem:$0x1D080] =	vst v63  }
0x17: {  	_ =	swait.ge [sflag:s11], $0xEA80  }
0x18: {  	[sflag:s11] =	ssyncset.done $0x0  }
0x19: {  	s20 =	simm.s32 $0x0;
	[sflag:s11] =	ssyncadd.s32 $0xFFFF1580  }
.LBB2_2:
0x1a: {  	s24 =	sadd.s32 s9, s20  }
0x1b: {  	s21 =	sshrl.u32 s24, $0x3  }
0x1c: {  	s22 =	sshll.u32 s20, $0x7;
	s23 =	smul.u32 $0x28000, s21  }
0x1d: {  	s22 =	sand.u32 $0x380, s22  }
0x1e: {  	s23 =	sor.u32 s22, s23  }
0x1f: {  	s23 =	sshrl.u32 s23, $0x3  }
0x20: {  	s26 =	sshll.u32 s21, $0xA;
	s23 =	sadd.s32 s7, s23  }
0x21: {  	[tilespmem:s15], [sflag:$0x1] =	stream.strided.gather [hbm4b:s23+s13], $0x5000, s14, s13, $0x38;
	[tilespmem:$0x1D080] =	vst v63  }
0x22: {  	s23 =	sor.u32 s22, s26;
	_ =	swait.ge [sflag:s11], $0x5000  }
0x23: {  	s23 =	sshrl.u32 s23, $0x3;
	[sflag:s11] =	ssyncset.done $0x0  }
0x24: {  	s26 =	simm.s32 $0x0;
	s25 =	sadd.s32 s1, s23;
	[sflag:s11] =	ssyncadd.s32 $0xFFFFB000  }
0x25: {  	[tilespmem:s16], [sflag:$0x1] =	stream.linear.gather [hbm4b:s25+s26], $0x80, $0x38;
	[tilespmem:$0x1D080] =	vst v63  }
0x26: {  	_ =	swait.ge [sflag:s11], $0x80  }
0x27: {  	[sflag:s11] =	ssyncset.done $0x0  }
0x28: {  	[sflag:s11] =	ssyncadd.s32 $0xFFFFFF80  }
0x29: {  	v15 =	vld [tilespmem:$0xA000]  }
0x2a: {  	v16 =	vld [tilespmem:$0xA010]  }
0x2b: {  	v17 =	vld [tilespmem:$0xA020]  }
0x2c: {  	v18 =	vld [tilespmem:$0xA030]  }
0x2d: {  	v19 =	vld [tilespmem:$0xA040]  }
0x2e: {  	v15 =	vmax.f32 v15, $-1.000000000e+00  }
0x2f: {  	v15 =	vmax.f32 v15, v16  }
0x30: {  	v15 =	vmax.f32 v15, v17  }
0x31: {  	v15 =	vmax.f32 v15, v18  }
0x32: {  	v15 =	vmax.f32 v15, v19  }
0x33: {  	(xrf0) =	vmax.scan.msk.f32 $0xffff, v15;
	_ =	sdelay $0x2  }
0x34: {  	s25 =	simm.s32 $0x5040  }
0x35: {  	v16 =	vld [tilespmem:s25+$0xFFFFFFC0];
	_ =	sdelay $0x1  }
0x36: {  	v15, _, _ =	vpop (xrf0)  }
0x37: {  	v15 =	vbroadcast v15, $0xF;
	_ =	sdelay $0x1  }
0x38: {  	s28 =	simm.s32 $0x0;
	vm0 =	vle.f32 v16, v15  }
0x39: {  	[tilespmem:s26+$0xA080] =	vst.msk vm0, v16;
	v16 =	vor.u32 s28, v0;
	v17 =	vmpcnt.ones.xlane vm0  }
0x3a: {  	[tilespmem:s26+$0xC100] =	vst.msk vm0, v16  }
0x3b: {  	v16 =	vld [tilespmem:s25+$0xFFFFFFD0];
	(v2sf) =	vpush v17, $0x0;
	_ =	sdelay $0x4  }
0x3c: {  	vm9 =	vle.f32 v16, v15  }
0x3d: {  	v17 =	vmpcnt.ones.xlane vm9;
	_ =	sdelay $0x1  }
0x3e: {  	(v2sf) =	vpush v17, $0x0;
	_ =	sdelay $0x6  }
0x3f: {  	s28 =	spop (v2sf)  }
0x40: {  	s26 =	sadd.s32 $0x0, s28  }
0x41: {  	p0 =	slt.s32 s26, $0x2000  }
0x42: {  	s29 =	simm.s32 $0x10;
	s26 =	simm.s32 @!p0 $0x2000  }
0x43: {  	[tilespmem:s26+$0xA080] =	vst.msk vm9, v16;
	v16 =	vor.u32 s29, v0  }
0x44: {  	[tilespmem:s26+$0xC100] =	vst.msk vm9, v16  }
0x45: {  	v16 =	vld [tilespmem:s25+$0xFFFFFFE0];
	_ =	sdelay $0x1  }
0x46: {  	s0 =	spop (v2sf)  }
0x47: {  	s26 =	sadd.s32 s26, s0  }
0x48: {  	p0 =	slt.s32 s26, $0x2000  }
0x49: {  	s29 =	simm.s32 $0x20;
	s26 =	simm.s32 @!p0 $0x2000;
	vm10 =	vle.f32 v16, v15  }
0x4a: {  	[tilespmem:s26+$0xA080] =	vst.msk vm10, v16;
	v16 =	vor.u32 s29, v0;
	v17 =	vmpcnt.ones.xlane vm10  }
0x4b: {  	[tilespmem:s26+$0xC100] =	vst.msk vm10, v16  }
0x4c: {  	v16 =	vld [tilespmem:s25+$0xFFFFFFF0];
	(v2sf) =	vpush v17, $0x0;
	_ =	sdelay $0x4  }
0x4d: {  	vm11 =	vle.f32 v16, v15  }
0x4e: {  	v17 =	vmpcnt.ones.xlane vm11;
	_ =	sdelay $0x1  }
0x4f: {  	(v2sf) =	vpush v17, $0x0;
	_ =	sdelay $0x6  }
0x50: {  	s0 =	spop (v2sf)  }
0x51: {  	s26 =	sadd.s32 s26, s0  }
0x52: {  	p0 =	slt.s32 s26, $0x2000  }
0x53: {  	s29 =	simm.s32 $0x30;
	s26 =	simm.s32 @!p0 $0x2000  }
0x54: {  	[tilespmem:s26+$0xA080] =	vst.msk vm11, v16;
	v16 =	vor.u32 s29, v0  }
0x55: {  	[tilespmem:s26+$0xC100] =	vst.msk vm11, v16  }
0x56: {  	v16 =	vld [tilespmem:s25+$0x0];
	_ =	sdelay $0x1  }
0x57: {  	s0 =	spop (v2sf)  }
0x58: {  	s26 =	sadd.s32 s26, s0  }
0x59: {  	p0 =	slt.s32 s26, $0x2000  }
0x5a: {  	s29 =	simm.s32 $0x40;
	s26 =	simm.s32 @!p0 $0x2000;
	vm12 =	vle.f32 v16, v15  }
0x5b: {  	[tilespmem:s26+$0xA080] =	vst.msk vm12, v16;
	v16 =	vor.u32 s29, v0;
	v17 =	vmpcnt.ones.xlane vm12  }
0x5c: {  	[tilespmem:s26+$0xC100] =	vst.msk vm12, v16  }
0x5d: {  	v16 =	vld [tilespmem:s25+$0x10];
	(v2sf) =	vpush v17, $0x0;
	_ =	sdelay $0x4  }
0x5e: {  	vm13 =	vle.f32 v16, v15  }
0x5f: {  	v17 =	vmpcnt.ones.xlane vm13;
	_ =	sdelay $0x1  }
0x60: {  	(v2sf) =	vpush v17, $0x0;
	_ =	sdelay $0x6  }
0x61: {  	s0 =	spop (v2sf)  }
0x62: {  	s26 =	sadd.s32 s26, s0  }
0x63: {  	p0 =	slt.s32 s26, $0x2000  }
0x64: {  	s29 =	simm.s32 $0x50;
	s26 =	simm.s32 @!p0 $0x2000  }
0x65: {  	[tilespmem:s26+$0xA080] =	vst.msk vm13, v16;
	v16 =	vor.u32 s29, v0  }
0x66: {  	[tilespmem:s26+$0xC100] =	vst.msk vm13, v16  }
0x67: {  	v16 =	vld [tilespmem:s25+$0x20];
	_ =	sdelay $0x1  }
0x68: {  	s0 =	spop (v2sf)  }
0x69: {  	s26 =	sadd.s32 s26, s0  }
0x6a: {  	p0 =	slt.s32 s26, $0x2000  }
0x6b: {  	s29 =	simm.s32 $0x60;
	s26 =	simm.s32 @!p0 $0x2000;
	vm14 =	vle.f32 v16, v15  }
0x6c: {  	[tilespmem:s26+$0xA080] =	vst.msk vm14, v16;
	v16 =	vor.u32 s29, v0  }
0x6d: {  	v17 =	vmpcnt.ones.xlane vm14;
	[tilespmem:s26+$0xC100] =	vst.msk vm14, v16  }
0x6e: {  	v16 =	vld [tilespmem:s25+$0x30]  }
0x6f: {  	(v2sf) =	vpush v17, $0x0;
	_ =	sdelay $0x3  }
0x70: {  	vm15 =	vle.f32 v16, v15  }
0x71: {  	v17 =	vmpcnt.ones.xlane vm15;
	_ =	sdelay $0x1  }
0x72: {  	(v2sf) =	vpush v17, $0x0;
	_ =	sdelay $0x7  }
0x73: {  	s0 =	spop (v2sf)  }
0x74: {  	s25 =	sadd.s32 s26, s0  }
0x75: {  	p0 =	slt.s32 s25, $0x2000  }
0x76: {  	s28 =	simm.s32 $0x70;
	s25 =	simm.s32 @!p0 $0x2000  }
0x77: {  	[tilespmem:s25+$0xA080] =	vst.msk vm15, v16;
	v16 =	vor.u32 s28, v0  }
0x78: {  	s26 =	simm.s32 $0x50C0;
	[tilespmem:s25+$0xC100] =	vst.msk vm15, v16  }
0x79: {  	v16 =	vld [tilespmem:s26+$0xFFFFFFC0]  }
0x7a: {  	s29 =	spop (v2sf)  }
0x7b: {  	s30 =	sadd.s32 s25, s29  }
0x7c: {  	s31 =	simm.s32 $0x170;
	s25 =	simm.s32 $0xF0;
	p1 =	slt.s32 s30, $0x2000  }
.LBB2_3:
0x7d: {  	s0 =	sadd.s32 $0xFFFFFF90, s25  }
0x7e: {  	vm0 =	vle.f32 v16, v15;
	s30 =	simm.s32 @!p1 $0x2000;
	s29 =	smov.u32 s31;
	s28 =	sadd.s32 $0x80, s31  }
0x7f: {  	p0 =	sne.s32 s31, $0x4FF0;
	[tilespmem:s30+$0xA080] =	vst.msk vm0, v16;
	v16 =	vor.u32 s0, v0;
	v17 =	vmpcnt.ones.xlane vm0  }
0x80: {  	[tilespmem:s30+$0xC100] =	vst.msk vm0, v16  }
0x81: {  	v16 =	vld [tilespmem:s26+$0xFFFFFFD0];
	(v2sf) =	vpush v17, $0x0;
	_ =	sdelay $0x4  }
0x82: {  	vm0 =	vle.f32 v16, v15  }
0x83: {  	v17 =	vmpcnt.ones.xlane vm0;
	_ =	sdelay $0x1  }
0x84: {  	(v2sf) =	vpush v17, $0x0;
	_ =	sdelay $0x6  }
0x85: {  	s0 =	spop (v2sf)  }
0x86: {  	s0 =	sadd.s32 s30, s0  }
0x87: {  	p1 =	slt.s32 s0, $0x2000  }
0x88: {  	s30 =	sadd.s32 $0xFFFFFFA0, s25;
	s0 =	simm.s32 @!p1 $0x2000  }
0x89: {  	[tilespmem:s0+$0xA080] =	vst.msk vm0, v16;
	v16 =	vor.u32 s30, v0  }
0x8a: {  	[tilespmem:s0+$0xC100] =	vst.msk vm0, v16  }
0x8b: {  	v16 =	vld [tilespmem:s26+$0xFFFFFFE0];
	_ =	sdelay $0x1  }
0x8c: {  	s30 =	spop (v2sf)  }
0x8d: {  	s0 =	sadd.s32 s0, s30  }
0x8e: {  	p1 =	slt.s32 s0, $0x2000  }
0x8f: {  	s30 =	sadd.s32 $0xFFFFFFB0, s25;
	s0 =	simm.s32 @!p1 $0x2000;
	vm0 =	vle.f32 v16, v15  }
0x90: {  	[tilespmem:s0+$0xA080] =	vst.msk vm0, v16;
	v16 =	vor.u32 s30, v0;
	v17 =	vmpcnt.ones.xlane vm0  }
0x91: {  	[tilespmem:s0+$0xC100] =	vst.msk vm0, v16  }
0x92: {  	v16 =	vld [tilespmem:s26+$0xFFFFFFF0];
	(v2sf) =	vpush v17, $0x0;
	_ =	sdelay $0x4  }
0x93: {  	vm0 =	vle.f32 v16, v15  }
0x94: {  	v17 =	vmpcnt.ones.xlane vm0;
	_ =	sdelay $0x1  }
0x95: {  	(v2sf) =	vpush v17, $0x0;
	_ =	sdelay $0x6  }
0x96: {  	s30 =	spop (v2sf)  }
0x97: {  	s0 =	sadd.s32 s0, s30  }
0x98: {  	p1 =	slt.s32 s0, $0x2000  }
0x99: {  	s30 =	sadd.s32 $0xFFFFFFC0, s25;
	s0 =	simm.s32 @!p1 $0x2000  }
0x9a: {  	[tilespmem:s0+$0xA080] =	vst.msk vm0, v16;
	v16 =	vor.u32 s30, v0  }
0x9b: {  	[tilespmem:s0+$0xC100] =	vst.msk vm0, v16  }
0x9c: {  	v16 =	vld [tilespmem:s26+$0x0];
	_ =	sdelay $0x1  }
0x9d: {  	s30 =	spop (v2sf)  }
0x9e: {  	s0 =	sadd.s32 s0, s30  }
0x9f: {  	p1 =	slt.s32 s0, $0x2000  }
0xa0: {  	s30 =	sadd.s32 $0xFFFFFFD0, s25;
	s0 =	simm.s32 @!p1 $0x2000;
	vm0 =	vle.f32 v16, v15  }
0xa1: {  	[tilespmem:s0+$0xA080] =	vst.msk vm0, v16;
	v16 =	vor.u32 s30, v0;
	v17 =	vmpcnt.ones.xlane vm0  }
0xa2: {  	[tilespmem:s0+$0xC100] =	vst.msk vm0, v16  }
0xa3: {  	v16 =	vld [tilespmem:s26+$0x10];
	(v2sf) =	vpush v17, $0x0;
	_ =	sdelay $0x4  }
0xa4: {  	vm0 =	vle.f32 v16, v15  }
0xa5: {  	v17 =	vmpcnt.ones.xlane vm0;
	_ =	sdelay $0x1  }
0xa6: {  	(v2sf) =	vpush v17, $0x0;
	_ =	sdelay $0x6  }
0xa7: {  	s30 =	spop (v2sf)  }
0xa8: {  	s0 =	sadd.s32 s0, s30  }
0xa9: {  	p1 =	slt.s32 s0, $0x2000  }
0xaa: {  	s30 =	sadd.s32 $0xFFFFFFE0, s25;
	s0 =	simm.s32 @!p1 $0x2000  }
0xab: {  	[tilespmem:s0+$0xA080] =	vst.msk vm0, v16;
	v16 =	vor.u32 s30, v0  }
0xac: {  	[tilespmem:s0+$0xC100] =	vst.msk vm0, v16  }
0xad: {  	v16 =	vld [tilespmem:s26+$0x20];
	_ =	sdelay $0x1  }
0xae: {  	s30 =	spop (v2sf)  }
0xaf: {  	s0 =	sadd.s32 s0, s30  }
0xb0: {  	p1 =	slt.s32 s0, $0x2000  }
0xb1: {  	s30 =	sadd.s32 $0xFFFFFFF0, s25;
	s0 =	simm.s32 @!p1 $0x2000;
	vm0 =	vle.f32 v16, v15  }
0xb2: {  	[tilespmem:s0+$0xA080] =	vst.msk vm0, v16;
	v16 =	vor.u32 s30, v0;
	v17 =	vmpcnt.ones.xlane vm0  }
0xb3: {  	[tilespmem:s0+$0xC100] =	vst.msk vm0, v16  }
0xb4: {  	v16 =	vld [tilespmem:s26+$0x30];
	(v2sf) =	vpush v17, $0x0;
	_ =	sdelay $0x4  }
0xb5: {  	vm0 =	vle.f32 v16, v15  }
0xb6: {  	v17 =	vmpcnt.ones.xlane vm0;
	_ =	sdelay $0x1  }
0xb7: {  	(v2sf) =	vpush v17, $0x0;
	_ =	sdelay $0x6  }
0xb8: {  	s30 =	spop (v2sf)  }
0xb9: {  	s0 =	sadd.s32 s0, s30  }
0xba: {  	p1 =	slt.s32 s0, $0x2000  }
0xbb: {  	s0 =	simm.s32 @!p1 $0x2000  }
0xbc: {  	[tilespmem:s0+$0xA080] =	vst.msk vm0, v16;
	v16 =	vor.u32 s25, v0;
	s25 =	smov.u32 s29  }
0xbd: {  	s26 =	sadd.s32 $0x80, s26;
	[tilespmem:s0+$0xC100] =	vst.msk vm0, v16  }
.Ltmp2:
0xbe: {  	v16 =	vld [tilespmem:s26+$0xFFFFFFC0];
	(pc) =	sbr.rel @p0 .LBB2_3-.Ltmp2, $4  }
0xbf: {  	_ = 	snop  }
0xc0: {  	s29 =	spop (v2sf)  }
0xc1: {  	s30 =	sadd.s32 s0, s29  }
0xc2: {  	s31 =	smov.u32 s28;
	p1 =	slt.s32 s30, $0x2000  }
0xc3: {  	s0 =	sadd.s32 $0xFFFFFF90, s25;
	vm0 =	vle.f32 v16, v15;
	s30 =	simm.s32 @!p1 $0x2000  }
0xc4: {  	[tilespmem:s30+$0xA080] =	vst.msk vm0, v16;
	v51 =	vor.u32 s0, v0;
	v17 =	vmpcnt.ones.xlane vm0  }
0xc5: {  	[tilespmem:s30+$0xC100] =	vst.msk vm0, v51  }
0xc6: {  	v16 =	vld [tilespmem:s26+$0xFFFFFFD0];
	(v2sf) =	vpush v17, $0x0;
	_ =	sdelay $0x4  }
0xc7: {  	vm9 =	vle.f32 v16, v15  }
0xc8: {  	v52 =	vmpcnt.ones.xlane vm9;
	_ =	sdelay $0x1  }
0xc9: {  	(v2sf) =	vpush v52, $0x0;
	_ =	sdelay $0x6  }
0xca: {  	s29 =	spop (v2sf)  }
0xcb: {  	s0 =	sadd.s32 s30, s29  }
0xcc: {  	p0 =	slt.s32 s0, $0x2000  }
0xcd: {  	s28 =	sadd.s32 $0xFFFFFFA0, s25;
	s0 =	simm.s32 @!p0 $0x2000  }
0xce: {  	v53 =	vor.u32 s28, v0;
	[tilespmem:s0+$0xA080] =	vst.msk vm9, v16  }
0xcf: {  	[tilespmem:s0+$0xC100] =	vst.msk vm9, v53  }
0xd0: {  	v16 =	vld [tilespmem:s26+$0xFFFFFFE0];
	_ =	sdelay $0x1  }
0xd1: {  	s31 =	spop (v2sf)  }
0xd2: {  	s0 =	sadd.s32 s0, s31  }
0xd3: {  	p0 =	slt.s32 s0, $0x2000  }
0xd4: {  	s29 =	sadd.s32 $0xFFFFFFB0, s25;
	s0 =	simm.s32 @!p0 $0x2000;
	vm10 =	vle.f32 v16, v15  }
0xd5: {  	v54 =	vor.u32 s29, v0;
	[tilespmem:s0+$0xA080] =	vst.msk vm10, v16;
	v55 =	vmpcnt.ones.xlane vm10  }
0xd6: {  	[tilespmem:s0+$0xC100] =	vst.msk vm10, v54  }
0xd7: {  	v16 =	vld [tilespmem:s26+$0xFFFFFFF0];
	(v2sf) =	vpush v55, $0x0;
	_ =	sdelay $0x4  }
0xd8: {  	vm11 =	vle.f32 v16, v15  }
0xd9: {  	v56 =	vmpcnt.ones.xlane vm11;
	_ =	sdelay $0x1  }
0xda: {  	(v2sf) =	vpush v56, $0x0;
	_ =	sdelay $0x6  }
0xdb: {  	s30 =	spop (v2sf)  }
0xdc: {  	s0 =	sadd.s32 s0, s30  }
0xdd: {  	p0 =	slt.s32 s0, $0x2000  }
0xde: {  	s31 =	sadd.s32 $0xFFFFFFC0, s25;
	s0 =	simm.s32 @!p0 $0x2000  }
0xdf: {  	v57 =	vor.u32 s31, v0;
	[tilespmem:s0+$0xA080] =	vst.msk vm11, v16  }
0xe0: {  	[tilespmem:s0+$0xC100] =	vst.msk vm11, v57  }
0xe1: {  	v16 =	vld [tilespmem:s26+$0x0];
	_ =	sdelay $0x1  }
0xe2: {  	s29 =	spop (v2sf)  }
0xe3: {  	s0 =	sadd.s32 s0, s29  }
0xe4: {  	p0 =	slt.s32 s0, $0x2000  }
0xe5: {  	s30 =	sadd.s32 $0xFFFFFFD0, s25;
	s0 =	simm.s32 @!p0 $0x2000;
	vm12 =	vle.f32 v16, v15  }
0xe6: {  	v58 =	vor.u32 s30, v0;
	[tilespmem:s0+$0xA080] =	vst.msk vm12, v16;
	v59 =	vmpcnt.ones.xlane vm12  }
0xe7: {  	[tilespmem:s0+$0xC100] =	vst.msk vm12, v58  }
0xe8: {  	v16 =	vld [tilespmem:s26+$0x10];
	(v2sf) =	vpush v59, $0x0;
	_ =	sdelay $0x4  }
0xe9: {  	vm13 =	vle.f32 v16, v15  }
0xea: {  	v60 =	vmpcnt.ones.xlane vm13;
	_ =	sdelay $0x1  }
0xeb: {  	(v2sf) =	vpush v60, $0x0;
	_ =	sdelay $0x6  }
0xec: {  	s31 =	spop (v2sf)  }
0xed: {  	s0 =	sadd.s32 s0, s31  }
0xee: {  	p0 =	slt.s32 s0, $0x2000  }
0xef: {  	s29 =	sadd.s32 $0xFFFFFFE0, s25;
	s0 =	simm.s32 @!p0 $0x2000  }
0xf0: {  	v61 =	vor.u32 s29, v0;
	[tilespmem:s0+$0xA080] =	vst.msk vm13, v16  }
0xf1: {  	[tilespmem:s0+$0xC100] =	vst.msk vm13, v61  }
0xf2: {  	v16 =	vld [tilespmem:s26+$0x20];
	_ =	sdelay $0x1  }
0xf3: {  	s30 =	spop (v2sf)  }
0xf4: {  	s0 =	sadd.s32 s0, s30  }
0xf5: {  	p0 =	slt.s32 s0, $0x2000  }
0xf6: {  	s31 =	sadd.s32 $0xFFFFFFF0, s25;
	s0 =	simm.s32 @!p0 $0x2000;
	vm14 =	vle.f32 v16, v15  }
0xf7: {  	v62 =	vor.u32 s31, v0;
	[tilespmem:s0+$0xA080] =	vst.msk vm14, v16  }
0xf8: {  	[tilespmem:s0+$0xC100] =	vst.msk vm14, v62  }
0xf9: {  	v16 =	vld [tilespmem:s26+$0x30];
	_ =	sdelay $0x2  }
0xfa: {  	v63 =	vmpcnt.ones.xlane vm14;
	_ =	sdelay $0x1  }
0xfb: {  	(v2sf) =	vpush v63, $0x0;
	vm15 =	vle.f32 v16, v15  }
0xfc: {  	v15 =	vmpcnt.ones.xlane vm15;
	_ =	sdelay $0x1  }
0xfd: {  	(v2sf) =	vpush v15, $0x0;
	_ =	sdelay $0xb  }
0xfe: {  	s29 =	spop (v2sf)  }
0xff: {  	s0 =	sadd.s32 s0, s29  }
0x100: {  	p0 =	slt.s32 s0, $0x2000  }
0x101: {  	s0 =	simm.s32 @!p0 $0x2000;
	s30 =	spop (v2sf)  }
0x102: {  	s28 =	sadd.s32 s0, s30  }
0x103: {  	p0 =	slt.s32 s28, $0x2000  }
0x104: {  	s28 =	simm.s32 @!p0 $0x2000  }
0x105: {  	s31 =	sadd.s32 $0xF, s28  }
0x106: {  	s26 =	sshra.s32 s31, $0x4  }
0x107: {  	p0 =	slt.s32 s26, $0x1  }
.Ltmp3:
0x108: {  	_ = 	snop;
	(pc) =	sbr.rel @p0 .LBB2_11-.Ltmp3, $4  }
0x109: {  	v15 =	vor.u32 s25, v0;
	[tilespmem:s0+$0xA080] =	vst.msk vm15, v16  }
0x10a: {  	[tilespmem:s0+$0xC100] =	vst.msk vm15, v15  }
0x10b: {  	[tilespmem:s28+$0xA080] =	vst v2  }
0x10c: {  	[tilespmem:s28+$0xC100] =	vst v3  }
0x10d: {  	p1 =	sne.s32 s26, $0x1  }
.Ltmp4:
0x10e: {  	_ = 	snop;
	(pc) =	sbr.rel @!p1 .LBB2_6-.Ltmp4, $3  }
0x10f: {  	_ =	sdelay $0x1  }
0x110: {  	s0 =	simm.s32 $0xA080  }
0x111: {  	s25 =	simm.s32 $0xE180;
	s28 =	sadd.s32 $0xFFFFFFFF, s26;
	p0 =	por $0x0, $0x0;
	v15 =	vld [tilespmem:s0+$0x0]  }
0x112: {  	_ =	sdelay $0x3  }
0x113: {  	(xrf0) =	vmin.scan.msk.f32 $0xffff, v15;
	_ =	sdelay $0x4  }
0x114: {  	p1 =	sne.s32 s28, $0x1  }
.Ltmp5:
0x115: {  	v15, _, _ =	vpop (xrf0);
	(pc) =	sbr.rel @!p1 .LBB2_8-.Ltmp5, $3  }
0x116: {  	v15 =	vbroadcast v15, $0xF;
	_ =	sdelay $0x1  }
0x117: {  	s29 =	simm.s32 $0xA090;
	[tilespmem:s25+$0x0] =	vst.msk $0x1, v15  }
0x118: {  	s30 =	sadd.s32 $0xFFFFFFFF, s28;
	p0 =	por $0x1, $0x1;
	s28 =	simm.s32 $0xE180;
	v15 =	vld [tilespmem:s29+$0x0]  }
.LBB2_9:
0x119: {  	p1 =	sne.s32 s30, $0x1;
	_ =	sdelay $0x3  }
0x11a: {  	(xrf0) =	vmin.scan.msk.f32 $0xffff, v15;
	_ =	sdelay $0x5  }
.Ltmp6:
0x11b: {  	v15, _, _ =	vpop (xrf0);
	(pc) =	sbr.rel @p1 .LBB2_9-.Ltmp6, $4  }
0x11c: {  	v15 =	vbroadcast v15, $0xF  }
0x11d: {  	s28 =	sadd.s32 $0x1, s28  }
0x11e: {  	s29 =	sadd.s32 $0x10, s29;
	[tilespmem:s28+$0x0] =	vst.msk $0x1, v15  }
0x11f: {  	s30 =	sadd.s32 $0xFFFFFFFF, s30;
	v15 =	vld [tilespmem:s29+$0x0]  }
.LBB2_10:
0x120: {  	_ =	sdelay $0x3  }
0x121: {  	(xrf0) =	vmin.scan.msk.f32 $0xffff, v15;
	_ =	sdelay $0x5  }
0x122: {  	v15, _, _ =	vpop (xrf0)  }
0x123: {  	s0 =	sadd.s32 @p0 $0x1, s28;
	v15 =	vbroadcast v15, $0xF  }
0x124: {  	s25 =	smov.u32 @p0 s0  }
0x125: {  	[tilespmem:s25+$0x0] =	vst.msk $0x1, v15  }
.LBB2_11:
0x126: {  	s0 =	sadd.s32 $0xF, s26  }
0x127: {  	s25 =	sshra.s32 s0, $0x4  }
0x128: {  	[tilespmem:s26+$0xE180] =	vst v2;
	s26 =	simm.s32 $0x0;
	p0 =	slt.s32 s25, $0x1  }
.LBB2_12:
.Ltmp7:
0x129: {  	(pc) =	sbr.rel @p0 .LBB2_16-.Ltmp7, $2  }
0x12a: {  	_ =	sdelay $0x2  }
0x12b: {  	v15 =	vimm.f32 $3.000000010e+38;
	s28 =	simm.s32 $0xE180  }
0x12c: {  	p1 =	sne.s32 s25, $0x1  }
.Ltmp8:
0x12d: {  	_ = 	snop;
	(pc) =	sbr.rel @!p1 .LBB2_15-.Ltmp8, $2  }
0x12e: {  	_ =	sdelay $0x2  }
0x12f: {  	s29 =	sadd.s32 $0xFFFFFFFF, s25;
	v16 =	vld [tilespmem:s28+$0x0]  }
.LBB2_14:
0x130: {  	p1 =	sne.s32 s29, $0x1  }
.Ltmp9:
0x131: {  	_ = 	snop;
	(pc) =	sbr.rel @p1 .LBB2_14-.Ltmp9, $3  }
0x132: {  	_ =	sdelay $0x1  }
0x133: {  	s29 =	sadd.s32 $0xFFFFFFFF, s29;
	s28 =	sadd.s32 $0x10, s28;
	v15 =	vmin.f32 v15, v16  }
0x134: {  	v16 =	vld [tilespmem:s28+$0x0]  }
.LBB2_15:
0x135: {  	_ =	sdelay $0x3  }
0x136: {  	v15 =	vmin.f32 v15, v16  }
.LBB2_16:
0x137: {  	(xrf0) =	vmin.scan.msk.f32 $0xffff, v15;
	_ =	sdelay $0x5  }
0x138: {  	v15, _, _ =	vpop (xrf0)  }
0x139: {  	s28 =	simm.s32 $0xFFFFFFFF;
	s29 =	simm.s32 $0xE180;
	s30 =	simm.s32 $0x0;
	v15 =	vbroadcast v15, $0xF  }
.LBB2_17:
0x13a: {  	v16 =	vld [tilespmem:s29+$0x0];
	_ =	sdelay $0x4  }
0x13b: {  	vm0 =	veq.f32 v16, v15  }
0x13c: {  	v16 =	vmctz.xlane vm0;
	_ =	sdelay $0x1  }
0x13d: {  	(v2sf) =	vpush v16, $0x0;
	_ =	sdelay $0xe  }
0x13e: {  	s0 =	spop (v2sf)  }
0x13f: {  	p1 =	slt.s32 s0, $0x10;
	s0 =	sadd.s32 s30, s0  }
0x140: {  	s28 =	smov.u32 @p1 s0  }
0x141: {  	p1 =	slt.s32 s28, $0x0  }
.Ltmp10:
0x142: {  	_ = 	snop;
	(pc) =	sbr.rel @p1 .LBB2_17-.Ltmp10, $2  }
0x143: {  	_ =	sdelay $0x2  }
0x144: {  	s29 =	sadd.s32 $0x10, s29;
	s30 =	sadd.s32 $0x10, s30  }
0x145: {  	s0 =	sshll.u32 s28, $0x4  }
0x146: {  	v16 =	vld [tilespmem:s0+$0xA080]  }
0x147: {  	v17 =	vld [tilespmem:s0+$0xC100];
	_ =	sdelay $0x4  }
0x148: {  	vm0 =	veq.f32 v16, v15;
	v15 =	vxor.u32 $0x80000000, v17  }
0x149: {  	v15 =	vnsel vm0, $0xC0000000, v15  }
0x14a: {  	(xrf0) =	vmin.scan.msk.u32 $0xffff, v15;
	_ =	sdelay $0x5  }
0x14b: {  	v15, _, _ =	vpop (xrf0)  }
0x14c: {  	(v2sf) =	vpush v15, $0xF;
	_ =	sdelay $0xe  }
0x14d: {  	s29 =	spop (v2sf)  }
0x14e: {  	s29 =	sxor.u32 $0x80000000, s29  }
0x14f: {  	vm15 =	veq.s32 v17, s29  }
0x150: {  	v15 =	vsel vm15, $0x7F61B1E6, v16  }
0x151: {  	(xrf0) =	vmin.scan.msk.f32 $0xffff, v15;
	_ =	sdelay $0x5  }
0x152: {  	v63, _, _ =	vpop (xrf0)  }
0x153: {  	v16 =	vbroadcast v63, $0xF  }
0x154: {  	[tilespmem:s0+$0xA080] =	vst v15  }
0x155: {  	v15 =	vmov s29;
	[tilespmem:s28+$0xE180] =	vst.msk $0x1, v16  }
0x156: {  	[tilespmem:s26+$0xE400] =	vst.msk $0x1, v15;
	s26 =	sadd.s32 $0x1, s26  }
0x157: {  	p1 =	sne.s32 s26, $0x40  }
.Ltmp11:
0x158: {  	_ = 	snop;
	(pc) =	sbr.rel @p1 .LBB2_12-.Ltmp11, $1  }
0x159: {  	_ =	sdelay $0x3  }
0x15a: {  	v15 =	vld [tilespmem:$0xE400];
	_ =	sdelay $0x7  }
0x15b: {  	v16 =	vld.idx.msk [tilespmem:v15+s5+$0x0], $0xffff;
	_ =	sdelay $0x1  }
0x15c: {  	v17 =	vmul.u32 $0x3, v15;
	_ =	sdelay $0x2  }
0x15d: {  	vm0 =	veq.s32 v16, s24  }
0x15e: {  	v15 =	vnsel vm0, $0x4E20, v15  }
0x15f: {  	[tilespmem:$0xE480] =	vst v15  }
0x160: {  	v15 =	vld.idx.msk [tilespmem:v17+s12+$0x0], $0xffff;
	_ =	sdelay $0x1  }
0x161: {  	v50 =	vadd.s32 $0x1, v17;
	_ =	sdelay $0x2  }
0x162: {  	v15 =	vnsel vm0, $0x0, v15  }
0x163: {  	[tilespmem:v1+s17+$0x0] =	vst.idx.msk $0xffff, v15  }
0x164: {  	v15 =	vld.idx.msk [tilespmem:v50+s12+$0x0], $0xffff;
	_ =	sdelay $0x1  }
0x165: {  	v51 =	vadd.s32 $0x2, v17;
	_ =	sdelay $0x2  }
0x166: {  	v15 =	vnsel vm0, $0x0, v15  }
0x167: {  	[tilespmem:v4+s17+$0x0] =	vst.idx.msk $0xffff, v15  }
0x168: {  	v15 =	vld.idx.msk [tilespmem:v51+s12+$0x0], $0xffff;
	_ =	sdelay $0x4  }
0x169: {  	v15 =	vnsel vm0, $0x0, v15  }
0x16a: {  	[tilespmem:v5+s17+$0x0] =	vst.idx.msk $0xffff, v15  }
0x16b: {  	v15 =	vld [tilespmem:$0xE410];
	_ =	sdelay $0x7  }
0x16c: {  	v52 =	vld.idx.msk [tilespmem:v15+s5+$0x0], $0xffff;
	_ =	sdelay $0x1  }
0x16d: {  	v53 =	vmul.u32 $0x3, v15;
	_ =	sdelay $0x2  }
0x16e: {  	vm13 =	veq.s32 v52, s24  }
0x16f: {  	v15 =	vnsel vm13, $0x4E20, v15  }
0x170: {  	[tilespmem:$0xE490] =	vst v15  }
0x171: {  	v15 =	vld.idx.msk [tilespmem:v53+s12+$0x0], $0xffff;
	_ =	sdelay $0x1  }
0x172: {  	v54 =	vadd.s32 $0x1, v53;
	_ =	sdelay $0x2  }
0x173: {  	v15 =	vnsel vm13, $0x0, v15  }
0x174: {  	[tilespmem:v6+s17+$0x0] =	vst.idx.msk $0xffff, v15  }
0x175: {  	v15 =	vld.idx.msk [tilespmem:v54+s12+$0x0], $0xffff;
	_ =	sdelay $0x1  }
0x176: {  	v55 =	vadd.s32 $0x2, v53;
	_ =	sdelay $0x2  }
0x177: {  	v15 =	vnsel vm13, $0x0, v15  }
0x178: {  	[tilespmem:v7+s17+$0x0] =	vst.idx.msk $0xffff, v15  }
0x179: {  	v15 =	vld.idx.msk [tilespmem:v55+s12+$0x0], $0xffff;
	_ =	sdelay $0x4  }
0x17a: {  	v15 =	vnsel vm13, $0x0, v15  }
0x17b: {  	[tilespmem:v8+s17+$0x0] =	vst.idx.msk $0xffff, v15  }
0x17c: {  	v15 =	vld [tilespmem:$0xE420];
	_ =	sdelay $0x7  }
0x17d: {  	v56 =	vld.idx.msk [tilespmem:v15+s5+$0x0], $0xffff;
	_ =	sdelay $0x1  }
0x17e: {  	v57 =	vmul.u32 $0x3, v15;
	_ =	sdelay $0x2  }
0x17f: {  	vm14 =	veq.s32 v56, s24  }
0x180: {  	v15 =	vnsel vm14, $0x4E20, v15  }
0x181: {  	[tilespmem:$0xE4A0] =	vst v15  }
0x182: {  	v15 =	vld.idx.msk [tilespmem:v57+s12+$0x0], $0xffff;
	_ =	sdelay $0x1  }
0x183: {  	v58 =	vadd.s32 $0x1, v57;
	_ =	sdelay $0x2  }
0x184: {  	v15 =	vnsel vm14, $0x0, v15  }
0x185: {  	[tilespmem:v9+s17+$0x0] =	vst.idx.msk $0xffff, v15  }
0x186: {  	v15 =	vld.idx.msk [tilespmem:v58+s12+$0x0], $0xffff;
	_ =	sdelay $0x1  }
0x187: {  	v59 =	vadd.s32 $0x2, v57;
	_ =	sdelay $0x2  }
0x188: {  	v15 =	vnsel vm14, $0x0, v15  }
0x189: {  	[tilespmem:v10+s17+$0x0] =	vst.idx.msk $0xffff, v15  }
0x18a: {  	v15 =	vld.idx.msk [tilespmem:v59+s12+$0x0], $0xffff;
	_ =	sdelay $0x4  }
0x18b: {  	v15 =	vnsel vm14, $0x0, v15  }
0x18c: {  	[tilespmem:v11+s17+$0x0] =	vst.idx.msk $0xffff, v15  }
0x18d: {  	v15 =	vld [tilespmem:$0xE430];
	_ =	sdelay $0x7  }
0x18e: {  	v60 =	vld.idx.msk [tilespmem:v15+s5+$0x0], $0xffff;
	_ =	sdelay $0x1  }
0x18f: {  	v61 =	vmul.u32 $0x3, v15;
	_ =	sdelay $0x2  }
0x190: {  	vm15 =	veq.s32 v60, s24  }
0x191: {  	v15 =	vnsel vm15, $0x4E20, v15  }
0x192: {  	[tilespmem:$0xE4B0] =	vst v15  }
0x193: {  	v15 =	vld.idx.msk [tilespmem:v61+s12+$0x0], $0xffff;
	_ =	sdelay $0x1  }
0x194: {  	v62 =	vadd.s32 $0x1, v61;
	_ =	sdelay $0x2  }
0x195: {  	v15 =	vnsel vm15, $0x0, v15  }
0x196: {  	[tilespmem:v12+s17+$0x0] =	vst.idx.msk $0xffff, v15  }
0x197: {  	v15 =	vld.idx.msk [tilespmem:v62+s12+$0x0], $0xffff;
	_ =	sdelay $0x1  }
0x198: {  	v63 =	vadd.s32 $0x2, v61;
	_ =	sdelay $0x2  }
0x199: {  	v15 =	vnsel vm15, $0x0, v15  }
0x19a: {  	[tilespmem:v13+s17+$0x0] =	vst.idx.msk $0xffff, v15  }
0x19b: {  	v15 =	vld.idx.msk [tilespmem:v63+s12+$0x0], $0xffff;
	_ =	sdelay $0x4  }
0x19c: {  	v15 =	vnsel vm15, $0x0, v15  }
0x19d: {  	s0 =	sadd.s32 s4, s23;
	s31 =	sshll.u32 s21, $0xB;
	[tilespmem:v14+s17+$0x0] =	vst.idx.msk $0xffff, v15  }
0x19e: {  	[hbm4b:s0+s5] =	stream.linear.scatter [tilespmem:s18], [sflag:$0x1], $0x80, $0x38;
	[tilespmem:$0x1D080] =	vst v63  }
0x19f: {  	s0 =	sor.u32 s22, s31;
	_ =	swait.ge [sflag:s11], $0x80  }
0x1a0: {  	s20 =	sadd.s32 $0x1, s20;
	s0 =	sshrl.u32 s0, $0x3;
	[sflag:s11] =	ssyncset.done $0x0  }
0x1a1: {  	p0 =	sne.s32 s20, $0x20;
	s0 =	sadd.s32 s8, s0;
	[sflag:s11] =	ssyncadd.s32 $0xFFFFFF80  }
0x1a2: {  	[hbm4b:s0+s13] =	stream.strided.scatter [tilespmem:s17], [sflag:$0x1], $0x100, s14, s13, $0x38;
	[tilespmem:$0x1D080] =	vst v63  }
.Ltmp12:
0x1a3: {  	_ = 	snop;
	(pc) =	sbr.rel @p0 .LBB2_2-.Ltmp12, $4  }
.Ltmp13:
0x1a4: {  	_ = 	snop;
	(pc) =	sbr.rel @!p0 .LBB2_20-.Ltmp13, $4  }
0x1a5: {  	_ =	swait.ge [sflag:s11], $0x100  }
0x1a6: {  	[sflag:s11] =	ssyncset.done $0x0  }
0x1a7: {  	[sflag:s11] =	ssyncadd.s32 $0xFFFFFF00  }
0x1a8: {  	_ = 	snop  }
.LBB2_6:
.Ltmp14:
0x1a9: {  	(pc) =	sbr.rel .LBB2_10-.Ltmp14, $2  }
0x1aa: {  	_ =	sdelay $0x2  }
0x1ab: {  	s28 =	simm.s32 $0xE180  }
.LBB2_8:
.Ltmp15:
0x1ac: {  	(pc) =	sbr.rel .LBB2_10-.Ltmp15, $2  }
0x1ad: {  	_ =	sdelay $0x2  }
0x1ae: {  	s28 =	simm.s32 $0xE180  }
.LBB2_21:
0x1af: {  	_ =	sfence.sel $0x180000  }
0x1b0: {  	[bflag:$0x0] =	sbarrier.arrive $0xFFFF  }
0x1b1: {  	_ =	strace $0x9000004A  }
0x1b2: {  	[bflag:$0x2] =	sbarrier.arrive $0xFFFF  }
0x1b3: {  	p0 =	sne.s32 s6, $0x0;
	s0 =	rddreg [dreg:$0x5]  }
0x1b4: {  	s0 =	sadd.s32 @!p0 $0x100000, s0  }
0x1b5: {  	[sflag:s0] =	ssyncadd.tile.s32 @!p0 $0x1;
	_ =	shalt  }
.Lfunc_end2:
_tile_overlayer_lowered:
.L_overlay_start_2:
0x1b6: {  	(tag) =	ssettag $0x2  }
0x1b7: {  	s0 =	rddreg [dreg:$0x0];
	s2 =	stileid.u32  }
0x1b8: {  	s1 =	rddreg [dreg:$0x1];
	p0 =	sne.s32 s2, $0x0  }
0x1b9: {  	s3 =	rddreg [dreg:$0x2];
	[bflag:$0x3] =	sbarrier.arrive $0xFFFF;
	s2 =	simm.s32 @!p0 $0x1C01  }
0x1ba: {  	[timem:s3], [sflag:s2] =	dma.local @!p0 [hbm:s0], s1  }
0x1bb: {  	s0 =	simm.s32 @!p0 $0x1  }
0x1bc: {  	_ =	swait.ge @!p0 [sflag:s0], s1  }
0x1bd: {  	s1 =	ssub.s32 @!p0 $0x0, s1;
	[sflag:s0] =	ssyncset.done @!p0 $0x0  }
0x1be: {  	[sflag:s0] =	ssyncadd.s32 @!p0 s1  }
0x1bf: {  	[bflag:$0x3] =	sbarrier.arrive $0xFFFF  }
0x1c0: {  	_ =	shalt  }

// kernel: kernel.16.cloned.1.call-start
scs
__scs_entry_jumppad:
0x0: {  	(pc) =	sbr.rel $0x88, $3  }
0x1: {  	(tag) =	ssettag $0x0;
	lr =	simm.s32 $0x1  }
0x2: {  	[smem:$0x3F9B] =	sst lr;
	_ =	strace $0xD0000000  }
0x3: {  	_ = 	snop  }
0x4: {  	_ = 	snop  }
0x5: {  	_ = 	snop  }
0x6: {  	_ = 	snop  }
0x7: {  	_ = 	snop  }
__scs_overlays_trampoline_lowered:
0x8: {  	[smem:$0x3FAA] =	sst s0  }
0x9: {  	[smem:$0x3FAB] =	sst s1  }
0xa: {  	[smem:$0x3FAC] =	sst s2  }
0xb: {  	[smem:$0x3FAD] =	sst s3  }
0xc: {  	[smem:$0x3FAE] =	sst s4  }
0xd: {  	[smem:$0x3FAF] =	sst s5  }
0xe: {  	[smem:$0x3FB0] =	sst s6  }
0xf: {  	[smem:$0x3FB1] =	sst s7  }
0x10: {  	[smem:$0x3FB2] =	sst s8  }
0x11: {  	[smem:$0x3FB3] =	sst s9;
	s0 =	simm.s32 @!p0 $0x0  }
0x12: {  	s1 =	sld [smem:$0x3F99];
	s0 =	simm.s32 @p0 $0x1  }
0x13: {  	[smem:$0x3FB4] =	sst s0;
	s0 =	simm.s32 @!p1 $0x0  }
0x14: {  	s2 =	sld [smem:$0x3F98];
	s0 =	simm.s32 @p1 $0x1  }
0x15: {  	[smem:$0x3FB5] =	sst s0;
	s0 =	simm.s32 @!p2 $0x0  }
0x16: {  	s3 =	sld [smem:$0x3FDB];
	s0 =	simm.s32 @p2 $0x1  }
0x17: {  	s4 =	simm.s32 $0x1BF5;
	[smem:$0x3FB7] =	sst s0  }
0x18: {  	s0 =	sld [smem:$0x3F9A];
	_ =	swait.ge [sflag:s4], $0x0  }
0x19: {  	s7 =	sld [smem:$0x3F9B]  }
0x1a: {  	s8 =	sadd.s32 $0xFFFFE003, lr  }
0x1b: {  	s9 =	sadd.s32 $0xFFFFFEF7, lr;
	s5 =	simm.s32 $0xFFFFFFFF;
	p2 =	slt.u32 s8, $0xFFFFF086  }
0x1c: {  	p1 =	slt.u32 s9, $0xF7A;
	s5 =	simm.s32 @!p2 $0x0  }
0x1d: {  	s5 =	simm.s32 @p1 $0x1;
	p0 =	seq.s32 s7, s2  }
0x1e: {  	s7 =	smul.u32 @!p0 $0xF7A, s2;
	p2 =	seq.s32 @!p0 s5, $0x0  }
0x1f: {  	s9 =	smul.u32 $0xF7A, s1;
	s8 =	simm.s32 @!p0 $0x1BF5;
	p2 =	por !p2, p0  }
0x20: {  	[sflag:s8] =	ssyncset.s32 @!p0 $0xFFFFF086;
	s6 =	sadd.s32 @!p0 s3, s7;
	s7 =	simm.s32 @!p0 $0x108  }
0x21: {  	s3 =	sadd.s32 s3, s9;
	s6 =	sadd.s32 @!p0 $0x88, s6;
	s7 =	simm.s32 @p2 $0x1082  }
0x22: {  	[simem:s7], [sflag:s8] =	dma.local @!p0 [hbm:s6], $0xF7A  }
0x23: {  	s9 =	sor.u32 $0xD0000000, s2;
	s6 =	simm.s32 $0x108;
	_ =	swait.ge @!p0 [sflag:s8], $0x0  }
0x24: {  	s3 =	sadd.s32 $0x88, s3;
	s6 =	simm.s32 @!p1 $0x1082;
	[sflag:s4] =	ssyncset.s32 $0xFFFFF086  }
0x25: {  	[simem:s6], [sflag:s4] =	dma.local [hbm:s3], $0xF7A  }
0x26: {  	[smem:$0x3F9B] =	sst s1;
	(tag) =	ssettag s2;
	_ =	strace s9  }
0x27: {  	s1 =	sld [smem:$0x3FAB]  }
0x28: {  	s2 =	sld [smem:$0x3FAC]  }
0x29: {  	s4 =	sld [smem:$0x3FAE]  }
0x2a: {  	p0 =	seq.s32 s5, $0x0;
	s5 =	sld [smem:$0x3FAF]  }
0x2b: {  	s6 =	sld [smem:$0x3FB0]  }
0x2c: {  	s7 =	sld [smem:$0x3FB1]  }
0x2d: {  	s3 =	simm.s32 $0x108;
	s8 =	sld [smem:$0x3FB2]  }
0x2e: {  	s3 =	simm.s32 @!p0 $0x1082;
	s9 =	sld [smem:$0x3FB3]  }
0x2f: {  	lr =	sadd.s32 s0, s3;
	s0 =	sld [smem:$0x3FAA]  }
0x30: {  	s3 =	sld [smem:$0x3FAD]  }
0x31: {  	[smem:$0x3FB6] =	sst s10  }
0x32: {  	s10 =	sld [smem:$0x3FB4];
	_ =	sdelay $0x3  }
0x33: {  	p0 =	seq.s32 s10, $0x1;
	s10 =	sld [smem:$0x3FB6];
	_ =	sdelay $0x3  }
0x34: {  	[smem:$0x3FB6] =	sst s10  }
0x35: {  	s10 =	sld [smem:$0x3FB5];
	_ =	sdelay $0x3  }
0x36: {  	p1 =	seq.s32 s10, $0x1;
	s10 =	sld [smem:$0x3FB6];
	_ =	sdelay $0x3  }
0x37: {  	[smem:$0x3FB6] =	sst s10  }
0x38: {  	s10 =	sld [smem:$0x3FB7]  }
0x39: {  	_ = 	snop;
	(pc) =	sbr.ind lr, $3  }
0x3a: {  	_ = 	snop  }
0x3b: {  	_ = 	snop  }
0x3c: {  	p2 =	seq.s32 s10, $0x1;
	s10 =	sld [smem:$0x3FB6]  }
0x3d: {  	_ =	shalt  }
0x3e: {  	_ =	shalt  }
0x3f: {  	_ =	shalt  }
0x40: {  	_ =	shalt  }
0x41: {  	_ =	shalt  }
0x42: {  	_ =	shalt  }
0x43: {  	_ =	shalt  }
0x44: {  	_ =	shalt  }
0x45: {  	_ =	shalt  }
0x46: {  	_ =	shalt  }
0x47: {  	_ =	shalt  }
0x48: {  	_ =	shalt  }
0x49: {  	_ =	shalt  }
0x4a: {  	_ =	shalt  }
0x4b: {  	_ =	shalt  }
0x4c: {  	_ =	shalt  }
0x4d: {  	_ =	shalt  }
0x4e: {  	_ =	shalt  }
0x4f: {  	_ =	shalt  }
0x50: {  	_ =	shalt  }
0x51: {  	_ =	shalt  }
0x52: {  	_ =	shalt  }
0x53: {  	_ =	shalt  }
0x54: {  	_ =	shalt  }
0x55: {  	_ =	shalt  }
0x56: {  	_ =	shalt  }
0x57: {  	_ =	shalt  }
0x58: {  	_ =	shalt  }
0x59: {  	_ =	shalt  }
0x5a: {  	_ =	shalt  }
0x5b: {  	_ =	shalt  }
0x5c: {  	_ =	shalt  }
0x5d: {  	_ =	shalt  }
0x5e: {  	_ =	shalt  }
0x5f: {  	_ =	shalt  }
0x60: {  	_ =	shalt  }
0x61: {  	_ =	shalt  }
0x62: {  	_ =	shalt  }
0x63: {  	_ =	shalt  }
0x64: {  	_ =	shalt  }
0x65: {  	_ =	shalt  }
0x66: {  	_ =	shalt  }
0x67: {  	_ =	shalt  }
0x68: {  	_ =	shalt  }
0x69: {  	_ =	shalt  }
0x6a: {  	_ =	shalt  }
0x6b: {  	_ =	shalt  }
0x6c: {  	_ =	shalt  }
0x6d: {  	_ =	shalt  }
0x6e: {  	_ =	shalt  }
0x6f: {  	_ =	shalt  }
0x70: {  	_ =	shalt  }
0x71: {  	_ =	shalt  }
0x72: {  	_ =	shalt  }
0x73: {  	_ =	shalt  }
0x74: {  	_ =	shalt  }
0x75: {  	_ =	shalt  }
0x76: {  	_ =	shalt  }
0x77: {  	_ =	shalt  }
0x78: {  	_ =	shalt  }
0x79: {  	_ =	shalt  }
0x7a: {  	_ =	shalt  }
0x7b: {  	_ =	shalt  }
0x7c: {  	_ =	shalt  }
0x7d: {  	_ =	shalt  }
0x7e: {  	_ =	shalt  }
0x7f: {  	_ =	shalt  }
0x80: {  	_ =	shalt  }
0x81: {  	_ =	shalt  }
0x82: {  	_ =	shalt  }
0x83: {  	_ =	shalt  }
0x84: {  	_ =	shalt  }
0x85: {  	_ =	shalt  }
0x86: {  	_ =	shalt  }
0x87: {  	_ =	shalt  }
.Lfunc_end0:
.L_simem_size_0:
called_computation.2_lowered:
.L_overlay_start_0:
0x88: {  	s0 =	sld [smem:$0x3FD9]  }
0x89: {  	s1 =	sld [smem:$0x3FFE];
	_ =	sdelay $0x3  }
0x8a: {  	s0 =	sadd.s32 s1, s0  }
0x8b: {  	[smem:$0x3FC2] =	sst s0  }
0x8c: {  	_ = 	snop  }
0x8d: {  	s0 =	sld [smem:$0x3FD0];
	_ =	sdelay $0x2  }
0x8e: {  	s13 =	simm.s32 $0xA;
	s2 =	simm.s32 $0x10  }
0x8f: {  	[smem:s2], [sflag:s13] =	dma.local [hbm:s0], $0x1  }
0x90: {  	_ =	swait.eq [sflag:s13], $0x1  }
0x91: {  	[sflag:s13] =	ssyncset.done $0x0  }
0x92: {  	s14 =	sld [smem:$0x11];
	[sflag:s13] =	ssyncadd.s32 $0xFFFFFFFF  }
0x93: {  	s15 =	sld [smem:$0x14];
	(tm) =	ssettm $0x1  }
0x94: {  	s16 =	sld [smem:$0x3FFB];
	_ =	sdelay $0x3  }
0x95: {  	_ =	strace s16  }
0x96: {  	s2 =	sld [smem:$0x3FFC];
	_ =	sdelay $0x3  }
0x97: {  	_ =	strace s2  }
0x98: {  	s2 =	sld [smem:$0x3FFD];
	_ =	sdelay $0x3  }
0x99: {  	_ =	strace s2  }
0x9a: {  	_ =	strace $0x8FFFFFFF  }
0x9b: {  	s17 =	sld [smem:$0x3FDB];
	_ =	sdelay $0x1  }
0x9c: {  	s3 =	simm.s32 $_scs_section_size  }
0x9d: {  	s4 =	simm.s32 $_size__tile_overlayer_lowered;
	s5 =	simm.s32 $_tile_overlayer_lowered  }
0x9e: {  	s20 =	simm.s32 $0x1BFF;
	s19 =	sshll.u32 s5, $0x1;
	s2 =	sadd.s32 s3, s17  }
0x9f: {  	s6 =	simm.s32 $0x0;
	s18 =	sshll.u32 s4, $0x1;
	s4 =	sadd.s32 s19, s2  }
0xa0: {  	[timem:s6], [sflag:s20] =	dma.local [hbm:s4], s18  }
0xa1: {  	_ =	swait.ge [sflag:s20], s18  }
0xa2: {  	s3 =	ssub.s32 $0x0, s18;
	[sflag:s20] =	ssyncset.done $0x0  }
0xa3: {  	[sflag:s20] =	ssyncadd.s32 s3;
	_ =	sdelay $0x1  }
0xa4: {  	s21 =	simm.s32 $0x1B8B  }
0xa5: {  	_ =	swait.ge [sflag:s21], $0x1  }
0xa6: {  	[sflag:s21] =	ssyncset.done $0x0  }
0xa7: {  	s23 =	simm.s32 $0x1B8E;
	s22 =	sld [smem:$0x3FFE];
	[sflag:s21] =	ssyncadd.s32 $0xFFFFFFFF  }
0xa8: {  	s24 =	simm.s32 $execute0_lowered;
	[smem:$0x3FD2] =	sst s23  }
0xa9: {  	s4 =	sshll.u32 s24, $0x1;
	_ =	strace $0x8000004C;
	[dreg:$0x1] =	wrdreg $0xFFFFFFFF  }
0xaa: {  	s25 =	simm.s32 $_size_execute0_lowered;
	s2 =	sadd.s32 s2, s4;
	[dreg:$0x0] =	wrdreg $0x0  }
0xab: {  	s4 =	sshll.u32 s25, $0x1;
	[dreg:$0x2] =	wrdreg s2  }
0xac: {  	[dreg:$0x3] =	wrdreg s4  }
0xad: {  	[dreg:$0x4] =	wrdreg $0xC0  }
0xae: {  	_ =	task [dreg:s6], $0x5FFFF  }
0xaf: {  	[dreg:$0x1] =	wrdreg $0xFFFFFFFF  }
0xb0: {  	[dreg:$0x0] =	wrdreg $0x60  }
0xb1: {  	[dreg:$0x2] =	wrdreg s22  }
0xb2: {  	[dreg:$0x3] =	wrdreg s15  }
0xb3: {  	[dreg:$0x4] =	wrdreg s14  }
0xb4: {  	[dreg:$0x5] =	wrdreg $0x9  }
0xb5: {  	_ =	task.clear_ibuf [dreg:s6], $0x6FFFF;
	_ =	strace $0x9000004C  }
0xb6: {  	s26 =	simm.s32 $0x9;
	_ =	strace $0x8000004E  }
0xb7: {  	_ =	swait.ge [sflag:s26], $0x1  }
0xb8: {  	[sflag:s26] =	ssyncadd.s32 $0xFFFFFFFF  }
0xb9: {  	_ =	strace $0x9000004E  }
0xba: {  	_ =	sfence  }
0xbb: {  	s28 =	sld [smem:$0x0];
	_ =	sdelay $0x1  }
0xbc: {  	s29 =	srdreg.scid  }
0xbd: {  	s30 =	sshll.u32 s29, $0xD;
	s31 =	sshrl.u32 s29, $0x2  }
0xbe: {  	s1 =	sand.u32 $0x1, s29;
	s2 =	sand.u32 $0x4000, s30;
	s0 =	sadd.s32 s31, s28  }
0xbf: {  	s1 =	sor.u32 s2, s1;
	s0 =	sshll.u32 s0, $0x11  }
0xc0: {  	s0 =	sor.u32 s0, s1  }
0xc1: {  	s0 =	sadd.s32 $0x8F2B, s0  }
0xc2: {  	[sflag:s0] =	ssyncadd.remote.s32 $0x1  }
0xc3: {  	_ =	sfence.sel $0xFFFF  }
0xc4: {  	[dreg:$0x0] =	wrdreg $0xFFFFFFFF;
	(pc) =	sbr.abs _section_cstart, $3  }
0xc5: {  	[dreg:$0x1] =	wrdreg $0xFFFFFFFF  }
0xc6: {  	_ =	task.clear_ibuf [dreg:s6], $0x2FFFF;
	_ =	strace $0x9FFFFFFF  }
0xc7: {  	(tm) =	ssettm $0x7FFFFFFF  }
tec
execute0_lowered:
.L_overlay_start_1:
0x0: {  	(tag) =	ssettag $0x1  }
0x1: {  	s1 =	rddreg [dreg:$0x0]  }
0x2: {  	s3 =	rddreg [dreg:$0x1]  }
0x3: {  	s2 =	rddreg [dreg:$0x2]  }
0x4: {  	s0 =	rddreg [dreg:$0x3];
	s4 =	simm.s32 $0x0  }
0x5: {  	[smem:$0x7FF] =	sst s4  }
0x6: {  	s31 =	simm.s32 $0x1;
	s5 =	sadd.s32 $0x2200, s1;
	_ =	strace $0x8000004D  }
0x7: {  	[tilespmem:s4], [sflag:$0x1] =	stream.linear.gather [hbm4b:s5+s4], $0x400, $0x38;
	[tilespmem:$0x14A80] =	vst v63  }
0x8: {  	_ =	swait.ge [sflag:s31], $0x400  }
0x9: {  	[sflag:s31] =	ssyncset.done $0x0  }
0xa: {  	s6 =	simm.s32 $0x0;
	[sflag:s31] =	ssyncadd.s32 $0xFFFFFC00  }
0xb: {  	v0 =	vld [tilespmem:s6+$0x0]  }
0xc: {  	v3 =	vld [tilespmem:s6+$0x10]  }
0xd: {  	v1 =	vld [tilespmem:s6+$0x20]  }
0xe: {  	v4 =	vld [tilespmem:s6+$0x30]  }
0xf: {  	v2 =	vimm.f32 $3.000000010e+38;
	s4 =	sadd.s32 $0x16400, s1;
	s1 =	stileid.u32;
	s5 =	simm.s32 $0x100  }
.LBB2_1:
0x10: {  	s6 =	sshra.s32 s5, $0x2;
	v5 =	vmov v0;
	p0 =	sne.s32 s5, $0xF00  }
.Ltmp0:
0x11: {  	v0 =	vld [tilespmem:s6+$0x0];
	v6 =	vmov v3;
	(pc) =	sbr.rel @p0 .LBB2_1-.Ltmp0, $4  }
0x12: {  	v3 =	vld [tilespmem:s6+$0x10]  }
0x13: {  	s5 =	sadd.s32 $0x100, s5;
	v5 =	vmax.f32 v5, v6;
	v6 =	vmax.f32 v1, v4;
	v1 =	vld [tilespmem:s6+$0x20]  }
0x14: {  	v4 =	vld [tilespmem:s6+$0x30];
	v5 =	vmax.f32 v5, v6  }
0x15: {  	v2 =	vmin.f32 v2, v5  }
0x16: {  	_ =	sdelay $0x2  }
0x17: {  	v0 =	vmax.f32 v0, v3;
	v1 =	vmax.f32 v1, v4  }
0x18: {  	v0 =	vmax.f32 v0, v1  }
0x19: {  	v0 =	vmin.f32 v2, v0  }
0x1a: {  	(xrf0) =	vmin.scan.msk.f32 $0xffff, v0;
	_ =	sdelay $0x2  }
0x1b: {  	s5 =	sshll.u32 s1, $0x10  }
0x1c: {  	s6 =	sshll.u32 s1, $0xD;
	s13 =	simm.s32 $0x0;
	s7 =	simm.s32 $0x400  }
0x1d: {  	s14 =	simm.s32 $0x1;
	s4 =	sadd.s32 s4, s6;
	[dreg:$0x4] =	wrdreg s5  }
0x1e: {  	[tilespmem:s7], [sflag:$0x1] =	stream.linear.gather [hbm4b:s4+s13], $0x10000, $0x38;
	v0, _, _ =	vpop (xrf0);
	[tilespmem:$0x14A80] =	vst v63  }
0x1f: {  	_ =	swait.ge [sflag:s14], $0x10000  }
0x20: {  	[sflag:s14] =	ssyncset.done $0x0  }
0x21: {  	s15 =	simm.s32 $0x440;
	[sflag:s14] =	ssyncadd.s32 $0xFFFF0000  }
0x22: {  	v2 =	vld [tilespmem:s15+$0xFFFFFFC0];
	_ =	sdelay $0x2  }
0x23: {  	v1 =	vbroadcast v0, $0xF;
	_ =	sdelay $0x1  }
0x24: {  	s16 =	rddreg [dreg:$0x4];
	vm0 =	vge.f32 v2, v1;
	v2 =	vsub.f32 $0.0e+00, v2  }
0x25: {  	v0 =	vlaneseq.u32;
	s4 =	sadd.s32 $0x0, s16;
	v3 =	vmpcnt.ones.xlane vm0  }
0x26: {  	[tilespmem:s13+$0x10400] =	vst.msk vm0, v2;
	v2 =	vor.u32 s4, v0  }
0x27: {  	[tilespmem:s13+$0x12480] =	vst.msk vm0, v2;
	(v2sf) =	vpush v3, $0x0  }
0x28: {  	v2 =	vld [tilespmem:s15+$0xFFFFFFD0];
	_ =	sdelay $0x4  }
0x29: {  	vm0 =	vge.f32 v2, v1  }
0x2a: {  	v3 =	vmpcnt.ones.xlane vm0;
	_ =	sdelay $0x1  }
0x2b: {  	(v2sf) =	vpush v3, $0x0;
	_ =	sdelay $0x5  }
0x2c: {  	s17 =	spop (v2sf)  }
0x2d: {  	s6 =	sadd.s32 $0x0, s17  }
0x2e: {  	v2 =	vsub.f32 $0.0e+00, v2;
	p0 =	slt.s32 s6, $0x2000  }
0x2f: {  	s18 =	sadd.s32 $0x10, s4;
	s6 =	simm.s32 @!p0 $0x2000  }
0x30: {  	[tilespmem:s6+$0x10400] =	vst.msk vm0, v2;
	v2 =	vor.u32 s18, v0  }
0x31: {  	[tilespmem:s6+$0x12480] =	vst.msk vm0, v2  }
0x32: {  	v2 =	vld [tilespmem:s15+$0xFFFFFFE0];
	_ =	sdelay $0x2  }
0x33: {  	s19 =	spop (v2sf)  }
0x34: {  	s6 =	sadd.s32 s6, s19  }
0x35: {  	p0 =	slt.s32 s6, $0x2000;
	vm0 =	vge.f32 v2, v1;
	v2 =	vsub.f32 $0.0e+00, v2  }
0x36: {  	s20 =	sadd.s32 $0x20, s4;
	s6 =	simm.s32 @!p0 $0x2000;
	v3 =	vmpcnt.ones.xlane vm0  }
0x37: {  	[tilespmem:s6+$0x10400] =	vst.msk vm0, v2;
	v2 =	vor.u32 s20, v0  }
0x38: {  	[tilespmem:s6+$0x12480] =	vst.msk vm0, v2;
	(v2sf) =	vpush v3, $0x0  }
0x39: {  	v2 =	vld [tilespmem:s15+$0xFFFFFFF0];
	_ =	sdelay $0x4  }
0x3a: {  	vm0 =	vge.f32 v2, v1  }
0x3b: {  	v3 =	vmpcnt.ones.xlane vm0;
	_ =	sdelay $0x1  }
0x3c: {  	(v2sf) =	vpush v3, $0x0;
	_ =	sdelay $0x5  }
0x3d: {  	s21 =	spop (v2sf)  }
0x3e: {  	s6 =	sadd.s32 s6, s21  }
0x3f: {  	v2 =	vsub.f32 $0.0e+00, v2;
	p0 =	slt.s32 s6, $0x2000  }
0x40: {  	s22 =	sadd.s32 $0x30, s4;
	s6 =	simm.s32 @!p0 $0x2000  }
0x41: {  	[tilespmem:s6+$0x10400] =	vst.msk vm0, v2;
	v2 =	vor.u32 s22, v0  }
0x42: {  	[tilespmem:s6+$0x12480] =	vst.msk vm0, v2  }
0x43: {  	v2 =	vld [tilespmem:s15+$0x0];
	_ =	sdelay $0x2  }
0x44: {  	s23 =	spop (v2sf)  }
0x45: {  	s6 =	sadd.s32 s6, s23  }
0x46: {  	p0 =	slt.s32 s6, $0x2000;
	vm0 =	vge.f32 v2, v1;
	v2 =	vsub.f32 $0.0e+00, v2  }
0x47: {  	s24 =	sadd.s32 $0x40, s4;
	s6 =	simm.s32 @!p0 $0x2000;
	v3 =	vmpcnt.ones.xlane vm0  }
0x48: {  	[tilespmem:s6+$0x10400] =	vst.msk vm0, v2;
	v2 =	vor.u32 s24, v0  }
0x49: {  	[tilespmem:s6+$0x12480] =	vst.msk vm0, v2;
	(v2sf) =	vpush v3, $0x0  }
0x4a: {  	v2 =	vld [tilespmem:s15+$0x10];
	_ =	sdelay $0x4  }
0x4b: {  	vm0 =	vge.f32 v2, v1  }
0x4c: {  	v3 =	vmpcnt.ones.xlane vm0;
	_ =	sdelay $0x1  }
0x4d: {  	(v2sf) =	vpush v3, $0x0;
	_ =	sdelay $0x5  }
0x4e: {  	s25 =	spop (v2sf)  }
0x4f: {  	s6 =	sadd.s32 s6, s25  }
0x50: {  	v2 =	vsub.f32 $0.0e+00, v2;
	p0 =	slt.s32 s6, $0x2000  }
0x51: {  	s26 =	sadd.s32 $0x50, s4;
	s6 =	simm.s32 @!p0 $0x2000  }
0x52: {  	[tilespmem:s6+$0x10400] =	vst.msk vm0, v2;
	v2 =	vor.u32 s26, v0  }
0x53: {  	[tilespmem:s6+$0x12480] =	vst.msk vm0, v2  }
0x54: {  	v2 =	vld [tilespmem:s15+$0x20];
	_ =	sdelay $0x2  }
0x55: {  	s28 =	spop (v2sf)  }
0x56: {  	s6 =	sadd.s32 s6, s28  }
0x57: {  	p0 =	slt.s32 s6, $0x2000;
	vm0 =	vge.f32 v2, v1;
	v2 =	vsub.f32 $0.0e+00, v2  }
0x58: {  	s29 =	sadd.s32 $0x60, s4;
	s6 =	simm.s32 @!p0 $0x2000;
	v3 =	vmpcnt.ones.xlane vm0  }
0x59: {  	[tilespmem:s6+$0x10400] =	vst.msk vm0, v2;
	v2 =	vor.u32 s29, v0  }
0x5a: {  	[tilespmem:s6+$0x12480] =	vst.msk vm0, v2;
	(v2sf) =	vpush v3, $0x0  }
0x5b: {  	v2 =	vld [tilespmem:s15+$0x30];
	_ =	sdelay $0x4  }
0x5c: {  	vm0 =	vge.f32 v2, v1  }
0x5d: {  	v3 =	vmpcnt.ones.xlane vm0;
	_ =	sdelay $0x1  }
0x5e: {  	(v2sf) =	vpush v3, $0x0;
	_ =	sdelay $0x5  }
0x5f: {  	s30 =	spop (v2sf)  }
0x60: {  	s6 =	sadd.s32 s6, s30  }
0x61: {  	v2 =	vsub.f32 $0.0e+00, v2;
	p0 =	slt.s32 s6, $0x2000  }
0x62: {  	s4 =	sadd.s32 $0x70, s4;
	s6 =	simm.s32 @!p0 $0x2000  }
0x63: {  	[tilespmem:s6+$0x10400] =	vst.msk vm0, v2;
	v2 =	vor.u32 s4, v0  }
0x64: {  	s4 =	simm.s32 $0x4C0;
	[tilespmem:s6+$0x12480] =	vst.msk vm0, v2  }
0x65: {  	v2 =	vld [tilespmem:s4+$0xFFFFFFC0];
	_ =	sdelay $0x2  }
0x66: {  	s31 =	spop (v2sf)  }
0x67: {  	s5 =	simm.s32 $0x80;
	s12 =	sadd.s32 s6, s31  }
0x68: {  	s7 =	simm.s32 $0x100;
	s8 =	rddreg [dreg:$0x4];
	vm0 =	vge.f32 v2, v1;
	v2 =	vsub.f32 $0.0e+00, v2;
	p1 =	slt.s32 s12, $0x2000  }
.LBB2_3:
0x69: {  	s13 =	sadd.s32 s5, s8;
	v3 =	vmpcnt.ones.xlane vm0;
	s12 =	simm.s32 @!p1 $0x2000  }
0x6a: {  	[tilespmem:s12+$0x10400] =	vst.msk vm0, v2;
	v2 =	vor.u32 s13, v0  }
0x6b: {  	[tilespmem:s12+$0x12480] =	vst.msk vm0, v2;
	(v2sf) =	vpush v3, $0x0  }
0x6c: {  	v2 =	vld [tilespmem:s4+$0xFFFFFFD0];
	_ =	sdelay $0x4  }
0x6d: {  	vm0 =	vge.f32 v2, v1  }
0x6e: {  	v3 =	vmpcnt.ones.xlane vm0;
	_ =	sdelay $0x1  }
0x6f: {  	(v2sf) =	vpush v3, $0x0;
	_ =	sdelay $0x5  }
0x70: {  	s23 =	spop (v2sf)  }
0x71: {  	s12 =	sadd.s32 s12, s23  }
0x72: {  	v2 =	vsub.f32 $0.0e+00, v2;
	p1 =	slt.s32 s12, $0x2000  }
0x73: {  	s14 =	sadd.s32 $0x10, s13;
	s12 =	simm.s32 @!p1 $0x2000  }
0x74: {  	[tilespmem:s12+$0x10400] =	vst.msk vm0, v2;
	v2 =	vor.u32 s14, v0  }
0x75: {  	[tilespmem:s12+$0x12480] =	vst.msk vm0, v2  }
0x76: {  	v2 =	vld [tilespmem:s4+$0xFFFFFFE0];
	_ =	sdelay $0x2  }
0x77: {  	s24 =	spop (v2sf)  }
0x78: {  	s12 =	sadd.s32 s12, s24  }
0x79: {  	p1 =	slt.s32 s12, $0x2000;
	vm0 =	vge.f32 v2, v1;
	v2 =	vsub.f32 $0.0e+00, v2  }
0x7a: {  	s15 =	sadd.s32 $0x20, s13;
	s12 =	simm.s32 @!p1 $0x2000;
	v3 =	vmpcnt.ones.xlane vm0  }
0x7b: {  	[tilespmem:s12+$0x10400] =	vst.msk vm0, v2;
	v2 =	vor.u32 s15, v0  }
0x7c: {  	[tilespmem:s12+$0x12480] =	vst.msk vm0, v2;
	(v2sf) =	vpush v3, $0x0  }
0x7d: {  	v2 =	vld [tilespmem:s4+$0xFFFFFFF0];
	_ =	sdelay $0x4  }
0x7e: {  	vm0 =	vge.f32 v2, v1  }
0x7f: {  	v3 =	vmpcnt.ones.xlane vm0;
	_ =	sdelay $0x1  }
0x80: {  	(v2sf) =	vpush v3, $0x0;
	_ =	sdelay $0x5  }
0x81: {  	s25 =	spop (v2sf)  }
0x82: {  	s12 =	sadd.s32 s12, s25  }
0x83: {  	v2 =	vsub.f32 $0.0e+00, v2;
	p1 =	slt.s32 s12, $0x2000  }
0x84: {  	s11 =	sadd.s32 $0x30, s13;
	s12 =	simm.s32 @!p1 $0x2000  }
0x85: {  	[tilespmem:s12+$0x10400] =	vst.msk vm0, v2;
	v2 =	vor.u32 s11, v0  }
0x86: {  	[tilespmem:s12+$0x12480] =	vst.msk vm0, v2  }
0x87: {  	v2 =	vld [tilespmem:s4+$0x0];
	_ =	sdelay $0x2  }
0x88: {  	s26 =	spop (v2sf)  }
0x89: {  	s11 =	sadd.s32 s12, s26  }
0x8a: {  	p1 =	slt.s32 s11, $0x2000;
	vm0 =	vge.f32 v2, v1;
	v2 =	vsub.f32 $0.0e+00, v2  }
0x8b: {  	s10 =	sadd.s32 $0x40, s13;
	s11 =	simm.s32 @!p1 $0x2000;
	v3 =	vmpcnt.ones.xlane vm0  }
0x8c: {  	[tilespmem:s11+$0x10400] =	vst.msk vm0, v2;
	v2 =	vor.u32 s10, v0  }
0x8d: {  	[tilespmem:s11+$0x12480] =	vst.msk vm0, v2;
	(v2sf) =	vpush v3, $0x0  }
0x8e: {  	v2 =	vld [tilespmem:s4+$0x10];
	_ =	sdelay $0x4  }
0x8f: {  	vm0 =	vge.f32 v2, v1  }
0x90: {  	v3 =	vmpcnt.ones.xlane vm0;
	_ =	sdelay $0x1  }
0x91: {  	(v2sf) =	vpush v3, $0x0;
	_ =	sdelay $0x5  }
0x92: {  	s28 =	spop (v2sf)  }
0x93: {  	s10 =	sadd.s32 s11, s28  }
0x94: {  	v2 =	vsub.f32 $0.0e+00, v2;
	p1 =	slt.s32 s10, $0x2000  }
0x95: {  	s9 =	sadd.s32 $0x50, s13;
	s10 =	simm.s32 @!p1 $0x2000  }
0x96: {  	[tilespmem:s10+$0x10400] =	vst.msk vm0, v2;
	v2 =	vor.u32 s9, v0  }
0x97: {  	[tilespmem:s10+$0x12480] =	vst.msk vm0, v2  }
0x98: {  	v2 =	vld [tilespmem:s4+$0x20];
	_ =	sdelay $0x2  }
0x99: {  	s29 =	spop (v2sf)  }
0x9a: {  	s9 =	sadd.s32 s10, s29  }
0x9b: {  	p1 =	slt.s32 s9, $0x2000;
	vm0 =	vge.f32 v2, v1;
	v2 =	vsub.f32 $0.0e+00, v2  }
0x9c: {  	s8 =	sadd.s32 $0x60, s13;
	s9 =	simm.s32 @!p1 $0x2000;
	v3 =	vmpcnt.ones.xlane vm0  }
0x9d: {  	[tilespmem:s9+$0x10400] =	vst.msk vm0, v2;
	v2 =	vor.u32 s8, v0  }
0x9e: {  	[tilespmem:s9+$0x12480] =	vst.msk vm0, v2;
	(v2sf) =	vpush v3, $0x0  }
0x9f: {  	v2 =	vld [tilespmem:s4+$0x30];
	_ =	sdelay $0x4  }
0xa0: {  	vm0 =	vge.f32 v2, v1  }
0xa1: {  	v3 =	vmpcnt.ones.xlane vm0;
	_ =	sdelay $0x1  }
0xa2: {  	(v2sf) =	vpush v3, $0x0;
	_ =	sdelay $0x5  }
0xa3: {  	s30 =	spop (v2sf)  }
0xa4: {  	s9 =	sadd.s32 s9, s30  }
0xa5: {  	v2 =	vsub.f32 $0.0e+00, v2;
	p1 =	slt.s32 s9, $0x2000  }
0xa6: {  	s22 =	sadd.s32 $0x70, s13;
	s9 =	simm.s32 @!p1 $0x2000  }
0xa7: {  	[tilespmem:s9+$0x10400] =	vst.msk vm0, v2;
	v2 =	vor.u32 s22, v0  }
0xa8: {  	s4 =	sadd.s32 $0x80, s4;
	[tilespmem:s9+$0x12480] =	vst.msk vm0, v2  }
0xa9: {  	p0 =	sne.s32 s7, $0xFF80;
	v2 =	vld [tilespmem:s4+$0xFFFFFFC0]  }
.Ltmp1:
0xaa: {  	_ = 	snop;
	(pc) =	sbr.rel @p0 .LBB2_3-.Ltmp1, $4  }
0xab: {  	_ = 	snop  }
0xac: {  	s31 =	spop (v2sf)  }
0xad: {  	s5 =	smov.u32 s7;
	s6 =	sadd.s32 $0x80, s7;
	s12 =	sadd.s32 s9, s31  }
0xae: {  	s7 =	smov.u32 s6;
	s8 =	rddreg [dreg:$0x4];
	vm0 =	vge.f32 v2, v1;
	v2 =	vsub.f32 $0.0e+00, v2;
	p1 =	slt.s32 s12, $0x2000  }
0xaf: {  	s5 =	sadd.s32 s5, s8;
	v3 =	vmpcnt.ones.xlane vm0;
	s12 =	simm.s32 @!p1 $0x2000  }
0xb0: {  	[tilespmem:s12+$0x10400] =	vst.msk vm0, v2;
	v2 =	vor.u32 s5, v0  }
0xb1: {  	[tilespmem:s12+$0x12480] =	vst.msk vm0, v2;
	(v2sf) =	vpush v3, $0x0  }
0xb2: {  	v2 =	vld [tilespmem:s4+$0xFFFFFFD0];
	_ =	sdelay $0x4  }
0xb3: {  	vm9 =	vge.f32 v2, v1  }
0xb4: {  	v3 =	vmpcnt.ones.xlane vm9;
	_ =	sdelay $0x1  }
0xb5: {  	(v2sf) =	vpush v3, $0x0;
	_ =	sdelay $0x5  }
0xb6: {  	s6 =	spop (v2sf)  }
0xb7: {  	s6 =	sadd.s32 s12, s6  }
0xb8: {  	v2 =	vsub.f32 $0.0e+00, v2;
	p0 =	slt.s32 s6, $0x2000  }
0xb9: {  	s7 =	sadd.s32 $0x10, s5;
	s6 =	simm.s32 @!p0 $0x2000  }
0xba: {  	[tilespmem:s6+$0x10400] =	vst.msk vm9, v2;
	v2 =	vor.u32 s7, v0  }
0xbb: {  	[tilespmem:s6+$0x12480] =	vst.msk vm9, v2  }
0xbc: {  	v2 =	vld [tilespmem:s4+$0xFFFFFFE0];
	_ =	sdelay $0x2  }
0xbd: {  	s16 =	spop (v2sf)  }
0xbe: {  	s6 =	sadd.s32 s6, s16  }
0xbf: {  	p0 =	slt.s32 s6, $0x2000;
	vm10 =	vge.f32 v2, v1;
	v2 =	vsub.f32 $0.0e+00, v2  }
0xc0: {  	s17 =	sadd.s32 $0x20, s5;
	s6 =	simm.s32 @!p0 $0x2000;
	v3 =	vmpcnt.ones.xlane vm10  }
0xc1: {  	[tilespmem:s6+$0x10400] =	vst.msk vm10, v2;
	v2 =	vor.u32 s17, v0  }
0xc2: {  	[tilespmem:s6+$0x12480] =	vst.msk vm10, v2;
	(v2sf) =	vpush v3, $0x0  }
0xc3: {  	v2 =	vld [tilespmem:s4+$0xFFFFFFF0];
	_ =	sdelay $0x4  }
0xc4: {  	vm11 =	vge.f32 v2, v1  }
0xc5: {  	v3 =	vmpcnt.ones.xlane vm11;
	_ =	sdelay $0x1  }
0xc6: {  	(v2sf) =	vpush v3, $0x0;
	_ =	sdelay $0x5  }
0xc7: {  	s18 =	spop (v2sf)  }
0xc8: {  	s6 =	sadd.s32 s6, s18  }
0xc9: {  	v2 =	vsub.f32 $0.0e+00, v2;
	p0 =	slt.s32 s6, $0x2000  }
0xca: {  	s19 =	sadd.s32 $0x30, s5;
	s6 =	simm.s32 @!p0 $0x2000  }
0xcb: {  	[tilespmem:s6+$0x10400] =	vst.msk vm11, v2;
	v2 =	vor.u32 s19, v0  }
0xcc: {  	[tilespmem:s6+$0x12480] =	vst.msk vm11, v2  }
0xcd: {  	v2 =	vld [tilespmem:s4+$0x0];
	_ =	sdelay $0x2  }
0xce: {  	s20 =	spop (v2sf)  }
0xcf: {  	s6 =	sadd.s32 s6, s20  }
0xd0: {  	p0 =	slt.s32 s6, $0x2000;
	vm12 =	vge.f32 v2, v1;
	v2 =	vsub.f32 $0.0e+00, v2  }
0xd1: {  	s21 =	sadd.s32 $0x40, s5;
	s6 =	simm.s32 @!p0 $0x2000;
	v3 =	vmpcnt.ones.xlane vm12  }
0xd2: {  	[tilespmem:s6+$0x10400] =	vst.msk vm12, v2;
	v2 =	vor.u32 s21, v0  }
0xd3: {  	[tilespmem:s6+$0x12480] =	vst.msk vm12, v2;
	(v2sf) =	vpush v3, $0x0  }
0xd4: {  	v2 =	vld [tilespmem:s4+$0x10];
	_ =	sdelay $0x4  }
0xd5: {  	vm13 =	vge.f32 v2, v1  }
0xd6: {  	v3 =	vmpcnt.ones.xlane vm13;
	_ =	sdelay $0x1  }
0xd7: {  	(v2sf) =	vpush v3, $0x0;
	_ =	sdelay $0x5  }
0xd8: {  	s22 =	spop (v2sf)  }
0xd9: {  	s6 =	sadd.s32 s6, s22  }
0xda: {  	v2 =	vsub.f32 $0.0e+00, v2;
	p0 =	slt.s32 s6, $0x2000  }
0xdb: {  	s23 =	sadd.s32 $0x50, s5;
	s6 =	simm.s32 @!p0 $0x2000  }
0xdc: {  	[tilespmem:s6+$0x10400] =	vst.msk vm13, v2;
	v2 =	vor.u32 s23, v0  }
0xdd: {  	[tilespmem:s6+$0x12480] =	vst.msk vm13, v2  }
0xde: {  	v2 =	vld [tilespmem:s4+$0x20];
	_ =	sdelay $0x2  }
0xdf: {  	s24 =	spop (v2sf)  }
0xe0: {  	s6 =	sadd.s32 s6, s24  }
0xe1: {  	p0 =	slt.s32 s6, $0x2000;
	v3 =	vsub.f32 $0.0e+00, v2  }
0xe2: {  	s25 =	sadd.s32 $0x60, s5;
	vm14 =	vge.f32 v2, v1;
	s6 =	simm.s32 @!p0 $0x2000  }
0xe3: {  	v2 =	vor.u32 s25, v0;
	[tilespmem:s6+$0x10400] =	vst.msk vm14, v3  }
0xe4: {  	[tilespmem:s6+$0x12480] =	vst.msk vm14, v2  }
0xe5: {  	v2 =	vld [tilespmem:s4+$0x30];
	_ =	sdelay $0x2  }
0xe6: {  	v3 =	vmpcnt.ones.xlane vm14;
	_ =	sdelay $0x1  }
0xe7: {  	(v2sf) =	vpush v3, $0x0;
	vm15 =	vge.f32 v2, v1  }
0xe8: {  	v1 =	vmpcnt.ones.xlane vm15;
	_ =	sdelay $0x1  }
0xe9: {  	(v2sf) =	vpush v1, $0x0;
	_ =	sdelay $0xb  }
0xea: {  	s26 =	spop (v2sf)  }
0xeb: {  	s4 =	sadd.s32 s6, s26  }
0xec: {  	p0 =	slt.s32 s4, $0x2000  }
0xed: {  	s4 =	simm.s32 @!p0 $0x2000;
	s28 =	spop (v2sf)  }
0xee: {  	s7 =	sadd.s32 s4, s28  }
0xef: {  	p0 =	slt.s32 s7, $0x2000  }
0xf0: {  	s7 =	simm.s32 @!p0 $0x2000  }
0xf1: {  	s5 =	sadd.s32 $0x70, s5;
	s29 =	sadd.s32 $0xF, s7  }
0xf2: {  	v0 =	vor.u32 s5, v0;
	s5 =	sshra.s32 s29, $0x4  }
0xf3: {  	v1 =	vsub.f32 $0.0e+00, v2;
	p0 =	slt.s32 s5, $0x1  }
.Ltmp2:
0xf4: {  	_ = 	snop;
	(pc) =	sbr.rel @p0 .LBB2_11-.Ltmp2, $4  }
0xf5: {  	[tilespmem:s4+$0x10400] =	vst.msk vm15, v1  }
0xf6: {  	s30 =	sshll.u32 s1, $0x5;
	s31 =	sshll.u32 s1, $0x4;
	[tilespmem:s4+$0x12480] =	vst.msk vm15, v0;
	v0 =	vimm.f32 $3.000000010e+38  }
0xf7: {  	s6 =	sand.u32 $0x70, s31;
	v1 =	vimm.s32 $0x40000000;
	s4 =	sand.u32 $0x100, s30;
	[tilespmem:s7+$0x10400] =	vst v0  }
0xf8: {  	s6 =	sor.u32 s6, s4;
	[tilespmem:s7+$0x12480] =	vst v1  }
0xf9: {  	p1 =	sne.s32 s5, $0x1  }
.Ltmp3:
0xfa: {  	_ = 	snop;
	(pc) =	sbr.rel @!p1 .LBB2_6-.Ltmp3, $3  }
0xfb: {  	_ =	sdelay $0x1  }
0xfc: {  	s7 =	simm.s32 $0x10400  }
0xfd: {  	s4 =	simm.s32 $0x14500;
	p0 =	por $0x0, $0x0;
	v1 =	vld [tilespmem:s7+$0x0];
	s7 =	sadd.s32 $0xFFFFFFFF, s5  }
0xfe: {  	_ =	sdelay $0x3  }
0xff: {  	(xrf0) =	vmin.scan.msk.f32 $0xffff, v1;
	_ =	sdelay $0x4  }
0x100: {  	p1 =	sne.s32 s7, $0x1  }
.Ltmp4:
0x101: {  	v1, _, _ =	vpop (xrf0);
	(pc) =	sbr.rel @!p1 .LBB2_8-.Ltmp4, $3  }
0x102: {  	v1 =	vbroadcast v1, $0xF;
	_ =	sdelay $0x1  }
0x103: {  	s8 =	simm.s32 $0x10410;
	[tilespmem:s4+$0x0] =	vst.msk $0x1, v1  }
0x104: {  	s9 =	sadd.s32 $0xFFFFFFFF, s7;
	p0 =	por $0x1, $0x1;
	s7 =	simm.s32 $0x14500;
	v1 =	vld [tilespmem:s8+$0x0]  }
.LBB2_9:
0x105: {  	p1 =	sne.s32 s9, $0x1;
	_ =	sdelay $0x3  }
0x106: {  	(xrf0) =	vmin.scan.msk.f32 $0xffff, v1;
	_ =	sdelay $0x5  }
.Ltmp5:
0x107: {  	v1, _, _ =	vpop (xrf0);
	(pc) =	sbr.rel @p1 .LBB2_9-.Ltmp5, $4  }
0x108: {  	v1 =	vbroadcast v1, $0xF  }
0x109: {  	s7 =	sadd.s32 $0x1, s7  }
0x10a: {  	s8 =	sadd.s32 $0x10, s8;
	[tilespmem:s7+$0x0] =	vst.msk $0x1, v1  }
0x10b: {  	s9 =	sadd.s32 $0xFFFFFFFF, s9;
	v1 =	vld [tilespmem:s8+$0x0]  }
.LBB2_10:
0x10c: {  	_ =	sdelay $0x3  }
0x10d: {  	(xrf0) =	vmin.scan.msk.f32 $0xffff, v1;
	_ =	sdelay $0x5  }
0x10e: {  	v1, _, _ =	vpop (xrf0)  }
0x10f: {  	s7 =	sadd.s32 @p0 $0x1, s7;
	v1 =	vbroadcast v1, $0xF  }
0x110: {  	s4 =	smov.u32 @p0 s7  }
0x111: {  	[tilespmem:s4+$0x0] =	vst.msk $0x1, v1  }
.LBB2_11:
0x112: {  	s4 =	sadd.s32 $0xF, s5  }
0x113: {  	s3 =	sadd.s32 s3, s6;
	s4 =	sshra.s32 s4, $0x4  }
0x114: {  	s2 =	sadd.s32 s2, s6;
	[tilespmem:s5+$0x14500] =	vst v0;
	s5 =	simm.s32 $0x0;
	p0 =	slt.s32 s4, $0x1  }
.LBB2_12:
.Ltmp6:
0x115: {  	(pc) =	sbr.rel @p0 .LBB2_16-.Ltmp6, $2  }
0x116: {  	_ =	sdelay $0x2  }
0x117: {  	v0 =	vimm.f32 $3.000000010e+38;
	s6 =	simm.s32 $0x14500  }
0x118: {  	p1 =	sne.s32 s4, $0x1  }
.Ltmp7:
0x119: {  	_ = 	snop;
	(pc) =	sbr.rel @!p1 .LBB2_15-.Ltmp7, $2  }
0x11a: {  	_ =	sdelay $0x2  }
0x11b: {  	s7 =	sadd.s32 $0xFFFFFFFF, s4;
	v1 =	vld [tilespmem:s6+$0x0]  }
.LBB2_14:
0x11c: {  	p1 =	sne.s32 s7, $0x1  }
.Ltmp8:
0x11d: {  	_ = 	snop;
	(pc) =	sbr.rel @p1 .LBB2_14-.Ltmp8, $3  }
0x11e: {  	_ =	sdelay $0x1  }
0x11f: {  	s7 =	sadd.s32 $0xFFFFFFFF, s7;
	s6 =	sadd.s32 $0x10, s6;
	v0 =	vmin.f32 v0, v1  }
0x120: {  	v1 =	vld [tilespmem:s6+$0x0]  }
.LBB2_15:
0x121: {  	_ =	sdelay $0x3  }
0x122: {  	v0 =	vmin.f32 v0, v1  }
.LBB2_16:
0x123: {  	(xrf0) =	vmin.scan.msk.f32 $0xffff, v0;
	_ =	sdelay $0x5  }
0x124: {  	v0, _, _ =	vpop (xrf0)  }
0x125: {  	s6 =	simm.s32 $0xFFFFFFFF;
	s7 =	simm.s32 $0x14500;
	s8 =	simm.s32 $0x0;
	v0 =	vbroadcast v0, $0xF  }
.LBB2_17:
0x126: {  	v1 =	vld [tilespmem:s7+$0x0];
	_ =	sdelay $0x4  }
0x127: {  	vm0 =	veq.f32 v1, v0  }
0x128: {  	v1 =	vmctz.xlane vm0;
	_ =	sdelay $0x1  }
0x129: {  	(v2sf) =	vpush v1, $0x0;
	_ =	sdelay $0xe  }
0x12a: {  	s9 =	spop (v2sf)  }
0x12b: {  	p1 =	slt.s32 s9, $0x10;
	s9 =	sadd.s32 s8, s9  }
0x12c: {  	s6 =	smov.u32 @p1 s9  }
0x12d: {  	p1 =	slt.s32 s6, $0x0  }
.Ltmp9:
0x12e: {  	_ = 	snop;
	(pc) =	sbr.rel @p1 .LBB2_17-.Ltmp9, $2  }
0x12f: {  	_ =	sdelay $0x2  }
0x130: {  	s7 =	sadd.s32 $0x10, s7;
	s8 =	sadd.s32 $0x10, s8  }
0x131: {  	s7 =	sshll.u32 s6, $0x4  }
0x132: {  	v1 =	vld [tilespmem:s7+$0x10400]  }
0x133: {  	v2 =	vld [tilespmem:s7+$0x12480];
	_ =	sdelay $0x4  }
0x134: {  	vm0 =	veq.f32 v1, v0;
	v3 =	vxor.u32 $0x80000000, v2  }
0x135: {  	v3 =	vnsel vm0, $0xC0000000, v3  }
0x136: {  	(xrf0) =	vmin.scan.msk.u32 $0xffff, v3;
	_ =	sdelay $0x5  }
0x137: {  	v3, _, _ =	vpop (xrf0)  }
0x138: {  	(v2sf) =	vpush v3, $0xF;
	_ =	sdelay $0xe  }
0x139: {  	s8 =	spop (v2sf)  }
0x13a: {  	s8 =	sxor.u32 $0x80000000, s8  }
0x13b: {  	vm15 =	veq.s32 v2, s8  }
0x13c: {  	v1 =	vsel vm15, $0x7F61B1E6, v1  }
0x13d: {  	(xrf0) =	vmin.scan.msk.f32 $0xffff, v1;
	_ =	sdelay $0x5  }
0x13e: {  	v62, _, _ =	vpop (xrf0)  }
0x13f: {  	v2 =	vbroadcast v62, $0xF  }
0x140: {  	[tilespmem:s7+$0x10400] =	vst v1  }
0x141: {  	[tilespmem:s6+$0x14500] =	vst.msk $0x1, v2  }
0x142: {  	v63 =	vmov s8;
	[tilespmem:s5+$0x14900] =	vst.msk $0x1, v0  }
0x143: {  	[tilespmem:s5+$0x14780] =	vst.msk $0x1, v63;
	s5 =	sadd.s32 $0x1, s5  }
0x144: {  	p1 =	sne.s32 s5, $0x100  }
.Ltmp10:
0x145: {  	_ = 	snop;
	(pc) =	sbr.rel @p1 .LBB2_12-.Ltmp10, $1  }
0x146: {  	_ =	sdelay $0x3  }
0x147: {  	s4 =	simm.s32 $0x80  }
0x148: {  	s5 =	simm.s32 $0x400;
	s6 =	simm.s32 $0x14900;
	s30 =	simm.s32 $0x1  }
0x149: {  	[hbm4b:s3+s4] =	stream.strided.scatter [tilespmem:s6], [sflag:$0x1], $0x100, s5, s4, $0x38;
	[tilespmem:$0x14A80] =	vst v63  }
0x14a: {  	_ =	swait.ge [sflag:s30], $0x100  }
0x14b: {  	[sflag:s30] =	ssyncset.done $0x0  }
0x14c: {  	s31 =	simm.s32 $0x14780;
	[sflag:s30] =	ssyncadd.s32 $0xFFFFFF00  }
0x14d: {  	[hbm4b:s2+s4] =	stream.strided.scatter [tilespmem:s31], [sflag:$0x1], $0x100, s5, s4, $0x38;
	[tilespmem:$0x14A80] =	vst v63  }
0x14e: {  	_ =	swait.ge [sflag:s30], $0x100  }
0x14f: {  	[sflag:s30] =	ssyncset.done $0x0  }
0x150: {  	[sflag:s30] =	ssyncadd.s32 $0xFFFFFF00  }
0x151: {  	_ =	sfence.sel $0x180000  }
0x152: {  	[bflag:$0x0] =	sbarrier.arrive $0xFFFF  }
0x153: {  	p0 =	sne.s32 s1, $0x0;
	_ =	strace $0x9000004D  }
0x154: {  	s0 =	sadd.s32 @!p0 $0x100000, s0;
	[bflag:$0x2] =	sbarrier.arrive $0xFFFF  }
0x155: {  	[sflag:s0] =	ssyncadd.tile.s32 @!p0 $0x1;
	_ =	shalt  }
.LBB2_6:
.Ltmp11:
0x156: {  	(pc) =	sbr.rel .LBB2_10-.Ltmp11, $2  }
0x157: {  	_ =	sdelay $0x2  }
0x158: {  	s7 =	simm.s32 $0x14500  }
.LBB2_8:
.Ltmp12:
0x159: {  	(pc) =	sbr.rel .LBB2_10-.Ltmp12, $2  }
0x15a: {  	_ =	sdelay $0x2  }
0x15b: {  	s7 =	simm.s32 $0x14500  }
.Lfunc_end2:
_tile_overlayer_lowered:
.L_overlay_start_2:
0x15c: {  	(tag) =	ssettag $0x2  }
0x15d: {  	s0 =	rddreg [dreg:$0x0];
	s2 =	stileid.u32  }
0x15e: {  	s1 =	rddreg [dreg:$0x1];
	p0 =	sne.s32 s2, $0x0  }
0x15f: {  	s3 =	rddreg [dreg:$0x2];
	[bflag:$0x3] =	sbarrier.arrive $0xFFFF;
	s2 =	simm.s32 @!p0 $0x1C01  }
0x160: {  	[timem:s3], [sflag:s2] =	dma.local @!p0 [hbm:s0], s1  }
0x161: {  	s0 =	simm.s32 @!p0 $0x1  }
0x162: {  	_ =	swait.ge @!p0 [sflag:s0], s1  }
0x163: {  	s1 =	ssub.s32 @!p0 $0x0, s1;
	[sflag:s0] =	ssyncset.done @!p0 $0x0  }
0x164: {  	[sflag:s0] =	ssyncadd.s32 @!p0 s1  }
0x165: {  	[bflag:$0x3] =	sbarrier.arrive $0xFFFF  }
0x166: {  	_ =	shalt  }

// kernel: kernel.19.cloned.1.call-start
scs
__scs_entry_jumppad:
0x0: {  	(pc) =	sbr.rel $0x88, $3  }
0x1: {  	(tag) =	ssettag $0x0;
	lr =	simm.s32 $0x1  }
0x2: {  	[smem:$0x3F9B] =	sst lr;
	_ =	strace $0xD0000000  }
0x3: {  	_ = 	snop  }
0x4: {  	_ = 	snop  }
0x5: {  	_ = 	snop  }
0x6: {  	_ = 	snop  }
0x7: {  	_ = 	snop  }
__scs_overlays_trampoline_lowered:
0x8: {  	[smem:$0x3FAA] =	sst s0  }
0x9: {  	[smem:$0x3FAB] =	sst s1  }
0xa: {  	[smem:$0x3FAC] =	sst s2  }
0xb: {  	[smem:$0x3FAD] =	sst s3  }
0xc: {  	[smem:$0x3FAE] =	sst s4  }
0xd: {  	[smem:$0x3FAF] =	sst s5  }
0xe: {  	[smem:$0x3FB0] =	sst s6  }
0xf: {  	[smem:$0x3FB1] =	sst s7  }
0x10: {  	[smem:$0x3FB2] =	sst s8  }
0x11: {  	[smem:$0x3FB3] =	sst s9;
	s0 =	simm.s32 @!p0 $0x0  }
0x12: {  	s1 =	sld [smem:$0x3F99];
	s0 =	simm.s32 @p0 $0x1  }
0x13: {  	[smem:$0x3FB4] =	sst s0;
	s0 =	simm.s32 @!p1 $0x0  }
0x14: {  	s2 =	sld [smem:$0x3F98];
	s0 =	simm.s32 @p1 $0x1  }
0x15: {  	[smem:$0x3FB5] =	sst s0;
	s0 =	simm.s32 @!p2 $0x0  }
0x16: {  	s3 =	sld [smem:$0x3FDB];
	s0 =	simm.s32 @p2 $0x1  }
0x17: {  	s4 =	simm.s32 $0x1BF5;
	[smem:$0x3FB7] =	sst s0  }
0x18: {  	s0 =	sld [smem:$0x3F9A];
	_ =	swait.ge [sflag:s4], $0x0  }
0x19: {  	s7 =	sld [smem:$0x3F9B]  }
0x1a: {  	s8 =	sadd.s32 $0xFFFFE003, lr  }
0x1b: {  	s9 =	sadd.s32 $0xFFFFFEF7, lr;
	s5 =	simm.s32 $0xFFFFFFFF;
	p2 =	slt.u32 s8, $0xFFFFF086  }
0x1c: {  	p1 =	slt.u32 s9, $0xF7A;
	s5 =	simm.s32 @!p2 $0x0  }
0x1d: {  	s5 =	simm.s32 @p1 $0x1;
	p0 =	seq.s32 s7, s2  }
0x1e: {  	s7 =	smul.u32 @!p0 $0xF7A, s2;
	p2 =	seq.s32 @!p0 s5, $0x0  }
0x1f: {  	s9 =	smul.u32 $0xF7A, s1;
	s8 =	simm.s32 @!p0 $0x1BF5;
	p2 =	por !p2, p0  }
0x20: {  	[sflag:s8] =	ssyncset.s32 @!p0 $0xFFFFF086;
	s6 =	sadd.s32 @!p0 s3, s7;
	s7 =	simm.s32 @!p0 $0x108  }
0x21: {  	s3 =	sadd.s32 s3, s9;
	s6 =	sadd.s32 @!p0 $0x88, s6;
	s7 =	simm.s32 @p2 $0x1082  }
0x22: {  	[simem:s7], [sflag:s8] =	dma.local @!p0 [hbm:s6], $0xF7A  }
0x23: {  	s9 =	sor.u32 $0xD0000000, s2;
	s6 =	simm.s32 $0x108;
	_ =	swait.ge @!p0 [sflag:s8], $0x0  }
0x24: {  	s3 =	sadd.s32 $0x88, s3;
	s6 =	simm.s32 @!p1 $0x1082;
	[sflag:s4] =	ssyncset.s32 $0xFFFFF086  }
0x25: {  	[simem:s6], [sflag:s4] =	dma.local [hbm:s3], $0xF7A  }
0x26: {  	[smem:$0x3F9B] =	sst s1;
	(tag) =	ssettag s2;
	_ =	strace s9  }
0x27: {  	s1 =	sld [smem:$0x3FAB]  }
0x28: {  	s2 =	sld [smem:$0x3FAC]  }
0x29: {  	s4 =	sld [smem:$0x3FAE]  }
0x2a: {  	p0 =	seq.s32 s5, $0x0;
	s5 =	sld [smem:$0x3FAF]  }
0x2b: {  	s6 =	sld [smem:$0x3FB0]  }
0x2c: {  	s7 =	sld [smem:$0x3FB1]  }
0x2d: {  	s3 =	simm.s32 $0x108;
	s8 =	sld [smem:$0x3FB2]  }
0x2e: {  	s3 =	simm.s32 @!p0 $0x1082;
	s9 =	sld [smem:$0x3FB3]  }
0x2f: {  	lr =	sadd.s32 s0, s3;
	s0 =	sld [smem:$0x3FAA]  }
0x30: {  	s3 =	sld [smem:$0x3FAD]  }
0x31: {  	[smem:$0x3FB6] =	sst s10  }
0x32: {  	s10 =	sld [smem:$0x3FB4];
	_ =	sdelay $0x3  }
0x33: {  	p0 =	seq.s32 s10, $0x1;
	s10 =	sld [smem:$0x3FB6];
	_ =	sdelay $0x3  }
0x34: {  	[smem:$0x3FB6] =	sst s10  }
0x35: {  	s10 =	sld [smem:$0x3FB5];
	_ =	sdelay $0x3  }
0x36: {  	p1 =	seq.s32 s10, $0x1;
	s10 =	sld [smem:$0x3FB6];
	_ =	sdelay $0x3  }
0x37: {  	[smem:$0x3FB6] =	sst s10  }
0x38: {  	s10 =	sld [smem:$0x3FB7]  }
0x39: {  	_ = 	snop;
	(pc) =	sbr.ind lr, $3  }
0x3a: {  	_ = 	snop  }
0x3b: {  	_ = 	snop  }
0x3c: {  	p2 =	seq.s32 s10, $0x1;
	s10 =	sld [smem:$0x3FB6]  }
0x3d: {  	_ =	shalt  }
0x3e: {  	_ =	shalt  }
0x3f: {  	_ =	shalt  }
0x40: {  	_ =	shalt  }
0x41: {  	_ =	shalt  }
0x42: {  	_ =	shalt  }
0x43: {  	_ =	shalt  }
0x44: {  	_ =	shalt  }
0x45: {  	_ =	shalt  }
0x46: {  	_ =	shalt  }
0x47: {  	_ =	shalt  }
0x48: {  	_ =	shalt  }
0x49: {  	_ =	shalt  }
0x4a: {  	_ =	shalt  }
0x4b: {  	_ =	shalt  }
0x4c: {  	_ =	shalt  }
0x4d: {  	_ =	shalt  }
0x4e: {  	_ =	shalt  }
0x4f: {  	_ =	shalt  }
0x50: {  	_ =	shalt  }
0x51: {  	_ =	shalt  }
0x52: {  	_ =	shalt  }
0x53: {  	_ =	shalt  }
0x54: {  	_ =	shalt  }
0x55: {  	_ =	shalt  }
0x56: {  	_ =	shalt  }
0x57: {  	_ =	shalt  }
0x58: {  	_ =	shalt  }
0x59: {  	_ =	shalt  }
0x5a: {  	_ =	shalt  }
0x5b: {  	_ =	shalt  }
0x5c: {  	_ =	shalt  }
0x5d: {  	_ =	shalt  }
0x5e: {  	_ =	shalt  }
0x5f: {  	_ =	shalt  }
0x60: {  	_ =	shalt  }
0x61: {  	_ =	shalt  }
0x62: {  	_ =	shalt  }
0x63: {  	_ =	shalt  }
0x64: {  	_ =	shalt  }
0x65: {  	_ =	shalt  }
0x66: {  	_ =	shalt  }
0x67: {  	_ =	shalt  }
0x68: {  	_ =	shalt  }
0x69: {  	_ =	shalt  }
0x6a: {  	_ =	shalt  }
0x6b: {  	_ =	shalt  }
0x6c: {  	_ =	shalt  }
0x6d: {  	_ =	shalt  }
0x6e: {  	_ =	shalt  }
0x6f: {  	_ =	shalt  }
0x70: {  	_ =	shalt  }
0x71: {  	_ =	shalt  }
0x72: {  	_ =	shalt  }
0x73: {  	_ =	shalt  }
0x74: {  	_ =	shalt  }
0x75: {  	_ =	shalt  }
0x76: {  	_ =	shalt  }
0x77: {  	_ =	shalt  }
0x78: {  	_ =	shalt  }
0x79: {  	_ =	shalt  }
0x7a: {  	_ =	shalt  }
0x7b: {  	_ =	shalt  }
0x7c: {  	_ =	shalt  }
0x7d: {  	_ =	shalt  }
0x7e: {  	_ =	shalt  }
0x7f: {  	_ =	shalt  }
0x80: {  	_ =	shalt  }
0x81: {  	_ =	shalt  }
0x82: {  	_ =	shalt  }
0x83: {  	_ =	shalt  }
0x84: {  	_ =	shalt  }
0x85: {  	_ =	shalt  }
0x86: {  	_ =	shalt  }
0x87: {  	_ =	shalt  }
.Lfunc_end0:
.L_simem_size_0:
called_computation.3_lowered:
.L_overlay_start_0:
0x88: {  	s0 =	sld [smem:$0x3FD9]  }
0x89: {  	s1 =	sld [smem:$0x3FFE];
	_ =	sdelay $0x3  }
0x8a: {  	s0 =	sadd.s32 s1, s0  }
0x8b: {  	[smem:$0x3FC2] =	sst s0  }
0x8c: {  	_ = 	snop  }
0x8d: {  	s0 =	sld [smem:$0x3FD0];
	_ =	sdelay $0x3  }
0x8e: {  	s2 =	simm.s32 $0xA;
	s3 =	simm.s32 $0x10;
	s12 =	sadd.s32 $0x1, s0  }
0x8f: {  	[smem:s3], [sflag:s2] =	dma.local [hbm:s12], $0x1  }
0x90: {  	_ =	swait.eq [sflag:s2], $0x1  }
0x91: {  	[sflag:s2] =	ssyncset.done $0x0  }
0x92: {  	[sflag:s2] =	ssyncadd.s32 $0xFFFFFFFF  }
0x93: {  	s13 =	sld [smem:$0x10]  }
0x94: {  	[smem:s3], [sflag:s2] =	dma.local [hbm:s0], $0x1  }
0x95: {  	_ =	swait.eq [sflag:s2], $0x1  }
0x96: {  	[sflag:s2] =	ssyncset.done $0x0  }
0x97: {  	s14 =	sld [smem:$0x16];
	[sflag:s2] =	ssyncadd.s32 $0xFFFFFFFF  }
0x98: {  	s15 =	sld [smem:$0x17];
	(tm) =	ssettm $0x1  }
0x99: {  	s16 =	sld [smem:$0x3FFB];
	_ =	sdelay $0x3  }
0x9a: {  	_ =	strace s16  }
0x9b: {  	s3 =	sld [smem:$0x3FFC];
	_ =	sdelay $0x3  }
0x9c: {  	_ =	strace s3  }
0x9d: {  	s3 =	sld [smem:$0x3FFD];
	_ =	sdelay $0x3  }
0x9e: {  	_ =	strace s3  }
0x9f: {  	_ =	strace $0x8FFFFFFF  }
0xa0: {  	s17 =	sld [smem:$0x3FDB];
	_ =	sdelay $0x1  }
0xa1: {  	s4 =	simm.s32 $_scs_section_size  }
0xa2: {  	s5 =	simm.s32 $_size__tile_overlayer_lowered;
	s6 =	simm.s32 $_tile_overlayer_lowered  }
0xa3: {  	s20 =	simm.s32 $0x1BFF;
	s19 =	sshll.u32 s6, $0x1;
	s3 =	sadd.s32 s4, s17  }
0xa4: {  	s7 =	simm.s32 $0x0;
	s18 =	sshll.u32 s5, $0x1;
	s5 =	sadd.s32 s19, s3  }
0xa5: {  	[timem:s7], [sflag:s20] =	dma.local [hbm:s5], s18  }
0xa6: {  	_ =	swait.ge [sflag:s20], s18  }
0xa7: {  	s4 =	ssub.s32 $0x0, s18;
	[sflag:s20] =	ssyncset.done $0x0  }
0xa8: {  	[sflag:s20] =	ssyncadd.s32 s4;
	_ =	sdelay $0x1  }
0xa9: {  	s21 =	simm.s32 $0x1B8B  }
0xaa: {  	_ =	swait.ge [sflag:s21], $0x1  }
0xab: {  	[sflag:s21] =	ssyncset.done $0x0  }
0xac: {  	s23 =	simm.s32 $0x1B8E;
	s22 =	sld [smem:$0x3FFE];
	[sflag:s21] =	ssyncadd.s32 $0xFFFFFFFF  }
0xad: {  	s24 =	simm.s32 $execute0_lowered;
	[smem:$0x3FD2] =	sst s23  }
0xae: {  	s5 =	sshll.u32 s24, $0x1;
	_ =	strace $0x8000004F;
	[dreg:$0x1] =	wrdreg $0xFFFFFFFF  }
0xaf: {  	s25 =	simm.s32 $_size_execute0_lowered;
	s3 =	sadd.s32 s3, s5;
	[dreg:$0x0] =	wrdreg $0x0  }
0xb0: {  	s5 =	sshll.u32 s25, $0x1;
	[dreg:$0x2] =	wrdreg s3  }
0xb1: {  	[dreg:$0x3] =	wrdreg s5  }
0xb2: {  	[dreg:$0x4] =	wrdreg $0xC0  }
0xb3: {  	_ =	task [dreg:s7], $0x5FFFF  }
0xb4: {  	[dreg:$0x1] =	wrdreg $0xFFFFFFFF  }
0xb5: {  	[dreg:$0x0] =	wrdreg $0x60  }
0xb6: {  	[dreg:$0x2] =	wrdreg s22  }
0xb7: {  	[dreg:$0x3] =	wrdreg s13  }
0xb8: {  	[dreg:$0x4] =	wrdreg s14  }
0xb9: {  	[dreg:$0x5] =	wrdreg s15  }
0xba: {  	[dreg:$0x6] =	wrdreg $0x9  }
0xbb: {  	_ =	task.clear_ibuf [dreg:s7], $0x7FFFF;
	_ =	strace $0x9000004F  }
0xbc: {  	s26 =	simm.s32 $0x9;
	_ =	strace $0x80000051  }
0xbd: {  	_ =	swait.ge [sflag:s26], $0x1  }
0xbe: {  	[sflag:s26] =	ssyncadd.s32 $0xFFFFFFFF  }
0xbf: {  	_ =	strace $0x90000051  }
0xc0: {  	_ =	sfence  }
0xc1: {  	s28 =	sld [smem:$0x0];
	_ =	sdelay $0x1  }
0xc2: {  	s29 =	srdreg.scid  }
0xc3: {  	s30 =	sshll.u32 s29, $0xD;
	s31 =	sshrl.u32 s29, $0x2  }
0xc4: {  	s1 =	sand.u32 $0x1, s29;
	s2 =	sand.u32 $0x4000, s30;
	s0 =	sadd.s32 s31, s28  }
0xc5: {  	s1 =	sor.u32 s2, s1;
	s0 =	sshll.u32 s0, $0x11  }
0xc6: {  	s0 =	sor.u32 s0, s1  }
0xc7: {  	s0 =	sadd.s32 $0x8F2B, s0  }
0xc8: {  	[sflag:s0] =	ssyncadd.remote.s32 $0x1  }
0xc9: {  	_ =	sfence.sel $0xFFFF  }
0xca: {  	[dreg:$0x0] =	wrdreg $0xFFFFFFFF;
	(pc) =	sbr.abs _section_cstart, $3  }
0xcb: {  	[dreg:$0x1] =	wrdreg $0xFFFFFFFF  }
0xcc: {  	_ =	task.clear_ibuf [dreg:s7], $0x2FFFF;
	_ =	strace $0x9FFFFFFF  }
0xcd: {  	(tm) =	ssettm $0x7FFFFFFF  }
tec
execute0_lowered:
.L_overlay_start_1:
0x0: {  	(tag) =	ssettag $0x1  }
0x1: {  	s6 =	rddreg [dreg:$0x0]  }
0x2: {  	s3 =	rddreg [dreg:$0x1]  }
0x3: {  	s2 =	rddreg [dreg:$0x2]  }
0x4: {  	s1 =	rddreg [dreg:$0x3];
	s4 =	stileid.u32  }
0x5: {  	s0 =	rddreg [dreg:$0x4];
	_ =	strace $0x80000050;
	p0 =	sne.s32 s4, $0x0  }
0x6: {  	_ =	sfence.sel @p0 $0x180000  }
0x7: {  	[bflag:$0x0] =	sbarrier.arrive @p0 $0xFFFF  }
0x8: {  	_ =	strace @p0 $0x90000050  }
0x9: {  	[bflag:$0x2] =	sbarrier.arrive @p0 $0xFFFF  }
0xa: {  	_ =	shalt @p0  }
.LBB2_1:
0xb: {  	s7 =	sadd.s32 $0x16400, s6  }
0xc: {  	s4 =	simm.s32 $0x0;
	s5 =	simm.s32 $0x600;
	s30 =	simm.s32 $0x1  }
0xd: {  	[tilespmem:s5], [sflag:$0x1] =	stream.linear.gather [hbm4b:s7+s4], $0x1000, $0x38;
	[tilespmem:$0x2700] =	vst v63  }
0xe: {  	_ =	swait.ge [sflag:s30], $0x1000  }
0xf: {  	[sflag:s30] =	ssyncset.done $0x0  }
0x10: {  	s31 =	sadd.s32 $0x16600, s6;
	s8 =	simm.s32 $0x1680;
	[sflag:s30] =	ssyncadd.s32 $0xFFFFF000  }
0x11: {  	[tilespmem:s8], [sflag:$0x1] =	stream.linear.gather [hbm4b:s31+s4], $0x1000, $0x38;
	[tilespmem:$0x2700] =	vst v63  }
0x12: {  	_ =	swait.ge [sflag:s30], $0x1000  }
0x13: {  	[sflag:s30] =	ssyncset.done $0x0  }
0x14: {  	[sflag:s30] =	ssyncadd.s32 $0xFFFFF000  }
0x15: {  	s6 =	simm.s32 $0x0;
	s7 =	simm.s32 $0x4;
	v0 =	vld [tilespmem:s5+$0x0]  }
.LBB2_2:
0x16: {  	p0 =	sne.s32 s7, $0x3FC;
	_ =	sdelay $0x3  }
0x17: {  	(xrf0) =	vmin.scan.msk.f32 $0xffff, v0;
	_ =	sdelay $0x5  }
.Ltmp0:
0x18: {  	v0, _, _ =	vpop (xrf0);
	(pc) =	sbr.rel @p0 .LBB2_2-.Ltmp0, $4  }
0x19: {  	v0 =	vbroadcast v0, $0xF  }
0x1a: {  	s8 =	sshra.s32 s6, $0x2;
	s6 =	smov.u32 s7  }
0x1b: {  	s5 =	sadd.s32 $0x10, s5;
	[tilespmem:s8+$0x0] =	vst.msk $0x1, v0  }
0x1c: {  	s7 =	sadd.s32 $0x4, s7;
	v0 =	vld [tilespmem:s5+$0x0]  }
0x1d: {  	_ =	sdelay $0x3  }
0x1e: {  	(xrf0) =	vmin.scan.msk.f32 $0xffff, v0;
	_ =	sdelay $0x5  }
0x1f: {  	v0, _, _ =	vpop (xrf0)  }
0x20: {  	v0 =	vbroadcast v0, $0xF  }
0x21: {  	s5 =	sshra.s32 s6, $0x2  }
0x22: {  	[tilespmem:s5+$0x0] =	vst.msk $0x1, v0  }
.LBB2_4:
0x23: {  	v0 =	vld [tilespmem:$0x0]  }
0x24: {  	v1 =	vld [tilespmem:$0x10]  }
0x25: {  	v2 =	vld [tilespmem:$0x20]  }
0x26: {  	v3 =	vld [tilespmem:$0x30]  }
0x27: {  	v4 =	vld [tilespmem:$0x40]  }
0x28: {  	v5 =	vld [tilespmem:$0x50];
	v0 =	vmin.f32 v0, $3.000000010e+38  }
0x29: {  	v0 =	vmin.f32 v0, v1;
	v1 =	vld [tilespmem:$0x60]  }
0x2a: {  	v0 =	vmin.f32 v0, v2;
	v2 =	vld [tilespmem:$0x70]  }
0x2b: {  	v0 =	vmin.f32 v0, v3;
	v3 =	vld [tilespmem:$0x80]  }
0x2c: {  	v60 =	vld [tilespmem:$0x90];
	v0 =	vmin.f32 v0, v4  }
0x2d: {  	v61 =	vld [tilespmem:$0xA0];
	v0 =	vmin.f32 v0, v5  }
0x2e: {  	v0 =	vmin.f32 v0, v1;
	v1 =	vld [tilespmem:$0xB0]  }
0x2f: {  	v0 =	vmin.f32 v0, v2;
	v2 =	vld [tilespmem:$0xC0]  }
0x30: {  	v0 =	vmin.f32 v0, v3;
	v3 =	vld [tilespmem:$0xD0]  }
0x31: {  	v62 =	vld [tilespmem:$0xE0];
	v0 =	vmin.f32 v0, v60  }
0x32: {  	v63 =	vld [tilespmem:$0xF0];
	v0 =	vmin.f32 v0, v61  }
0x33: {  	v0 =	vmin.f32 v0, v1  }
0x34: {  	v0 =	vmin.f32 v0, v2  }
0x35: {  	v0 =	vmin.f32 v0, v3  }
0x36: {  	v0 =	vmin.f32 v0, v62  }
0x37: {  	v0 =	vmin.f32 v0, v63  }
0x38: {  	(xrf0) =	vmin.scan.msk.f32 $0xffff, v0;
	_ =	sdelay $0x5  }
0x39: {  	v0, _, _ =	vpop (xrf0)  }
0x3a: {  	s5 =	simm.s32 $0xFFFFFFFF;
	s6 =	simm.s32 $0x0;
	s7 =	simm.s32 $0x0;
	v0 =	vbroadcast v0, $0xF  }
.LBB2_5:
0x3b: {  	v1 =	vld [tilespmem:s7+$0x0];
	_ =	sdelay $0x4  }
0x3c: {  	vm0 =	veq.f32 v1, v0  }
0x3d: {  	v1 =	vmctz.xlane vm0;
	_ =	sdelay $0x1  }
0x3e: {  	(v2sf) =	vpush v1, $0x0;
	_ =	sdelay $0xe  }
0x3f: {  	s8 =	spop (v2sf)  }
0x40: {  	p0 =	slt.s32 s8, $0x10;
	s8 =	sadd.s32 s6, s8  }
0x41: {  	s5 =	smov.u32 @p0 s8  }
0x42: {  	p0 =	slt.s32 s5, $0x0  }
.Ltmp1:
0x43: {  	_ = 	snop;
	(pc) =	sbr.rel @p0 .LBB2_5-.Ltmp1, $2  }
0x44: {  	_ =	sdelay $0x2  }
0x45: {  	s7 =	sadd.s32 $0x10, s7;
	s6 =	sadd.s32 $0x10, s6  }
0x46: {  	s6 =	sshll.u32 s5, $0x4  }
0x47: {  	v1 =	vld [tilespmem:s6+$0x600]  }
0x48: {  	v2 =	vld [tilespmem:s6+$0x1680];
	_ =	sdelay $0x4  }
0x49: {  	vm0 =	veq.f32 v1, v0;
	v57 =	vxor.u32 $0x80000000, v2  }
0x4a: {  	v0 =	vnsel vm0, $0xC0000000, v57  }
0x4b: {  	(xrf0) =	vmin.scan.msk.u32 $0xffff, v0;
	_ =	sdelay $0x5  }
0x4c: {  	v0, _, _ =	vpop (xrf0)  }
0x4d: {  	(v2sf) =	vpush v0, $0xF;
	_ =	sdelay $0xe  }
0x4e: {  	s7 =	spop (v2sf)  }
0x4f: {  	v58 =	vsub.f32 $0.0e+00, v1;
	s7 =	sxor.u32 $0x80000000, s7  }
0x50: {  	vm15 =	veq.s32 v2, s7  }
0x51: {  	v0 =	vnsel vm15, $0xFF61B1E6, v58  }
0x52: {  	v59 =	vsel vm15, $0x7F61B1E6, v1;
	(xrf0) =	vmax.scan.msk.f32 $0xffff, v0  }
0x53: {  	(xrf0) =	vmin.scan.msk.f32 $0xffff, v59;
	_ =	sdelay $0x4  }
0x54: {  	v60, _, _ =	vpop (xrf0)  }
0x55: {  	v61, _, _ =	vpop (xrf0)  }
0x56: {  	v2 =	vbroadcast v61, $0xF  }
0x57: {  	[tilespmem:s6+$0x600] =	vst v59;
	v62 =	vbroadcast v60, $0xF  }
0x58: {  	[tilespmem:s5+$0x0] =	vst.msk $0x1, v2  }
0x59: {  	v63 =	vmov s7;
	[tilespmem:s4+$0x180] =	vst.msk $0x1, v62  }
0x5a: {  	[tilespmem:s4+$0x300] =	vst.msk $0x1, v63;
	s4 =	sadd.s32 $0x1, s4  }
0x5b: {  	p0 =	sne.s32 s4, $0x100  }
.Ltmp2:
0x5c: {  	_ = 	snop;
	(pc) =	sbr.rel @p0 .LBB2_4-.Ltmp2, $1  }
0x5d: {  	_ =	sdelay $0x3  }
0x5e: {  	s4 =	simm.s32 $0x0;
	s5 =	simm.s32 $0x180;
	s29 =	simm.s32 $0x1  }
0x5f: {  	[hbm4b:s3+s4] =	stream.linear.scatter [tilespmem:s5], [sflag:$0x1], $0x100, $0x38;
	[tilespmem:$0x2700] =	vst v63  }
0x60: {  	_ =	swait.ge [sflag:s29], $0x100  }
0x61: {  	[sflag:s29] =	ssyncset.done $0x0  }
0x62: {  	[sflag:s29] =	ssyncadd.s32 $0xFFFFFF00  }
0x63: {  	v0 =	vld [tilespmem:$0x300];
	_ =	sdelay $0x1  }
0x64: {  	v1 =	vld [tilespmem:$0x310];
	_ =	sdelay $0x1  }
0x65: {  	v2 =	vld [tilespmem:$0x320]  }
0x66: {  	v3 =	vshra.s32 v0, $0xA  }
0x67: {  	v33 =	vld [tilespmem:$0x330];
	v0 =	vand.u32 $0x3FF, v0;
	[tilespmem:$0x300] =	vst v3  }
0x68: {  	v35 =	vld [tilespmem:$0x340];
	v34 =	vshra.s32 v1, $0xA;
	[tilespmem:$0x480] =	vst v0  }
0x69: {  	v37 =	vld [tilespmem:$0x350];
	v1 =	vand.u32 $0x3FF, v1;
	[tilespmem:$0x310] =	vst v34  }
0x6a: {  	v39 =	vld [tilespmem:$0x360];
	v36 =	vshra.s32 v2, $0xA;
	[tilespmem:$0x490] =	vst v1  }
0x6b: {  	v41 =	vld [tilespmem:$0x370];
	v2 =	vand.u32 $0x3FF, v2;
	[tilespmem:$0x320] =	vst v36  }
0x6c: {  	v43 =	vld [tilespmem:$0x380];
	v38 =	vshra.s32 v33, $0xA;
	[tilespmem:$0x4A0] =	vst v2  }
0x6d: {  	v45 =	vld [tilespmem:$0x390];
	v40 =	vshra.s32 v35, $0xA;
	[tilespmem:$0x330] =	vst v38  }
0x6e: {  	v47 =	vld [tilespmem:$0x3A0];
	v42 =	vshra.s32 v37, $0xA;
	[tilespmem:$0x340] =	vst v40  }
0x6f: {  	v49 =	vld [tilespmem:$0x3B0];
	v44 =	vshra.s32 v39, $0xA;
	[tilespmem:$0x350] =	vst v42  }
0x70: {  	v51 =	vld [tilespmem:$0x3C0];
	v46 =	vshra.s32 v41, $0xA;
	[tilespmem:$0x360] =	vst v44  }
0x71: {  	v53 =	vld [tilespmem:$0x3D0];
	v48 =	vshra.s32 v43, $0xA;
	[tilespmem:$0x370] =	vst v46  }
0x72: {  	v50 =	vshra.s32 v45, $0xA;
	[tilespmem:$0x380] =	vst v48  }
0x73: {  	v55 =	vld [tilespmem:$0x3E0];
	v52 =	vshra.s32 v47, $0xA;
	[tilespmem:$0x390] =	vst v50  }
0x74: {  	v54 =	vshra.s32 v49, $0xA;
	[tilespmem:$0x3A0] =	vst v52  }
0x75: {  	v57 =	vld [tilespmem:$0x3F0];
	v56 =	vshra.s32 v51, $0xA;
	[tilespmem:$0x3B0] =	vst v54  }
0x76: {  	v58 =	vshra.s32 v53, $0xA;
	[tilespmem:$0x3C0] =	vst v56  }
0x77: {  	v59 =	vand.u32 $0x3FF, v53;
	[tilespmem:$0x3D0] =	vst v58  }
0x78: {  	v60 =	vshra.s32 v55, $0xA;
	[tilespmem:$0x550] =	vst v59  }
0x79: {  	v61 =	vand.u32 $0x3FF, v55;
	[tilespmem:$0x3E0] =	vst v60  }
0x7a: {  	v62 =	vshra.s32 v57, $0xA;
	[tilespmem:$0x560] =	vst v61  }
0x7b: {  	v63 =	vand.u32 $0x3FF, v57;
	[tilespmem:$0x3F0] =	vst v62  }
0x7c: {  	v3 =	vand.u32 $0x3FF, v33;
	[tilespmem:$0x570] =	vst v63  }
0x7d: {  	v0 =	vand.u32 $0x3FF, v35;
	[tilespmem:$0x4B0] =	vst v3  }
0x7e: {  	v1 =	vand.u32 $0x3FF, v37;
	[tilespmem:$0x4C0] =	vst v0  }
0x7f: {  	v2 =	vand.u32 $0x3FF, v39;
	[tilespmem:$0x4D0] =	vst v1  }
0x80: {  	[tilespmem:$0x4E0] =	vst v2;
	v3 =	vand.u32 $0x3FF, v41  }
0x81: {  	v0 =	vand.u32 $0x3FF, v43;
	[tilespmem:$0x4F0] =	vst v3  }
0x82: {  	v1 =	vand.u32 $0x3FF, v45;
	[tilespmem:$0x500] =	vst v0  }
0x83: {  	v2 =	vand.u32 $0x3FF, v47;
	[tilespmem:$0x510] =	vst v1  }
0x84: {  	[tilespmem:$0x520] =	vst v2;
	v3 =	vand.u32 $0x3FF, v49  }
0x85: {  	v0 =	vand.u32 $0x3FF, v51;
	[tilespmem:$0x530] =	vst v3  }
0x86: {  	s30 =	simm.s32 $0x300;
	[tilespmem:$0x540] =	vst v0  }
0x87: {  	[hbm4b:s2+s4] =	stream.linear.scatter [tilespmem:s30], [sflag:$0x1], $0x100, $0x38;
	[tilespmem:$0x2700] =	vst v63  }
0x88: {  	_ =	swait.ge [sflag:s29], $0x100  }
0x89: {  	[sflag:s29] =	ssyncset.done $0x0  }
0x8a: {  	s31 =	simm.s32 $0x480;
	[sflag:s29] =	ssyncadd.s32 $0xFFFFFF00  }
0x8b: {  	[hbm4b:s1+s4] =	stream.linear.scatter [tilespmem:s31], [sflag:$0x1], $0x100, $0x38;
	[tilespmem:$0x2700] =	vst v63  }
0x8c: {  	_ =	swait.ge [sflag:s29], $0x100  }
0x8d: {  	[sflag:s29] =	ssyncset.done $0x0  }
0x8e: {  	[sflag:s29] =	ssyncadd.s32 $0xFFFFFF00  }
0x8f: {  	_ =	sfence.sel $0x180000  }
0x90: {  	[bflag:$0x0] =	sbarrier.arrive $0xFFFF  }
0x91: {  	_ =	strace $0x90000050  }
0x92: {  	s0 =	sadd.s32 $0x100000, s0;
	[bflag:$0x2] =	sbarrier.arrive $0xFFFF  }
0x93: {  	[sflag:s0] =	ssyncadd.tile.s32 $0x1;
	_ =	shalt  }
.Lfunc_end2:
_tile_overlayer_lowered:
.L_overlay_start_2:
0x94: {  	(tag) =	ssettag $0x2  }
0x95: {  	s0 =	rddreg [dreg:$0x0];
	s2 =	stileid.u32  }
0x96: {  	s1 =	rddreg [dreg:$0x1];
	p0 =	sne.s32 s2, $0x0  }
0x97: {  	s3 =	rddreg [dreg:$0x2];
	[bflag:$0x3] =	sbarrier.arrive $0xFFFF;
	s2 =	simm.s32 @!p0 $0x1C01  }
0x98: {  	[timem:s3], [sflag:s2] =	dma.local @!p0 [hbm:s0], s1  }
0x99: {  	s0 =	simm.s32 @!p0 $0x1  }
0x9a: {  	_ =	swait.ge @!p0 [sflag:s0], s1  }
0x9b: {  	s1 =	ssub.s32 @!p0 $0x0, s1;
	[sflag:s0] =	ssyncset.done @!p0 $0x0  }
0x9c: {  	[sflag:s0] =	ssyncadd.s32 @!p0 s1  }
0x9d: {  	[bflag:$0x3] =	sbarrier.arrive $0xFFFF  }
0x9e: {  	_ =	shalt  }

</sc_bundles>
